<compile_context>
chip_gen: v7x
topology: tpu7x:2x2x1
jax: 0.10.2.dev20260603
libtpu: 0.0.44.dev20260713+nightly
codegen_flags: <defaults>
</compile_context>

<pallas_src>
import functools

import jax
import jax.numpy as jnp
from jax import lax
from jax.experimental import pallas as pl
from jax.experimental.pallas import tpu as pltpu
from jax.experimental.pallas import tpu_sc as plsc

N = 10000
E = 320000
D_IN = 128
H1 = 64
H2 = 32
OUT = 10

NC, NS = 2, 16
NW = NC * NS
CHUNK = 128
NROW = E // CHUNK
T = NROW // NW
XTRA = NROW - NW * T
N_TBL = 10112
RPS = N_TBL // NS

_mesh = plsc.VectorSubcoreMesh(
    core_axis_name="c", subcore_axis_name="s", num_cores=NC, num_subcores=NS
)
_sc_params = pltpu.CompilerParams(use_tc_tiling_on_sc=False)


@functools.partial(
    pl.kernel,
    out_type=jax.ShapeDtypeStruct((NC, N_TBL, 8), jnp.float32),
    mesh=_mesh,
    compiler_params=_sc_params,
    scratch_types=[
        pltpu.VMEM((T + 1, CHUNK), jnp.int32),
        pltpu.VMEM((CHUNK, 8), jnp.float32),
        pltpu.VMEM_SHARED((N_TBL, 8), jnp.float32),
        [pltpu.SemaphoreType.DMA for _ in range(6)],
    ],
)
def _deg_kernel(ei_hbm, ones_hbm, zeros_hbm, out_hbm, idx_v, ones_v, deg_sh,
                sem):
    c = lax.axis_index("c")
    s = lax.axis_index("s")
    w = c * NS + s
    dst_hbm = ei_hbm.at[1]
    pltpu.sync_copy(dst_hbm.at[pl.ds(w * T, T)], idx_v.at[pl.ds(0, T)])
    pltpu.sync_copy(ones_hbm, ones_v)

    @pl.when(w < XTRA)
    def _():
        pltpu.sync_copy(dst_hbm.at[pl.ds(NW * T + w, 1)], idx_v.at[pl.ds(T, 1)])

    pltpu.sync_copy(
        zeros_hbm.at[pl.ds(s * RPS, RPS)], deg_sh.at[pl.ds(s * RPS, RPS)]
    )
    plsc.subcore_barrier()

    @pl.loop(0, T, step=6)
    def _(j):
        for t in range(6):
            @pl.when(j > 0)
            def _(t=t):
                pltpu.make_async_copy(
                    ones_v, deg_sh.at[idx_v.at[j - 6 + t]], sem[t]).wait()
            pltpu.async_copy(
                ones_v, deg_sh.at[idx_v.at[j + t]], sem[t], add=True)

    for t in range(6):
        pltpu.make_async_copy(
            ones_v, deg_sh.at[idx_v.at[T - 6 + t]], sem[t]).wait()

    @pl.when(w < XTRA)
    def _():
        pltpu.sync_copy(ones_v, deg_sh.at[idx_v.at[T]], add=True)

    plsc.subcore_barrier()
    pltpu.sync_copy(
        deg_sh.at[pl.ds(s * RPS, RPS)], out_hbm.at[c, pl.ds(s * RPS, RPS)]
    )


def _make_agg_kernel(F):
    D = 8 if F == 64 else 12

    @functools.partial(
        pl.kernel,
        out_type=jax.ShapeDtypeStruct((NC, N_TBL, F), jnp.float32),
        mesh=_mesh,
        compiler_params=_sc_params,
        scratch_types=[
            pltpu.VMEM((T + 1, CHUNK), jnp.int32),
            pltpu.VMEM((T + 1, CHUNK), jnp.int32),
            [pltpu.VMEM((CHUNK, F), jnp.float32) for _ in range(D)],
            pltpu.VMEM_SHARED((N_TBL, F), jnp.float32),
            [pltpu.SemaphoreType.DMA for _ in range(D)],
            [pltpu.SemaphoreType.DMA for _ in range(D)],
        ],
    )
    def _agg(g_hbm, ei_hbm, zeros_hbm, out_hbm,
             src_v, dst_v, bufs, agg_sh, gs, ss):
        c = lax.axis_index("c")
        s = lax.axis_index("s")
        w = c * NS + s
        src_hbm = ei_hbm.at[0]
        dst_hbm = ei_hbm.at[1]
        pltpu.sync_copy(src_hbm.at[pl.ds(w * T, T)], src_v.at[pl.ds(0, T)])
        pltpu.sync_copy(dst_hbm.at[pl.ds(w * T, T)], dst_v.at[pl.ds(0, T)])

        @pl.when(w < XTRA)
        def _():
            pltpu.sync_copy(
                src_hbm.at[pl.ds(NW * T + w, 1)], src_v.at[pl.ds(T, 1)])
            pltpu.sync_copy(
                dst_hbm.at[pl.ds(NW * T + w, 1)], dst_v.at[pl.ds(T, 1)])

        pltpu.sync_copy(
            zeros_hbm.at[pl.ds(s * RPS, RPS)], agg_sh.at[pl.ds(s * RPS, RPS)]
        )
        plsc.subcore_barrier()

        def gwait(t, buf):
            pltpu.make_async_copy(
                g_hbm.at[pl.ds(0, CHUNK)], buf, gs[t]).wait()

        def swait(t, j):
            pltpu.make_async_copy(bufs[t], agg_sh.at[dst_v.at[j]], ss[t]).wait()

        for t in range(D):
            pltpu.async_copy(g_hbm.at[src_v.at[t]], bufs[t], gs[t])

        @pl.loop(0, T - 6, step=D)
        def _(j):
            for t in range(D):
                gwait(t, bufs[t])
                pltpu.async_copy(
                    bufs[t], agg_sh.at[dst_v.at[j + t]], ss[t], add=True)
            for t in range(D):
                @pl.when(j + D + t < T)
                def _(t=t):
                    swait(t, j + t)
                    pltpu.async_copy(
                        g_hbm.at[src_v.at[j + D + t]], bufs[t], gs[t])

        for t in range(6):
            gwait(t, bufs[t])
            pltpu.async_copy(
                bufs[t], agg_sh.at[dst_v.at[T - 6 + t]], ss[t], add=True)
        for t in range(6):
            swait(t, T - 6 + t)
        for t in range(6, D):
            swait(t, T - 6 - D + t)

        @pl.when(w < XTRA)
        def _():
            pltpu.async_copy(g_hbm.at[src_v.at[T]], bufs[0], gs[0])
            gwait(0, bufs[0])
            pltpu.sync_copy(bufs[0], agg_sh.at[dst_v.at[T]], add=True)

        plsc.subcore_barrier()
        pltpu.sync_copy(
            agg_sh.at[pl.ds(s * RPS, RPS)], out_hbm.at[c, pl.ds(s * RPS, RPS)]
        )

    return _agg


_agg64 = _make_agg_kernel(H1)
_agg32 = _make_agg_kernel(H2)


def _dinv_from(deg_ref):
    d = deg_ref[...]
    return lax.rsqrt(d[0, :N, 0:1] + d[1, :N, 0:1] + 1.0)


def _tc_mm1(x, W1):
    def body(x_ref, w_ref, h_ref):
        h_ref[...] = jnp.dot(
            x_ref[...], w_ref[...], preferred_element_type=jnp.float32)

    return pl.pallas_call(
        body, out_shape=jax.ShapeDtypeStruct((N, H1), jnp.float32)
    )(x, W1)


def _tc_scale1(h1, deg):
    def body(h_ref, deg_ref, g_ref):
        g_ref[...] = h_ref[...] * _dinv_from(deg_ref)

    return pl.pallas_call(
        body, out_shape=jax.ShapeDtypeStruct((N, H1), jnp.float32)
    )(h1, deg)


def _tc_mid(p, g1, b1, W2, deg):
    def body(p_ref, g1_ref, b1_ref, w2_ref, deg_ref, out_ref):
        dinv = _dinv_from(deg_ref)
        pv = p_ref[...]
        h = jnp.tanh(dinv * (pv[0, :N] + pv[1, :N] + g1_ref[...]) + b1_ref[...])
        out_ref[...] = (
            jnp.dot(h, w2_ref[...], preferred_element_type=jnp.float32) * dinv
        )

    return pl.pallas_call(
        body, out_shape=jax.ShapeDtypeStruct((N, H2), jnp.float32)
    )(p, g1, b1, W2, deg)


def _tc_out(q, g2, b2, f1w, f1b, f2w, f2b, deg):
    def body(q_ref, g2_ref, b2_ref, f1w_ref, f1b_ref, f2w_ref, f2b_ref,
             deg_ref, out_ref):
        dinv = _dinv_from(deg_ref)
        qv = q_ref[...]
        t = jnp.tanh(dinv * (qv[0, :N] + qv[1, :N] + g2_ref[...]) + b2_ref[...])
        z = jnp.maximum(
            jnp.sum(t * f1w_ref[...], axis=1, keepdims=True) + f1b_ref[...], 0.0
        )
        out_ref[...] = z * f2w_ref[...] + f2b_ref[...]

    return pl.pallas_call(
        body, out_shape=jax.ShapeDtypeStruct((N, OUT), jnp.float32)
    )(q, g2, b2, f1w, f1b, f2w, f2b, deg)


def kernel(x, edge_index, batch, W1, b1, W2, b2, fc1_W, fc1_b, fc2_W, fc2_b):
    ei3 = edge_index.reshape(2, NROW, CHUNK)

    ones8 = jnp.ones((CHUNK, 8), jnp.float32)
    zeros8 = jnp.zeros((N_TBL, 8), jnp.float32)
    del batch
    zeros64 = jnp.zeros((N_TBL, H1), jnp.float32)
    zeros32 = jnp.zeros((N_TBL, H2), jnp.float32)

    deg = _deg_kernel(ei3, ones8, zeros8)
    h1 = _tc_mm1(x, W1)

    g1 = _tc_scale1(h1, deg)
    p = _agg64(g1, ei3, zeros64)
    g2 = _tc_mid(p, g1, b1.reshape(1, H1), W2, deg)
    q = _agg32(g2, ei3, zeros32)
    return _tc_out(
        q, g2, b2.reshape(1, H2),
        fc1_W.reshape(1, H2), fc1_b.reshape(1, 1),
        fc2_W.reshape(1, OUT), fc2_b.reshape(1, OUT),
        deg,
    )

# --- scband reference (transcript-rebuilt; emitter-appended) ---
"""Pipeline reference for scband-gcn2-layer-concat2-fcs-26560077758928 (READ-ONLY COPY).

The authoritative reference and input builder live on the scoring server;
editing this copy changes nothing except your own understanding.
"""

import jax, jax.numpy as jnp
import numpy as np

N = 10000
E = 320000
D_IN = 128
H1 = 64
H2 = 32
NPG = 1  # nb_nodes_per_graph
OUT = 10


def gcn_conv(x, src, dst, W, b):
    # GCNConv: add self-loops, symmetric normalization D^-1/2 (A+I) D^-1/2, then aggregate X W
    n = x.shape[0]
    loop = jnp.arange(n, dtype=src.dtype)
    s = jnp.concatenate([src, loop])
    d = jnp.concatenate([dst, loop])
    deg = jnp.zeros((n,), x.dtype).at[d].add(1.0)
    dinv = jnp.where(deg > 0, deg ** -0.5, 0.0)
    norm = dinv[s] * dinv[d]
    h = x @ W
    msg = h[s] * norm[:, None]
    out = jnp.zeros((n, W.shape[1]), x.dtype).at[d].add(msg)
    return out + b


def setup_inputs(seed: int = 0):
    key = jax.random.key(seed)
    ks = jax.random.split(key, 8)
    x = jax.random.normal(ks[0], (N, D_IN), dtype=jnp.float32)
    edge_index = jax.random.randint(ks[1], (2, E), 0, N, dtype=jnp.int32)
    batch = jnp.arange(N, dtype=jnp.int32)  # 1 node per graph, sorted, equal-sized groups
    W1 = jax.random.normal(ks[2], (D_IN, H1), dtype=jnp.float32) * (1.0 / np.sqrt(D_IN))
    b1 = jnp.zeros((H1,), dtype=jnp.float32)
    W2 = jax.random.normal(ks[3], (H1, H2), dtype=jnp.float32) * (1.0 / np.sqrt(H1))
    b2 = jnp.zeros((H2,), dtype=jnp.float32)
    fc1_W = jax.random.normal(ks[4], (H2 * NPG, NPG), dtype=jnp.float32) * (1.0 / np.sqrt(H2 * NPG))
    fc1_b = jnp.zeros((NPG,), dtype=jnp.float32)
    fc2_W = jax.random.normal(ks[5], (NPG, OUT), dtype=jnp.float32) * (1.0 / np.sqrt(NPG))
    fc2_b = jnp.zeros((OUT,), dtype=jnp.float32)
    return {"x": x, "edge_index": edge_index, "batch": batch,
            "W1": W1, "b1": b1, "W2": W2, "b2": b2,
            "fc1_W": fc1_W, "fc1_b": fc1_b, "fc2_W": fc2_W, "fc2_b": fc2_b}


def reference(x, edge_index, batch, W1, b1, W2, b2, fc1_W, fc1_b, fc2_W, fc2_b):
    src, dst = edge_index[0], edge_index[1]
    h = jnp.tanh(gcn_conv(x, src, dst, W1, b1))
    h = jnp.tanh(gcn_conv(h, src, dst, W2, b2))
    # batch is sorted with exactly NPG nodes per graph, so the per-graph
    # select+flatten+concat loop is equivalent to a reshape
    num_graphs = N // NPG
    h_concat = h.reshape(num_graphs, H2 * NPG)
    z = jax.nn.relu(h_concat @ fc1_W + fc1_b)
    out = z @ fc2_W + fc2_b
    return out

if __name__ == "__main__":
    import jax
    _d = setup_inputs()
    print(jax.jit(kernel)(*tuple(_d.values())))

</pallas_src>

<mosaic_0001>
#map = affine_map<(d0, d1) -> (0, 0, 0)>
#map1 = affine_map<(d0, d1) -> (0, 0)>
module attributes {stable_mosaic.version = 14 : i64} {
  func.func @_deg_kernel(%arg0: i32, %arg1: i32, %arg2: memref<2x2500x128xi32, #tpu.memory_space<hbm>>, %arg3: memref<128x8xf32, #tpu.memory_space<hbm>>, %arg4: memref<10112x8xf32, #tpu.memory_space<hbm>>, %arg5: memref<2x10112x8xf32, #tpu.memory_space<hbm>>, %arg6: memref<79x128xi32, #tpu.memory_space<vmem>>, %arg7: memref<128x8xf32, #tpu.memory_space<vmem>>, %arg8: memref<10112x8xf32, #tpu.memory_space<vmem_shared>>, %arg9: memref<!tpu.dma_semaphore, #tpu.memory_space<semaphore_mem>>, %arg10: memref<!tpu.dma_semaphore, #tpu.memory_space<semaphore_mem>>, %arg11: memref<!tpu.dma_semaphore, #tpu.memory_space<semaphore_mem>>, %arg12: memref<!tpu.dma_semaphore, #tpu.memory_space<semaphore_mem>>, %arg13: memref<!tpu.dma_semaphore, #tpu.memory_space<semaphore_mem>>, %arg14: memref<!tpu.dma_semaphore, #tpu.memory_space<semaphore_mem>>) attributes {dimension_semantics = [#tpu.dimension_semantics<core_parallel>, #tpu.dimension_semantics<subcore_parallel>], iteration_bounds = array<i64: 2, 16>, scalar_prefetch = 0 : i64, scratch_operands = 9 : i64, tpu.core_type = #tpu.core_type<sc_vector_subcore>, window_params = [{transform_indices = #map}, {transform_indices = #map1}, {transform_indices = #map1}, {transform_indices = #map}]} {
    %mul3A = arith.constant 16 : i32
    %mul3A_0 = arith.muli %arg0, %mul3A : i32
    %add3A = arith.addi %mul3A_0, %arg1 : i32
    %mul3A_1 = arith.constant 78 : i32
    %mul3A_2 = arith.muli %add3A, %mul3A_1 : i32
    %run_scoped3A = arith.constant 1 : i32
    "tpu.region"() ({
      %run_scoped3A_65 = tpu.sem_alloc : memref<!tpu.dma_semaphore, #tpu.memory_space<semaphore_mem>>
      %dma_start3A = arith.constant 0 : i32
      %dma_start3A_66 = arith.constant 0 : i32
      %dma_start3A_67 = tpu.memref_slice %arg6[%dma_start3A, %dma_start3A_66] : memref<79x128xi32, #tpu.memory_space<vmem>> -> memref<78x128xi32, #tpu.memory_space<vmem>>
      %dma_start3A_68 = arith.constant 0 : i32
      %dma_start3A_69 = arith.constant 0 : i32
      %dma_start3A_70 = tpu.memref_slice %arg2[%run_scoped3A, %dma_start3A_68, %dma_start3A_69] : memref<2x2500x128xi32, #tpu.memory_space<hbm>> -> memref<1x2500x128xi32, #tpu.memory_space<hbm>>
      %dma_start3A_71 = tpu.memref_squeeze %dma_start3A_70 : memref<1x2500x128xi32, #tpu.memory_space<hbm>> -> memref<2500x128xi32, #tpu.memory_space<hbm>>
      %dma_start3A_72 = arith.constant 0 : i32
      %dma_start3A_73 = tpu.memref_slice %dma_start3A_71[%mul3A_2, %dma_start3A_72] : memref<2500x128xi32, #tpu.memory_space<hbm>> -> memref<78x128xi32, #tpu.memory_space<hbm>>
      %dma_start3A_74 = arith.constant 0 : i32
      %dma_start3A_75 = arith.constant 0 : i32
      %dma_start3A_76 = tpu.memref_slice %arg6[%dma_start3A_74, %dma_start3A_75] : memref<79x128xi32, #tpu.memory_space<vmem>> -> memref<78x128xi32, #tpu.memory_space<vmem>>
      %dma_start3A_77 = arith.constant 0 : i32
      %dma_start3A_78 = arith.constant 0 : i32
      %dma_start3A_79 = tpu.memref_slice %arg2[%run_scoped3A, %dma_start3A_77, %dma_start3A_78] : memref<2x2500x128xi32, #tpu.memory_space<hbm>> -> memref<1x2500x128xi32, #tpu.memory_space<hbm>>
      %dma_start3A_80 = tpu.memref_squeeze %dma_start3A_79 : memref<1x2500x128xi32, #tpu.memory_space<hbm>> -> memref<2500x128xi32, #tpu.memory_space<hbm>>
      %dma_start3A_81 = arith.constant 0 : i32
      %dma_start3A_82 = tpu.memref_slice %dma_start3A_80[%mul3A_2, %dma_start3A_81] : memref<2500x128xi32, #tpu.memory_space<hbm>> -> memref<78x128xi32, #tpu.memory_space<hbm>>
      tpu.enqueue_dma source(%dma_start3A_82 : memref<78x128xi32, #tpu.memory_space<hbm>>) target(%dma_start3A_76 : memref<78x128xi32, #tpu.memory_space<vmem>>) target_semaphore(%run_scoped3A_65 : memref<!tpu.dma_semaphore, #tpu.memory_space<semaphore_mem>>)
      %dma_wait3A_83 = arith.constant 0 : i32
      %dma_wait3A_84 = arith.constant 0 : i32
      %dma_wait3A_85 = tpu.memref_slice %arg6[%dma_wait3A_83, %dma_wait3A_84] : memref<79x128xi32, #tpu.memory_space<vmem>> -> memref<78x128xi32, #tpu.memory_space<vmem>>
      %dma_wait3A_86 = arith.constant 0 : i32
      %dma_wait3A_87 = arith.constant 0 : i32
      %dma_wait3A_88 = tpu.memref_slice %arg2[%run_scoped3A, %dma_wait3A_86, %dma_wait3A_87] : memref<2x2500x128xi32, #tpu.memory_space<hbm>> -> memref<1x2500x128xi32, #tpu.memory_space<hbm>>
      %dma_wait3A_89 = tpu.memref_squeeze %dma_wait3A_88 : memref<1x2500x128xi32, #tpu.memory_space<hbm>> -> memref<2500x128xi32, #tpu.memory_space<hbm>>
      %dma_wait3A_90 = arith.constant 0 : i32
      %dma_wait3A_91 = tpu.memref_slice %dma_wait3A_89[%mul3A_2, %dma_wait3A_90] : memref<2500x128xi32, #tpu.memory_space<hbm>> -> memref<78x128xi32, #tpu.memory_space<hbm>>
      %dma_wait3A_92 = arith.constant 0 : i32
      %dma_wait3A_93 = arith.constant 0 : i32
      %dma_wait3A_94 = tpu.memref_slice %arg6[%dma_wait3A_92, %dma_wait3A_93] : memref<79x128xi32, #tpu.memory_space<vmem>> -> memref<78x128xi32, #tpu.memory_space<vmem>>
      %dma_wait3A_95 = arith.constant 0 : i32
      %dma_wait3A_96 = arith.constant 0 : i32
      %dma_wait3A_97 = tpu.memref_slice %arg2[%run_scoped3A, %dma_wait3A_95, %dma_wait3A_96] : memref<2x2500x128xi32, #tpu.memory_space<hbm>> -> memref<1x2500x128xi32, #tpu.memory_space<hbm>>
      %dma_wait3A_98 = tpu.memref_squeeze %dma_wait3A_97 : memref<1x2500x128xi32, #tpu.memory_space<hbm>> -> memref<2500x128xi32, #tpu.memory_space<hbm>>
      %dma_wait3A_99 = arith.constant 0 : i32
      %dma_wait3A_100 = tpu.memref_slice %dma_wait3A_98[%mul3A_2, %dma_wait3A_99] : memref<2500x128xi32, #tpu.memory_space<hbm>> -> memref<78x128xi32, #tpu.memory_space<hbm>>
      tpu.wait_dma2 semaphore(%run_scoped3A_65 : memref<!tpu.dma_semaphore, #tpu.memory_space<semaphore_mem>>) src(%dma_wait3A_100 : memref<78x128xi32, #tpu.memory_space<hbm>>) dst(%dma_wait3A_94 : memref<78x128xi32, #tpu.memory_space<vmem>>)
      tpu.yield
    }) : () -> ()
    "tpu.region"() ({
      %run_scoped3A_65 = tpu.sem_alloc : memref<!tpu.dma_semaphore, #tpu.memory_space<semaphore_mem>>
      tpu.enqueue_dma source(%arg3 : memref<128x8xf32, #tpu.memory_space<hbm>>) target(%arg7 : memref<128x8xf32, #tpu.memory_space<vmem>>) target_semaphore(%run_scoped3A_65 : memref<!tpu.dma_semaphore, #tpu.memory_space<semaphore_mem>>)
      tpu.wait_dma2 semaphore(%run_scoped3A_65 : memref<!tpu.dma_semaphore, #tpu.memory_space<semaphore_mem>>) src(%arg3 : memref<128x8xf32, #tpu.memory_space<hbm>>) dst(%arg7 : memref<128x8xf32, #tpu.memory_space<vmem>>)
      tpu.yield
    }) : () -> ()
    %lt3A = arith.constant 4 : i32
    %lt3A_3 = arith.cmpi slt, %add3A, %lt3A : i32
    %convert_element_type3A = arith.extui %lt3A_3 : i1 to i32
    %cond3A = arith.constant 1 : i32
    %cond3A_4 = arith.constant 0 : i32
    %cond3A_5 = arith.cmpi ne, %convert_element_type3A, %cond3A_4 : i32
    scf.if %cond3A_5 {
      %add3A_65 = arith.constant 2496 : i32
      %add3A_66 = arith.addi %add3A_65, %add3A : i32
      "tpu.region"() ({
        %run_scoped3A_67 = tpu.sem_alloc : memref<!tpu.dma_semaphore, #tpu.memory_space<semaphore_mem>>
        %dma_start3A = arith.constant 78 : i32
        %dma_start3A_68 = arith.constant 0 : i32
        %dma_start3A_69 = tpu.memref_slice %arg6[%dma_start3A, %dma_start3A_68] : memref<79x128xi32, #tpu.memory_space<vmem>> -> memref<1x128xi32, #tpu.memory_space<vmem>>
        %dma_start3A_70 = arith.constant 0 : i32
        %dma_start3A_71 = arith.constant 0 : i32
        %dma_start3A_72 = tpu.memref_slice %arg2[%cond3A, %dma_start3A_70, %dma_start3A_71] : memref<2x2500x128xi32, #tpu.memory_space<hbm>> -> memref<1x2500x128xi32, #tpu.memory_space<hbm>>
        %dma_start3A_73 = tpu.memref_squeeze %dma_start3A_72 : memref<1x2500x128xi32, #tpu.memory_space<hbm>> -> memref<2500x128xi32, #tpu.memory_space<hbm>>
        %dma_start3A_74 = arith.constant 0 : i32
        %dma_start3A_75 = tpu.memref_slice %dma_start3A_73[%add3A_66, %dma_start3A_74] : memref<2500x128xi32, #tpu.memory_space<hbm>> -> memref<1x128xi32, #tpu.memory_space<hbm>>
        %dma_start3A_76 = arith.constant 78 : i32
        %dma_start3A_77 = arith.constant 0 : i32
        %dma_start3A_78 = tpu.memref_slice %arg6[%dma_start3A_76, %dma_start3A_77] : memref<79x128xi32, #tpu.memory_space<vmem>> -> memref<1x128xi32, #tpu.memory_space<vmem>>
        %dma_start3A_79 = arith.constant 0 : i32
        %dma_start3A_80 = arith.constant 0 : i32
        %dma_start3A_81 = tpu.memref_slice %arg2[%cond3A, %dma_start3A_79, %dma_start3A_80] : memref<2x2500x128xi32, #tpu.memory_space<hbm>> -> memref<1x2500x128xi32, #tpu.memory_space<hbm>>
        %dma_start3A_82 = tpu.memref_squeeze %dma_start3A_81 : memref<1x2500x128xi32, #tpu.memory_space<hbm>> -> memref<2500x128xi32, #tpu.memory_space<hbm>>
        %dma_start3A_83 = arith.constant 0 : i32
        %dma_start3A_84 = tpu.memref_slice %dma_start3A_82[%add3A_66, %dma_start3A_83] : memref<2500x128xi32, #tpu.memory_space<hbm>> -> memref<1x128xi32, #tpu.memory_space<hbm>>
        tpu.enqueue_dma source(%dma_start3A_84 : memref<1x128xi32, #tpu.memory_space<hbm>>) target(%dma_start3A_78 : memref<1x128xi32, #tpu.memory_space<vmem>>) target_semaphore(%run_scoped3A_67 : memref<!tpu.dma_semaphore, #tpu.memory_space<semaphore_mem>>)
        %dma_wait3A_85 = arith.constant 78 : i32
        %dma_wait3A_86 = arith.constant 0 : i32
        %dma_wait3A_87 = tpu.memref_slice %arg6[%dma_wait3A_85, %dma_wait3A_86] : memref<79x128xi32, #tpu.memory_space<vmem>> -> memref<1x128xi32, #tpu.memory_space<vmem>>
        %dma_wait3A_88 = arith.constant 0 : i32
        %dma_wait3A_89 = arith.constant 0 : i32
        %dma_wait3A_90 = tpu.memref_slice %arg2[%cond3A, %dma_wait3A_88, %dma_wait3A_89] : memref<2x2500x128xi32, #tpu.memory_space<hbm>> -> memref<1x2500x128xi32, #tpu.memory_space<hbm>>
        %dma_wait3A_91 = tpu.memref_squeeze %dma_wait3A_90 : memref<1x2500x128xi32, #tpu.memory_space<hbm>> -> memref<2500x128xi32, #tpu.memory_space<hbm>>
        %dma_wait3A_92 = arith.constant 0 : i32
        %dma_wait3A_93 = tpu.memref_slice %dma_wait3A_91[%add3A_66, %dma_wait3A_92] : memref<2500x128xi32, #tpu.memory_space<hbm>> -> memref<1x128xi32, #tpu.memory_space<hbm>>
        %dma_wait3A_94 = arith.constant 78 : i32
        %dma_wait3A_95 = arith.constant 0 : i32
        %dma_wait3A_96 = tpu.memref_slice %arg6[%dma_wait3A_94, %dma_wait3A_95] : memref<79x128xi32, #tpu.memory_space<vmem>> -> memref<1x128xi32, #tpu.memory_space<vmem>>
        %dma_wait3A_97 = arith.constant 0 : i32
        %dma_wait3A_98 = arith.constant 0 : i32
        %dma_wait3A_99 = tpu.memref_slice %arg2[%cond3A, %dma_wait3A_97, %dma_wait3A_98] : memref<2x2500x128xi32, #tpu.memory_space<hbm>> -> memref<1x2500x128xi32, #tpu.memory_space<hbm>>
        %dma_wait3A_100 = tpu.memref_squeeze %dma_wait3A_99 : memref<1x2500x128xi32, #tpu.memory_space<hbm>> -> memref<2500x128xi32, #tpu.memory_space<hbm>>
        %dma_wait3A_101 = arith.constant 0 : i32
        %dma_wait3A_102 = tpu.memref_slice %dma_wait3A_100[%add3A_66, %dma_wait3A_101] : memref<2500x128xi32, #tpu.memory_space<hbm>> -> memref<1x128xi32, #tpu.memory_space<hbm>>
        tpu.wait_dma2 semaphore(%run_scoped3A_67 : memref<!tpu.dma_semaphore, #tpu.memory_space<semaphore_mem>>) src(%dma_wait3A_102 : memref<1x128xi32, #tpu.memory_space<hbm>>) dst(%dma_wait3A_96 : memref<1x128xi32, #tpu.memory_space<vmem>>)
        tpu.yield
      }) : () -> ()
    } else {
    }
    %mul3A_6 = arith.constant 632 : i32
    %mul3A_7 = arith.muli %arg1, %mul3A_6 : i32
    %mul3A_8 = arith.constant 632 : i32
    %mul3A_9 = arith.muli %arg1, %mul3A_8 : i32
    "tpu.region"() ({
      %run_scoped3A_65 = tpu.sem_alloc : memref<!tpu.dma_semaphore, #tpu.memory_space<semaphore_mem>>
      %dma_start3A = arith.constant 0 : i32
      %dma_start3A_66 = tpu.memref_slice %arg8[%mul3A_9, %dma_start3A] : memref<10112x8xf32, #tpu.memory_space<vmem_shared>> -> memref<632x8xf32, #tpu.memory_space<vmem_shared>>
      %dma_start3A_67 = arith.constant 0 : i32
      %dma_start3A_68 = tpu.memref_slice %arg4[%mul3A_7, %dma_start3A_67] : memref<10112x8xf32, #tpu.memory_space<hbm>> -> memref<632x8xf32, #tpu.memory_space<hbm>>
      tpu.enqueue_dma source(%dma_start3A_68 : memref<632x8xf32, #tpu.memory_space<hbm>>) target(%dma_start3A_66 : memref<632x8xf32, #tpu.memory_space<vmem_shared>>) target_semaphore(%run_scoped3A_65 : memref<!tpu.dma_semaphore, #tpu.memory_space<semaphore_mem>>)
      %dma_wait3A_69 = arith.constant 0 : i32
      %dma_wait3A_70 = tpu.memref_slice %arg8[%mul3A_9, %dma_wait3A_69] : memref<10112x8xf32, #tpu.memory_space<vmem_shared>> -> memref<632x8xf32, #tpu.memory_space<vmem_shared>>
      %dma_wait3A_71 = arith.constant 0 : i32
      %dma_wait3A_72 = tpu.memref_slice %arg4[%mul3A_7, %dma_wait3A_71] : memref<10112x8xf32, #tpu.memory_space<hbm>> -> memref<632x8xf32, #tpu.memory_space<hbm>>
      tpu.wait_dma2 semaphore(%run_scoped3A_65 : memref<!tpu.dma_semaphore, #tpu.memory_space<semaphore_mem>>) src(%dma_wait3A_72 : memref<632x8xf32, #tpu.memory_space<hbm>>) dst(%dma_wait3A_70 : memref<632x8xf32, #tpu.memory_space<vmem_shared>>)
      tpu.yield
    }) : () -> ()
    %barrier3A = arith.constant 0 : index
    tpu.barrier barrier_id(%barrier3A)
    %scan3A = arith.constant 0 : i32
    %scan3A_10 = arith.constant 13 : i32
    %scan3A_11 = arith.addi %scan3A, %scan3A_10 : i32
    %scan3A_12 = arith.constant 1 : i32
    scf.for %scan3A_65 = %scan3A to %scan3A_11 step %scan3A_12  : i32 {
      %mul3A_66 = arith.constant 6 : i32
      %mul3A_67 = arith.muli %scan3A_65, %mul3A_66 : i32
      %add3A_68 = arith.constant 0 : i32
      %add3A_69 = arith.addi %add3A_68, %mul3A_67 : i32
      %gt3A = arith.constant 0 : i32
      %gt3A_70 = arith.cmpi sgt, %add3A_69, %gt3A : i32
      %convert_element_type3A_71 = arith.extui %gt3A_70 : i1 to i32
      %cond3A_72 = arith.constant 0 : i32
      %cond3A_73 = arith.cmpi ne, %convert_element_type3A_71, %cond3A_72 : i32
      scf.if %cond3A_73 {
        %sub3A = arith.constant 6 : i32
        %sub3A_146 = arith.subi %add3A_69, %sub3A : i32
        %add3A_147 = arith.constant 0 : i32
        %add3A_148 = arith.addi %sub3A_146, %add3A_147 : i32
        %dma_wait3A_149 = arith.constant 0 : i32
        %dma_wait3A_150 = tpu.memref_slice %arg6[%add3A_148, %dma_wait3A_149] : memref<79x128xi32, #tpu.memory_space<vmem>> -> memref<1x128xi32, #tpu.memory_space<vmem>>
        %dma_wait3A_151 = tpu.memref_squeeze %dma_wait3A_150 : memref<1x128xi32, #tpu.memory_space<vmem>> -> memref<128xi32, #tpu.memory_space<vmem>>
        %dma_wait3A_152 = arith.constant 0 : i32
        %dma_wait3A_153 = arith.constant 0 : i32
        %dma_wait3A_154 = tpu.memref_slice %arg8[%dma_wait3A_152, %dma_wait3A_153] : memref<10112x8xf32, #tpu.memory_space<vmem_shared>> -> memref<10112x8xf32, #tpu.memory_space<vmem_shared>>
        tpu.wait_indirect_dma semaphore(%arg9 : memref<!tpu.dma_semaphore, #tpu.memory_space<semaphore_mem>>) src(%arg7 : memref<128x8xf32, #tpu.memory_space<vmem>>) dst(%dma_wait3A_154 : memref<10112x8xf32, #tpu.memory_space<vmem_shared>>)
      } else {
      }
      %add3A_74 = arith.constant 0 : i32
      %add3A_75 = arith.addi %add3A_69, %add3A_74 : i32
      %dma_start3A = arith.constant 0 : i32
      %dma_start3A_76 = tpu.memref_slice %arg6[%add3A_75, %dma_start3A] : memref<79x128xi32, #tpu.memory_space<vmem>> -> memref<1x128xi32, #tpu.memory_space<vmem>>
      %dma_start3A_77 = tpu.memref_squeeze %dma_start3A_76 : memref<1x128xi32, #tpu.memory_space<vmem>> -> memref<128xi32, #tpu.memory_space<vmem>>
      %dma_start3A_78 = arith.constant 0 : i32
      %dma_start3A_79 = arith.constant 0 : i32
      %dma_start3A_80 = tpu.memref_slice %arg8[%dma_start3A_78, %dma_start3A_79] : memref<10112x8xf32, #tpu.memory_space<vmem_shared>> -> memref<10112x8xf32, #tpu.memory_space<vmem_shared>>
      tpu.enqueue_indirect_dma source(%arg7 : memref<128x8xf32, #tpu.memory_space<vmem>>) target(%dma_start3A_80 : memref<10112x8xf32, #tpu.memory_space<vmem_shared>>) offsets(%dma_start3A_77 : memref<128xi32, #tpu.memory_space<vmem>>) semaphore(%arg9 : memref<!tpu.dma_semaphore, #tpu.memory_space<semaphore_mem>>) {add = true}
      %gt3A_81 = arith.constant 0 : i32
      %gt3A_82 = arith.cmpi sgt, %add3A_69, %gt3A_81 : i32
      %convert_element_type3A_83 = arith.extui %gt3A_82 : i1 to i32
      %cond3A_84 = arith.constant 0 : i32
      %cond3A_85 = arith.cmpi ne, %convert_element_type3A_83, %cond3A_84 : i32
      scf.if %cond3A_85 {
        %sub3A = arith.constant 6 : i32
        %sub3A_146 = arith.subi %add3A_69, %sub3A : i32
        %add3A_147 = arith.constant 1 : i32
        %add3A_148 = arith.addi %sub3A_146, %add3A_147 : i32
        %dma_wait3A_149 = arith.constant 0 : i32
        %dma_wait3A_150 = tpu.memref_slice %arg6[%add3A_148, %dma_wait3A_149] : memref<79x128xi32, #tpu.memory_space<vmem>> -> memref<1x128xi32, #tpu.memory_space<vmem>>
        %dma_wait3A_151 = tpu.memref_squeeze %dma_wait3A_150 : memref<1x128xi32, #tpu.memory_space<vmem>> -> memref<128xi32, #tpu.memory_space<vmem>>
        %dma_wait3A_152 = arith.constant 0 : i32
        %dma_wait3A_153 = arith.constant 0 : i32
        %dma_wait3A_154 = tpu.memref_slice %arg8[%dma_wait3A_152, %dma_wait3A_153] : memref<10112x8xf32, #tpu.memory_space<vmem_shared>> -> memref<10112x8xf32, #tpu.memory_space<vmem_shared>>
        tpu.wait_indirect_dma semaphore(%arg10 : memref<!tpu.dma_semaphore, #tpu.memory_space<semaphore_mem>>) src(%arg7 : memref<128x8xf32, #tpu.memory_space<vmem>>) dst(%dma_wait3A_154 : memref<10112x8xf32, #tpu.memory_space<vmem_shared>>)
      } else {
      }
      %add3A_86 = arith.constant 1 : i32
      %add3A_87 = arith.addi %add3A_69, %add3A_86 : i32
      %dma_start3A_88 = arith.constant 0 : i32
      %dma_start3A_89 = tpu.memref_slice %arg6[%add3A_87, %dma_start3A_88] : memref<79x128xi32, #tpu.memory_space<vmem>> -> memref<1x128xi32, #tpu.memory_space<vmem>>
      %dma_start3A_90 = tpu.memref_squeeze %dma_start3A_89 : memref<1x128xi32, #tpu.memory_space<vmem>> -> memref<128xi32, #tpu.memory_space<vmem>>
      %dma_start3A_91 = arith.constant 0 : i32
      %dma_start3A_92 = arith.constant 0 : i32
      %dma_start3A_93 = tpu.memref_slice %arg8[%dma_start3A_91, %dma_start3A_92] : memref<10112x8xf32, #tpu.memory_space<vmem_shared>> -> memref<10112x8xf32, #tpu.memory_space<vmem_shared>>
      tpu.enqueue_indirect_dma source(%arg7 : memref<128x8xf32, #tpu.memory_space<vmem>>) target(%dma_start3A_93 : memref<10112x8xf32, #tpu.memory_space<vmem_shared>>) offsets(%dma_start3A_90 : memref<128xi32, #tpu.memory_space<vmem>>) semaphore(%arg10 : memref<!tpu.dma_semaphore, #tpu.memory_space<semaphore_mem>>) {add = true}
      %gt3A_94 = arith.constant 0 : i32
      %gt3A_95 = arith.cmpi sgt, %add3A_69, %gt3A_94 : i32
      %convert_element_type3A_96 = arith.extui %gt3A_95 : i1 to i32
      %cond3A_97 = arith.constant 0 : i32
      %cond3A_98 = arith.cmpi ne, %convert_element_type3A_96, %cond3A_97 : i32
      scf.if %cond3A_98 {
        %sub3A = arith.constant 6 : i32
        %sub3A_146 = arith.subi %add3A_69, %sub3A : i32
        %add3A_147 = arith.constant 2 : i32
        %add3A_148 = arith.addi %sub3A_146, %add3A_147 : i32
        %dma_wait3A_149 = arith.constant 0 : i32
        %dma_wait3A_150 = tpu.memref_slice %arg6[%add3A_148, %dma_wait3A_149] : memref<79x128xi32, #tpu.memory_space<vmem>> -> memref<1x128xi32, #tpu.memory_space<vmem>>
        %dma_wait3A_151 = tpu.memref_squeeze %dma_wait3A_150 : memref<1x128xi32, #tpu.memory_space<vmem>> -> memref<128xi32, #tpu.memory_space<vmem>>
        %dma_wait3A_152 = arith.constant 0 : i32
        %dma_wait3A_153 = arith.constant 0 : i32
        %dma_wait3A_154 = tpu.memref_slice %arg8[%dma_wait3A_152, %dma_wait3A_153] : memref<10112x8xf32, #tpu.memory_space<vmem_shared>> -> memref<10112x8xf32, #tpu.memory_space<vmem_shared>>
        tpu.wait_indirect_dma semaphore(%arg11 : memref<!tpu.dma_semaphore, #tpu.memory_space<semaphore_mem>>) src(%arg7 : memref<128x8xf32, #tpu.memory_space<vmem>>) dst(%dma_wait3A_154 : memref<10112x8xf32, #tpu.memory_space<vmem_shared>>)
      } else {
      }
      %add3A_99 = arith.constant 2 : i32
      %add3A_100 = arith.addi %add3A_69, %add3A_99 : i32
      %dma_start3A_101 = arith.constant 0 : i32
      %dma_start3A_102 = tpu.memref_slice %arg6[%add3A_100, %dma_start3A_101] : memref<79x128xi32, #tpu.memory_space<vmem>> -> memref<1x128xi32, #tpu.memory_space<vmem>>
      %dma_start3A_103 = tpu.memref_squeeze %dma_start3A_102 : memref<1x128xi32, #tpu.memory_space<vmem>> -> memref<128xi32, #tpu.memory_space<vmem>>
      %dma_start3A_104 = arith.constant 0 : i32
      %dma_start3A_105 = arith.constant 0 : i32
      %dma_start3A_106 = tpu.memref_slice %arg8[%dma_start3A_104, %dma_start3A_105] : memref<10112x8xf32, #tpu.memory_space<vmem_shared>> -> memref<10112x8xf32, #tpu.memory_space<vmem_shared>>
      tpu.enqueue_indirect_dma source(%arg7 : memref<128x8xf32, #tpu.memory_space<vmem>>) target(%dma_start3A_106 : memref<10112x8xf32, #tpu.memory_space<vmem_shared>>) offsets(%dma_start3A_103 : memref<128xi32, #tpu.memory_space<vmem>>) semaphore(%arg11 : memref<!tpu.dma_semaphore, #tpu.memory_space<semaphore_mem>>) {add = true}
      %gt3A_107 = arith.constant 0 : i32
      %gt3A_108 = arith.cmpi sgt, %add3A_69, %gt3A_107 : i32
      %convert_element_type3A_109 = arith.extui %gt3A_108 : i1 to i32
      %cond3A_110 = arith.constant 0 : i32
      %cond3A_111 = arith.cmpi ne, %convert_element_type3A_109, %cond3A_110 : i32
      scf.if %cond3A_111 {
        %sub3A = arith.constant 6 : i32
        %sub3A_146 = arith.subi %add3A_69, %sub3A : i32
        %add3A_147 = arith.constant 3 : i32
        %add3A_148 = arith.addi %sub3A_146, %add3A_147 : i32
        %dma_wait3A_149 = arith.constant 0 : i32
        %dma_wait3A_150 = tpu.memref_slice %arg6[%add3A_148, %dma_wait3A_149] : memref<79x128xi32, #tpu.memory_space<vmem>> -> memref<1x128xi32, #tpu.memory_space<vmem>>
        %dma_wait3A_151 = tpu.memref_squeeze %dma_wait3A_150 : memref<1x128xi32, #tpu.memory_space<vmem>> -> memref<128xi32, #tpu.memory_space<vmem>>
        %dma_wait3A_152 = arith.constant 0 : i32
        %dma_wait3A_153 = arith.constant 0 : i32
        %dma_wait3A_154 = tpu.memref_slice %arg8[%dma_wait3A_152, %dma_wait3A_153] : memref<10112x8xf32, #tpu.memory_space<vmem_shared>> -> memref<10112x8xf32, #tpu.memory_space<vmem_shared>>
        tpu.wait_indirect_dma semaphore(%arg12 : memref<!tpu.dma_semaphore, #tpu.memory_space<semaphore_mem>>) src(%arg7 : memref<128x8xf32, #tpu.memory_space<vmem>>) dst(%dma_wait3A_154 : memref<10112x8xf32, #tpu.memory_space<vmem_shared>>)
      } else {
      }
      %add3A_112 = arith.constant 3 : i32
      %add3A_113 = arith.addi %add3A_69, %add3A_112 : i32
      %dma_start3A_114 = arith.constant 0 : i32
      %dma_start3A_115 = tpu.memref_slice %arg6[%add3A_113, %dma_start3A_114] : memref<79x128xi32, #tpu.memory_space<vmem>> -> memref<1x128xi32, #tpu.memory_space<vmem>>
      %dma_start3A_116 = tpu.memref_squeeze %dma_start3A_115 : memref<1x128xi32, #tpu.memory_space<vmem>> -> memref<128xi32, #tpu.memory_space<vmem>>
      %dma_start3A_117 = arith.constant 0 : i32
      %dma_start3A_118 = arith.constant 0 : i32
      %dma_start3A_119 = tpu.memref_slice %arg8[%dma_start3A_117, %dma_start3A_118] : memref<10112x8xf32, #tpu.memory_space<vmem_shared>> -> memref<10112x8xf32, #tpu.memory_space<vmem_shared>>
      tpu.enqueue_indirect_dma source(%arg7 : memref<128x8xf32, #tpu.memory_space<vmem>>) target(%dma_start3A_119 : memref<10112x8xf32, #tpu.memory_space<vmem_shared>>) offsets(%dma_start3A_116 : memref<128xi32, #tpu.memory_space<vmem>>) semaphore(%arg12 : memref<!tpu.dma_semaphore, #tpu.memory_space<semaphore_mem>>) {add = true}
      %gt3A_120 = arith.constant 0 : i32
      %gt3A_121 = arith.cmpi sgt, %add3A_69, %gt3A_120 : i32
      %convert_element_type3A_122 = arith.extui %gt3A_121 : i1 to i32
      %cond3A_123 = arith.constant 0 : i32
      %cond3A_124 = arith.cmpi ne, %convert_element_type3A_122, %cond3A_123 : i32
      scf.if %cond3A_124 {
        %sub3A = arith.constant 6 : i32
        %sub3A_146 = arith.subi %add3A_69, %sub3A : i32
        %add3A_147 = arith.constant 4 : i32
        %add3A_148 = arith.addi %sub3A_146, %add3A_147 : i32
        %dma_wait3A_149 = arith.constant 0 : i32
        %dma_wait3A_150 = tpu.memref_slice %arg6[%add3A_148, %dma_wait3A_149] : memref<79x128xi32, #tpu.memory_space<vmem>> -> memref<1x128xi32, #tpu.memory_space<vmem>>
        %dma_wait3A_151 = tpu.memref_squeeze %dma_wait3A_150 : memref<1x128xi32, #tpu.memory_space<vmem>> -> memref<128xi32, #tpu.memory_space<vmem>>
        %dma_wait3A_152 = arith.constant 0 : i32
        %dma_wait3A_153 = arith.constant 0 : i32
        %dma_wait3A_154 = tpu.memref_slice %arg8[%dma_wait3A_152, %dma_wait3A_153] : memref<10112x8xf32, #tpu.memory_space<vmem_shared>> -> memref<10112x8xf32, #tpu.memory_space<vmem_shared>>
        tpu.wait_indirect_dma semaphore(%arg13 : memref<!tpu.dma_semaphore, #tpu.memory_space<semaphore_mem>>) src(%arg7 : memref<128x8xf32, #tpu.memory_space<vmem>>) dst(%dma_wait3A_154 : memref<10112x8xf32, #tpu.memory_space<vmem_shared>>)
      } else {
      }
      %add3A_125 = arith.constant 4 : i32
      %add3A_126 = arith.addi %add3A_69, %add3A_125 : i32
      %dma_start3A_127 = arith.constant 0 : i32
      %dma_start3A_128 = tpu.memref_slice %arg6[%add3A_126, %dma_start3A_127] : memref<79x128xi32, #tpu.memory_space<vmem>> -> memref<1x128xi32, #tpu.memory_space<vmem>>
      %dma_start3A_129 = tpu.memref_squeeze %dma_start3A_128 : memref<1x128xi32, #tpu.memory_space<vmem>> -> memref<128xi32, #tpu.memory_space<vmem>>
      %dma_start3A_130 = arith.constant 0 : i32
      %dma_start3A_131 = arith.constant 0 : i32
      %dma_start3A_132 = tpu.memref_slice %arg8[%dma_start3A_130, %dma_start3A_131] : memref<10112x8xf32, #tpu.memory_space<vmem_shared>> -> memref<10112x8xf32, #tpu.memory_space<vmem_shared>>
      tpu.enqueue_indirect_dma source(%arg7 : memref<128x8xf32, #tpu.memory_space<vmem>>) target(%dma_start3A_132 : memref<10112x8xf32, #tpu.memory_space<vmem_shared>>) offsets(%dma_start3A_129 : memref<128xi32, #tpu.memory_space<vmem>>) semaphore(%arg13 : memref<!tpu.dma_semaphore, #tpu.memory_space<semaphore_mem>>) {add = true}
      %gt3A_133 = arith.constant 0 : i32
      %gt3A_134 = arith.cmpi sgt, %add3A_69, %gt3A_133 : i32
      %convert_element_type3A_135 = arith.extui %gt3A_134 : i1 to i32
      %cond3A_136 = arith.constant 0 : i32
      %cond3A_137 = arith.cmpi ne, %convert_element_type3A_135, %cond3A_136 : i32
      scf.if %cond3A_137 {
        %sub3A = arith.constant 6 : i32
        %sub3A_146 = arith.subi %add3A_69, %sub3A : i32
        %add3A_147 = arith.constant 5 : i32
        %add3A_148 = arith.addi %sub3A_146, %add3A_147 : i32
        %dma_wait3A_149 = arith.constant 0 : i32
        %dma_wait3A_150 = tpu.memref_slice %arg6[%add3A_148, %dma_wait3A_149] : memref<79x128xi32, #tpu.memory_space<vmem>> -> memref<1x128xi32, #tpu.memory_space<vmem>>
        %dma_wait3A_151 = tpu.memref_squeeze %dma_wait3A_150 : memref<1x128xi32, #tpu.memory_space<vmem>> -> memref<128xi32, #tpu.memory_space<vmem>>
        %dma_wait3A_152 = arith.constant 0 : i32
        %dma_wait3A_153 = arith.constant 0 : i32
        %dma_wait3A_154 = tpu.memref_slice %arg8[%dma_wait3A_152, %dma_wait3A_153] : memref<10112x8xf32, #tpu.memory_space<vmem_shared>> -> memref<10112x8xf32, #tpu.memory_space<vmem_shared>>
        tpu.wait_indirect_dma semaphore(%arg14 : memref<!tpu.dma_semaphore, #tpu.memory_space<semaphore_mem>>) src(%arg7 : memref<128x8xf32, #tpu.memory_space<vmem>>) dst(%dma_wait3A_154 : memref<10112x8xf32, #tpu.memory_space<vmem_shared>>)
      } else {
      }
      %add3A_138 = arith.constant 5 : i32
      %add3A_139 = arith.addi %add3A_69, %add3A_138 : i32
      %dma_start3A_140 = arith.constant 0 : i32
      %dma_start3A_141 = tpu.memref_slice %arg6[%add3A_139, %dma_start3A_140] : memref<79x128xi32, #tpu.memory_space<vmem>> -> memref<1x128xi32, #tpu.memory_space<vmem>>
      %dma_start3A_142 = tpu.memref_squeeze %dma_start3A_141 : memref<1x128xi32, #tpu.memory_space<vmem>> -> memref<128xi32, #tpu.memory_space<vmem>>
      %dma_start3A_143 = arith.constant 0 : i32
      %dma_start3A_144 = arith.constant 0 : i32
      %dma_start3A_145 = tpu.memref_slice %arg8[%dma_start3A_143, %dma_start3A_144] : memref<10112x8xf32, #tpu.memory_space<vmem_shared>> -> memref<10112x8xf32, #tpu.memory_space<vmem_shared>>
      tpu.enqueue_indirect_dma source(%arg7 : memref<128x8xf32, #tpu.memory_space<vmem>>) target(%dma_start3A_145 : memref<10112x8xf32, #tpu.memory_space<vmem_shared>>) offsets(%dma_start3A_142 : memref<128xi32, #tpu.memory_space<vmem>>) semaphore(%arg14 : memref<!tpu.dma_semaphore, #tpu.memory_space<semaphore_mem>>) {add = true}
    }
    %scan3A_13 = arith.constant 13 : i32
    %dma_wait3A = arith.constant 72 : i32
    %dma_wait3A_14 = arith.constant 0 : i32
    %dma_wait3A_15 = tpu.memref_slice %arg6[%dma_wait3A, %dma_wait3A_14] : memref<79x128xi32, #tpu.memory_space<vmem>> -> memref<1x128xi32, #tpu.memory_space<vmem>>
    %dma_wait3A_16 = tpu.memref_squeeze %dma_wait3A_15 : memref<1x128xi32, #tpu.memory_space<vmem>> -> memref<128xi32, #tpu.memory_space<vmem>>
    %dma_wait3A_17 = arith.constant 0 : i32
    %dma_wait3A_18 = arith.constant 0 : i32
    %dma_wait3A_19 = tpu.memref_slice %arg8[%dma_wait3A_17, %dma_wait3A_18] : memref<10112x8xf32, #tpu.memory_space<vmem_shared>> -> memref<10112x8xf32, #tpu.memory_space<vmem_shared>>
    tpu.wait_indirect_dma semaphore(%arg9 : memref<!tpu.dma_semaphore, #tpu.memory_space<semaphore_mem>>) src(%arg7 : memref<128x8xf32, #tpu.memory_space<vmem>>) dst(%dma_wait3A_19 : memref<10112x8xf32, #tpu.memory_space<vmem_shared>>)
    %dma_wait3A_20 = arith.constant 73 : i32
    %dma_wait3A_21 = arith.constant 0 : i32
    %dma_wait3A_22 = tpu.memref_slice %arg6[%dma_wait3A_20, %dma_wait3A_21] : memref<79x128xi32, #tpu.memory_space<vmem>> -> memref<1x128xi32, #tpu.memory_space<vmem>>
    %dma_wait3A_23 = tpu.memref_squeeze %dma_wait3A_22 : memref<1x128xi32, #tpu.memory_space<vmem>> -> memref<128xi32, #tpu.memory_space<vmem>>
    %dma_wait3A_24 = arith.constant 0 : i32
    %dma_wait3A_25 = arith.constant 0 : i32
    %dma_wait3A_26 = tpu.memref_slice %arg8[%dma_wait3A_24, %dma_wait3A_25] : memref<10112x8xf32, #tpu.memory_space<vmem_shared>> -> memref<10112x8xf32, #tpu.memory_space<vmem_shared>>
    tpu.wait_indirect_dma semaphore(%arg10 : memref<!tpu.dma_semaphore, #tpu.memory_space<semaphore_mem>>) src(%arg7 : memref<128x8xf32, #tpu.memory_space<vmem>>) dst(%dma_wait3A_26 : memref<10112x8xf32, #tpu.memory_space<vmem_shared>>)
    %dma_wait3A_27 = arith.constant 74 : i32
    %dma_wait3A_28 = arith.constant 0 : i32
    %dma_wait3A_29 = tpu.memref_slice %arg6[%dma_wait3A_27, %dma_wait3A_28] : memref<79x128xi32, #tpu.memory_space<vmem>> -> memref<1x128xi32, #tpu.memory_space<vmem>>
    %dma_wait3A_30 = tpu.memref_squeeze %dma_wait3A_29 : memref<1x128xi32, #tpu.memory_space<vmem>> -> memref<128xi32, #tpu.memory_space<vmem>>
    %dma_wait3A_31 = arith.constant 0 : i32
    %dma_wait3A_32 = arith.constant 0 : i32
    %dma_wait3A_33 = tpu.memref_slice %arg8[%dma_wait3A_31, %dma_wait3A_32] : memref<10112x8xf32, #tpu.memory_space<vmem_shared>> -> memref<10112x8xf32, #tpu.memory_space<vmem_shared>>
    tpu.wait_indirect_dma semaphore(%arg11 : memref<!tpu.dma_semaphore, #tpu.memory_space<semaphore_mem>>) src(%arg7 : memref<128x8xf32, #tpu.memory_space<vmem>>) dst(%dma_wait3A_33 : memref<10112x8xf32, #tpu.memory_space<vmem_shared>>)
    %dma_wait3A_34 = arith.constant 75 : i32
    %dma_wait3A_35 = arith.constant 0 : i32
    %dma_wait3A_36 = tpu.memref_slice %arg6[%dma_wait3A_34, %dma_wait3A_35] : memref<79x128xi32, #tpu.memory_space<vmem>> -> memref<1x128xi32, #tpu.memory_space<vmem>>
    %dma_wait3A_37 = tpu.memref_squeeze %dma_wait3A_36 : memref<1x128xi32, #tpu.memory_space<vmem>> -> memref<128xi32, #tpu.memory_space<vmem>>
    %dma_wait3A_38 = arith.constant 0 : i32
    %dma_wait3A_39 = arith.constant 0 : i32
    %dma_wait3A_40 = tpu.memref_slice %arg8[%dma_wait3A_38, %dma_wait3A_39] : memref<10112x8xf32, #tpu.memory_space<vmem_shared>> -> memref<10112x8xf32, #tpu.memory_space<vmem_shared>>
    tpu.wait_indirect_dma semaphore(%arg12 : memref<!tpu.dma_semaphore, #tpu.memory_space<semaphore_mem>>) src(%arg7 : memref<128x8xf32, #tpu.memory_space<vmem>>) dst(%dma_wait3A_40 : memref<10112x8xf32, #tpu.memory_space<vmem_shared>>)
    %dma_wait3A_41 = arith.constant 76 : i32
    %dma_wait3A_42 = arith.constant 0 : i32
    %dma_wait3A_43 = tpu.memref_slice %arg6[%dma_wait3A_41, %dma_wait3A_42] : memref<79x128xi32, #tpu.memory_space<vmem>> -> memref<1x128xi32, #tpu.memory_space<vmem>>
    %dma_wait3A_44 = tpu.memref_squeeze %dma_wait3A_43 : memref<1x128xi32, #tpu.memory_space<vmem>> -> memref<128xi32, #tpu.memory_space<vmem>>
    %dma_wait3A_45 = arith.constant 0 : i32
    %dma_wait3A_46 = arith.constant 0 : i32
    %dma_wait3A_47 = tpu.memref_slice %arg8[%dma_wait3A_45, %dma_wait3A_46] : memref<10112x8xf32, #tpu.memory_space<vmem_shared>> -> memref<10112x8xf32, #tpu.memory_space<vmem_shared>>
    tpu.wait_indirect_dma semaphore(%arg13 : memref<!tpu.dma_semaphore, #tpu.memory_space<semaphore_mem>>) src(%arg7 : memref<128x8xf32, #tpu.memory_space<vmem>>) dst(%dma_wait3A_47 : memref<10112x8xf32, #tpu.memory_space<vmem_shared>>)
    %dma_wait3A_48 = arith.constant 77 : i32
    %dma_wait3A_49 = arith.constant 0 : i32
    %dma_wait3A_50 = tpu.memref_slice %arg6[%dma_wait3A_48, %dma_wait3A_49] : memref<79x128xi32, #tpu.memory_space<vmem>> -> memref<1x128xi32, #tpu.memory_space<vmem>>
    %dma_wait3A_51 = tpu.memref_squeeze %dma_wait3A_50 : memref<1x128xi32, #tpu.memory_space<vmem>> -> memref<128xi32, #tpu.memory_space<vmem>>
    %dma_wait3A_52 = arith.constant 0 : i32
    %dma_wait3A_53 = arith.constant 0 : i32
    %dma_wait3A_54 = tpu.memref_slice %arg8[%dma_wait3A_52, %dma_wait3A_53] : memref<10112x8xf32, #tpu.memory_space<vmem_shared>> -> memref<10112x8xf32, #tpu.memory_space<vmem_shared>>
    tpu.wait_indirect_dma semaphore(%arg14 : memref<!tpu.dma_semaphore, #tpu.memory_space<semaphore_mem>>) src(%arg7 : memref<128x8xf32, #tpu.memory_space<vmem>>) dst(%dma_wait3A_54 : memref<10112x8xf32, #tpu.memory_space<vmem_shared>>)
    %lt3A_55 = arith.constant 4 : i32
    %lt3A_56 = arith.cmpi slt, %add3A, %lt3A_55 : i32
    %convert_element_type3A_57 = arith.extui %lt3A_56 : i1 to i32
    %cond3A_58 = arith.constant 0 : i32
    %cond3A_59 = arith.cmpi ne, %convert_element_type3A_57, %cond3A_58 : i32
    scf.if %cond3A_59 {
      %run_scoped3A_65 = arith.constant 78 : i32
      "tpu.region"() ({
        %run_scoped3A_66 = tpu.sem_alloc : memref<!tpu.dma_semaphore, #tpu.memory_space<semaphore_mem>>
        %dma_start3A = arith.constant 0 : i32
        %dma_start3A_67 = tpu.memref_slice %arg6[%run_scoped3A_65, %dma_start3A] : memref<79x128xi32, #tpu.memory_space<vmem>> -> memref<1x128xi32, #tpu.memory_space<vmem>>
        %dma_start3A_68 = tpu.memref_squeeze %dma_start3A_67 : memref<1x128xi32, #tpu.memory_space<vmem>> -> memref<128xi32, #tpu.memory_space<vmem>>
        %dma_start3A_69 = arith.constant 0 : i32
        %dma_start3A_70 = arith.constant 0 : i32
        %dma_start3A_71 = tpu.memref_slice %arg8[%dma_start3A_69, %dma_start3A_70] : memref<10112x8xf32, #tpu.memory_space<vmem_shared>> -> memref<10112x8xf32, #tpu.memory_space<vmem_shared>>
        tpu.enqueue_indirect_dma source(%arg7 : memref<128x8xf32, #tpu.memory_space<vmem>>) target(%dma_start3A_71 : memref<10112x8xf32, #tpu.memory_space<vmem_shared>>) offsets(%dma_start3A_68 : memref<128xi32, #tpu.memory_space<vmem>>) semaphore(%run_scoped3A_66 : memref<!tpu.dma_semaphore, #tpu.memory_space<semaphore_mem>>) {add = true}
        %dma_wait3A_72 = arith.constant 0 : i32
        %dma_wait3A_73 = tpu.memref_slice %arg6[%run_scoped3A_65, %dma_wait3A_72] : memref<79x128xi32, #tpu.memory_space<vmem>> -> memref<1x128xi32, #tpu.memory_space<vmem>>
        %dma_wait3A_74 = tpu.memref_squeeze %dma_wait3A_73 : memref<1x128xi32, #tpu.memory_space<vmem>> -> memref<128xi32, #tpu.memory_space<vmem>>
        %dma_wait3A_75 = arith.constant 0 : i32
        %dma_wait3A_76 = arith.constant 0 : i32
        %dma_wait3A_77 = tpu.memref_slice %arg8[%dma_wait3A_75, %dma_wait3A_76] : memref<10112x8xf32, #tpu.memory_space<vmem_shared>> -> memref<10112x8xf32, #tpu.memory_space<vmem_shared>>
        tpu.wait_indirect_dma semaphore(%run_scoped3A_66 : memref<!tpu.dma_semaphore, #tpu.memory_space<semaphore_mem>>) src(%arg7 : memref<128x8xf32, #tpu.memory_space<vmem>>) dst(%dma_wait3A_77 : memref<10112x8xf32, #tpu.memory_space<vmem_shared>>)
        tpu.yield
      }) : () -> ()
    } else {
    }
    %barrier3A_60 = arith.constant 0 : index
    tpu.barrier barrier_id(%barrier3A_60)
    %mul3A_61 = arith.constant 632 : i32
    %mul3A_62 = arith.muli %arg1, %mul3A_61 : i32
    %mul3A_63 = arith.constant 632 : i32
    %mul3A_64 = arith.muli %arg1, %mul3A_63 : i32
    "tpu.region"() ({
      %run_scoped3A_65 = tpu.sem_alloc : memref<!tpu.dma_semaphore, #tpu.memory_space<semaphore_mem>>
      %dma_start3A = arith.constant 0 : i32
      %dma_start3A_66 = tpu.memref_slice %arg5[%arg0, %mul3A_64, %dma_start3A] : memref<2x10112x8xf32, #tpu.memory_space<hbm>> -> memref<1x632x8xf32, #tpu.memory_space<hbm>>
      %dma_start3A_67 = tpu.memref_squeeze %dma_start3A_66 : memref<1x632x8xf32, #tpu.memory_space<hbm>> -> memref<632x8xf32, #tpu.memory_space<hbm>>
      %dma_start3A_68 = arith.constant 0 : i32
      %dma_start3A_69 = tpu.memref_slice %arg8[%mul3A_62, %dma_start3A_68] : memref<10112x8xf32, #tpu.memory_space<vmem_shared>> -> memref<632x8xf32, #tpu.memory_space<vmem_shared>>
      tpu.enqueue_dma source(%dma_start3A_69 : memref<632x8xf32, #tpu.memory_space<vmem_shared>>) target(%dma_start3A_67 : memref<632x8xf32, #tpu.memory_space<hbm>>) target_semaphore(%run_scoped3A_65 : memref<!tpu.dma_semaphore, #tpu.memory_space<semaphore_mem>>)
      %dma_wait3A_70 = arith.constant 0 : i32
      %dma_wait3A_71 = tpu.memref_slice %arg5[%arg0, %mul3A_64, %dma_wait3A_70] : memref<2x10112x8xf32, #tpu.memory_space<hbm>> -> memref<1x632x8xf32, #tpu.memory_space<hbm>>
      %dma_wait3A_72 = tpu.memref_squeeze %dma_wait3A_71 : memref<1x632x8xf32, #tpu.memory_space<hbm>> -> memref<632x8xf32, #tpu.memory_space<hbm>>
      %dma_wait3A_73 = arith.constant 0 : i32
      %dma_wait3A_74 = tpu.memref_slice %arg8[%mul3A_62, %dma_wait3A_73] : memref<10112x8xf32, #tpu.memory_space<vmem_shared>> -> memref<632x8xf32, #tpu.memory_space<vmem_shared>>
      tpu.wait_dma2 semaphore(%run_scoped3A_65 : memref<!tpu.dma_semaphore, #tpu.memory_space<semaphore_mem>>) src(%dma_wait3A_74 : memref<632x8xf32, #tpu.memory_space<vmem_shared>>) dst(%dma_wait3A_72 : memref<632x8xf32, #tpu.memory_space<hbm>>)
      tpu.yield
    }) : () -> ()
    return
  }
}

#map = affine_map<(d0, d1) -> (0, 0)>
#map1 = affine_map<(d0, d1) -> (0, 0, 0)>
module attributes {stable_mosaic.version = 14 : i64} {
  func.func @_agg(%arg0: i32, %arg1: i32, %arg2: memref<10000x32xf32, #tpu.memory_space<hbm>>, %arg3: memref<2x2500x128xi32, #tpu.memory_space<hbm>>, %arg4: memref<10112x32xf32, #tpu.memory_space<hbm>>, %arg5: memref<2x10112x32xf32, #tpu.memory_space<hbm>>, %arg6: memref<79x128xi32, #tpu.memory_space<vmem>>, %arg7: memref<79x128xi32, #tpu.memory_space<vmem>>, %arg8: memref<128x32xf32, #tpu.memory_space<vmem>>, %arg9: memref<128x32xf32, #tpu.memory_space<vmem>>, %arg10: memref<128x32xf32, #tpu.memory_space<vmem>>, %arg11: memref<128x32xf32, #tpu.memory_space<vmem>>, %arg12: memref<128x32xf32, #tpu.memory_space<vmem>>, %arg13: memref<128x32xf32, #tpu.memory_space<vmem>>, %arg14: memref<128x32xf32, #tpu.memory_space<vmem>>, %arg15: memref<128x32xf32, #tpu.memory_space<vmem>>, %arg16: memref<128x32xf32, #tpu.memory_space<vmem>>, %arg17: memref<128x32xf32, #tpu.memory_space<vmem>>, %arg18: memref<128x32xf32, #tpu.memory_space<vmem>>, %arg19: memref<128x32xf32, #tpu.memory_space<vmem>>, %arg20: memref<10112x32xf32, #tpu.memory_space<vmem_shared>>, %arg21: memref<!tpu.dma_semaphore, #tpu.memory_space<semaphore_mem>>, %arg22: memref<!tpu.dma_semaphore, #tpu.memory_space<semaphore_mem>>, %arg23: memref<!tpu.dma_semaphore, #tpu.memory_space<semaphore_mem>>, %arg24: memref<!tpu.dma_semaphore, #tpu.memory_space<semaphore_mem>>, %arg25: memref<!tpu.dma_semaphore, #tpu.memory_space<semaphore_mem>>, %arg26: memref<!tpu.dma_semaphore, #tpu.memory_space<semaphore_mem>>, %arg27: memref<!tpu.dma_semaphore, #tpu.memory_space<semaphore_mem>>, %arg28: memref<!tpu.dma_semaphore, #tpu.memory_space<semaphore_mem>>, %arg29: memref<!tpu.dma_semaphore, #tpu.memory_space<semaphore_mem>>, %arg30: memref<!tpu.dma_semaphore, #tpu.memory_space<semaphore_mem>>, %arg31: memref<!tpu.dma_semaphore, #tpu.memory_space<semaphore_mem>>, %arg32: memref<!tpu.dma_semaphore, #tpu.memory_space<semaphore_mem>>, %arg33: memref<!tpu.dma_semaphore, #tpu.memory_space<semaphore_mem>>, %arg34: memref<!tpu.dma_semaphore, #tpu.memory_space<semaphore_mem>>, %arg35: memref<!tpu.dma_semaphore, #tpu.memory_space<semaphore_mem>>, %arg36: memref<!tpu.dma_semaphore, #tpu.memory_space<semaphore_mem>>, %arg37: memref<!tpu.dma_semaphore, #tpu.memory_space<semaphore_mem>>, %arg38: memref<!tpu.dma_semaphore, #tpu.memory_space<semaphore_mem>>, %arg39: memref<!tpu.dma_semaphore, #tpu.memory_space<semaphore_mem>>, %arg40: memref<!tpu.dma_semaphore, #tpu.memory_space<semaphore_mem>>, %arg41: memref<!tpu.dma_semaphore, #tpu.memory_space<semaphore_mem>>, %arg42: memref<!tpu.dma_semaphore, #tpu.memory_space<semaphore_mem>>, %arg43: memref<!tpu.dma_semaphore, #tpu.memory_space<semaphore_mem>>, %arg44: memref<!tpu.dma_semaphore, #tpu.memory_space<semaphore_mem>>) attributes {dimension_semantics = [#tpu.dimension_semantics<core_parallel>, #tpu.dimension_semantics<subcore_parallel>], iteration_bounds = array<i64: 2, 16>, scalar_prefetch = 0 : i64, scratch_operands = 39 : i64, tpu.core_type = #tpu.core_type<sc_vector_subcore>, window_params = [{transform_indices = #map}, {transform_indices = #map1}, {transform_indices = #map}, {transform_indices = #map1}]} {
    %mul3A = arith.constant 16 : i32
    %mul3A_0 = arith.muli %arg0, %mul3A : i32
    %add3A = arith.addi %mul3A_0, %arg1 : i32
    %mul3A_1 = arith.constant 78 : i32
    %mul3A_2 = arith.muli %add3A, %mul3A_1 : i32
    %run_scoped3A = arith.constant 0 : i32
    "tpu.region"() ({
      %run_scoped3A_272 = tpu.sem_alloc : memref<!tpu.dma_semaphore, #tpu.memory_space<semaphore_mem>>
      %dma_start3A_273 = arith.constant 0 : i32
      %dma_start3A_274 = arith.constant 0 : i32
      %dma_start3A_275 = tpu.memref_slice %arg6[%dma_start3A_273, %dma_start3A_274] : memref<79x128xi32, #tpu.memory_space<vmem>> -> memref<78x128xi32, #tpu.memory_space<vmem>>
      %dma_start3A_276 = arith.constant 0 : i32
      %dma_start3A_277 = arith.constant 0 : i32
      %dma_start3A_278 = tpu.memref_slice %arg3[%run_scoped3A, %dma_start3A_276, %dma_start3A_277] : memref<2x2500x128xi32, #tpu.memory_space<hbm>> -> memref<1x2500x128xi32, #tpu.memory_space<hbm>>
      %dma_start3A_279 = tpu.memref_squeeze %dma_start3A_278 : memref<1x2500x128xi32, #tpu.memory_space<hbm>> -> memref<2500x128xi32, #tpu.memory_space<hbm>>
      %dma_start3A_280 = arith.constant 0 : i32
      %dma_start3A_281 = tpu.memref_slice %dma_start3A_279[%mul3A_2, %dma_start3A_280] : memref<2500x128xi32, #tpu.memory_space<hbm>> -> memref<78x128xi32, #tpu.memory_space<hbm>>
      %dma_start3A_282 = arith.constant 0 : i32
      %dma_start3A_283 = arith.constant 0 : i32
      %dma_start3A_284 = tpu.memref_slice %arg6[%dma_start3A_282, %dma_start3A_283] : memref<79x128xi32, #tpu.memory_space<vmem>> -> memref<78x128xi32, #tpu.memory_space<vmem>>
      %dma_start3A_285 = arith.constant 0 : i32
      %dma_start3A_286 = arith.constant 0 : i32
      %dma_start3A_287 = tpu.memref_slice %arg3[%run_scoped3A, %dma_start3A_285, %dma_start3A_286] : memref<2x2500x128xi32, #tpu.memory_space<hbm>> -> memref<1x2500x128xi32, #tpu.memory_space<hbm>>
      %dma_start3A_288 = tpu.memref_squeeze %dma_start3A_287 : memref<1x2500x128xi32, #tpu.memory_space<hbm>> -> memref<2500x128xi32, #tpu.memory_space<hbm>>
      %dma_start3A_289 = arith.constant 0 : i32
      %dma_start3A_290 = tpu.memref_slice %dma_start3A_288[%mul3A_2, %dma_start3A_289] : memref<2500x128xi32, #tpu.memory_space<hbm>> -> memref<78x128xi32, #tpu.memory_space<hbm>>
      tpu.enqueue_dma source(%dma_start3A_290 : memref<78x128xi32, #tpu.memory_space<hbm>>) target(%dma_start3A_284 : memref<78x128xi32, #tpu.memory_space<vmem>>) target_semaphore(%run_scoped3A_272 : memref<!tpu.dma_semaphore, #tpu.memory_space<semaphore_mem>>)
      %dma_wait3A_291 = arith.constant 0 : i32
      %dma_wait3A_292 = arith.constant 0 : i32
      %dma_wait3A_293 = tpu.memref_slice %arg6[%dma_wait3A_291, %dma_wait3A_292] : memref<79x128xi32, #tpu.memory_space<vmem>> -> memref<78x128xi32, #tpu.memory_space<vmem>>
      %dma_wait3A_294 = arith.constant 0 : i32
      %dma_wait3A_295 = arith.constant 0 : i32
      %dma_wait3A_296 = tpu.memref_slice %arg3[%run_scoped3A, %dma_wait3A_294, %dma_wait3A_295] : memref<2x2500x128xi32, #tpu.memory_space<hbm>> -> memref<1x2500x128xi32, #tpu.memory_space<hbm>>
      %dma_wait3A_297 = tpu.memref_squeeze %dma_wait3A_296 : memref<1x2500x128xi32, #tpu.memory_space<hbm>> -> memref<2500x128xi32, #tpu.memory_space<hbm>>
      %dma_wait3A_298 = arith.constant 0 : i32
      %dma_wait3A_299 = tpu.memref_slice %dma_wait3A_297[%mul3A_2, %dma_wait3A_298] : memref<2500x128xi32, #tpu.memory_space<hbm>> -> memref<78x128xi32, #tpu.memory_space<hbm>>
      %dma_wait3A_300 = arith.constant 0 : i32
      %dma_wait3A_301 = arith.constant 0 : i32
      %dma_wait3A_302 = tpu.memref_slice %arg6[%dma_wait3A_300, %dma_wait3A_301] : memref<79x128xi32, #tpu.memory_space<vmem>> -> memref<78x128xi32, #tpu.memory_space<vmem>>
      %dma_wait3A_303 = arith.constant 0 : i32
      %dma_wait3A_304 = arith.constant 0 : i32
      %dma_wait3A_305 = tpu.memref_slice %arg3[%run_scoped3A, %dma_wait3A_303, %dma_wait3A_304] : memref<2x2500x128xi32, #tpu.memory_space<hbm>> -> memref<1x2500x128xi32, #tpu.memory_space<hbm>>
      %dma_wait3A_306 = tpu.memref_squeeze %dma_wait3A_305 : memref<1x2500x128xi32, #tpu.memory_space<hbm>> -> memref<2500x128xi32, #tpu.memory_space<hbm>>
      %dma_wait3A_307 = arith.constant 0 : i32
      %dma_wait3A_308 = tpu.memref_slice %dma_wait3A_306[%mul3A_2, %dma_wait3A_307] : memref<2500x128xi32, #tpu.memory_space<hbm>> -> memref<78x128xi32, #tpu.memory_space<hbm>>
      tpu.wait_dma2 semaphore(%run_scoped3A_272 : memref<!tpu.dma_semaphore, #tpu.memory_space<semaphore_mem>>) src(%dma_wait3A_308 : memref<78x128xi32, #tpu.memory_space<hbm>>) dst(%dma_wait3A_302 : memref<78x128xi32, #tpu.memory_space<vmem>>)
      tpu.yield
    }) : () -> ()
    %mul3A_3 = arith.constant 78 : i32
    %mul3A_4 = arith.muli %add3A, %mul3A_3 : i32
    %run_scoped3A_5 = arith.constant 1 : i32
    "tpu.region"() ({
      %run_scoped3A_272 = tpu.sem_alloc : memref<!tpu.dma_semaphore, #tpu.memory_space<semaphore_mem>>
      %dma_start3A_273 = arith.constant 0 : i32
      %dma_start3A_274 = arith.constant 0 : i32
      %dma_start3A_275 = tpu.memref_slice %arg7[%dma_start3A_273, %dma_start3A_274] : memref<79x128xi32, #tpu.memory_space<vmem>> -> memref<78x128xi32, #tpu.memory_space<vmem>>
      %dma_start3A_276 = arith.constant 0 : i32
      %dma_start3A_277 = arith.constant 0 : i32
      %dma_start3A_278 = tpu.memref_slice %arg3[%run_scoped3A_5, %dma_start3A_276, %dma_start3A_277] : memref<2x2500x128xi32, #tpu.memory_space<hbm>> -> memref<1x2500x128xi32, #tpu.memory_space<hbm>>
      %dma_start3A_279 = tpu.memref_squeeze %dma_start3A_278 : memref<1x2500x128xi32, #tpu.memory_space<hbm>> -> memref<2500x128xi32, #tpu.memory_space<hbm>>
      %dma_start3A_280 = arith.constant 0 : i32
      %dma_start3A_281 = tpu.memref_slice %dma_start3A_279[%mul3A_4, %dma_start3A_280] : memref<2500x128xi32, #tpu.memory_space<hbm>> -> memref<78x128xi32, #tpu.memory_space<hbm>>
      %dma_start3A_282 = arith.constant 0 : i32
      %dma_start3A_283 = arith.constant 0 : i32
      %dma_start3A_284 = tpu.memref_slice %arg7[%dma_start3A_282, %dma_start3A_283] : memref<79x128xi32, #tpu.memory_space<vmem>> -> memref<78x128xi32, #tpu.memory_space<vmem>>
      %dma_start3A_285 = arith.constant 0 : i32
      %dma_start3A_286 = arith.constant 0 : i32
      %dma_start3A_287 = tpu.memref_slice %arg3[%run_scoped3A_5, %dma_start3A_285, %dma_start3A_286] : memref<2x2500x128xi32, #tpu.memory_space<hbm>> -> memref<1x2500x128xi32, #tpu.memory_space<hbm>>
      %dma_start3A_288 = tpu.memref_squeeze %dma_start3A_287 : memref<1x2500x128xi32, #tpu.memory_space<hbm>> -> memref<2500x128xi32, #tpu.memory_space<hbm>>
      %dma_start3A_289 = arith.constant 0 : i32
      %dma_start3A_290 = tpu.memref_slice %dma_start3A_288[%mul3A_4, %dma_start3A_289] : memref<2500x128xi32, #tpu.memory_space<hbm>> -> memref<78x128xi32, #tpu.memory_space<hbm>>
      tpu.enqueue_dma source(%dma_start3A_290 : memref<78x128xi32, #tpu.memory_space<hbm>>) target(%dma_start3A_284 : memref<78x128xi32, #tpu.memory_space<vmem>>) target_semaphore(%run_scoped3A_272 : memref<!tpu.dma_semaphore, #tpu.memory_space<semaphore_mem>>)
      %dma_wait3A_291 = arith.constant 0 : i32
      %dma_wait3A_292 = arith.constant 0 : i32
      %dma_wait3A_293 = tpu.memref_slice %arg7[%dma_wait3A_291, %dma_wait3A_292] : memref<79x128xi32, #tpu.memory_space<vmem>> -> memref<78x128xi32, #tpu.memory_space<vmem>>
      %dma_wait3A_294 = arith.constant 0 : i32
      %dma_wait3A_295 = arith.constant 0 : i32
      %dma_wait3A_296 = tpu.memref_slice %arg3[%run_scoped3A_5, %dma_wait3A_294, %dma_wait3A_295] : memref<2x2500x128xi32, #tpu.memory_space<hbm>> -> memref<1x2500x128xi32, #tpu.memory_space<hbm>>
      %dma_wait3A_297 = tpu.memref_squeeze %dma_wait3A_296 : memref<1x2500x128xi32, #tpu.memory_space<hbm>> -> memref<2500x128xi32, #tpu.memory_space<hbm>>
      %dma_wait3A_298 = arith.constant 0 : i32
      %dma_wait3A_299 = tpu.memref_slice %dma_wait3A_297[%mul3A_4, %dma_wait3A_298] : memref<2500x128xi32, #tpu.memory_space<hbm>> -> memref<78x128xi32, #tpu.memory_space<hbm>>
      %dma_wait3A_300 = arith.constant 0 : i32
      %dma_wait3A_301 = arith.constant 0 : i32
      %dma_wait3A_302 = tpu.memref_slice %arg7[%dma_wait3A_300, %dma_wait3A_301] : memref<79x128xi32, #tpu.memory_space<vmem>> -> memref<78x128xi32, #tpu.memory_space<vmem>>
      %dma_wait3A_303 = arith.constant 0 : i32
      %dma_wait3A_304 = arith.constant 0 : i32
      %dma_wait3A_305 = tpu.memref_slice %arg3[%run_scoped3A_5, %dma_wait3A_303, %dma_wait3A_304] : memref<2x2500x128xi32, #tpu.memory_space<hbm>> -> memref<1x2500x128xi32, #tpu.memory_space<hbm>>
      %dma_wait3A_306 = tpu.memref_squeeze %dma_wait3A_305 : memref<1x2500x128xi32, #tpu.memory_space<hbm>> -> memref<2500x128xi32, #tpu.memory_space<hbm>>
      %dma_wait3A_307 = arith.constant 0 : i32
      %dma_wait3A_308 = tpu.memref_slice %dma_wait3A_306[%mul3A_4, %dma_wait3A_307] : memref<2500x128xi32, #tpu.memory_space<hbm>> -> memref<78x128xi32, #tpu.memory_space<hbm>>
      tpu.wait_dma2 semaphore(%run_scoped3A_272 : memref<!tpu.dma_semaphore, #tpu.memory_space<semaphore_mem>>) src(%dma_wait3A_308 : memref<78x128xi32, #tpu.memory_space<hbm>>) dst(%dma_wait3A_302 : memref<78x128xi32, #tpu.memory_space<vmem>>)
      tpu.yield
    }) : () -> ()
    %lt3A = arith.constant 4 : i32
    %lt3A_6 = arith.cmpi slt, %add3A, %lt3A : i32
    %convert_element_type3A = arith.extui %lt3A_6 : i1 to i32
    %cond3A = arith.constant 0 : i32
    %cond3A_7 = arith.constant 1 : i32
    %cond3A_8 = arith.constant 0 : i32
    %cond3A_9 = arith.cmpi ne, %convert_element_type3A, %cond3A_8 : i32
    scf.if %cond3A_9 {
      %add3A_272 = arith.constant 2496 : i32
      %add3A_273 = arith.addi %add3A_272, %add3A : i32
      "tpu.region"() ({
        %run_scoped3A_276 = tpu.sem_alloc : memref<!tpu.dma_semaphore, #tpu.memory_space<semaphore_mem>>
        %dma_start3A_277 = arith.constant 78 : i32
        %dma_start3A_278 = arith.constant 0 : i32
        %dma_start3A_279 = tpu.memref_slice %arg6[%dma_start3A_277, %dma_start3A_278] : memref<79x128xi32, #tpu.memory_space<vmem>> -> memref<1x128xi32, #tpu.memory_space<vmem>>
        %dma_start3A_280 = arith.constant 0 : i32
        %dma_start3A_281 = arith.constant 0 : i32
        %dma_start3A_282 = tpu.memref_slice %arg3[%cond3A, %dma_start3A_280, %dma_start3A_281] : memref<2x2500x128xi32, #tpu.memory_space<hbm>> -> memref<1x2500x128xi32, #tpu.memory_space<hbm>>
        %dma_start3A_283 = tpu.memref_squeeze %dma_start3A_282 : memref<1x2500x128xi32, #tpu.memory_space<hbm>> -> memref<2500x128xi32, #tpu.memory_space<hbm>>
        %dma_start3A_284 = arith.constant 0 : i32
        %dma_start3A_285 = tpu.memref_slice %dma_start3A_283[%add3A_273, %dma_start3A_284] : memref<2500x128xi32, #tpu.memory_space<hbm>> -> memref<1x128xi32, #tpu.memory_space<hbm>>
        %dma_start3A_286 = arith.constant 78 : i32
        %dma_start3A_287 = arith.constant 0 : i32
        %dma_start3A_288 = tpu.memref_slice %arg6[%dma_start3A_286, %dma_start3A_287] : memref<79x128xi32, #tpu.memory_space<vmem>> -> memref<1x128xi32, #tpu.memory_space<vmem>>
        %dma_start3A_289 = arith.constant 0 : i32
        %dma_start3A_290 = arith.constant 0 : i32
        %dma_start3A_291 = tpu.memref_slice %arg3[%cond3A, %dma_start3A_289, %dma_start3A_290] : memref<2x2500x128xi32, #tpu.memory_space<hbm>> -> memref<1x2500x128xi32, #tpu.memory_space<hbm>>
        %dma_start3A_292 = tpu.memref_squeeze %dma_start3A_291 : memref<1x2500x128xi32, #tpu.memory_space<hbm>> -> memref<2500x128xi32, #tpu.memory_space<hbm>>
        %dma_start3A_293 = arith.constant 0 : i32
        %dma_start3A_294 = tpu.memref_slice %dma_start3A_292[%add3A_273, %dma_start3A_293] : memref<2500x128xi32, #tpu.memory_space<hbm>> -> memref<1x128xi32, #tpu.memory_space<hbm>>
        tpu.enqueue_dma source(%dma_start3A_294 : memref<1x128xi32, #tpu.memory_space<hbm>>) target(%dma_start3A_288 : memref<1x128xi32, #tpu.memory_space<vmem>>) target_semaphore(%run_scoped3A_276 : memref<!tpu.dma_semaphore, #tpu.memory_space<semaphore_mem>>)
        %dma_wait3A_295 = arith.constant 78 : i32
        %dma_wait3A_296 = arith.constant 0 : i32
        %dma_wait3A_297 = tpu.memref_slice %arg6[%dma_wait3A_295, %dma_wait3A_296] : memref<79x128xi32, #tpu.memory_space<vmem>> -> memref<1x128xi32, #tpu.memory_space<vmem>>
        %dma_wait3A_298 = arith.constant 0 : i32
        %dma_wait3A_299 = arith.constant 0 : i32
        %dma_wait3A_300 = tpu.memref_slice %arg3[%cond3A, %dma_wait3A_298, %dma_wait3A_299] : memref<2x2500x128xi32, #tpu.memory_space<hbm>> -> memref<1x2500x128xi32, #tpu.memory_space<hbm>>
        %dma_wait3A_301 = tpu.memref_squeeze %dma_wait3A_300 : memref<1x2500x128xi32, #tpu.memory_space<hbm>> -> memref<2500x128xi32, #tpu.memory_space<hbm>>
        %dma_wait3A_302 = arith.constant 0 : i32
        %dma_wait3A_303 = tpu.memref_slice %dma_wait3A_301[%add3A_273, %dma_wait3A_302] : memref<2500x128xi32, #tpu.memory_space<hbm>> -> memref<1x128xi32, #tpu.memory_space<hbm>>
        %dma_wait3A_304 = arith.constant 78 : i32
        %dma_wait3A_305 = arith.constant 0 : i32
        %dma_wait3A_306 = tpu.memref_slice %arg6[%dma_wait3A_304, %dma_wait3A_305] : memref<79x128xi32, #tpu.memory_space<vmem>> -> memref<1x128xi32, #tpu.memory_space<vmem>>
        %dma_wait3A_307 = arith.constant 0 : i32
        %dma_wait3A_308 = arith.constant 0 : i32
        %dma_wait3A_309 = tpu.memref_slice %arg3[%cond3A, %dma_wait3A_307, %dma_wait3A_308] : memref<2x2500x128xi32, #tpu.memory_space<hbm>> -> memref<1x2500x128xi32, #tpu.memory_space<hbm>>
        %dma_wait3A_310 = tpu.memref_squeeze %dma_wait3A_309 : memref<1x2500x128xi32, #tpu.memory_space<hbm>> -> memref<2500x128xi32, #tpu.memory_space<hbm>>
        %dma_wait3A_311 = arith.constant 0 : i32
        %dma_wait3A_312 = tpu.memref_slice %dma_wait3A_310[%add3A_273, %dma_wait3A_311] : memref<2500x128xi32, #tpu.memory_space<hbm>> -> memref<1x128xi32, #tpu.memory_space<hbm>>
        tpu.wait_dma2 semaphore(%run_scoped3A_276 : memref<!tpu.dma_semaphore, #tpu.memory_space<semaphore_mem>>) src(%dma_wait3A_312 : memref<1x128xi32, #tpu.memory_space<hbm>>) dst(%dma_wait3A_306 : memref<1x128xi32, #tpu.memory_space<vmem>>)
        tpu.yield
      }) : () -> ()
      %add3A_274 = arith.constant 2496 : i32
      %add3A_275 = arith.addi %add3A_274, %add3A : i32
      "tpu.region"() ({
        %run_scoped3A_276 = tpu.sem_alloc : memref<!tpu.dma_semaphore, #tpu.memory_space<semaphore_mem>>
        %dma_start3A_277 = arith.constant 78 : i32
        %dma_start3A_278 = arith.constant 0 : i32
        %dma_start3A_279 = tpu.memref_slice %arg7[%dma_start3A_277, %dma_start3A_278] : memref<79x128xi32, #tpu.memory_space<vmem>> -> memref<1x128xi32, #tpu.memory_space<vmem>>
        %dma_start3A_280 = arith.constant 0 : i32
        %dma_start3A_281 = arith.constant 0 : i32
        %dma_start3A_282 = tpu.memref_slice %arg3[%cond3A_7, %dma_start3A_280, %dma_start3A_281] : memref<2x2500x128xi32, #tpu.memory_space<hbm>> -> memref<1x2500x128xi32, #tpu.memory_space<hbm>>
        %dma_start3A_283 = tpu.memref_squeeze %dma_start3A_282 : memref<1x2500x128xi32, #tpu.memory_space<hbm>> -> memref<2500x128xi32, #tpu.memory_space<hbm>>
        %dma_start3A_284 = arith.constant 0 : i32
        %dma_start3A_285 = tpu.memref_slice %dma_start3A_283[%add3A_275, %dma_start3A_284] : memref<2500x128xi32, #tpu.memory_space<hbm>> -> memref<1x128xi32, #tpu.memory_space<hbm>>
        %dma_start3A_286 = arith.constant 78 : i32
        %dma_start3A_287 = arith.constant 0 : i32
        %dma_start3A_288 = tpu.memref_slice %arg7[%dma_start3A_286, %dma_start3A_287] : memref<79x128xi32, #tpu.memory_space<vmem>> -> memref<1x128xi32, #tpu.memory_space<vmem>>
        %dma_start3A_289 = arith.constant 0 : i32
        %dma_start3A_290 = arith.constant 0 : i32
        %dma_start3A_291 = tpu.memref_slice %arg3[%cond3A_7, %dma_start3A_289, %dma_start3A_290] : memref<2x2500x128xi32, #tpu.memory_space<hbm>> -> memref<1x2500x128xi32, #tpu.memory_space<hbm>>
        %dma_start3A_292 = tpu.memref_squeeze %dma_start3A_291 : memref<1x2500x128xi32, #tpu.memory_space<hbm>> -> memref<2500x128xi32, #tpu.memory_space<hbm>>
        %dma_start3A_293 = arith.constant 0 : i32
        %dma_start3A_294 = tpu.memref_slice %dma_start3A_292[%add3A_275, %dma_start3A_293] : memref<2500x128xi32, #tpu.memory_space<hbm>> -> memref<1x128xi32, #tpu.memory_space<hbm>>
        tpu.enqueue_dma source(%dma_start3A_294 : memref<1x128xi32, #tpu.memory_space<hbm>>) target(%dma_start3A_288 : memref<1x128xi32, #tpu.memory_space<vmem>>) target_semaphore(%run_scoped3A_276 : memref<!tpu.dma_semaphore, #tpu.memory_space<semaphore_mem>>)
        %dma_wait3A_295 = arith.constant 78 : i32
        %dma_wait3A_296 = arith.constant 0 : i32
        %dma_wait3A_297 = tpu.memref_slice %arg7[%dma_wait3A_295, %dma_wait3A_296] : memref<79x128xi32, #tpu.memory_space<vmem>> -> memref<1x128xi32, #tpu.memory_space<vmem>>
        %dma_wait3A_298 = arith.constant 0 : i32
        %dma_wait3A_299 = arith.constant 0 : i32
        %dma_wait3A_300 = tpu.memref_slice %arg3[%cond3A_7, %dma_wait3A_298, %dma_wait3A_299] : memref<2x2500x128xi32, #tpu.memory_space<hbm>> -> memref<1x2500x128xi32, #tpu.memory_space<hbm>>
        %dma_wait3A_301 = tpu.memref_squeeze %dma_wait3A_300 : memref<1x2500x128xi32, #tpu.memory_space<hbm>> -> memref<2500x128xi32, #tpu.memory_space<hbm>>
        %dma_wait3A_302 = arith.constant 0 : i32
        %dma_wait3A_303 = tpu.memref_slice %dma_wait3A_301[%add3A_275, %dma_wait3A_302] : memref<2500x128xi32, #tpu.memory_space<hbm>> -> memref<1x128xi32, #tpu.memory_space<hbm>>
        %dma_wait3A_304 = arith.constant 78 : i32
        %dma_wait3A_305 = arith.constant 0 : i32
        %dma_wait3A_306 = tpu.memref_slice %arg7[%dma_wait3A_304, %dma_wait3A_305] : memref<79x128xi32, #tpu.memory_space<vmem>> -> memref<1x128xi32, #tpu.memory_space<vmem>>
        %dma_wait3A_307 = arith.constant 0 : i32
        %dma_wait3A_308 = arith.constant 0 : i32
        %dma_wait3A_309 = tpu.memref_slice %arg3[%cond3A_7, %dma_wait3A_307, %dma_wait3A_308] : memref<2x2500x128xi32, #tpu.memory_space<hbm>> -> memref<1x2500x128xi32, #tpu.memory_space<hbm>>
        %dma_wait3A_310 = tpu.memref_squeeze %dma_wait3A_309 : memref<1x2500x128xi32, #tpu.memory_space<hbm>> -> memref<2500x128xi32, #tpu.memory_space<hbm>>
        %dma_wait3A_311 = arith.constant 0 : i32
        %dma_wait3A_312 = tpu.memref_slice %dma_wait3A_310[%add3A_275, %dma_wait3A_311] : memref<2500x128xi32, #tpu.memory_space<hbm>> -> memref<1x128xi32, #tpu.memory_space<hbm>>
        tpu.wait_dma2 semaphore(%run_scoped3A_276 : memref<!tpu.dma_semaphore, #tpu.memory_space<semaphore_mem>>) src(%dma_wait3A_312 : memref<1x128xi32, #tpu.memory_space<hbm>>) dst(%dma_wait3A_306 : memref<1x128xi32, #tpu.memory_space<vmem>>)
        tpu.yield
      }) : () -> ()
    } else {
    }
    %mul3A_10 = arith.constant 632 : i32
    %mul3A_11 = arith.muli %arg1, %mul3A_10 : i32
    %mul3A_12 = arith.constant 632 : i32
    %mul3A_13 = arith.muli %arg1, %mul3A_12 : i32
    "tpu.region"() ({
      %run_scoped3A_272 = tpu.sem_alloc : memref<!tpu.dma_semaphore, #tpu.memory_space<semaphore_mem>>
      %dma_start3A_273 = arith.constant 0 : i32
      %dma_start3A_274 = tpu.memref_slice %arg20[%mul3A_13, %dma_start3A_273] : memref<10112x32xf32, #tpu.memory_space<vmem_shared>> -> memref<632x32xf32, #tpu.memory_space<vmem_shared>>
      %dma_start3A_275 = arith.constant 0 : i32
      %dma_start3A_276 = tpu.memref_slice %arg4[%mul3A_11, %dma_start3A_275] : memref<10112x32xf32, #tpu.memory_space<hbm>> -> memref<632x32xf32, #tpu.memory_space<hbm>>
      tpu.enqueue_dma source(%dma_start3A_276 : memref<632x32xf32, #tpu.memory_space<hbm>>) target(%dma_start3A_274 : memref<632x32xf32, #tpu.memory_space<vmem_shared>>) target_semaphore(%run_scoped3A_272 : memref<!tpu.dma_semaphore, #tpu.memory_space<semaphore_mem>>)
      %dma_wait3A_277 = arith.constant 0 : i32
      %dma_wait3A_278 = tpu.memref_slice %arg20[%mul3A_13, %dma_wait3A_277] : memref<10112x32xf32, #tpu.memory_space<vmem_shared>> -> memref<632x32xf32, #tpu.memory_space<vmem_shared>>
      %dma_wait3A_279 = arith.constant 0 : i32
      %dma_wait3A_280 = tpu.memref_slice %arg4[%mul3A_11, %dma_wait3A_279] : memref<10112x32xf32, #tpu.memory_space<hbm>> -> memref<632x32xf32, #tpu.memory_space<hbm>>
      tpu.wait_dma2 semaphore(%run_scoped3A_272 : memref<!tpu.dma_semaphore, #tpu.memory_space<semaphore_mem>>) src(%dma_wait3A_280 : memref<632x32xf32, #tpu.memory_space<hbm>>) dst(%dma_wait3A_278 : memref<632x32xf32, #tpu.memory_space<vmem_shared>>)
      tpu.yield
    }) : () -> ()
    %barrier3A = arith.constant 0 : index
    tpu.barrier barrier_id(%barrier3A)
    %dma_start3A = arith.constant 0 : i32
    %dma_start3A_14 = arith.constant 0 : i32
    %dma_start3A_15 = tpu.memref_slice %arg6[%dma_start3A, %dma_start3A_14] : memref<79x128xi32, #tpu.memory_space<vmem>> -> memref<1x128xi32, #tpu.memory_space<vmem>>
    %dma_start3A_16 = tpu.memref_squeeze %dma_start3A_15 : memref<1x128xi32, #tpu.memory_space<vmem>> -> memref<128xi32, #tpu.memory_space<vmem>>
    %dma_start3A_17 = arith.constant 0 : i32
    %dma_start3A_18 = arith.constant 0 : i32
    %dma_start3A_19 = tpu.memref_slice %arg2[%dma_start3A_17, %dma_start3A_18] : memref<10000x32xf32, #tpu.memory_space<hbm>> -> memref<10000x32xf32, #tpu.memory_space<hbm>>
    tpu.enqueue_indirect_dma source(%dma_start3A_19 : memref<10000x32xf32, #tpu.memory_space<hbm>>) target(%arg8 : memref<128x32xf32, #tpu.memory_space<vmem>>) offsets(%dma_start3A_16 : memref<128xi32, #tpu.memory_space<vmem>>) semaphore(%arg21 : memref<!tpu.dma_semaphore, #tpu.memory_space<semaphore_mem>>)
    %dma_start3A_20 = arith.constant 1 : i32
    %dma_start3A_21 = arith.constant 0 : i32
    %dma_start3A_22 = tpu.memref_slice %arg6[%dma_start3A_20, %dma_start3A_21] : memref<79x128xi32, #tpu.memory_space<vmem>> -> memref<1x128xi32, #tpu.memory_space<vmem>>
    %dma_start3A_23 = tpu.memref_squeeze %dma_start3A_22 : memref<1x128xi32, #tpu.memory_space<vmem>> -> memref<128xi32, #tpu.memory_space<vmem>>
    %dma_start3A_24 = arith.constant 0 : i32
    %dma_start3A_25 = arith.constant 0 : i32
    %dma_start3A_26 = tpu.memref_slice %arg2[%dma_start3A_24, %dma_start3A_25] : memref<10000x32xf32, #tpu.memory_space<hbm>> -> memref<10000x32xf32, #tpu.memory_space<hbm>>
    tpu.enqueue_indirect_dma source(%dma_start3A_26 : memref<10000x32xf32, #tpu.memory_space<hbm>>) target(%arg9 : memref<128x32xf32, #tpu.memory_space<vmem>>) offsets(%dma_start3A_23 : memref<128xi32, #tpu.memory_space<vmem>>) semaphore(%arg22 : memref<!tpu.dma_semaphore, #tpu.memory_space<semaphore_mem>>)
    %dma_start3A_27 = arith.constant 2 : i32
    %dma_start3A_28 = arith.constant 0 : i32
    %dma_start3A_29 = tpu.memref_slice %arg6[%dma_start3A_27, %dma_start3A_28] : memref<79x128xi32, #tpu.memory_space<vmem>> -> memref<1x128xi32, #tpu.memory_space<vmem>>
    %dma_start3A_30 = tpu.memref_squeeze %dma_start3A_29 : memref<1x128xi32, #tpu.memory_space<vmem>> -> memref<128xi32, #tpu.memory_space<vmem>>
    %dma_start3A_31 = arith.constant 0 : i32
    %dma_start3A_32 = arith.constant 0 : i32
    %dma_start3A_33 = tpu.memref_slice %arg2[%dma_start3A_31, %dma_start3A_32] : memref<10000x32xf32, #tpu.memory_space<hbm>> -> memref<10000x32xf32, #tpu.memory_space<hbm>>
    tpu.enqueue_indirect_dma source(%dma_start3A_33 : memref<10000x32xf32, #tpu.memory_space<hbm>>) target(%arg10 : memref<128x32xf32, #tpu.memory_space<vmem>>) offsets(%dma_start3A_30 : memref<128xi32, #tpu.memory_space<vmem>>) semaphore(%arg23 : memref<!tpu.dma_semaphore, #tpu.memory_space<semaphore_mem>>)
    %dma_start3A_34 = arith.constant 3 : i32
    %dma_start3A_35 = arith.constant 0 : i32
    %dma_start3A_36 = tpu.memref_slice %arg6[%dma_start3A_34, %dma_start3A_35] : memref<79x128xi32, #tpu.memory_space<vmem>> -> memref<1x128xi32, #tpu.memory_space<vmem>>
    %dma_start3A_37 = tpu.memref_squeeze %dma_start3A_36 : memref<1x128xi32, #tpu.memory_space<vmem>> -> memref<128xi32, #tpu.memory_space<vmem>>
    %dma_start3A_38 = arith.constant 0 : i32
    %dma_start3A_39 = arith.constant 0 : i32
    %dma_start3A_40 = tpu.memref_slice %arg2[%dma_start3A_38, %dma_start3A_39] : memref<10000x32xf32, #tpu.memory_space<hbm>> -> memref<10000x32xf32, #tpu.memory_space<hbm>>
    tpu.enqueue_indirect_dma source(%dma_start3A_40 : memref<10000x32xf32, #tpu.memory_space<hbm>>) target(%arg11 : memref<128x32xf32, #tpu.memory_space<vmem>>) offsets(%dma_start3A_37 : memref<128xi32, #tpu.memory_space<vmem>>) semaphore(%arg24 : memref<!tpu.dma_semaphore, #tpu.memory_space<semaphore_mem>>)
    %dma_start3A_41 = arith.constant 4 : i32
    %dma_start3A_42 = arith.constant 0 : i32
    %dma_start3A_43 = tpu.memref_slice %arg6[%dma_start3A_41, %dma_start3A_42] : memref<79x128xi32, #tpu.memory_space<vmem>> -> memref<1x128xi32, #tpu.memory_space<vmem>>
    %dma_start3A_44 = tpu.memref_squeeze %dma_start3A_43 : memref<1x128xi32, #tpu.memory_space<vmem>> -> memref<128xi32, #tpu.memory_space<vmem>>
    %dma_start3A_45 = arith.constant 0 : i32
    %dma_start3A_46 = arith.constant 0 : i32
    %dma_start3A_47 = tpu.memref_slice %arg2[%dma_start3A_45, %dma_start3A_46] : memref<10000x32xf32, #tpu.memory_space<hbm>> -> memref<10000x32xf32, #tpu.memory_space<hbm>>
    tpu.enqueue_indirect_dma source(%dma_start3A_47 : memref<10000x32xf32, #tpu.memory_space<hbm>>) target(%arg12 : memref<128x32xf32, #tpu.memory_space<vmem>>) offsets(%dma_start3A_44 : memref<128xi32, #tpu.memory_space<vmem>>) semaphore(%arg25 : memref<!tpu.dma_semaphore, #tpu.memory_space<semaphore_mem>>)
    %dma_start3A_48 = arith.constant 5 : i32
    %dma_start3A_49 = arith.constant 0 : i32
    %dma_start3A_50 = tpu.memref_slice %arg6[%dma_start3A_48, %dma_start3A_49] : memref<79x128xi32, #tpu.memory_space<vmem>> -> memref<1x128xi32, #tpu.memory_space<vmem>>
    %dma_start3A_51 = tpu.memref_squeeze %dma_start3A_50 : memref<1x128xi32, #tpu.memory_space<vmem>> -> memref<128xi32, #tpu.memory_space<vmem>>
    %dma_start3A_52 = arith.constant 0 : i32
    %dma_start3A_53 = arith.constant 0 : i32
    %dma_start3A_54 = tpu.memref_slice %arg2[%dma_start3A_52, %dma_start3A_53] : memref<10000x32xf32, #tpu.memory_space<hbm>> -> memref<10000x32xf32, #tpu.memory_space<hbm>>
    tpu.enqueue_indirect_dma source(%dma_start3A_54 : memref<10000x32xf32, #tpu.memory_space<hbm>>) target(%arg13 : memref<128x32xf32, #tpu.memory_space<vmem>>) offsets(%dma_start3A_51 : memref<128xi32, #tpu.memory_space<vmem>>) semaphore(%arg26 : memref<!tpu.dma_semaphore, #tpu.memory_space<semaphore_mem>>)
    %dma_start3A_55 = arith.constant 6 : i32
    %dma_start3A_56 = arith.constant 0 : i32
    %dma_start3A_57 = tpu.memref_slice %arg6[%dma_start3A_55, %dma_start3A_56] : memref<79x128xi32, #tpu.memory_space<vmem>> -> memref<1x128xi32, #tpu.memory_space<vmem>>
    %dma_start3A_58 = tpu.memref_squeeze %dma_start3A_57 : memref<1x128xi32, #tpu.memory_space<vmem>> -> memref<128xi32, #tpu.memory_space<vmem>>
    %dma_start3A_59 = arith.constant 0 : i32
    %dma_start3A_60 = arith.constant 0 : i32
    %dma_start3A_61 = tpu.memref_slice %arg2[%dma_start3A_59, %dma_start3A_60] : memref<10000x32xf32, #tpu.memory_space<hbm>> -> memref<10000x32xf32, #tpu.memory_space<hbm>>
    tpu.enqueue_indirect_dma source(%dma_start3A_61 : memref<10000x32xf32, #tpu.memory_space<hbm>>) target(%arg14 : memref<128x32xf32, #tpu.memory_space<vmem>>) offsets(%dma_start3A_58 : memref<128xi32, #tpu.memory_space<vmem>>) semaphore(%arg27 : memref<!tpu.dma_semaphore, #tpu.memory_space<semaphore_mem>>)
    %dma_start3A_62 = arith.constant 7 : i32
    %dma_start3A_63 = arith.constant 0 : i32
    %dma_start3A_64 = tpu.memref_slice %arg6[%dma_start3A_62, %dma_start3A_63] : memref<79x128xi32, #tpu.memory_space<vmem>> -> memref<1x128xi32, #tpu.memory_space<vmem>>
    %dma_start3A_65 = tpu.memref_squeeze %dma_start3A_64 : memref<1x128xi32, #tpu.memory_space<vmem>> -> memref<128xi32, #tpu.memory_space<vmem>>
    %dma_start3A_66 = arith.constant 0 : i32
    %dma_start3A_67 = arith.constant 0 : i32
    %dma_start3A_68 = tpu.memref_slice %arg2[%dma_start3A_66, %dma_start3A_67] : memref<10000x32xf32, #tpu.memory_space<hbm>> -> memref<10000x32xf32, #tpu.memory_space<hbm>>
    tpu.enqueue_indirect_dma source(%dma_start3A_68 : memref<10000x32xf32, #tpu.memory_space<hbm>>) target(%arg15 : memref<128x32xf32, #tpu.memory_space<vmem>>) offsets(%dma_start3A_65 : memref<128xi32, #tpu.memory_space<vmem>>) semaphore(%arg28 : memref<!tpu.dma_semaphore, #tpu.memory_space<semaphore_mem>>)
    %dma_start3A_69 = arith.constant 8 : i32
    %dma_start3A_70 = arith.constant 0 : i32
    %dma_start3A_71 = tpu.memref_slice %arg6[%dma_start3A_69, %dma_start3A_70] : memref<79x128xi32, #tpu.memory_space<vmem>> -> memref<1x128xi32, #tpu.memory_space<vmem>>
    %dma_start3A_72 = tpu.memref_squeeze %dma_start3A_71 : memref<1x128xi32, #tpu.memory_space<vmem>> -> memref<128xi32, #tpu.memory_space<vmem>>
    %dma_start3A_73 = arith.constant 0 : i32
    %dma_start3A_74 = arith.constant 0 : i32
    %dma_start3A_75 = tpu.memref_slice %arg2[%dma_start3A_73, %dma_start3A_74] : memref<10000x32xf32, #tpu.memory_space<hbm>> -> memref<10000x32xf32, #tpu.memory_space<hbm>>
    tpu.enqueue_indirect_dma source(%dma_start3A_75 : memref<10000x32xf32, #tpu.memory_space<hbm>>) target(%arg16 : memref<128x32xf32, #tpu.memory_space<vmem>>) offsets(%dma_start3A_72 : memref<128xi32, #tpu.memory_space<vmem>>) semaphore(%arg29 : memref<!tpu.dma_semaphore, #tpu.memory_space<semaphore_mem>>)
    %dma_start3A_76 = arith.constant 9 : i32
    %dma_start3A_77 = arith.constant 0 : i32
    %dma_start3A_78 = tpu.memref_slice %arg6[%dma_start3A_76, %dma_start3A_77] : memref<79x128xi32, #tpu.memory_space<vmem>> -> memref<1x128xi32, #tpu.memory_space<vmem>>
    %dma_start3A_79 = tpu.memref_squeeze %dma_start3A_78 : memref<1x128xi32, #tpu.memory_space<vmem>> -> memref<128xi32, #tpu.memory_space<vmem>>
    %dma_start3A_80 = arith.constant 0 : i32
    %dma_start3A_81 = arith.constant 0 : i32
    %dma_start3A_82 = tpu.memref_slice %arg2[%dma_start3A_80, %dma_start3A_81] : memref<10000x32xf32, #tpu.memory_space<hbm>> -> memref<10000x32xf32, #tpu.memory_space<hbm>>
    tpu.enqueue_indirect_dma source(%dma_start3A_82 : memref<10000x32xf32, #tpu.memory_space<hbm>>) target(%arg17 : memref<128x32xf32, #tpu.memory_space<vmem>>) offsets(%dma_start3A_79 : memref<128xi32, #tpu.memory_space<vmem>>) semaphore(%arg30 : memref<!tpu.dma_semaphore, #tpu.memory_space<semaphore_mem>>)
    %dma_start3A_83 = arith.constant 10 : i32
    %dma_start3A_84 = arith.constant 0 : i32
    %dma_start3A_85 = tpu.memref_slice %arg6[%dma_start3A_83, %dma_start3A_84] : memref<79x128xi32, #tpu.memory_space<vmem>> -> memref<1x128xi32, #tpu.memory_space<vmem>>
    %dma_start3A_86 = tpu.memref_squeeze %dma_start3A_85 : memref<1x128xi32, #tpu.memory_space<vmem>> -> memref<128xi32, #tpu.memory_space<vmem>>
    %dma_start3A_87 = arith.constant 0 : i32
    %dma_start3A_88 = arith.constant 0 : i32
    %dma_start3A_89 = tpu.memref_slice %arg2[%dma_start3A_87, %dma_start3A_88] : memref<10000x32xf32, #tpu.memory_space<hbm>> -> memref<10000x32xf32, #tpu.memory_space<hbm>>
    tpu.enqueue_indirect_dma source(%dma_start3A_89 : memref<10000x32xf32, #tpu.memory_space<hbm>>) target(%arg18 : memref<128x32xf32, #tpu.memory_space<vmem>>) offsets(%dma_start3A_86 : memref<128xi32, #tpu.memory_space<vmem>>) semaphore(%arg31 : memref<!tpu.dma_semaphore, #tpu.memory_space<semaphore_mem>>)
    %dma_start3A_90 = arith.constant 11 : i32
    %dma_start3A_91 = arith.constant 0 : i32
    %dma_start3A_92 = tpu.memref_slice %arg6[%dma_start3A_90, %dma_start3A_91] : memref<79x128xi32, #tpu.memory_space<vmem>> -> memref<1x128xi32, #tpu.memory_space<vmem>>
    %dma_start3A_93 = tpu.memref_squeeze %dma_start3A_92 : memref<1x128xi32, #tpu.memory_space<vmem>> -> memref<128xi32, #tpu.memory_space<vmem>>
    %dma_start3A_94 = arith.constant 0 : i32
    %dma_start3A_95 = arith.constant 0 : i32
    %dma_start3A_96 = tpu.memref_slice %arg2[%dma_start3A_94, %dma_start3A_95] : memref<10000x32xf32, #tpu.memory_space<hbm>> -> memref<10000x32xf32, #tpu.memory_space<hbm>>
    tpu.enqueue_indirect_dma source(%dma_start3A_96 : memref<10000x32xf32, #tpu.memory_space<hbm>>) target(%arg19 : memref<128x32xf32, #tpu.memory_space<vmem>>) offsets(%dma_start3A_93 : memref<128xi32, #tpu.memory_space<vmem>>) semaphore(%arg32 : memref<!tpu.dma_semaphore, #tpu.memory_space<semaphore_mem>>)
    %scan3A = arith.constant 0 : i32
    %scan3A_97 = arith.constant 6 : i32
    %scan3A_98 = arith.addi %scan3A, %scan3A_97 : i32
    %scan3A_99 = arith.constant 1 : i32
    scf.for %scan3A_272 = %scan3A to %scan3A_98 step %scan3A_99  : i32 {
      %mul3A_273 = arith.constant 12 : i32
      %mul3A_274 = arith.muli %scan3A_272, %mul3A_273 : i32
      %add3A_275 = arith.constant 0 : i32
      %add3A_276 = arith.addi %add3A_275, %mul3A_274 : i32
      %dma_wait3A_277 = arith.constant 0 : i32
      %dma_wait3A_278 = arith.constant 0 : i32
      %dma_wait3A_279 = tpu.memref_slice %arg2[%dma_wait3A_277, %dma_wait3A_278] : memref<10000x32xf32, #tpu.memory_space<hbm>> -> memref<128x32xf32, #tpu.memory_space<hbm>>
      %dma_wait3A_280 = arith.constant 0 : i32
      %dma_wait3A_281 = arith.constant 0 : i32
      %dma_wait3A_282 = tpu.memref_slice %arg2[%dma_wait3A_280, %dma_wait3A_281] : memref<10000x32xf32, #tpu.memory_space<hbm>> -> memref<128x32xf32, #tpu.memory_space<hbm>>
      tpu.wait_dma2 semaphore(%arg21 : memref<!tpu.dma_semaphore, #tpu.memory_space<semaphore_mem>>) src(%dma_wait3A_282 : memref<128x32xf32, #tpu.memory_space<hbm>>) dst(%arg8 : memref<128x32xf32, #tpu.memory_space<vmem>>)
      %add3A_283 = arith.constant 0 : i32
      %add3A_284 = arith.addi %add3A_276, %add3A_283 : i32
      %dma_start3A_285 = arith.constant 0 : i32
      %dma_start3A_286 = tpu.memref_slice %arg7[%add3A_284, %dma_start3A_285] : memref<79x128xi32, #tpu.memory_space<vmem>> -> memref<1x128xi32, #tpu.memory_space<vmem>>
      %dma_start3A_287 = tpu.memref_squeeze %dma_start3A_286 : memref<1x128xi32, #tpu.memory_space<vmem>> -> memref<128xi32, #tpu.memory_space<vmem>>
      %dma_start3A_288 = arith.constant 0 : i32
      %dma_start3A_289 = arith.constant 0 : i32
      %dma_start3A_290 = tpu.memref_slice %arg20[%dma_start3A_288, %dma_start3A_289] : memref<10112x32xf32, #tpu.memory_space<vmem_shared>> -> memref<10112x32xf32, #tpu.memory_space<vmem_shared>>
      tpu.enqueue_indirect_dma source(%arg8 : memref<128x32xf32, #tpu.memory_space<vmem>>) target(%dma_start3A_290 : memref<10112x32xf32, #tpu.memory_space<vmem_shared>>) offsets(%dma_start3A_287 : memref<128xi32, #tpu.memory_space<vmem>>) semaphore(%arg33 : memref<!tpu.dma_semaphore, #tpu.memory_space<semaphore_mem>>) {add = true}
      %dma_wait3A_291 = arith.constant 0 : i32
      %dma_wait3A_292 = arith.constant 0 : i32
      %dma_wait3A_293 = tpu.memref_slice %arg2[%dma_wait3A_291, %dma_wait3A_292] : memref<10000x32xf32, #tpu.memory_space<hbm>> -> memref<128x32xf32, #tpu.memory_space<hbm>>
      %dma_wait3A_294 = arith.constant 0 : i32
      %dma_wait3A_295 = arith.constant 0 : i32
      %dma_wait3A_296 = tpu.memref_slice %arg2[%dma_wait3A_294, %dma_wait3A_295] : memref<10000x32xf32, #tpu.memory_space<hbm>> -> memref<128x32xf32, #tpu.memory_space<hbm>>
      tpu.wait_dma2 semaphore(%arg22 : memref<!tpu.dma_semaphore, #tpu.memory_space<semaphore_mem>>) src(%dma_wait3A_296 : memref<128x32xf32, #tpu.memory_space<hbm>>) dst(%arg9 : memref<128x32xf32, #tpu.memory_space<vmem>>)
      %add3A_297 = arith.constant 1 : i32
      %add3A_298 = arith.addi %add3A_276, %add3A_297 : i32
      %dma_start3A_299 = arith.constant 0 : i32
      %dma_start3A_300 = tpu.memref_slice %arg7[%add3A_298, %dma_start3A_299] : memref<79x128xi32, #tpu.memory_space<vmem>> -> memref<1x128xi32, #tpu.memory_space<vmem>>
      %dma_start3A_301 = tpu.memref_squeeze %dma_start3A_300 : memref<1x128xi32, #tpu.memory_space<vmem>> -> memref<128xi32, #tpu.memory_space<vmem>>
      %dma_start3A_302 = arith.constant 0 : i32
      %dma_start3A_303 = arith.constant 0 : i32
      %dma_start3A_304 = tpu.memref_slice %arg20[%dma_start3A_302, %dma_start3A_303] : memref<10112x32xf32, #tpu.memory_space<vmem_shared>> -> memref<10112x32xf32, #tpu.memory_space<vmem_shared>>
      tpu.enqueue_indirect_dma source(%arg9 : memref<128x32xf32, #tpu.memory_space<vmem>>) target(%dma_start3A_304 : memref<10112x32xf32, #tpu.memory_space<vmem_shared>>) offsets(%dma_start3A_301 : memref<128xi32, #tpu.memory_space<vmem>>) semaphore(%arg34 : memref<!tpu.dma_semaphore, #tpu.memory_space<semaphore_mem>>) {add = true}
      %dma_wait3A_305 = arith.constant 0 : i32
      %dma_wait3A_306 = arith.constant 0 : i32
      %dma_wait3A_307 = tpu.memref_slice %arg2[%dma_wait3A_305, %dma_wait3A_306] : memref<10000x32xf32, #tpu.memory_space<hbm>> -> memref<128x32xf32, #tpu.memory_space<hbm>>
      %dma_wait3A_308 = arith.constant 0 : i32
      %dma_wait3A_309 = arith.constant 0 : i32
      %dma_wait3A_310 = tpu.memref_slice %arg2[%dma_wait3A_308, %dma_wait3A_309] : memref<10000x32xf32, #tpu.memory_space<hbm>> -> memref<128x32xf32, #tpu.memory_space<hbm>>
      tpu.wait_dma2 semaphore(%arg23 : memref<!tpu.dma_semaphore, #tpu.memory_space<semaphore_mem>>) src(%dma_wait3A_310 : memref<128x32xf32, #tpu.memory_space<hbm>>) dst(%arg10 : memref<128x32xf32, #tpu.memory_space<vmem>>)
      %add3A_311 = arith.constant 2 : i32
      %add3A_312 = arith.addi %add3A_276, %add3A_311 : i32
      %dma_start3A_313 = arith.constant 0 : i32
      %dma_start3A_314 = tpu.memref_slice %arg7[%add3A_312, %dma_start3A_313] : memref<79x128xi32, #tpu.memory_space<vmem>> -> memref<1x128xi32, #tpu.memory_space<vmem>>
      %dma_start3A_315 = tpu.memref_squeeze %dma_start3A_314 : memref<1x128xi32, #tpu.memory_space<vmem>> -> memref<128xi32, #tpu.memory_space<vmem>>
      %dma_start3A_316 = arith.constant 0 : i32
      %dma_start3A_317 = arith.constant 0 : i32
      %dma_start3A_318 = tpu.memref_slice %arg20[%dma_start3A_316, %dma_start3A_317] : memref<10112x32xf32, #tpu.memory_space<vmem_shared>> -> memref<10112x32xf32, #tpu.memory_space<vmem_shared>>
      tpu.enqueue_indirect_dma source(%arg10 : memref<128x32xf32, #tpu.memory_space<vmem>>) target(%dma_start3A_318 : memref<10112x32xf32, #tpu.memory_space<vmem_shared>>) offsets(%dma_start3A_315 : memref<128xi32, #tpu.memory_space<vmem>>) semaphore(%arg35 : memref<!tpu.dma_semaphore, #tpu.memory_space<semaphore_mem>>) {add = true}
      %dma_wait3A_319 = arith.constant 0 : i32
      %dma_wait3A_320 = arith.constant 0 : i32
      %dma_wait3A_321 = tpu.memref_slice %arg2[%dma_wait3A_319, %dma_wait3A_320] : memref<10000x32xf32, #tpu.memory_space<hbm>> -> memref<128x32xf32, #tpu.memory_space<hbm>>
      %dma_wait3A_322 = arith.constant 0 : i32
      %dma_wait3A_323 = arith.constant 0 : i32
      %dma_wait3A_324 = tpu.memref_slice %arg2[%dma_wait3A_322, %dma_wait3A_323] : memref<10000x32xf32, #tpu.memory_space<hbm>> -> memref<128x32xf32, #tpu.memory_space<hbm>>
      tpu.wait_dma2 semaphore(%arg24 : memref<!tpu.dma_semaphore, #tpu.memory_space<semaphore_mem>>) src(%dma_wait3A_324 : memref<128x32xf32, #tpu.memory_space<hbm>>) dst(%arg11 : memref<128x32xf32, #tpu.memory_space<vmem>>)
      %add3A_325 = arith.constant 3 : i32
      %add3A_326 = arith.addi %add3A_276, %add3A_325 : i32
      %dma_start3A_327 = arith.constant 0 : i32
      %dma_start3A_328 = tpu.memref_slice %arg7[%add3A_326, %dma_start3A_327] : memref<79x128xi32, #tpu.memory_space<vmem>> -> memref<1x128xi32, #tpu.memory_space<vmem>>
      %dma_start3A_329 = tpu.memref_squeeze %dma_start3A_328 : memref<1x128xi32, #tpu.memory_space<vmem>> -> memref<128xi32, #tpu.memory_space<vmem>>
      %dma_start3A_330 = arith.constant 0 : i32
      %dma_start3A_331 = arith.constant 0 : i32
      %dma_start3A_332 = tpu.memref_slice %arg20[%dma_start3A_330, %dma_start3A_331] : memref<10112x32xf32, #tpu.memory_space<vmem_shared>> -> memref<10112x32xf32, #tpu.memory_space<vmem_shared>>
      tpu.enqueue_indirect_dma source(%arg11 : memref<128x32xf32, #tpu.memory_space<vmem>>) target(%dma_start3A_332 : memref<10112x32xf32, #tpu.memory_space<vmem_shared>>) offsets(%dma_start3A_329 : memref<128xi32, #tpu.memory_space<vmem>>) semaphore(%arg36 : memref<!tpu.dma_semaphore, #tpu.memory_space<semaphore_mem>>) {add = true}
      %dma_wait3A_333 = arith.constant 0 : i32
      %dma_wait3A_334 = arith.constant 0 : i32
      %dma_wait3A_335 = tpu.memref_slice %arg2[%dma_wait3A_333, %dma_wait3A_334] : memref<10000x32xf32, #tpu.memory_space<hbm>> -> memref<128x32xf32, #tpu.memory_space<hbm>>
      %dma_wait3A_336 = arith.constant 0 : i32
      %dma_wait3A_337 = arith.constant 0 : i32
      %dma_wait3A_338 = tpu.memref_slice %arg2[%dma_wait3A_336, %dma_wait3A_337] : memref<10000x32xf32, #tpu.memory_space<hbm>> -> memref<128x32xf32, #tpu.memory_space<hbm>>
      tpu.wait_dma2 semaphore(%arg25 : memref<!tpu.dma_semaphore, #tpu.memory_space<semaphore_mem>>) src(%dma_wait3A_338 : memref<128x32xf32, #tpu.memory_space<hbm>>) dst(%arg12 : memref<128x32xf32, #tpu.memory_space<vmem>>)
      %add3A_339 = arith.constant 4 : i32
      %add3A_340 = arith.addi %add3A_276, %add3A_339 : i32
      %dma_start3A_341 = arith.constant 0 : i32
      %dma_start3A_342 = tpu.memref_slice %arg7[%add3A_340, %dma_start3A_341] : memref<79x128xi32, #tpu.memory_space<vmem>> -> memref<1x128xi32, #tpu.memory_space<vmem>>
      %dma_start3A_343 = tpu.memref_squeeze %dma_start3A_342 : memref<1x128xi32, #tpu.memory_space<vmem>> -> memref<128xi32, #tpu.memory_space<vmem>>
      %dma_start3A_344 = arith.constant 0 : i32
      %dma_start3A_345 = arith.constant 0 : i32
      %dma_start3A_346 = tpu.memref_slice %arg20[%dma_start3A_344, %dma_start3A_345] : memref<10112x32xf32, #tpu.memory_space<vmem_shared>> -> memref<10112x32xf32, #tpu.memory_space<vmem_shared>>
      tpu.enqueue_indirect_dma source(%arg12 : memref<128x32xf32, #tpu.memory_space<vmem>>) target(%dma_start3A_346 : memref<10112x32xf32, #tpu.memory_space<vmem_shared>>) offsets(%dma_start3A_343 : memref<128xi32, #tpu.memory_space<vmem>>) semaphore(%arg37 : memref<!tpu.dma_semaphore, #tpu.memory_space<semaphore_mem>>) {add = true}
      %dma_wait3A_347 = arith.constant 0 : i32
      %dma_wait3A_348 = arith.constant 0 : i32
      %dma_wait3A_349 = tpu.memref_slice %arg2[%dma_wait3A_347, %dma_wait3A_348] : memref<10000x32xf32, #tpu.memory_space<hbm>> -> memref<128x32xf32, #tpu.memory_space<hbm>>
      %dma_wait3A_350 = arith.constant 0 : i32
      %dma_wait3A_351 = arith.constant 0 : i32
      %dma_wait3A_352 = tpu.memref_slice %arg2[%dma_wait3A_350, %dma_wait3A_351] : memref<10000x32xf32, #tpu.memory_space<hbm>> -> memref<128x32xf32, #tpu.memory_space<hbm>>
      tpu.wait_dma2 semaphore(%arg26 : memref<!tpu.dma_semaphore, #tpu.memory_space<semaphore_mem>>) src(%dma_wait3A_352 : memref<128x32xf32, #tpu.memory_space<hbm>>) dst(%arg13 : memref<128x32xf32, #tpu.memory_space<vmem>>)
      %add3A_353 = arith.constant 5 : i32
      %add3A_354 = arith.addi %add3A_276, %add3A_353 : i32
      %dma_start3A_355 = arith.constant 0 : i32
      %dma_start3A_356 = tpu.memref_slice %arg7[%add3A_354, %dma_start3A_355] : memref<79x128xi32, #tpu.memory_space<vmem>> -> memref<1x128xi32, #tpu.memory_space<vmem>>
      %dma_start3A_357 = tpu.memref_squeeze %dma_start3A_356 : memref<1x128xi32, #tpu.memory_space<vmem>> -> memref<128xi32, #tpu.memory_space<vmem>>
      %dma_start3A_358 = arith.constant 0 : i32
      %dma_start3A_359 = arith.constant 0 : i32
      %dma_start3A_360 = tpu.memref_slice %arg20[%dma_start3A_358, %dma_start3A_359] : memref<10112x32xf32, #tpu.memory_space<vmem_shared>> -> memref<10112x32xf32, #tpu.memory_space<vmem_shared>>
      tpu.enqueue_indirect_dma source(%arg13 : memref<128x32xf32, #tpu.memory_space<vmem>>) target(%dma_start3A_360 : memref<10112x32xf32, #tpu.memory_space<vmem_shared>>) offsets(%dma_start3A_357 : memref<128xi32, #tpu.memory_space<vmem>>) semaphore(%arg38 : memref<!tpu.dma_semaphore, #tpu.memory_space<semaphore_mem>>) {add = true}
      %dma_wait3A_361 = arith.constant 0 : i32
      %dma_wait3A_362 = arith.constant 0 : i32
      %dma_wait3A_363 = tpu.memref_slice %arg2[%dma_wait3A_361, %dma_wait3A_362] : memref<10000x32xf32, #tpu.memory_space<hbm>> -> memref<128x32xf32, #tpu.memory_space<hbm>>
      %dma_wait3A_364 = arith.constant 0 : i32
      %dma_wait3A_365 = arith.constant 0 : i32
      %dma_wait3A_366 = tpu.memref_slice %arg2[%dma_wait3A_364, %dma_wait3A_365] : memref<10000x32xf32, #tpu.memory_space<hbm>> -> memref<128x32xf32, #tpu.memory_space<hbm>>
      tpu.wait_dma2 semaphore(%arg27 : memref<!tpu.dma_semaphore, #tpu.memory_space<semaphore_mem>>) src(%dma_wait3A_366 : memref<128x32xf32, #tpu.memory_space<hbm>>) dst(%arg14 : memref<128x32xf32, #tpu.memory_space<vmem>>)
      %add3A_367 = arith.constant 6 : i32
      %add3A_368 = arith.addi %add3A_276, %add3A_367 : i32
      %dma_start3A_369 = arith.constant 0 : i32
      %dma_start3A_370 = tpu.memref_slice %arg7[%add3A_368, %dma_start3A_369] : memref<79x128xi32, #tpu.memory_space<vmem>> -> memref<1x128xi32, #tpu.memory_space<vmem>>
      %dma_start3A_371 = tpu.memref_squeeze %dma_start3A_370 : memref<1x128xi32, #tpu.memory_space<vmem>> -> memref<128xi32, #tpu.memory_space<vmem>>
      %dma_start3A_372 = arith.constant 0 : i32
      %dma_start3A_373 = arith.constant 0 : i32
      %dma_start3A_374 = tpu.memref_slice %arg20[%dma_start3A_372, %dma_start3A_373] : memref<10112x32xf32, #tpu.memory_space<vmem_shared>> -> memref<10112x32xf32, #tpu.memory_space<vmem_shared>>
      tpu.enqueue_indirect_dma source(%arg14 : memref<128x32xf32, #tpu.memory_space<vmem>>) target(%dma_start3A_374 : memref<10112x32xf32, #tpu.memory_space<vmem_shared>>) offsets(%dma_start3A_371 : memref<128xi32, #tpu.memory_space<vmem>>) semaphore(%arg39 : memref<!tpu.dma_semaphore, #tpu.memory_space<semaphore_mem>>) {add = true}
      %dma_wait3A_375 = arith.constant 0 : i32
      %dma_wait3A_376 = arith.constant 0 : i32
      %dma_wait3A_377 = tpu.memref_slice %arg2[%dma_wait3A_375, %dma_wait3A_376] : memref<10000x32xf32, #tpu.memory_space<hbm>> -> memref<128x32xf32, #tpu.memory_space<hbm>>
      %dma_wait3A_378 = arith.constant 0 : i32
      %dma_wait3A_379 = arith.constant 0 : i32
      %dma_wait3A_380 = tpu.memref_slice %arg2[%dma_wait3A_378, %dma_wait3A_379] : memref<10000x32xf32, #tpu.memory_space<hbm>> -> memref<128x32xf32, #tpu.memory_space<hbm>>
      tpu.wait_dma2 semaphore(%arg28 : memref<!tpu.dma_semaphore, #tpu.memory_space<semaphore_mem>>) src(%dma_wait3A_380 : memref<128x32xf32, #tpu.memory_space<hbm>>) dst(%arg15 : memref<128x32xf32, #tpu.memory_space<vmem>>)
      %add3A_381 = arith.constant 7 : i32
      %add3A_382 = arith.addi %add3A_276, %add3A_381 : i32
      %dma_start3A_383 = arith.constant 0 : i32
      %dma_start3A_384 = tpu.memref_slice %arg7[%add3A_382, %dma_start3A_383] : memref<79x128xi32, #tpu.memory_space<vmem>> -> memref<1x128xi32, #tpu.memory_space<vmem>>
      %dma_start3A_385 = tpu.memref_squeeze %dma_start3A_384 : memref<1x128xi32, #tpu.memory_space<vmem>> -> memref<128xi32, #tpu.memory_space<vmem>>
      %dma_start3A_386 = arith.constant 0 : i32
      %dma_start3A_387 = arith.constant 0 : i32
      %dma_start3A_388 = tpu.memref_slice %arg20[%dma_start3A_386, %dma_start3A_387] : memref<10112x32xf32, #tpu.memory_space<vmem_shared>> -> memref<10112x32xf32, #tpu.memory_space<vmem_shared>>
      tpu.enqueue_indirect_dma source(%arg15 : memref<128x32xf32, #tpu.memory_space<vmem>>) target(%dma_start3A_388 : memref<10112x32xf32, #tpu.memory_space<vmem_shared>>) offsets(%dma_start3A_385 : memref<128xi32, #tpu.memory_space<vmem>>) semaphore(%arg40 : memref<!tpu.dma_semaphore, #tpu.memory_space<semaphore_mem>>) {add = true}
      %dma_wait3A_389 = arith.constant 0 : i32
      %dma_wait3A_390 = arith.constant 0 : i32
      %dma_wait3A_391 = tpu.memref_slice %arg2[%dma_wait3A_389, %dma_wait3A_390] : memref<10000x32xf32, #tpu.memory_space<hbm>> -> memref<128x32xf32, #tpu.memory_space<hbm>>
      %dma_wait3A_392 = arith.constant 0 : i32
      %dma_wait3A_393 = arith.constant 0 : i32
      %dma_wait3A_394 = tpu.memref_slice %arg2[%dma_wait3A_392, %dma_wait3A_393] : memref<10000x32xf32, #tpu.memory_space<hbm>> -> memref<128x32xf32, #tpu.memory_space<hbm>>
      tpu.wait_dma2 semaphore(%arg29 : memref<!tpu.dma_semaphore, #tpu.memory_space<semaphore_mem>>) src(%dma_wait3A_394 : memref<128x32xf32, #tpu.memory_space<hbm>>) dst(%arg16 : memref<128x32xf32, #tpu.memory_space<vmem>>)
      %add3A_395 = arith.constant 8 : i32
      %add3A_396 = arith.addi %add3A_276, %add3A_395 : i32
      %dma_start3A_397 = arith.constant 0 : i32
      %dma_start3A_398 = tpu.memref_slice %arg7[%add3A_396, %dma_start3A_397] : memref<79x128xi32, #tpu.memory_space<vmem>> -> memref<1x128xi32, #tpu.memory_space<vmem>>
      %dma_start3A_399 = tpu.memref_squeeze %dma_start3A_398 : memref<1x128xi32, #tpu.memory_space<vmem>> -> memref<128xi32, #tpu.memory_space<vmem>>
      %dma_start3A_400 = arith.constant 0 : i32
      %dma_start3A_401 = arith.constant 0 : i32
      %dma_start3A_402 = tpu.memref_slice %arg20[%dma_start3A_400, %dma_start3A_401] : memref<10112x32xf32, #tpu.memory_space<vmem_shared>> -> memref<10112x32xf32, #tpu.memory_space<vmem_shared>>
      tpu.enqueue_indirect_dma source(%arg16 : memref<128x32xf32, #tpu.memory_space<vmem>>) target(%dma_start3A_402 : memref<10112x32xf32, #tpu.memory_space<vmem_shared>>) offsets(%dma_start3A_399 : memref<128xi32, #tpu.memory_space<vmem>>) semaphore(%arg41 : memref<!tpu.dma_semaphore, #tpu.memory_space<semaphore_mem>>) {add = true}
      %dma_wait3A_403 = arith.constant 0 : i32
      %dma_wait3A_404 = arith.constant 0 : i32
      %dma_wait3A_405 = tpu.memref_slice %arg2[%dma_wait3A_403, %dma_wait3A_404] : memref<10000x32xf32, #tpu.memory_space<hbm>> -> memref<128x32xf32, #tpu.memory_space<hbm>>
      %dma_wait3A_406 = arith.constant 0 : i32
      %dma_wait3A_407 = arith.constant 0 : i32
      %dma_wait3A_408 = tpu.memref_slice %arg2[%dma_wait3A_406, %dma_wait3A_407] : memref<10000x32xf32, #tpu.memory_space<hbm>> -> memref<128x32xf32, #tpu.memory_space<hbm>>
      tpu.wait_dma2 semaphore(%arg30 : memref<!tpu.dma_semaphore, #tpu.memory_space<semaphore_mem>>) src(%dma_wait3A_408 : memref<128x32xf32, #tpu.memory_space<hbm>>) dst(%arg17 : memref<128x32xf32, #tpu.memory_space<vmem>>)
      %add3A_409 = arith.constant 9 : i32
      %add3A_410 = arith.addi %add3A_276, %add3A_409 : i32
      %dma_start3A_411 = arith.constant 0 : i32
      %dma_start3A_412 = tpu.memref_slice %arg7[%add3A_410, %dma_start3A_411] : memref<79x128xi32, #tpu.memory_space<vmem>> -> memref<1x128xi32, #tpu.memory_space<vmem>>
      %dma_start3A_413 = tpu.memref_squeeze %dma_start3A_412 : memref<1x128xi32, #tpu.memory_space<vmem>> -> memref<128xi32, #tpu.memory_space<vmem>>
      %dma_start3A_414 = arith.constant 0 : i32
      %dma_start3A_415 = arith.constant 0 : i32
      %dma_start3A_416 = tpu.memref_slice %arg20[%dma_start3A_414, %dma_start3A_415] : memref<10112x32xf32, #tpu.memory_space<vmem_shared>> -> memref<10112x32xf32, #tpu.memory_space<vmem_shared>>
      tpu.enqueue_indirect_dma source(%arg17 : memref<128x32xf32, #tpu.memory_space<vmem>>) target(%dma_start3A_416 : memref<10112x32xf32, #tpu.memory_space<vmem_shared>>) offsets(%dma_start3A_413 : memref<128xi32, #tpu.memory_space<vmem>>) semaphore(%arg42 : memref<!tpu.dma_semaphore, #tpu.memory_space<semaphore_mem>>) {add = true}
      %dma_wait3A_417 = arith.constant 0 : i32
      %dma_wait3A_418 = arith.constant 0 : i32
      %dma_wait3A_419 = tpu.memref_slice %arg2[%dma_wait3A_417, %dma_wait3A_418] : memref<10000x32xf32, #tpu.memory_space<hbm>> -> memref<128x32xf32, #tpu.memory_space<hbm>>
      %dma_wait3A_420 = arith.constant 0 : i32
      %dma_wait3A_421 = arith.constant 0 : i32
      %dma_wait3A_422 = tpu.memref_slice %arg2[%dma_wait3A_420, %dma_wait3A_421] : memref<10000x32xf32, #tpu.memory_space<hbm>> -> memref<128x32xf32, #tpu.memory_space<hbm>>
      tpu.wait_dma2 semaphore(%arg31 : memref<!tpu.dma_semaphore, #tpu.memory_space<semaphore_mem>>) src(%dma_wait3A_422 : memref<128x32xf32, #tpu.memory_space<hbm>>) dst(%arg18 : memref<128x32xf32, #tpu.memory_space<vmem>>)
      %add3A_423 = arith.constant 10 : i32
      %add3A_424 = arith.addi %add3A_276, %add3A_423 : i32
      %dma_start3A_425 = arith.constant 0 : i32
      %dma_start3A_426 = tpu.memref_slice %arg7[%add3A_424, %dma_start3A_425] : memref<79x128xi32, #tpu.memory_space<vmem>> -> memref<1x128xi32, #tpu.memory_space<vmem>>
      %dma_start3A_427 = tpu.memref_squeeze %dma_start3A_426 : memref<1x128xi32, #tpu.memory_space<vmem>> -> memref<128xi32, #tpu.memory_space<vmem>>
      %dma_start3A_428 = arith.constant 0 : i32
      %dma_start3A_429 = arith.constant 0 : i32
      %dma_start3A_430 = tpu.memref_slice %arg20[%dma_start3A_428, %dma_start3A_429] : memref<10112x32xf32, #tpu.memory_space<vmem_shared>> -> memref<10112x32xf32, #tpu.memory_space<vmem_shared>>
      tpu.enqueue_indirect_dma source(%arg18 : memref<128x32xf32, #tpu.memory_space<vmem>>) target(%dma_start3A_430 : memref<10112x32xf32, #tpu.memory_space<vmem_shared>>) offsets(%dma_start3A_427 : memref<128xi32, #tpu.memory_space<vmem>>) semaphore(%arg43 : memref<!tpu.dma_semaphore, #tpu.memory_space<semaphore_mem>>) {add = true}
      %dma_wait3A_431 = arith.constant 0 : i32
      %dma_wait3A_432 = arith.constant 0 : i32
      %dma_wait3A_433 = tpu.memref_slice %arg2[%dma_wait3A_431, %dma_wait3A_432] : memref<10000x32xf32, #tpu.memory_space<hbm>> -> memref<128x32xf32, #tpu.memory_space<hbm>>
      %dma_wait3A_434 = arith.constant 0 : i32
      %dma_wait3A_435 = arith.constant 0 : i32
      %dma_wait3A_436 = tpu.memref_slice %arg2[%dma_wait3A_434, %dma_wait3A_435] : memref<10000x32xf32, #tpu.memory_space<hbm>> -> memref<128x32xf32, #tpu.memory_space<hbm>>
      tpu.wait_dma2 semaphore(%arg32 : memref<!tpu.dma_semaphore, #tpu.memory_space<semaphore_mem>>) src(%dma_wait3A_436 : memref<128x32xf32, #tpu.memory_space<hbm>>) dst(%arg19 : memref<128x32xf32, #tpu.memory_space<vmem>>)
      %add3A_437 = arith.constant 11 : i32
      %add3A_438 = arith.addi %add3A_276, %add3A_437 : i32
      %dma_start3A_439 = arith.constant 0 : i32
      %dma_start3A_440 = tpu.memref_slice %arg7[%add3A_438, %dma_start3A_439] : memref<79x128xi32, #tpu.memory_space<vmem>> -> memref<1x128xi32, #tpu.memory_space<vmem>>
      %dma_start3A_441 = tpu.memref_squeeze %dma_start3A_440 : memref<1x128xi32, #tpu.memory_space<vmem>> -> memref<128xi32, #tpu.memory_space<vmem>>
      %dma_start3A_442 = arith.constant 0 : i32
      %dma_start3A_443 = arith.constant 0 : i32
      %dma_start3A_444 = tpu.memref_slice %arg20[%dma_start3A_442, %dma_start3A_443] : memref<10112x32xf32, #tpu.memory_space<vmem_shared>> -> memref<10112x32xf32, #tpu.memory_space<vmem_shared>>
      tpu.enqueue_indirect_dma source(%arg19 : memref<128x32xf32, #tpu.memory_space<vmem>>) target(%dma_start3A_444 : memref<10112x32xf32, #tpu.memory_space<vmem_shared>>) offsets(%dma_start3A_441 : memref<128xi32, #tpu.memory_space<vmem>>) semaphore(%arg44 : memref<!tpu.dma_semaphore, #tpu.memory_space<semaphore_mem>>) {add = true}
      %add3A_445 = arith.constant 12 : i32
      %add3A_446 = arith.addi %add3A_276, %add3A_445 : i32
      %add3A_447 = arith.constant 0 : i32
      %add3A_448 = arith.addi %add3A_446, %add3A_447 : i32
      %lt3A_449 = arith.constant 78 : i32
      %lt3A_450 = arith.cmpi slt, %add3A_448, %lt3A_449 : i32
      %convert_element_type3A_451 = arith.extui %lt3A_450 : i1 to i32
      %cond3A_452 = arith.constant 0 : i32
      %cond3A_453 = arith.cmpi ne, %convert_element_type3A_451, %cond3A_452 : i32
      scf.if %cond3A_453 {
        %add3A_553 = arith.constant 0 : i32
        %add3A_554 = arith.addi %add3A_276, %add3A_553 : i32
        %dma_wait3A_555 = arith.constant 0 : i32
        %dma_wait3A_556 = tpu.memref_slice %arg7[%add3A_554, %dma_wait3A_555] : memref<79x128xi32, #tpu.memory_space<vmem>> -> memref<1x128xi32, #tpu.memory_space<vmem>>
        %dma_wait3A_557 = tpu.memref_squeeze %dma_wait3A_556 : memref<1x128xi32, #tpu.memory_space<vmem>> -> memref<128xi32, #tpu.memory_space<vmem>>
        %dma_wait3A_558 = arith.constant 0 : i32
        %dma_wait3A_559 = arith.constant 0 : i32
        %dma_wait3A_560 = tpu.memref_slice %arg20[%dma_wait3A_558, %dma_wait3A_559] : memref<10112x32xf32, #tpu.memory_space<vmem_shared>> -> memref<10112x32xf32, #tpu.memory_space<vmem_shared>>
        tpu.wait_indirect_dma semaphore(%arg33 : memref<!tpu.dma_semaphore, #tpu.memory_space<semaphore_mem>>) src(%arg8 : memref<128x32xf32, #tpu.memory_space<vmem>>) dst(%dma_wait3A_560 : memref<10112x32xf32, #tpu.memory_space<vmem_shared>>)
        %add3A_561 = arith.constant 12 : i32
        %add3A_562 = arith.addi %add3A_276, %add3A_561 : i32
        %add3A_563 = arith.constant 0 : i32
        %add3A_564 = arith.addi %add3A_562, %add3A_563 : i32
        %dma_start3A_565 = arith.constant 0 : i32
        %dma_start3A_566 = tpu.memref_slice %arg6[%add3A_564, %dma_start3A_565] : memref<79x128xi32, #tpu.memory_space<vmem>> -> memref<1x128xi32, #tpu.memory_space<vmem>>
        %dma_start3A_567 = tpu.memref_squeeze %dma_start3A_566 : memref<1x128xi32, #tpu.memory_space<vmem>> -> memref<128xi32, #tpu.memory_space<vmem>>
        %dma_start3A_568 = arith.constant 0 : i32
        %dma_start3A_569 = arith.constant 0 : i32
        %dma_start3A_570 = tpu.memref_slice %arg2[%dma_start3A_568, %dma_start3A_569] : memref<10000x32xf32, #tpu.memory_space<hbm>> -> memref<10000x32xf32, #tpu.memory_space<hbm>>
        tpu.enqueue_indirect_dma source(%dma_start3A_570 : memref<10000x32xf32, #tpu.memory_space<hbm>>) target(%arg8 : memref<128x32xf32, #tpu.memory_space<vmem>>) offsets(%dma_start3A_567 : memref<128xi32, #tpu.memory_space<vmem>>) semaphore(%arg21 : memref<!tpu.dma_semaphore, #tpu.memory_space<semaphore_mem>>)
      } else {
      }
      %add3A_454 = arith.constant 12 : i32
      %add3A_455 = arith.addi %add3A_276, %add3A_454 : i32
      %add3A_456 = arith.constant 1 : i32
      %add3A_457 = arith.addi %add3A_455, %add3A_456 : i32
      %lt3A_458 = arith.constant 78 : i32
      %lt3A_459 = arith.cmpi slt, %add3A_457, %lt3A_458 : i32
      %convert_element_type3A_460 = arith.extui %lt3A_459 : i1 to i32
      %cond3A_461 = arith.constant 0 : i32
      %cond3A_462 = arith.cmpi ne, %convert_element_type3A_460, %cond3A_461 : i32
      scf.if %cond3A_462 {
        %add3A_553 = arith.constant 1 : i32
        %add3A_554 = arith.addi %add3A_276, %add3A_553 : i32
        %dma_wait3A_555 = arith.constant 0 : i32
        %dma_wait3A_556 = tpu.memref_slice %arg7[%add3A_554, %dma_wait3A_555] : memref<79x128xi32, #tpu.memory_space<vmem>> -> memref<1x128xi32, #tpu.memory_space<vmem>>
        %dma_wait3A_557 = tpu.memref_squeeze %dma_wait3A_556 : memref<1x128xi32, #tpu.memory_space<vmem>> -> memref<128xi32, #tpu.memory_space<vmem>>
        %dma_wait3A_558 = arith.constant 0 : i32
        %dma_wait3A_559 = arith.constant 0 : i32
        %dma_wait3A_560 = tpu.memref_slice %arg20[%dma_wait3A_558, %dma_wait3A_559] : memref<10112x32xf32, #tpu.memory_space<vmem_shared>> -> memref<10112x32xf32, #tpu.memory_space<vmem_shared>>
        tpu.wait_indirect_dma semaphore(%arg34 : memref<!tpu.dma_semaphore, #tpu.memory_space<semaphore_mem>>) src(%arg9 : memref<128x32xf32, #tpu.memory_space<vmem>>) dst(%dma_wait3A_560 : memref<10112x32xf32, #tpu.memory_space<vmem_shared>>)
        %add3A_561 = arith.constant 12 : i32
        %add3A_562 = arith.addi %add3A_276, %add3A_561 : i32
        %add3A_563 = arith.constant 1 : i32
        %add3A_564 = arith.addi %add3A_562, %add3A_563 : i32
        %dma_start3A_565 = arith.constant 0 : i32
        %dma_start3A_566 = tpu.memref_slice %arg6[%add3A_564, %dma_start3A_565] : memref<79x128xi32, #tpu.memory_space<vmem>> -> memref<1x128xi32, #tpu.memory_space<vmem>>
        %dma_start3A_567 = tpu.memref_squeeze %dma_start3A_566 : memref<1x128xi32, #tpu.memory_space<vmem>> -> memref<128xi32, #tpu.memory_space<vmem>>
        %dma_start3A_568 = arith.constant 0 : i32
        %dma_start3A_569 = arith.constant 0 : i32
        %dma_start3A_570 = tpu.memref_slice %arg2[%dma_start3A_568, %dma_start3A_569] : memref<10000x32xf32, #tpu.memory_space<hbm>> -> memref<10000x32xf32, #tpu.memory_space<hbm>>
        tpu.enqueue_indirect_dma source(%dma_start3A_570 : memref<10000x32xf32, #tpu.memory_space<hbm>>) target(%arg9 : memref<128x32xf32, #tpu.memory_space<vmem>>) offsets(%dma_start3A_567 : memref<128xi32, #tpu.memory_space<vmem>>) semaphore(%arg22 : memref<!tpu.dma_semaphore, #tpu.memory_space<semaphore_mem>>)
      } else {
      }
      %add3A_463 = arith.constant 12 : i32
      %add3A_464 = arith.addi %add3A_276, %add3A_463 : i32
      %add3A_465 = arith.constant 2 : i32
      %add3A_466 = arith.addi %add3A_464, %add3A_465 : i32
      %lt3A_467 = arith.constant 78 : i32
      %lt3A_468 = arith.cmpi slt, %add3A_466, %lt3A_467 : i32
      %convert_element_type3A_469 = arith.extui %lt3A_468 : i1 to i32
      %cond3A_470 = arith.constant 0 : i32
      %cond3A_471 = arith.cmpi ne, %convert_element_type3A_469, %cond3A_470 : i32
      scf.if %cond3A_471 {
        %add3A_553 = arith.constant 2 : i32
        %add3A_554 = arith.addi %add3A_276, %add3A_553 : i32
        %dma_wait3A_555 = arith.constant 0 : i32
        %dma_wait3A_556 = tpu.memref_slice %arg7[%add3A_554, %dma_wait3A_555] : memref<79x128xi32, #tpu.memory_space<vmem>> -> memref<1x128xi32, #tpu.memory_space<vmem>>
        %dma_wait3A_557 = tpu.memref_squeeze %dma_wait3A_556 : memref<1x128xi32, #tpu.memory_space<vmem>> -> memref<128xi32, #tpu.memory_space<vmem>>
        %dma_wait3A_558 = arith.constant 0 : i32
        %dma_wait3A_559 = arith.constant 0 : i32
        %dma_wait3A_560 = tpu.memref_slice %arg20[%dma_wait3A_558, %dma_wait3A_559] : memref<10112x32xf32, #tpu.memory_space<vmem_shared>> -> memref<10112x32xf32, #tpu.memory_space<vmem_shared>>
        tpu.wait_indirect_dma semaphore(%arg35 : memref<!tpu.dma_semaphore, #tpu.memory_space<semaphore_mem>>) src(%arg10 : memref<128x32xf32, #tpu.memory_space<vmem>>) dst(%dma_wait3A_560 : memref<10112x32xf32, #tpu.memory_space<vmem_shared>>)
        %add3A_561 = arith.constant 12 : i32
        %add3A_562 = arith.addi %add3A_276, %add3A_561 : i32
        %add3A_563 = arith.constant 2 : i32
        %add3A_564 = arith.addi %add3A_562, %add3A_563 : i32
        %dma_start3A_565 = arith.constant 0 : i32
        %dma_start3A_566 = tpu.memref_slice %arg6[%add3A_564, %dma_start3A_565] : memref<79x128xi32, #tpu.memory_space<vmem>> -> memref<1x128xi32, #tpu.memory_space<vmem>>
        %dma_start3A_567 = tpu.memref_squeeze %dma_start3A_566 : memref<1x128xi32, #tpu.memory_space<vmem>> -> memref<128xi32, #tpu.memory_space<vmem>>
        %dma_start3A_568 = arith.constant 0 : i32
        %dma_start3A_569 = arith.constant 0 : i32
        %dma_start3A_570 = tpu.memref_slice %arg2[%dma_start3A_568, %dma_start3A_569] : memref<10000x32xf32, #tpu.memory_space<hbm>> -> memref<10000x32xf32, #tpu.memory_space<hbm>>
        tpu.enqueue_indirect_dma source(%dma_start3A_570 : memref<10000x32xf32, #tpu.memory_space<hbm>>) target(%arg10 : memref<128x32xf32, #tpu.memory_space<vmem>>) offsets(%dma_start3A_567 : memref<128xi32, #tpu.memory_space<vmem>>) semaphore(%arg23 : memref<!tpu.dma_semaphore, #tpu.memory_space<semaphore_mem>>)
      } else {
      }
      %add3A_472 = arith.constant 12 : i32
      %add3A_473 = arith.addi %add3A_276, %add3A_472 : i32
      %add3A_474 = arith.constant 3 : i32
      %add3A_475 = arith.addi %add3A_473, %add3A_474 : i32
      %lt3A_476 = arith.constant 78 : i32
      %lt3A_477 = arith.cmpi slt, %add3A_475, %lt3A_476 : i32
      %convert_element_type3A_478 = arith.extui %lt3A_477 : i1 to i32
      %cond3A_479 = arith.constant 0 : i32
      %cond3A_480 = arith.cmpi ne, %convert_element_type3A_478, %cond3A_479 : i32
      scf.if %cond3A_480 {
        %add3A_553 = arith.constant 3 : i32
        %add3A_554 = arith.addi %add3A_276, %add3A_553 : i32
        %dma_wait3A_555 = arith.constant 0 : i32
        %dma_wait3A_556 = tpu.memref_slice %arg7[%add3A_554, %dma_wait3A_555] : memref<79x128xi32, #tpu.memory_space<vmem>> -> memref<1x128xi32, #tpu.memory_space<vmem>>
        %dma_wait3A_557 = tpu.memref_squeeze %dma_wait3A_556 : memref<1x128xi32, #tpu.memory_space<vmem>> -> memref<128xi32, #tpu.memory_space<vmem>>
        %dma_wait3A_558 = arith.constant 0 : i32
        %dma_wait3A_559 = arith.constant 0 : i32
        %dma_wait3A_560 = tpu.memref_slice %arg20[%dma_wait3A_558, %dma_wait3A_559] : memref<10112x32xf32, #tpu.memory_space<vmem_shared>> -> memref<10112x32xf32, #tpu.memory_space<vmem_shared>>
        tpu.wait_indirect_dma semaphore(%arg36 : memref<!tpu.dma_semaphore, #tpu.memory_space<semaphore_mem>>) src(%arg11 : memref<128x32xf32, #tpu.memory_space<vmem>>) dst(%dma_wait3A_560 : memref<10112x32xf32, #tpu.memory_space<vmem_shared>>)
        %add3A_561 = arith.constant 12 : i32
        %add3A_562 = arith.addi %add3A_276, %add3A_561 : i32
        %add3A_563 = arith.constant 3 : i32
        %add3A_564 = arith.addi %add3A_562, %add3A_563 : i32
        %dma_start3A_565 = arith.constant 0 : i32
        %dma_start3A_566 = tpu.memref_slice %arg6[%add3A_564, %dma_start3A_565] : memref<79x128xi32, #tpu.memory_space<vmem>> -> memref<1x128xi32, #tpu.memory_space<vmem>>
        %dma_start3A_567 = tpu.memref_squeeze %dma_start3A_566 : memref<1x128xi32, #tpu.memory_space<vmem>> -> memref<128xi32, #tpu.memory_space<vmem>>
        %dma_start3A_568 = arith.constant 0 : i32
        %dma_start3A_569 = arith.constant 0 : i32
        %dma_start3A_570 = tpu.memref_slice %arg2[%dma_start3A_568, %dma_start3A_569] : memref<10000x32xf32, #tpu.memory_space<hbm>> -> memref<10000x32xf32, #tpu.memory_space<hbm>>
        tpu.enqueue_indirect_dma source(%dma_start3A_570 : memref<10000x32xf32, #tpu.memory_space<hbm>>) target(%arg11 : memref<128x32xf32, #tpu.memory_space<vmem>>) offsets(%dma_start3A_567 : memref<128xi32, #tpu.memory_space<vmem>>) semaphore(%arg24 : memref<!tpu.dma_semaphore, #tpu.memory_space<semaphore_mem>>)
      } else {
      }
      %add3A_481 = arith.constant 12 : i32
      %add3A_482 = arith.addi %add3A_276, %add3A_481 : i32
      %add3A_483 = arith.constant 4 : i32
      %add3A_484 = arith.addi %add3A_482, %add3A_483 : i32
      %lt3A_485 = arith.constant 78 : i32
      %lt3A_486 = arith.cmpi slt, %add3A_484, %lt3A_485 : i32
      %convert_element_type3A_487 = arith.extui %lt3A_486 : i1 to i32
      %cond3A_488 = arith.constant 0 : i32
      %cond3A_489 = arith.cmpi ne, %convert_element_type3A_487, %cond3A_488 : i32
      scf.if %cond3A_489 {
        %add3A_553 = arith.constant 4 : i32
        %add3A_554 = arith.addi %add3A_276, %add3A_553 : i32
        %dma_wait3A_555 = arith.constant 0 : i32
        %dma_wait3A_556 = tpu.memref_slice %arg7[%add3A_554, %dma_wait3A_555] : memref<79x128xi32, #tpu.memory_space<vmem>> -> memref<1x128xi32, #tpu.memory_space<vmem>>
        %dma_wait3A_557 = tpu.memref_squeeze %dma_wait3A_556 : memref<1x128xi32, #tpu.memory_space<vmem>> -> memref<128xi32, #tpu.memory_space<vmem>>
        %dma_wait3A_558 = arith.constant 0 : i32
        %dma_wait3A_559 = arith.constant 0 : i32
        %dma_wait3A_560 = tpu.memref_slice %arg20[%dma_wait3A_558, %dma_wait3A_559] : memref<10112x32xf32, #tpu.memory_space<vmem_shared>> -> memref<10112x32xf32, #tpu.memory_space<vmem_shared>>
        tpu.wait_indirect_dma semaphore(%arg37 : memref<!tpu.dma_semaphore, #tpu.memory_space<semaphore_mem>>) src(%arg12 : memref<128x32xf32, #tpu.memory_space<vmem>>) dst(%dma_wait3A_560 : memref<10112x32xf32, #tpu.memory_space<vmem_shared>>)
        %add3A_561 = arith.constant 12 : i32
        %add3A_562 = arith.addi %add3A_276, %add3A_561 : i32
        %add3A_563 = arith.constant 4 : i32
        %add3A_564 = arith.addi %add3A_562, %add3A_563 : i32
        %dma_start3A_565 = arith.constant 0 : i32
        %dma_start3A_566 = tpu.memref_slice %arg6[%add3A_564, %dma_start3A_565] : memref<79x128xi32, #tpu.memory_space<vmem>> -> memref<1x128xi32, #tpu.memory_space<vmem>>
        %dma_start3A_567 = tpu.memref_squeeze %dma_start3A_566 : memref<1x128xi32, #tpu.memory_space<vmem>> -> memref<128xi32, #tpu.memory_space<vmem>>
        %dma_start3A_568 = arith.constant 0 : i32
        %dma_start3A_569 = arith.constant 0 : i32
        %dma_start3A_570 = tpu.memref_slice %arg2[%dma_start3A_568, %dma_start3A_569] : memref<10000x32xf32, #tpu.memory_space<hbm>> -> memref<10000x32xf32, #tpu.memory_space<hbm>>
        tpu.enqueue_indirect_dma source(%dma_start3A_570 : memref<10000x32xf32, #tpu.memory_space<hbm>>) target(%arg12 : memref<128x32xf32, #tpu.memory_space<vmem>>) offsets(%dma_start3A_567 : memref<128xi32, #tpu.memory_space<vmem>>) semaphore(%arg25 : memref<!tpu.dma_semaphore, #tpu.memory_space<semaphore_mem>>)
      } else {
      }
      %add3A_490 = arith.constant 12 : i32
      %add3A_491 = arith.addi %add3A_276, %add3A_490 : i32
      %add3A_492 = arith.constant 5 : i32
      %add3A_493 = arith.addi %add3A_491, %add3A_492 : i32
      %lt3A_494 = arith.constant 78 : i32
      %lt3A_495 = arith.cmpi slt, %add3A_493, %lt3A_494 : i32
      %convert_element_type3A_496 = arith.extui %lt3A_495 : i1 to i32
      %cond3A_497 = arith.constant 0 : i32
      %cond3A_498 = arith.cmpi ne, %convert_element_type3A_496, %cond3A_497 : i32
      scf.if %cond3A_498 {
        %add3A_553 = arith.constant 5 : i32
        %add3A_554 = arith.addi %add3A_276, %add3A_553 : i32
        %dma_wait3A_555 = arith.constant 0 : i32
        %dma_wait3A_556 = tpu.memref_slice %arg7[%add3A_554, %dma_wait3A_555] : memref<79x128xi32, #tpu.memory_space<vmem>> -> memref<1x128xi32, #tpu.memory_space<vmem>>
        %dma_wait3A_557 = tpu.memref_squeeze %dma_wait3A_556 : memref<1x128xi32, #tpu.memory_space<vmem>> -> memref<128xi32, #tpu.memory_space<vmem>>
        %dma_wait3A_558 = arith.constant 0 : i32
        %dma_wait3A_559 = arith.constant 0 : i32
        %dma_wait3A_560 = tpu.memref_slice %arg20[%dma_wait3A_558, %dma_wait3A_559] : memref<10112x32xf32, #tpu.memory_space<vmem_shared>> -> memref<10112x32xf32, #tpu.memory_space<vmem_shared>>
        tpu.wait_indirect_dma semaphore(%arg38 : memref<!tpu.dma_semaphore, #tpu.memory_space<semaphore_mem>>) src(%arg13 : memref<128x32xf32, #tpu.memory_space<vmem>>) dst(%dma_wait3A_560 : memref<10112x32xf32, #tpu.memory_space<vmem_shared>>)
        %add3A_561 = arith.constant 12 : i32
        %add3A_562 = arith.addi %add3A_276, %add3A_561 : i32
        %add3A_563 = arith.constant 5 : i32
        %add3A_564 = arith.addi %add3A_562, %add3A_563 : i32
        %dma_start3A_565 = arith.constant 0 : i32
        %dma_start3A_566 = tpu.memref_slice %arg6[%add3A_564, %dma_start3A_565] : memref<79x128xi32, #tpu.memory_space<vmem>> -> memref<1x128xi32, #tpu.memory_space<vmem>>
        %dma_start3A_567 = tpu.memref_squeeze %dma_start3A_566 : memref<1x128xi32, #tpu.memory_space<vmem>> -> memref<128xi32, #tpu.memory_space<vmem>>
        %dma_start3A_568 = arith.constant 0 : i32
        %dma_start3A_569 = arith.constant 0 : i32
        %dma_start3A_570 = tpu.memref_slice %arg2[%dma_start3A_568, %dma_start3A_569] : memref<10000x32xf32, #tpu.memory_space<hbm>> -> memref<10000x32xf32, #tpu.memory_space<hbm>>
        tpu.enqueue_indirect_dma source(%dma_start3A_570 : memref<10000x32xf32, #tpu.memory_space<hbm>>) target(%arg13 : memref<128x32xf32, #tpu.memory_space<vmem>>) offsets(%dma_start3A_567 : memref<128xi32, #tpu.memory_space<vmem>>) semaphore(%arg26 : memref<!tpu.dma_semaphore, #tpu.memory_space<semaphore_mem>>)
      } else {
      }
      %add3A_499 = arith.constant 12 : i32
      %add3A_500 = arith.addi %add3A_276, %add3A_499 : i32
      %add3A_501 = arith.constant 6 : i32
      %add3A_502 = arith.addi %add3A_500, %add3A_501 : i32
      %lt3A_503 = arith.constant 78 : i32
      %lt3A_504 = arith.cmpi slt, %add3A_502, %lt3A_503 : i32
      %convert_element_type3A_505 = arith.extui %lt3A_504 : i1 to i32
      %cond3A_506 = arith.constant 0 : i32
      %cond3A_507 = arith.cmpi ne, %convert_element_type3A_505, %cond3A_506 : i32
      scf.if %cond3A_507 {
        %add3A_553 = arith.constant 6 : i32
        %add3A_554 = arith.addi %add3A_276, %add3A_553 : i32
        %dma_wait3A_555 = arith.constant 0 : i32
        %dma_wait3A_556 = tpu.memref_slice %arg7[%add3A_554, %dma_wait3A_555] : memref<79x128xi32, #tpu.memory_space<vmem>> -> memref<1x128xi32, #tpu.memory_space<vmem>>
        %dma_wait3A_557 = tpu.memref_squeeze %dma_wait3A_556 : memref<1x128xi32, #tpu.memory_space<vmem>> -> memref<128xi32, #tpu.memory_space<vmem>>
        %dma_wait3A_558 = arith.constant 0 : i32
        %dma_wait3A_559 = arith.constant 0 : i32
        %dma_wait3A_560 = tpu.memref_slice %arg20[%dma_wait3A_558, %dma_wait3A_559] : memref<10112x32xf32, #tpu.memory_space<vmem_shared>> -> memref<10112x32xf32, #tpu.memory_space<vmem_shared>>
        tpu.wait_indirect_dma semaphore(%arg39 : memref<!tpu.dma_semaphore, #tpu.memory_space<semaphore_mem>>) src(%arg14 : memref<128x32xf32, #tpu.memory_space<vmem>>) dst(%dma_wait3A_560 : memref<10112x32xf32, #tpu.memory_space<vmem_shared>>)
        %add3A_561 = arith.constant 12 : i32
        %add3A_562 = arith.addi %add3A_276, %add3A_561 : i32
        %add3A_563 = arith.constant 6 : i32
        %add3A_564 = arith.addi %add3A_562, %add3A_563 : i32
        %dma_start3A_565 = arith.constant 0 : i32
        %dma_start3A_566 = tpu.memref_slice %arg6[%add3A_564, %dma_start3A_565] : memref<79x128xi32, #tpu.memory_space<vmem>> -> memref<1x128xi32, #tpu.memory_space<vmem>>
        %dma_start3A_567 = tpu.memref_squeeze %dma_start3A_566 : memref<1x128xi32, #tpu.memory_space<vmem>> -> memref<128xi32, #tpu.memory_space<vmem>>
        %dma_start3A_568 = arith.constant 0 : i32
        %dma_start3A_569 = arith.constant 0 : i32
        %dma_start3A_570 = tpu.memref_slice %arg2[%dma_start3A_568, %dma_start3A_569] : memref<10000x32xf32, #tpu.memory_space<hbm>> -> memref<10000x32xf32, #tpu.memory_space<hbm>>
        tpu.enqueue_indirect_dma source(%dma_start3A_570 : memref<10000x32xf32, #tpu.memory_space<hbm>>) target(%arg14 : memref<128x32xf32, #tpu.memory_space<vmem>>) offsets(%dma_start3A_567 : memref<128xi32, #tpu.memory_space<vmem>>) semaphore(%arg27 : memref<!tpu.dma_semaphore, #tpu.memory_space<semaphore_mem>>)
      } else {
      }
      %add3A_508 = arith.constant 12 : i32
      %add3A_509 = arith.addi %add3A_276, %add3A_508 : i32
      %add3A_510 = arith.constant 7 : i32
      %add3A_511 = arith.addi %add3A_509, %add3A_510 : i32
      %lt3A_512 = arith.constant 78 : i32
      %lt3A_513 = arith.cmpi slt, %add3A_511, %lt3A_512 : i32
      %convert_element_type3A_514 = arith.extui %lt3A_513 : i1 to i32
      %cond3A_515 = arith.constant 0 : i32
      %cond3A_516 = arith.cmpi ne, %convert_element_type3A_514, %cond3A_515 : i32
      scf.if %cond3A_516 {
        %add3A_553 = arith.constant 7 : i32
        %add3A_554 = arith.addi %add3A_276, %add3A_553 : i32
        %dma_wait3A_555 = arith.constant 0 : i32
        %dma_wait3A_556 = tpu.memref_slice %arg7[%add3A_554, %dma_wait3A_555] : memref<79x128xi32, #tpu.memory_space<vmem>> -> memref<1x128xi32, #tpu.memory_space<vmem>>
        %dma_wait3A_557 = tpu.memref_squeeze %dma_wait3A_556 : memref<1x128xi32, #tpu.memory_space<vmem>> -> memref<128xi32, #tpu.memory_space<vmem>>
        %dma_wait3A_558 = arith.constant 0 : i32
        %dma_wait3A_559 = arith.constant 0 : i32
        %dma_wait3A_560 = tpu.memref_slice %arg20[%dma_wait3A_558, %dma_wait3A_559] : memref<10112x32xf32, #tpu.memory_space<vmem_shared>> -> memref<10112x32xf32, #tpu.memory_space<vmem_shared>>
        tpu.wait_indirect_dma semaphore(%arg40 : memref<!tpu.dma_semaphore, #tpu.memory_space<semaphore_mem>>) src(%arg15 : memref<128x32xf32, #tpu.memory_space<vmem>>) dst(%dma_wait3A_560 : memref<10112x32xf32, #tpu.memory_space<vmem_shared>>)
        %add3A_561 = arith.constant 12 : i32
        %add3A_562 = arith.addi %add3A_276, %add3A_561 : i32
        %add3A_563 = arith.constant 7 : i32
        %add3A_564 = arith.addi %add3A_562, %add3A_563 : i32
        %dma_start3A_565 = arith.constant 0 : i32
        %dma_start3A_566 = tpu.memref_slice %arg6[%add3A_564, %dma_start3A_565] : memref<79x128xi32, #tpu.memory_space<vmem>> -> memref<1x128xi32, #tpu.memory_space<vmem>>
        %dma_start3A_567 = tpu.memref_squeeze %dma_start3A_566 : memref<1x128xi32, #tpu.memory_space<vmem>> -> memref<128xi32, #tpu.memory_space<vmem>>
        %dma_start3A_568 = arith.constant 0 : i32
        %dma_start3A_569 = arith.constant 0 : i32
        %dma_start3A_570 = tpu.memref_slice %arg2[%dma_start3A_568, %dma_start3A_569] : memref<10000x32xf32, #tpu.memory_space<hbm>> -> memref<10000x32xf32, #tpu.memory_space<hbm>>
        tpu.enqueue_indirect_dma source(%dma_start3A_570 : memref<10000x32xf32, #tpu.memory_space<hbm>>) target(%arg15 : memref<128x32xf32, #tpu.memory_space<vmem>>) offsets(%dma_start3A_567 : memref<128xi32, #tpu.memory_space<vmem>>) semaphore(%arg28 : memref<!tpu.dma_semaphore, #tpu.memory_space<semaphore_mem>>)
      } else {
      }
      %add3A_517 = arith.constant 12 : i32
      %add3A_518 = arith.addi %add3A_276, %add3A_517 : i32
      %add3A_519 = arith.constant 8 : i32
      %add3A_520 = arith.addi %add3A_518, %add3A_519 : i32
      %lt3A_521 = arith.constant 78 : i32
      %lt3A_522 = arith.cmpi slt, %add3A_520, %lt3A_521 : i32
      %convert_element_type3A_523 = arith.extui %lt3A_522 : i1 to i32
      %cond3A_524 = arith.constant 0 : i32
      %cond3A_525 = arith.cmpi ne, %convert_element_type3A_523, %cond3A_524 : i32
      scf.if %cond3A_525 {
        %add3A_553 = arith.constant 8 : i32
        %add3A_554 = arith.addi %add3A_276, %add3A_553 : i32
        %dma_wait3A_555 = arith.constant 0 : i32
        %dma_wait3A_556 = tpu.memref_slice %arg7[%add3A_554, %dma_wait3A_555] : memref<79x128xi32, #tpu.memory_space<vmem>> -> memref<1x128xi32, #tpu.memory_space<vmem>>
        %dma_wait3A_557 = tpu.memref_squeeze %dma_wait3A_556 : memref<1x128xi32, #tpu.memory_space<vmem>> -> memref<128xi32, #tpu.memory_space<vmem>>
        %dma_wait3A_558 = arith.constant 0 : i32
        %dma_wait3A_559 = arith.constant 0 : i32
        %dma_wait3A_560 = tpu.memref_slice %arg20[%dma_wait3A_558, %dma_wait3A_559] : memref<10112x32xf32, #tpu.memory_space<vmem_shared>> -> memref<10112x32xf32, #tpu.memory_space<vmem_shared>>
        tpu.wait_indirect_dma semaphore(%arg41 : memref<!tpu.dma_semaphore, #tpu.memory_space<semaphore_mem>>) src(%arg16 : memref<128x32xf32, #tpu.memory_space<vmem>>) dst(%dma_wait3A_560 : memref<10112x32xf32, #tpu.memory_space<vmem_shared>>)
        %add3A_561 = arith.constant 12 : i32
        %add3A_562 = arith.addi %add3A_276, %add3A_561 : i32
        %add3A_563 = arith.constant 8 : i32
        %add3A_564 = arith.addi %add3A_562, %add3A_563 : i32
        %dma_start3A_565 = arith.constant 0 : i32
        %dma_start3A_566 = tpu.memref_slice %arg6[%add3A_564, %dma_start3A_565] : memref<79x128xi32, #tpu.memory_space<vmem>> -> memref<1x128xi32, #tpu.memory_space<vmem>>
        %dma_start3A_567 = tpu.memref_squeeze %dma_start3A_566 : memref<1x128xi32, #tpu.memory_space<vmem>> -> memref<128xi32, #tpu.memory_space<vmem>>
        %dma_start3A_568 = arith.constant 0 : i32
        %dma_start3A_569 = arith.constant 0 : i32
        %dma_start3A_570 = tpu.memref_slice %arg2[%dma_start3A_568, %dma_start3A_569] : memref<10000x32xf32, #tpu.memory_space<hbm>> -> memref<10000x32xf32, #tpu.memory_space<hbm>>
        tpu.enqueue_indirect_dma source(%dma_start3A_570 : memref<10000x32xf32, #tpu.memory_space<hbm>>) target(%arg16 : memref<128x32xf32, #tpu.memory_space<vmem>>) offsets(%dma_start3A_567 : memref<128xi32, #tpu.memory_space<vmem>>) semaphore(%arg29 : memref<!tpu.dma_semaphore, #tpu.memory_space<semaphore_mem>>)
      } else {
      }
      %add3A_526 = arith.constant 12 : i32
      %add3A_527 = arith.addi %add3A_276, %add3A_526 : i32
      %add3A_528 = arith.constant 9 : i32
      %add3A_529 = arith.addi %add3A_527, %add3A_528 : i32
      %lt3A_530 = arith.constant 78 : i32
      %lt3A_531 = arith.cmpi slt, %add3A_529, %lt3A_530 : i32
      %convert_element_type3A_532 = arith.extui %lt3A_531 : i1 to i32
      %cond3A_533 = arith.constant 0 : i32
      %cond3A_534 = arith.cmpi ne, %convert_element_type3A_532, %cond3A_533 : i32
      scf.if %cond3A_534 {
        %add3A_553 = arith.constant 9 : i32
        %add3A_554 = arith.addi %add3A_276, %add3A_553 : i32
        %dma_wait3A_555 = arith.constant 0 : i32
        %dma_wait3A_556 = tpu.memref_slice %arg7[%add3A_554, %dma_wait3A_555] : memref<79x128xi32, #tpu.memory_space<vmem>> -> memref<1x128xi32, #tpu.memory_space<vmem>>
        %dma_wait3A_557 = tpu.memref_squeeze %dma_wait3A_556 : memref<1x128xi32, #tpu.memory_space<vmem>> -> memref<128xi32, #tpu.memory_space<vmem>>
        %dma_wait3A_558 = arith.constant 0 : i32
        %dma_wait3A_559 = arith.constant 0 : i32
        %dma_wait3A_560 = tpu.memref_slice %arg20[%dma_wait3A_558, %dma_wait3A_559] : memref<10112x32xf32, #tpu.memory_space<vmem_shared>> -> memref<10112x32xf32, #tpu.memory_space<vmem_shared>>
        tpu.wait_indirect_dma semaphore(%arg42 : memref<!tpu.dma_semaphore, #tpu.memory_space<semaphore_mem>>) src(%arg17 : memref<128x32xf32, #tpu.memory_space<vmem>>) dst(%dma_wait3A_560 : memref<10112x32xf32, #tpu.memory_space<vmem_shared>>)
        %add3A_561 = arith.constant 12 : i32
        %add3A_562 = arith.addi %add3A_276, %add3A_561 : i32
        %add3A_563 = arith.constant 9 : i32
        %add3A_564 = arith.addi %add3A_562, %add3A_563 : i32
        %dma_start3A_565 = arith.constant 0 : i32
        %dma_start3A_566 = tpu.memref_slice %arg6[%add3A_564, %dma_start3A_565] : memref<79x128xi32, #tpu.memory_space<vmem>> -> memref<1x128xi32, #tpu.memory_space<vmem>>
        %dma_start3A_567 = tpu.memref_squeeze %dma_start3A_566 : memref<1x128xi32, #tpu.memory_space<vmem>> -> memref<128xi32, #tpu.memory_space<vmem>>
        %dma_start3A_568 = arith.constant 0 : i32
        %dma_start3A_569 = arith.constant 0 : i32
        %dma_start3A_570 = tpu.memref_slice %arg2[%dma_start3A_568, %dma_start3A_569] : memref<10000x32xf32, #tpu.memory_space<hbm>> -> memref<10000x32xf32, #tpu.memory_space<hbm>>
        tpu.enqueue_indirect_dma source(%dma_start3A_570 : memref<10000x32xf32, #tpu.memory_space<hbm>>) target(%arg17 : memref<128x32xf32, #tpu.memory_space<vmem>>) offsets(%dma_start3A_567 : memref<128xi32, #tpu.memory_space<vmem>>) semaphore(%arg30 : memref<!tpu.dma_semaphore, #tpu.memory_space<semaphore_mem>>)
      } else {
      }
      %add3A_535 = arith.constant 12 : i32
      %add3A_536 = arith.addi %add3A_276, %add3A_535 : i32
      %add3A_537 = arith.constant 10 : i32
      %add3A_538 = arith.addi %add3A_536, %add3A_537 : i32
      %lt3A_539 = arith.constant 78 : i32
      %lt3A_540 = arith.cmpi slt, %add3A_538, %lt3A_539 : i32
      %convert_element_type3A_541 = arith.extui %lt3A_540 : i1 to i32
      %cond3A_542 = arith.constant 0 : i32
      %cond3A_543 = arith.cmpi ne, %convert_element_type3A_541, %cond3A_542 : i32
      scf.if %cond3A_543 {
        %add3A_553 = arith.constant 10 : i32
        %add3A_554 = arith.addi %add3A_276, %add3A_553 : i32
        %dma_wait3A_555 = arith.constant 0 : i32
        %dma_wait3A_556 = tpu.memref_slice %arg7[%add3A_554, %dma_wait3A_555] : memref<79x128xi32, #tpu.memory_space<vmem>> -> memref<1x128xi32, #tpu.memory_space<vmem>>
        %dma_wait3A_557 = tpu.memref_squeeze %dma_wait3A_556 : memref<1x128xi32, #tpu.memory_space<vmem>> -> memref<128xi32, #tpu.memory_space<vmem>>
        %dma_wait3A_558 = arith.constant 0 : i32
        %dma_wait3A_559 = arith.constant 0 : i32
        %dma_wait3A_560 = tpu.memref_slice %arg20[%dma_wait3A_558, %dma_wait3A_559] : memref<10112x32xf32, #tpu.memory_space<vmem_shared>> -> memref<10112x32xf32, #tpu.memory_space<vmem_shared>>
        tpu.wait_indirect_dma semaphore(%arg43 : memref<!tpu.dma_semaphore, #tpu.memory_space<semaphore_mem>>) src(%arg18 : memref<128x32xf32, #tpu.memory_space<vmem>>) dst(%dma_wait3A_560 : memref<10112x32xf32, #tpu.memory_space<vmem_shared>>)
        %add3A_561 = arith.constant 12 : i32
        %add3A_562 = arith.addi %add3A_276, %add3A_561 : i32
        %add3A_563 = arith.constant 10 : i32
        %add3A_564 = arith.addi %add3A_562, %add3A_563 : i32
        %dma_start3A_565 = arith.constant 0 : i32
        %dma_start3A_566 = tpu.memref_slice %arg6[%add3A_564, %dma_start3A_565] : memref<79x128xi32, #tpu.memory_space<vmem>> -> memref<1x128xi32, #tpu.memory_space<vmem>>
        %dma_start3A_567 = tpu.memref_squeeze %dma_start3A_566 : memref<1x128xi32, #tpu.memory_space<vmem>> -> memref<128xi32, #tpu.memory_space<vmem>>
        %dma_start3A_568 = arith.constant 0 : i32
        %dma_start3A_569 = arith.constant 0 : i32
        %dma_start3A_570 = tpu.memref_slice %arg2[%dma_start3A_568, %dma_start3A_569] : memref<10000x32xf32, #tpu.memory_space<hbm>> -> memref<10000x32xf32, #tpu.memory_space<hbm>>
        tpu.enqueue_indirect_dma source(%dma_start3A_570 : memref<10000x32xf32, #tpu.memory_space<hbm>>) target(%arg18 : memref<128x32xf32, #tpu.memory_space<vmem>>) offsets(%dma_start3A_567 : memref<128xi32, #tpu.memory_space<vmem>>) semaphore(%arg31 : memref<!tpu.dma_semaphore, #tpu.memory_space<semaphore_mem>>)
      } else {
      }
      %add3A_544 = arith.constant 12 : i32
      %add3A_545 = arith.addi %add3A_276, %add3A_544 : i32
      %add3A_546 = arith.constant 11 : i32
      %add3A_547 = arith.addi %add3A_545, %add3A_546 : i32
      %lt3A_548 = arith.constant 78 : i32
      %lt3A_549 = arith.cmpi slt, %add3A_547, %lt3A_548 : i32
      %convert_element_type3A_550 = arith.extui %lt3A_549 : i1 to i32
      %cond3A_551 = arith.constant 0 : i32
      %cond3A_552 = arith.cmpi ne, %convert_element_type3A_550, %cond3A_551 : i32
      scf.if %cond3A_552 {
        %add3A_553 = arith.constant 11 : i32
        %add3A_554 = arith.addi %add3A_276, %add3A_553 : i32
        %dma_wait3A_555 = arith.constant 0 : i32
        %dma_wait3A_556 = tpu.memref_slice %arg7[%add3A_554, %dma_wait3A_555] : memref<79x128xi32, #tpu.memory_space<vmem>> -> memref<1x128xi32, #tpu.memory_space<vmem>>
        %dma_wait3A_557 = tpu.memref_squeeze %dma_wait3A_556 : memref<1x128xi32, #tpu.memory_space<vmem>> -> memref<128xi32, #tpu.memory_space<vmem>>
        %dma_wait3A_558 = arith.constant 0 : i32
        %dma_wait3A_559 = arith.constant 0 : i32
        %dma_wait3A_560 = tpu.memref_slice %arg20[%dma_wait3A_558, %dma_wait3A_559] : memref<10112x32xf32, #tpu.memory_space<vmem_shared>> -> memref<10112x32xf32, #tpu.memory_space<vmem_shared>>
        tpu.wait_indirect_dma semaphore(%arg44 : memref<!tpu.dma_semaphore, #tpu.memory_space<semaphore_mem>>) src(%arg19 : memref<128x32xf32, #tpu.memory_space<vmem>>) dst(%dma_wait3A_560 : memref<10112x32xf32, #tpu.memory_space<vmem_shared>>)
        %add3A_561 = arith.constant 12 : i32
        %add3A_562 = arith.addi %add3A_276, %add3A_561 : i32
        %add3A_563 = arith.constant 11 : i32
        %add3A_564 = arith.addi %add3A_562, %add3A_563 : i32
        %dma_start3A_565 = arith.constant 0 : i32
        %dma_start3A_566 = tpu.memref_slice %arg6[%add3A_564, %dma_start3A_565] : memref<79x128xi32, #tpu.memory_space<vmem>> -> memref<1x128xi32, #tpu.memory_space<vmem>>
        %dma_start3A_567 = tpu.memref_squeeze %dma_start3A_566 : memref<1x128xi32, #tpu.memory_space<vmem>> -> memref<128xi32, #tpu.memory_space<vmem>>
        %dma_start3A_568 = arith.constant 0 : i32
        %dma_start3A_569 = arith.constant 0 : i32
        %dma_start3A_570 = tpu.memref_slice %arg2[%dma_start3A_568, %dma_start3A_569] : memref<10000x32xf32, #tpu.memory_space<hbm>> -> memref<10000x32xf32, #tpu.memory_space<hbm>>
        tpu.enqueue_indirect_dma source(%dma_start3A_570 : memref<10000x32xf32, #tpu.memory_space<hbm>>) target(%arg19 : memref<128x32xf32, #tpu.memory_space<vmem>>) offsets(%dma_start3A_567 : memref<128xi32, #tpu.memory_space<vmem>>) semaphore(%arg32 : memref<!tpu.dma_semaphore, #tpu.memory_space<semaphore_mem>>)
      } else {
      }
    }
    %scan3A_100 = arith.constant 6 : i32
    %dma_wait3A = arith.constant 0 : i32
    %dma_wait3A_101 = arith.constant 0 : i32
    %dma_wait3A_102 = tpu.memref_slice %arg2[%dma_wait3A, %dma_wait3A_101] : memref<10000x32xf32, #tpu.memory_space<hbm>> -> memref<128x32xf32, #tpu.memory_space<hbm>>
    %dma_wait3A_103 = arith.constant 0 : i32
    %dma_wait3A_104 = arith.constant 0 : i32
    %dma_wait3A_105 = tpu.memref_slice %arg2[%dma_wait3A_103, %dma_wait3A_104] : memref<10000x32xf32, #tpu.memory_space<hbm>> -> memref<128x32xf32, #tpu.memory_space<hbm>>
    tpu.wait_dma2 semaphore(%arg21 : memref<!tpu.dma_semaphore, #tpu.memory_space<semaphore_mem>>) src(%dma_wait3A_105 : memref<128x32xf32, #tpu.memory_space<hbm>>) dst(%arg8 : memref<128x32xf32, #tpu.memory_space<vmem>>)
    %dma_start3A_106 = arith.constant 72 : i32
    %dma_start3A_107 = arith.constant 0 : i32
    %dma_start3A_108 = tpu.memref_slice %arg7[%dma_start3A_106, %dma_start3A_107] : memref<79x128xi32, #tpu.memory_space<vmem>> -> memref<1x128xi32, #tpu.memory_space<vmem>>
    %dma_start3A_109 = tpu.memref_squeeze %dma_start3A_108 : memref<1x128xi32, #tpu.memory_space<vmem>> -> memref<128xi32, #tpu.memory_space<vmem>>
    %dma_start3A_110 = arith.constant 0 : i32
    %dma_start3A_111 = arith.constant 0 : i32
    %dma_start3A_112 = tpu.memref_slice %arg20[%dma_start3A_110, %dma_start3A_111] : memref<10112x32xf32, #tpu.memory_space<vmem_shared>> -> memref<10112x32xf32, #tpu.memory_space<vmem_shared>>
    tpu.enqueue_indirect_dma source(%arg8 : memref<128x32xf32, #tpu.memory_space<vmem>>) target(%dma_start3A_112 : memref<10112x32xf32, #tpu.memory_space<vmem_shared>>) offsets(%dma_start3A_109 : memref<128xi32, #tpu.memory_space<vmem>>) semaphore(%arg33 : memref<!tpu.dma_semaphore, #tpu.memory_space<semaphore_mem>>) {add = true}
    %dma_wait3A_113 = arith.constant 0 : i32
    %dma_wait3A_114 = arith.constant 0 : i32
    %dma_wait3A_115 = tpu.memref_slice %arg2[%dma_wait3A_113, %dma_wait3A_114] : memref<10000x32xf32, #tpu.memory_space<hbm>> -> memref<128x32xf32, #tpu.memory_space<hbm>>
    %dma_wait3A_116 = arith.constant 0 : i32
    %dma_wait3A_117 = arith.constant 0 : i32
    %dma_wait3A_118 = tpu.memref_slice %arg2[%dma_wait3A_116, %dma_wait3A_117] : memref<10000x32xf32, #tpu.memory_space<hbm>> -> memref<128x32xf32, #tpu.memory_space<hbm>>
    tpu.wait_dma2 semaphore(%arg22 : memref<!tpu.dma_semaphore, #tpu.memory_space<semaphore_mem>>) src(%dma_wait3A_118 : memref<128x32xf32, #tpu.memory_space<hbm>>) dst(%arg9 : memref<128x32xf32, #tpu.memory_space<vmem>>)
    %dma_start3A_119 = arith.constant 73 : i32
    %dma_start3A_120 = arith.constant 0 : i32
    %dma_start3A_121 = tpu.memref_slice %arg7[%dma_start3A_119, %dma_start3A_120] : memref<79x128xi32, #tpu.memory_space<vmem>> -> memref<1x128xi32, #tpu.memory_space<vmem>>
    %dma_start3A_122 = tpu.memref_squeeze %dma_start3A_121 : memref<1x128xi32, #tpu.memory_space<vmem>> -> memref<128xi32, #tpu.memory_space<vmem>>
    %dma_start3A_123 = arith.constant 0 : i32
    %dma_start3A_124 = arith.constant 0 : i32
    %dma_start3A_125 = tpu.memref_slice %arg20[%dma_start3A_123, %dma_start3A_124] : memref<10112x32xf32, #tpu.memory_space<vmem_shared>> -> memref<10112x32xf32, #tpu.memory_space<vmem_shared>>
    tpu.enqueue_indirect_dma source(%arg9 : memref<128x32xf32, #tpu.memory_space<vmem>>) target(%dma_start3A_125 : memref<10112x32xf32, #tpu.memory_space<vmem_shared>>) offsets(%dma_start3A_122 : memref<128xi32, #tpu.memory_space<vmem>>) semaphore(%arg34 : memref<!tpu.dma_semaphore, #tpu.memory_space<semaphore_mem>>) {add = true}
    %dma_wait3A_126 = arith.constant 0 : i32
    %dma_wait3A_127 = arith.constant 0 : i32
    %dma_wait3A_128 = tpu.memref_slice %arg2[%dma_wait3A_126, %dma_wait3A_127] : memref<10000x32xf32, #tpu.memory_space<hbm>> -> memref<128x32xf32, #tpu.memory_space<hbm>>
    %dma_wait3A_129 = arith.constant 0 : i32
    %dma_wait3A_130 = arith.constant 0 : i32
    %dma_wait3A_131 = tpu.memref_slice %arg2[%dma_wait3A_129, %dma_wait3A_130] : memref<10000x32xf32, #tpu.memory_space<hbm>> -> memref<128x32xf32, #tpu.memory_space<hbm>>
    tpu.wait_dma2 semaphore(%arg23 : memref<!tpu.dma_semaphore, #tpu.memory_space<semaphore_mem>>) src(%dma_wait3A_131 : memref<128x32xf32, #tpu.memory_space<hbm>>) dst(%arg10 : memref<128x32xf32, #tpu.memory_space<vmem>>)
    %dma_start3A_132 = arith.constant 74 : i32
    %dma_start3A_133 = arith.constant 0 : i32
    %dma_start3A_134 = tpu.memref_slice %arg7[%dma_start3A_132, %dma_start3A_133] : memref<79x128xi32, #tpu.memory_space<vmem>> -> memref<1x128xi32, #tpu.memory_space<vmem>>
    %dma_start3A_135 = tpu.memref_squeeze %dma_start3A_134 : memref<1x128xi32, #tpu.memory_space<vmem>> -> memref<128xi32, #tpu.memory_space<vmem>>
    %dma_start3A_136 = arith.constant 0 : i32
    %dma_start3A_137 = arith.constant 0 : i32
    %dma_start3A_138 = tpu.memref_slice %arg20[%dma_start3A_136, %dma_start3A_137] : memref<10112x32xf32, #tpu.memory_space<vmem_shared>> -> memref<10112x32xf32, #tpu.memory_space<vmem_shared>>
    tpu.enqueue_indirect_dma source(%arg10 : memref<128x32xf32, #tpu.memory_space<vmem>>) target(%dma_start3A_138 : memref<10112x32xf32, #tpu.memory_space<vmem_shared>>) offsets(%dma_start3A_135 : memref<128xi32, #tpu.memory_space<vmem>>) semaphore(%arg35 : memref<!tpu.dma_semaphore, #tpu.memory_space<semaphore_mem>>) {add = true}
    %dma_wait3A_139 = arith.constant 0 : i32
    %dma_wait3A_140 = arith.constant 0 : i32
    %dma_wait3A_141 = tpu.memref_slice %arg2[%dma_wait3A_139, %dma_wait3A_140] : memref<10000x32xf32, #tpu.memory_space<hbm>> -> memref<128x32xf32, #tpu.memory_space<hbm>>
    %dma_wait3A_142 = arith.constant 0 : i32
    %dma_wait3A_143 = arith.constant 0 : i32
    %dma_wait3A_144 = tpu.memref_slice %arg2[%dma_wait3A_142, %dma_wait3A_143] : memref<10000x32xf32, #tpu.memory_space<hbm>> -> memref<128x32xf32, #tpu.memory_space<hbm>>
    tpu.wait_dma2 semaphore(%arg24 : memref<!tpu.dma_semaphore, #tpu.memory_space<semaphore_mem>>) src(%dma_wait3A_144 : memref<128x32xf32, #tpu.memory_space<hbm>>) dst(%arg11 : memref<128x32xf32, #tpu.memory_space<vmem>>)
    %dma_start3A_145 = arith.constant 75 : i32
    %dma_start3A_146 = arith.constant 0 : i32
    %dma_start3A_147 = tpu.memref_slice %arg7[%dma_start3A_145, %dma_start3A_146] : memref<79x128xi32, #tpu.memory_space<vmem>> -> memref<1x128xi32, #tpu.memory_space<vmem>>
    %dma_start3A_148 = tpu.memref_squeeze %dma_start3A_147 : memref<1x128xi32, #tpu.memory_space<vmem>> -> memref<128xi32, #tpu.memory_space<vmem>>
    %dma_start3A_149 = arith.constant 0 : i32
    %dma_start3A_150 = arith.constant 0 : i32
    %dma_start3A_151 = tpu.memref_slice %arg20[%dma_start3A_149, %dma_start3A_150] : memref<10112x32xf32, #tpu.memory_space<vmem_shared>> -> memref<10112x32xf32, #tpu.memory_space<vmem_shared>>
    tpu.enqueue_indirect_dma source(%arg11 : memref<128x32xf32, #tpu.memory_space<vmem>>) target(%dma_start3A_151 : memref<10112x32xf32, #tpu.memory_space<vmem_shared>>) offsets(%dma_start3A_148 : memref<128xi32, #tpu.memory_space<vmem>>) semaphore(%arg36 : memref<!tpu.dma_semaphore, #tpu.memory_space<semaphore_mem>>) {add = true}
    %dma_wait3A_152 = arith.constant 0 : i32
    %dma_wait3A_153 = arith.constant 0 : i32
    %dma_wait3A_154 = tpu.memref_slice %arg2[%dma_wait3A_152, %dma_wait3A_153] : memref<10000x32xf32, #tpu.memory_space<hbm>> -> memref<128x32xf32, #tpu.memory_space<hbm>>
    %dma_wait3A_155 = arith.constant 0 : i32
    %dma_wait3A_156 = arith.constant 0 : i32
    %dma_wait3A_157 = tpu.memref_slice %arg2[%dma_wait3A_155, %dma_wait3A_156] : memref<10000x32xf32, #tpu.memory_space<hbm>> -> memref<128x32xf32, #tpu.memory_space<hbm>>
    tpu.wait_dma2 semaphore(%arg25 : memref<!tpu.dma_semaphore, #tpu.memory_space<semaphore_mem>>) src(%dma_wait3A_157 : memref<128x32xf32, #tpu.memory_space<hbm>>) dst(%arg12 : memref<128x32xf32, #tpu.memory_space<vmem>>)
    %dma_start3A_158 = arith.constant 76 : i32
    %dma_start3A_159 = arith.constant 0 : i32
    %dma_start3A_160 = tpu.memref_slice %arg7[%dma_start3A_158, %dma_start3A_159] : memref<79x128xi32, #tpu.memory_space<vmem>> -> memref<1x128xi32, #tpu.memory_space<vmem>>
    %dma_start3A_161 = tpu.memref_squeeze %dma_start3A_160 : memref<1x128xi32, #tpu.memory_space<vmem>> -> memref<128xi32, #tpu.memory_space<vmem>>
    %dma_start3A_162 = arith.constant 0 : i32
    %dma_start3A_163 = arith.constant 0 : i32
    %dma_start3A_164 = tpu.memref_slice %arg20[%dma_start3A_162, %dma_start3A_163] : memref<10112x32xf32, #tpu.memory_space<vmem_shared>> -> memref<10112x32xf32, #tpu.memory_space<vmem_shared>>
    tpu.enqueue_indirect_dma source(%arg12 : memref<128x32xf32, #tpu.memory_space<vmem>>) target(%dma_start3A_164 : memref<10112x32xf32, #tpu.memory_space<vmem_shared>>) offsets(%dma_start3A_161 : memref<128xi32, #tpu.memory_space<vmem>>) semaphore(%arg37 : memref<!tpu.dma_semaphore, #tpu.memory_space<semaphore_mem>>) {add = true}
    %dma_wait3A_165 = arith.constant 0 : i32
    %dma_wait3A_166 = arith.constant 0 : i32
    %dma_wait3A_167 = tpu.memref_slice %arg2[%dma_wait3A_165, %dma_wait3A_166] : memref<10000x32xf32, #tpu.memory_space<hbm>> -> memref<128x32xf32, #tpu.memory_space<hbm>>
    %dma_wait3A_168 = arith.constant 0 : i32
    %dma_wait3A_169 = arith.constant 0 : i32
    %dma_wait3A_170 = tpu.memref_slice %arg2[%dma_wait3A_168, %dma_wait3A_169] : memref<10000x32xf32, #tpu.memory_space<hbm>> -> memref<128x32xf32, #tpu.memory_space<hbm>>
    tpu.wait_dma2 semaphore(%arg26 : memref<!tpu.dma_semaphore, #tpu.memory_space<semaphore_mem>>) src(%dma_wait3A_170 : memref<128x32xf32, #tpu.memory_space<hbm>>) dst(%arg13 : memref<128x32xf32, #tpu.memory_space<vmem>>)
    %dma_start3A_171 = arith.constant 77 : i32
    %dma_start3A_172 = arith.constant 0 : i32
    %dma_start3A_173 = tpu.memref_slice %arg7[%dma_start3A_171, %dma_start3A_172] : memref<79x128xi32, #tpu.memory_space<vmem>> -> memref<1x128xi32, #tpu.memory_space<vmem>>
    %dma_start3A_174 = tpu.memref_squeeze %dma_start3A_173 : memref<1x128xi32, #tpu.memory_space<vmem>> -> memref<128xi32, #tpu.memory_space<vmem>>
    %dma_start3A_175 = arith.constant 0 : i32
    %dma_start3A_176 = arith.constant 0 : i32
    %dma_start3A_177 = tpu.memref_slice %arg20[%dma_start3A_175, %dma_start3A_176] : memref<10112x32xf32, #tpu.memory_space<vmem_shared>> -> memref<10112x32xf32, #tpu.memory_space<vmem_shared>>
    tpu.enqueue_indirect_dma source(%arg13 : memref<128x32xf32, #tpu.memory_space<vmem>>) target(%dma_start3A_177 : memref<10112x32xf32, #tpu.memory_space<vmem_shared>>) offsets(%dma_start3A_174 : memref<128xi32, #tpu.memory_space<vmem>>) semaphore(%arg38 : memref<!tpu.dma_semaphore, #tpu.memory_space<semaphore_mem>>) {add = true}
    %dma_wait3A_178 = arith.constant 72 : i32
    %dma_wait3A_179 = arith.constant 0 : i32
    %dma_wait3A_180 = tpu.memref_slice %arg7[%dma_wait3A_178, %dma_wait3A_179] : memref<79x128xi32, #tpu.memory_space<vmem>> -> memref<1x128xi32, #tpu.memory_space<vmem>>
    %dma_wait3A_181 = tpu.memref_squeeze %dma_wait3A_180 : memref<1x128xi32, #tpu.memory_space<vmem>> -> memref<128xi32, #tpu.memory_space<vmem>>
    %dma_wait3A_182 = arith.constant 0 : i32
    %dma_wait3A_183 = arith.constant 0 : i32
    %dma_wait3A_184 = tpu.memref_slice %arg20[%dma_wait3A_182, %dma_wait3A_183] : memref<10112x32xf32, #tpu.memory_space<vmem_shared>> -> memref<10112x32xf32, #tpu.memory_space<vmem_shared>>
    tpu.wait_indirect_dma semaphore(%arg33 : memref<!tpu.dma_semaphore, #tpu.memory_space<semaphore_mem>>) src(%arg8 : memref<128x32xf32, #tpu.memory_space<vmem>>) dst(%dma_wait3A_184 : memref<10112x32xf32, #tpu.memory_space<vmem_shared>>)
    %dma_wait3A_185 = arith.constant 73 : i32
    %dma_wait3A_186 = arith.constant 0 : i32
    %dma_wait3A_187 = tpu.memref_slice %arg7[%dma_wait3A_185, %dma_wait3A_186] : memref<79x128xi32, #tpu.memory_space<vmem>> -> memref<1x128xi32, #tpu.memory_space<vmem>>
    %dma_wait3A_188 = tpu.memref_squeeze %dma_wait3A_187 : memref<1x128xi32, #tpu.memory_space<vmem>> -> memref<128xi32, #tpu.memory_space<vmem>>
    %dma_wait3A_189 = arith.constant 0 : i32
    %dma_wait3A_190 = arith.constant 0 : i32
    %dma_wait3A_191 = tpu.memref_slice %arg20[%dma_wait3A_189, %dma_wait3A_190] : memref<10112x32xf32, #tpu.memory_space<vmem_shared>> -> memref<10112x32xf32, #tpu.memory_space<vmem_shared>>
    tpu.wait_indirect_dma semaphore(%arg34 : memref<!tpu.dma_semaphore, #tpu.memory_space<semaphore_mem>>) src(%arg9 : memref<128x32xf32, #tpu.memory_space<vmem>>) dst(%dma_wait3A_191 : memref<10112x32xf32, #tpu.memory_space<vmem_shared>>)
    %dma_wait3A_192 = arith.constant 74 : i32
    %dma_wait3A_193 = arith.constant 0 : i32
    %dma_wait3A_194 = tpu.memref_slice %arg7[%dma_wait3A_192, %dma_wait3A_193] : memref<79x128xi32, #tpu.memory_space<vmem>> -> memref<1x128xi32, #tpu.memory_space<vmem>>
    %dma_wait3A_195 = tpu.memref_squeeze %dma_wait3A_194 : memref<1x128xi32, #tpu.memory_space<vmem>> -> memref<128xi32, #tpu.memory_space<vmem>>
    %dma_wait3A_196 = arith.constant 0 : i32
    %dma_wait3A_197 = arith.constant 0 : i32
    %dma_wait3A_198 = tpu.memref_slice %arg20[%dma_wait3A_196, %dma_wait3A_197] : memref<10112x32xf32, #tpu.memory_space<vmem_shared>> -> memref<10112x32xf32, #tpu.memory_space<vmem_shared>>
    tpu.wait_indirect_dma semaphore(%arg35 : memref<!tpu.dma_semaphore, #tpu.memory_space<semaphore_mem>>) src(%arg10 : memref<128x32xf32, #tpu.memory_space<vmem>>) dst(%dma_wait3A_198 : memref<10112x32xf32, #tpu.memory_space<vmem_shared>>)
    %dma_wait3A_199 = arith.constant 75 : i32
    %dma_wait3A_200 = arith.constant 0 : i32
    %dma_wait3A_201 = tpu.memref_slice %arg7[%dma_wait3A_199, %dma_wait3A_200] : memref<79x128xi32, #tpu.memory_space<vmem>> -> memref<1x128xi32, #tpu.memory_space<vmem>>
    %dma_wait3A_202 = tpu.memref_squeeze %dma_wait3A_201 : memref<1x128xi32, #tpu.memory_space<vmem>> -> memref<128xi32, #tpu.memory_space<vmem>>
    %dma_wait3A_203 = arith.constant 0 : i32
    %dma_wait3A_204 = arith.constant 0 : i32
    %dma_wait3A_205 = tpu.memref_slice %arg20[%dma_wait3A_203, %dma_wait3A_204] : memref<10112x32xf32, #tpu.memory_space<vmem_shared>> -> memref<10112x32xf32, #tpu.memory_space<vmem_shared>>
    tpu.wait_indirect_dma semaphore(%arg36 : memref<!tpu.dma_semaphore, #tpu.memory_space<semaphore_mem>>) src(%arg11 : memref<128x32xf32, #tpu.memory_space<vmem>>) dst(%dma_wait3A_205 : memref<10112x32xf32, #tpu.memory_space<vmem_shared>>)
    %dma_wait3A_206 = arith.constant 76 : i32
    %dma_wait3A_207 = arith.constant 0 : i32
    %dma_wait3A_208 = tpu.memref_slice %arg7[%dma_wait3A_206, %dma_wait3A_207] : memref<79x128xi32, #tpu.memory_space<vmem>> -> memref<1x128xi32, #tpu.memory_space<vmem>>
    %dma_wait3A_209 = tpu.memref_squeeze %dma_wait3A_208 : memref<1x128xi32, #tpu.memory_space<vmem>> -> memref<128xi32, #tpu.memory_space<vmem>>
    %dma_wait3A_210 = arith.constant 0 : i32
    %dma_wait3A_211 = arith.constant 0 : i32
    %dma_wait3A_212 = tpu.memref_slice %arg20[%dma_wait3A_210, %dma_wait3A_211] : memref<10112x32xf32, #tpu.memory_space<vmem_shared>> -> memref<10112x32xf32, #tpu.memory_space<vmem_shared>>
    tpu.wait_indirect_dma semaphore(%arg37 : memref<!tpu.dma_semaphore, #tpu.memory_space<semaphore_mem>>) src(%arg12 : memref<128x32xf32, #tpu.memory_space<vmem>>) dst(%dma_wait3A_212 : memref<10112x32xf32, #tpu.memory_space<vmem_shared>>)
    %dma_wait3A_213 = arith.constant 77 : i32
    %dma_wait3A_214 = arith.constant 0 : i32
    %dma_wait3A_215 = tpu.memref_slice %arg7[%dma_wait3A_213, %dma_wait3A_214] : memref<79x128xi32, #tpu.memory_space<vmem>> -> memref<1x128xi32, #tpu.memory_space<vmem>>
    %dma_wait3A_216 = tpu.memref_squeeze %dma_wait3A_215 : memref<1x128xi32, #tpu.memory_space<vmem>> -> memref<128xi32, #tpu.memory_space<vmem>>
    %dma_wait3A_217 = arith.constant 0 : i32
    %dma_wait3A_218 = arith.constant 0 : i32
    %dma_wait3A_219 = tpu.memref_slice %arg20[%dma_wait3A_217, %dma_wait3A_218] : memref<10112x32xf32, #tpu.memory_space<vmem_shared>> -> memref<10112x32xf32, #tpu.memory_space<vmem_shared>>
    tpu.wait_indirect_dma semaphore(%arg38 : memref<!tpu.dma_semaphore, #tpu.memory_space<semaphore_mem>>) src(%arg13 : memref<128x32xf32, #tpu.memory_space<vmem>>) dst(%dma_wait3A_219 : memref<10112x32xf32, #tpu.memory_space<vmem_shared>>)
    %dma_wait3A_220 = arith.constant 66 : i32
    %dma_wait3A_221 = arith.constant 0 : i32
    %dma_wait3A_222 = tpu.memref_slice %arg7[%dma_wait3A_220, %dma_wait3A_221] : memref<79x128xi32, #tpu.memory_space<vmem>> -> memref<1x128xi32, #tpu.memory_space<vmem>>
    %dma_wait3A_223 = tpu.memref_squeeze %dma_wait3A_222 : memref<1x128xi32, #tpu.memory_space<vmem>> -> memref<128xi32, #tpu.memory_space<vmem>>
    %dma_wait3A_224 = arith.constant 0 : i32
    %dma_wait3A_225 = arith.constant 0 : i32
    %dma_wait3A_226 = tpu.memref_slice %arg20[%dma_wait3A_224, %dma_wait3A_225] : memref<10112x32xf32, #tpu.memory_space<vmem_shared>> -> memref<10112x32xf32, #tpu.memory_space<vmem_shared>>
    tpu.wait_indirect_dma semaphore(%arg39 : memref<!tpu.dma_semaphore, #tpu.memory_space<semaphore_mem>>) src(%arg14 : memref<128x32xf32, #tpu.memory_space<vmem>>) dst(%dma_wait3A_226 : memref<10112x32xf32, #tpu.memory_space<vmem_shared>>)
    %dma_wait3A_227 = arith.constant 67 : i32
    %dma_wait3A_228 = arith.constant 0 : i32
    %dma_wait3A_229 = tpu.memref_slice %arg7[%dma_wait3A_227, %dma_wait3A_228] : memref<79x128xi32, #tpu.memory_space<vmem>> -> memref<1x128xi32, #tpu.memory_space<vmem>>
    %dma_wait3A_230 = tpu.memref_squeeze %dma_wait3A_229 : memref<1x128xi32, #tpu.memory_space<vmem>> -> memref<128xi32, #tpu.memory_space<vmem>>
    %dma_wait3A_231 = arith.constant 0 : i32
    %dma_wait3A_232 = arith.constant 0 : i32
    %dma_wait3A_233 = tpu.memref_slice %arg20[%dma_wait3A_231, %dma_wait3A_232] : memref<10112x32xf32, #tpu.memory_space<vmem_shared>> -> memref<10112x32xf32, #tpu.memory_space<vmem_shared>>
    tpu.wait_indirect_dma semaphore(%arg40 : memref<!tpu.dma_semaphore, #tpu.memory_space<semaphore_mem>>) src(%arg15 : memref<128x32xf32, #tpu.memory_space<vmem>>) dst(%dma_wait3A_233 : memref<10112x32xf32, #tpu.memory_space<vmem_shared>>)
    %dma_wait3A_234 = arith.constant 68 : i32
    %dma_wait3A_235 = arith.constant 0 : i32
    %dma_wait3A_236 = tpu.memref_slice %arg7[%dma_wait3A_234, %dma_wait3A_235] : memref<79x128xi32, #tpu.memory_space<vmem>> -> memref<1x128xi32, #tpu.memory_space<vmem>>
    %dma_wait3A_237 = tpu.memref_squeeze %dma_wait3A_236 : memref<1x128xi32, #tpu.memory_space<vmem>> -> memref<128xi32, #tpu.memory_space<vmem>>
    %dma_wait3A_238 = arith.constant 0 : i32
    %dma_wait3A_239 = arith.constant 0 : i32
    %dma_wait3A_240 = tpu.memref_slice %arg20[%dma_wait3A_238, %dma_wait3A_239] : memref<10112x32xf32, #tpu.memory_space<vmem_shared>> -> memref<10112x32xf32, #tpu.memory_space<vmem_shared>>
    tpu.wait_indirect_dma semaphore(%arg41 : memref<!tpu.dma_semaphore, #tpu.memory_space<semaphore_mem>>) src(%arg16 : memref<128x32xf32, #tpu.memory_space<vmem>>) dst(%dma_wait3A_240 : memref<10112x32xf32, #tpu.memory_space<vmem_shared>>)
    %dma_wait3A_241 = arith.constant 69 : i32
    %dma_wait3A_242 = arith.constant 0 : i32
    %dma_wait3A_243 = tpu.memref_slice %arg7[%dma_wait3A_241, %dma_wait3A_242] : memref<79x128xi32, #tpu.memory_space<vmem>> -> memref<1x128xi32, #tpu.memory_space<vmem>>
    %dma_wait3A_244 = tpu.memref_squeeze %dma_wait3A_243 : memref<1x128xi32, #tpu.memory_space<vmem>> -> memref<128xi32, #tpu.memory_space<vmem>>
    %dma_wait3A_245 = arith.constant 0 : i32
    %dma_wait3A_246 = arith.constant 0 : i32
    %dma_wait3A_247 = tpu.memref_slice %arg20[%dma_wait3A_245, %dma_wait3A_246] : memref<10112x32xf32, #tpu.memory_space<vmem_shared>> -> memref<10112x32xf32, #tpu.memory_space<vmem_shared>>
    tpu.wait_indirect_dma semaphore(%arg42 : memref<!tpu.dma_semaphore, #tpu.memory_space<semaphore_mem>>) src(%arg17 : memref<128x32xf32, #tpu.memory_space<vmem>>) dst(%dma_wait3A_247 : memref<10112x32xf32, #tpu.memory_space<vmem_shared>>)
    %dma_wait3A_248 = arith.constant 70 : i32
    %dma_wait3A_249 = arith.constant 0 : i32
    %dma_wait3A_250 = tpu.memref_slice %arg7[%dma_wait3A_248, %dma_wait3A_249] : memref<79x128xi32, #tpu.memory_space<vmem>> -> memref<1x128xi32, #tpu.memory_space<vmem>>
    %dma_wait3A_251 = tpu.memref_squeeze %dma_wait3A_250 : memref<1x128xi32, #tpu.memory_space<vmem>> -> memref<128xi32, #tpu.memory_space<vmem>>
    %dma_wait3A_252 = arith.constant 0 : i32
    %dma_wait3A_253 = arith.constant 0 : i32
    %dma_wait3A_254 = tpu.memref_slice %arg20[%dma_wait3A_252, %dma_wait3A_253] : memref<10112x32xf32, #tpu.memory_space<vmem_shared>> -> memref<10112x32xf32, #tpu.memory_space<vmem_shared>>
    tpu.wait_indirect_dma semaphore(%arg43 : memref<!tpu.dma_semaphore, #tpu.memory_space<semaphore_mem>>) src(%arg18 : memref<128x32xf32, #tpu.memory_space<vmem>>) dst(%dma_wait3A_254 : memref<10112x32xf32, #tpu.memory_space<vmem_shared>>)
    %dma_wait3A_255 = arith.constant 71 : i32
    %dma_wait3A_256 = arith.constant 0 : i32
    %dma_wait3A_257 = tpu.memref_slice %arg7[%dma_wait3A_255, %dma_wait3A_256] : memref<79x128xi32, #tpu.memory_space<vmem>> -> memref<1x128xi32, #tpu.memory_space<vmem>>
    %dma_wait3A_258 = tpu.memref_squeeze %dma_wait3A_257 : memref<1x128xi32, #tpu.memory_space<vmem>> -> memref<128xi32, #tpu.memory_space<vmem>>
    %dma_wait3A_259 = arith.constant 0 : i32
    %dma_wait3A_260 = arith.constant 0 : i32
    %dma_wait3A_261 = tpu.memref_slice %arg20[%dma_wait3A_259, %dma_wait3A_260] : memref<10112x32xf32, #tpu.memory_space<vmem_shared>> -> memref<10112x32xf32, #tpu.memory_space<vmem_shared>>
    tpu.wait_indirect_dma semaphore(%arg44 : memref<!tpu.dma_semaphore, #tpu.memory_space<semaphore_mem>>) src(%arg19 : memref<128x32xf32, #tpu.memory_space<vmem>>) dst(%dma_wait3A_261 : memref<10112x32xf32, #tpu.memory_space<vmem_shared>>)
    %lt3A_262 = arith.constant 4 : i32
    %lt3A_263 = arith.cmpi slt, %add3A, %lt3A_262 : i32
    %convert_element_type3A_264 = arith.extui %lt3A_263 : i1 to i32
    %cond3A_265 = arith.constant 0 : i32
    %cond3A_266 = arith.cmpi ne, %convert_element_type3A_264, %cond3A_265 : i32
    scf.if %cond3A_266 {
      %dma_start3A_272 = arith.constant 78 : i32
      %dma_start3A_273 = arith.constant 0 : i32
      %dma_start3A_274 = tpu.memref_slice %arg6[%dma_start3A_272, %dma_start3A_273] : memref<79x128xi32, #tpu.memory_space<vmem>> -> memref<1x128xi32, #tpu.memory_space<vmem>>
      %dma_start3A_275 = tpu.memref_squeeze %dma_start3A_274 : memref<1x128xi32, #tpu.memory_space<vmem>> -> memref<128xi32, #tpu.memory_space<vmem>>
      %dma_start3A_276 = arith.constant 0 : i32
      %dma_start3A_277 = arith.constant 0 : i32
      %dma_start3A_278 = tpu.memref_slice %arg2[%dma_start3A_276, %dma_start3A_277] : memref<10000x32xf32, #tpu.memory_space<hbm>> -> memref<10000x32xf32, #tpu.memory_space<hbm>>
      tpu.enqueue_indirect_dma source(%dma_start3A_278 : memref<10000x32xf32, #tpu.memory_space<hbm>>) target(%arg8 : memref<128x32xf32, #tpu.memory_space<vmem>>) offsets(%dma_start3A_275 : memref<128xi32, #tpu.memory_space<vmem>>) semaphore(%arg21 : memref<!tpu.dma_semaphore, #tpu.memory_space<semaphore_mem>>)
      %dma_wait3A_279 = arith.constant 0 : i32
      %dma_wait3A_280 = arith.constant 0 : i32
      %dma_wait3A_281 = tpu.memref_slice %arg2[%dma_wait3A_279, %dma_wait3A_280] : memref<10000x32xf32, #tpu.memory_space<hbm>> -> memref<128x32xf32, #tpu.memory_space<hbm>>
      %dma_wait3A_282 = arith.constant 0 : i32
      %dma_wait3A_283 = arith.constant 0 : i32
      %dma_wait3A_284 = tpu.memref_slice %arg2[%dma_wait3A_282, %dma_wait3A_283] : memref<10000x32xf32, #tpu.memory_space<hbm>> -> memref<128x32xf32, #tpu.memory_space<hbm>>
      tpu.wait_dma2 semaphore(%arg21 : memref<!tpu.dma_semaphore, #tpu.memory_space<semaphore_mem>>) src(%dma_wait3A_284 : memref<128x32xf32, #tpu.memory_space<hbm>>) dst(%arg8 : memref<128x32xf32, #tpu.memory_space<vmem>>)
      %run_scoped3A_285 = arith.constant 78 : i32
      "tpu.region"() ({
        %run_scoped3A_286 = tpu.sem_alloc : memref<!tpu.dma_semaphore, #tpu.memory_space<semaphore_mem>>
        %dma_start3A_287 = arith.constant 0 : i32
        %dma_start3A_288 = tpu.memref_slice %arg7[%run_scoped3A_285, %dma_start3A_287] : memref<79x128xi32, #tpu.memory_space<vmem>> -> memref<1x128xi32, #tpu.memory_space<vmem>>
        %dma_start3A_289 = tpu.memref_squeeze %dma_start3A_288 : memref<1x128xi32, #tpu.memory_space<vmem>> -> memref<128xi32, #tpu.memory_space<vmem>>
        %dma_start3A_290 = arith.constant 0 : i32
        %dma_start3A_291 = arith.constant 0 : i32
        %dma_start3A_292 = tpu.memref_slice %arg20[%dma_start3A_290, %dma_start3A_291] : memref<10112x32xf32, #tpu.memory_space<vmem_shared>> -> memref<10112x32xf32, #tpu.memory_space<vmem_shared>>
        tpu.enqueue_indirect_dma source(%arg8 : memref<128x32xf32, #tpu.memory_space<vmem>>) target(%dma_start3A_292 : memref<10112x32xf32, #tpu.memory_space<vmem_shared>>) offsets(%dma_start3A_289 : memref<128xi32, #tpu.memory_space<vmem>>) semaphore(%run_scoped3A_286 : memref<!tpu.dma_semaphore, #tpu.memory_space<semaphore_mem>>) {add = true}
        %dma_wait3A_293 = arith.constant 0 : i32
        %dma_wait3A_294 = tpu.memref_slice %arg7[%run_scoped3A_285, %dma_wait3A_293] : memref<79x128xi32, #tpu.memory_space<vmem>> -> memref<1x128xi32, #tpu.memory_space<vmem>>
        %dma_wait3A_295 = tpu.memref_squeeze %dma_wait3A_294 : memref<1x128xi32, #tpu.memory_space<vmem>> -> memref<128xi32, #tpu.memory_space<vmem>>
        %dma_wait3A_296 = arith.constant 0 : i32
        %dma_wait3A_297 = arith.constant 0 : i32
        %dma_wait3A_298 = tpu.memref_slice %arg20[%dma_wait3A_296, %dma_wait3A_297] : memref<10112x32xf32, #tpu.memory_space<vmem_shared>> -> memref<10112x32xf32, #tpu.memory_space<vmem_shared>>
        tpu.wait_indirect_dma semaphore(%run_scoped3A_286 : memref<!tpu.dma_semaphore, #tpu.memory_space<semaphore_mem>>) src(%arg8 : memref<128x32xf32, #tpu.memory_space<vmem>>) dst(%dma_wait3A_298 : memref<10112x32xf32, #tpu.memory_space<vmem_shared>>)
        tpu.yield
      }) : () -> ()
    } else {
    }
    %barrier3A_267 = arith.constant 0 : index
    tpu.barrier barrier_id(%barrier3A_267)
    %mul3A_268 = arith.constant 632 : i32
    %mul3A_269 = arith.muli %arg1, %mul3A_268 : i32
    %mul3A_270 = arith.constant 632 : i32
    %mul3A_271 = arith.muli %arg1, %mul3A_270 : i32
    "tpu.region"() ({
      %run_scoped3A_272 = tpu.sem_alloc : memref<!tpu.dma_semaphore, #tpu.memory_space<semaphore_mem>>
      %dma_start3A_273 = arith.constant 0 : i32
      %dma_start3A_274 = tpu.memref_slice %arg5[%arg0, %mul3A_271, %dma_start3A_273] : memref<2x10112x32xf32, #tpu.memory_space<hbm>> -> memref<1x632x32xf32, #tpu.memory_space<hbm>>
      %dma_start3A_275 = tpu.memref_squeeze %dma_start3A_274 : memref<1x632x32xf32, #tpu.memory_space<hbm>> -> memref<632x32xf32, #tpu.memory_space<hbm>>
      %dma_start3A_276 = arith.constant 0 : i32
      %dma_start3A_277 = tpu.memref_slice %arg20[%mul3A_269, %dma_start3A_276] : memref<10112x32xf32, #tpu.memory_space<vmem_shared>> -> memref<632x32xf32, #tpu.memory_space<vmem_shared>>
      tpu.enqueue_dma source(%dma_start3A_277 : memref<632x32xf32, #tpu.memory_space<vmem_shared>>) target(%dma_start3A_275 : memref<632x32xf32, #tpu.memory_space<hbm>>) target_semaphore(%run_scoped3A_272 : memref<!tpu.dma_semaphore, #tpu.memory_space<semaphore_mem>>)
      %dma_wait3A_278 = arith.constant 0 : i32
      %dma_wait3A_279 = tpu.memref_slice %arg5[%arg0, %mul3A_271, %dma_wait3A_278] : memref<2x10112x32xf32, #tpu.memory_space<hbm>> -> memref<1x632x32xf32, #tpu.memory_space<hbm>>
      %dma_wait3A_280 = tpu.memref_squeeze %dma_wait3A_279 : memref<1x632x32xf32, #tpu.memory_space<hbm>> -> memref<632x32xf32, #tpu.memory_space<hbm>>
      %dma_wait3A_281 = arith.constant 0 : i32
      %dma_wait3A_282 = tpu.memref_slice %arg20[%mul3A_269, %dma_wait3A_281] : memref<10112x32xf32, #tpu.memory_space<vmem_shared>> -> memref<632x32xf32, #tpu.memory_space<vmem_shared>>
      tpu.wait_dma2 semaphore(%run_scoped3A_272 : memref<!tpu.dma_semaphore, #tpu.memory_space<semaphore_mem>>) src(%dma_wait3A_282 : memref<632x32xf32, #tpu.memory_space<vmem_shared>>) dst(%dma_wait3A_280 : memref<632x32xf32, #tpu.memory_space<hbm>>)
      tpu.yield
    }) : () -> ()
    return
  }
}

#map = affine_map<(d0, d1) -> (0, 0)>
#map1 = affine_map<(d0, d1) -> (0, 0, 0)>
module attributes {stable_mosaic.version = 14 : i64} {
  func.func @_agg(%arg0: i32, %arg1: i32, %arg2: memref<10000x64xf32, #tpu.memory_space<hbm>>, %arg3: memref<2x2500x128xi32, #tpu.memory_space<hbm>>, %arg4: memref<10112x64xf32, #tpu.memory_space<hbm>>, %arg5: memref<2x10112x64xf32, #tpu.memory_space<hbm>>, %arg6: memref<79x128xi32, #tpu.memory_space<vmem>>, %arg7: memref<79x128xi32, #tpu.memory_space<vmem>>, %arg8: memref<128x64xf32, #tpu.memory_space<vmem>>, %arg9: memref<128x64xf32, #tpu.memory_space<vmem>>, %arg10: memref<128x64xf32, #tpu.memory_space<vmem>>, %arg11: memref<128x64xf32, #tpu.memory_space<vmem>>, %arg12: memref<128x64xf32, #tpu.memory_space<vmem>>, %arg13: memref<128x64xf32, #tpu.memory_space<vmem>>, %arg14: memref<128x64xf32, #tpu.memory_space<vmem>>, %arg15: memref<128x64xf32, #tpu.memory_space<vmem>>, %arg16: memref<10112x64xf32, #tpu.memory_space<vmem_shared>>, %arg17: memref<!tpu.dma_semaphore, #tpu.memory_space<semaphore_mem>>, %arg18: memref<!tpu.dma_semaphore, #tpu.memory_space<semaphore_mem>>, %arg19: memref<!tpu.dma_semaphore, #tpu.memory_space<semaphore_mem>>, %arg20: memref<!tpu.dma_semaphore, #tpu.memory_space<semaphore_mem>>, %arg21: memref<!tpu.dma_semaphore, #tpu.memory_space<semaphore_mem>>, %arg22: memref<!tpu.dma_semaphore, #tpu.memory_space<semaphore_mem>>, %arg23: memref<!tpu.dma_semaphore, #tpu.memory_space<semaphore_mem>>, %arg24: memref<!tpu.dma_semaphore, #tpu.memory_space<semaphore_mem>>, %arg25: memref<!tpu.dma_semaphore, #tpu.memory_space<semaphore_mem>>, %arg26: memref<!tpu.dma_semaphore, #tpu.memory_space<semaphore_mem>>, %arg27: memref<!tpu.dma_semaphore, #tpu.memory_space<semaphore_mem>>, %arg28: memref<!tpu.dma_semaphore, #tpu.memory_space<semaphore_mem>>, %arg29: memref<!tpu.dma_semaphore, #tpu.memory_space<semaphore_mem>>, %arg30: memref<!tpu.dma_semaphore, #tpu.memory_space<semaphore_mem>>, %arg31: memref<!tpu.dma_semaphore, #tpu.memory_space<semaphore_mem>>, %arg32: memref<!tpu.dma_semaphore, #tpu.memory_space<semaphore_mem>>) attributes {dimension_semantics = [#tpu.dimension_semantics<core_parallel>, #tpu.dimension_semantics<subcore_parallel>], iteration_bounds = array<i64: 2, 16>, scalar_prefetch = 0 : i64, scratch_operands = 27 : i64, tpu.core_type = #tpu.core_type<sc_vector_subcore>, window_params = [{transform_indices = #map}, {transform_indices = #map1}, {transform_indices = #map}, {transform_indices = #map1}]} {
    %mul3A = arith.constant 16 : i32
    %mul3A_0 = arith.muli %arg0, %mul3A : i32
    %add3A = arith.addi %mul3A_0, %arg1 : i32
    %mul3A_1 = arith.constant 78 : i32
    %mul3A_2 = arith.muli %add3A, %mul3A_1 : i32
    %run_scoped3A = arith.constant 0 : i32
    "tpu.region"() ({
      %run_scoped3A_216 = tpu.sem_alloc : memref<!tpu.dma_semaphore, #tpu.memory_space<semaphore_mem>>
      %dma_start3A_217 = arith.constant 0 : i32
      %dma_start3A_218 = arith.constant 0 : i32
      %dma_start3A_219 = tpu.memref_slice %arg6[%dma_start3A_217, %dma_start3A_218] : memref<79x128xi32, #tpu.memory_space<vmem>> -> memref<78x128xi32, #tpu.memory_space<vmem>>
      %dma_start3A_220 = arith.constant 0 : i32
      %dma_start3A_221 = arith.constant 0 : i32
      %dma_start3A_222 = tpu.memref_slice %arg3[%run_scoped3A, %dma_start3A_220, %dma_start3A_221] : memref<2x2500x128xi32, #tpu.memory_space<hbm>> -> memref<1x2500x128xi32, #tpu.memory_space<hbm>>
      %dma_start3A_223 = tpu.memref_squeeze %dma_start3A_222 : memref<1x2500x128xi32, #tpu.memory_space<hbm>> -> memref<2500x128xi32, #tpu.memory_space<hbm>>
      %dma_start3A_224 = arith.constant 0 : i32
      %dma_start3A_225 = tpu.memref_slice %dma_start3A_223[%mul3A_2, %dma_start3A_224] : memref<2500x128xi32, #tpu.memory_space<hbm>> -> memref<78x128xi32, #tpu.memory_space<hbm>>
      %dma_start3A_226 = arith.constant 0 : i32
      %dma_start3A_227 = arith.constant 0 : i32
      %dma_start3A_228 = tpu.memref_slice %arg6[%dma_start3A_226, %dma_start3A_227] : memref<79x128xi32, #tpu.memory_space<vmem>> -> memref<78x128xi32, #tpu.memory_space<vmem>>
      %dma_start3A_229 = arith.constant 0 : i32
      %dma_start3A_230 = arith.constant 0 : i32
      %dma_start3A_231 = tpu.memref_slice %arg3[%run_scoped3A, %dma_start3A_229, %dma_start3A_230] : memref<2x2500x128xi32, #tpu.memory_space<hbm>> -> memref<1x2500x128xi32, #tpu.memory_space<hbm>>
      %dma_start3A_232 = tpu.memref_squeeze %dma_start3A_231 : memref<1x2500x128xi32, #tpu.memory_space<hbm>> -> memref<2500x128xi32, #tpu.memory_space<hbm>>
      %dma_start3A_233 = arith.constant 0 : i32
      %dma_start3A_234 = tpu.memref_slice %dma_start3A_232[%mul3A_2, %dma_start3A_233] : memref<2500x128xi32, #tpu.memory_space<hbm>> -> memref<78x128xi32, #tpu.memory_space<hbm>>
      tpu.enqueue_dma source(%dma_start3A_234 : memref<78x128xi32, #tpu.memory_space<hbm>>) target(%dma_start3A_228 : memref<78x128xi32, #tpu.memory_space<vmem>>) target_semaphore(%run_scoped3A_216 : memref<!tpu.dma_semaphore, #tpu.memory_space<semaphore_mem>>)
      %dma_wait3A_235 = arith.constant 0 : i32
      %dma_wait3A_236 = arith.constant 0 : i32
      %dma_wait3A_237 = tpu.memref_slice %arg6[%dma_wait3A_235, %dma_wait3A_236] : memref<79x128xi32, #tpu.memory_space<vmem>> -> memref<78x128xi32, #tpu.memory_space<vmem>>
      %dma_wait3A_238 = arith.constant 0 : i32
      %dma_wait3A_239 = arith.constant 0 : i32
      %dma_wait3A_240 = tpu.memref_slice %arg3[%run_scoped3A, %dma_wait3A_238, %dma_wait3A_239] : memref<2x2500x128xi32, #tpu.memory_space<hbm>> -> memref<1x2500x128xi32, #tpu.memory_space<hbm>>
      %dma_wait3A_241 = tpu.memref_squeeze %dma_wait3A_240 : memref<1x2500x128xi32, #tpu.memory_space<hbm>> -> memref<2500x128xi32, #tpu.memory_space<hbm>>
      %dma_wait3A_242 = arith.constant 0 : i32
      %dma_wait3A_243 = tpu.memref_slice %dma_wait3A_241[%mul3A_2, %dma_wait3A_242] : memref<2500x128xi32, #tpu.memory_space<hbm>> -> memref<78x128xi32, #tpu.memory_space<hbm>>
      %dma_wait3A_244 = arith.constant 0 : i32
      %dma_wait3A_245 = arith.constant 0 : i32
      %dma_wait3A_246 = tpu.memref_slice %arg6[%dma_wait3A_244, %dma_wait3A_245] : memref<79x128xi32, #tpu.memory_space<vmem>> -> memref<78x128xi32, #tpu.memory_space<vmem>>
      %dma_wait3A_247 = arith.constant 0 : i32
      %dma_wait3A_248 = arith.constant 0 : i32
      %dma_wait3A_249 = tpu.memref_slice %arg3[%run_scoped3A, %dma_wait3A_247, %dma_wait3A_248] : memref<2x2500x128xi32, #tpu.memory_space<hbm>> -> memref<1x2500x128xi32, #tpu.memory_space<hbm>>
      %dma_wait3A_250 = tpu.memref_squeeze %dma_wait3A_249 : memref<1x2500x128xi32, #tpu.memory_space<hbm>> -> memref<2500x128xi32, #tpu.memory_space<hbm>>
      %dma_wait3A_251 = arith.constant 0 : i32
      %dma_wait3A_252 = tpu.memref_slice %dma_wait3A_250[%mul3A_2, %dma_wait3A_251] : memref<2500x128xi32, #tpu.memory_space<hbm>> -> memref<78x128xi32, #tpu.memory_space<hbm>>
      tpu.wait_dma2 semaphore(%run_scoped3A_216 : memref<!tpu.dma_semaphore, #tpu.memory_space<semaphore_mem>>) src(%dma_wait3A_252 : memref<78x128xi32, #tpu.memory_space<hbm>>) dst(%dma_wait3A_246 : memref<78x128xi32, #tpu.memory_space<vmem>>)
      tpu.yield
    }) : () -> ()
    %mul3A_3 = arith.constant 78 : i32
    %mul3A_4 = arith.muli %add3A, %mul3A_3 : i32
    %run_scoped3A_5 = arith.constant 1 : i32
    "tpu.region"() ({
      %run_scoped3A_216 = tpu.sem_alloc : memref<!tpu.dma_semaphore, #tpu.memory_space<semaphore_mem>>
      %dma_start3A_217 = arith.constant 0 : i32
      %dma_start3A_218 = arith.constant 0 : i32
      %dma_start3A_219 = tpu.memref_slice %arg7[%dma_start3A_217, %dma_start3A_218] : memref<79x128xi32, #tpu.memory_space<vmem>> -> memref<78x128xi32, #tpu.memory_space<vmem>>
      %dma_start3A_220 = arith.constant 0 : i32
      %dma_start3A_221 = arith.constant 0 : i32
      %dma_start3A_222 = tpu.memref_slice %arg3[%run_scoped3A_5, %dma_start3A_220, %dma_start3A_221] : memref<2x2500x128xi32, #tpu.memory_space<hbm>> -> memref<1x2500x128xi32, #tpu.memory_space<hbm>>
      %dma_start3A_223 = tpu.memref_squeeze %dma_start3A_222 : memref<1x2500x128xi32, #tpu.memory_space<hbm>> -> memref<2500x128xi32, #tpu.memory_space<hbm>>
      %dma_start3A_224 = arith.constant 0 : i32
      %dma_start3A_225 = tpu.memref_slice %dma_start3A_223[%mul3A_4, %dma_start3A_224] : memref<2500x128xi32, #tpu.memory_space<hbm>> -> memref<78x128xi32, #tpu.memory_space<hbm>>
      %dma_start3A_226 = arith.constant 0 : i32
      %dma_start3A_227 = arith.constant 0 : i32
      %dma_start3A_228 = tpu.memref_slice %arg7[%dma_start3A_226, %dma_start3A_227] : memref<79x128xi32, #tpu.memory_space<vmem>> -> memref<78x128xi32, #tpu.memory_space<vmem>>
      %dma_start3A_229 = arith.constant 0 : i32
      %dma_start3A_230 = arith.constant 0 : i32
      %dma_start3A_231 = tpu.memref_slice %arg3[%run_scoped3A_5, %dma_start3A_229, %dma_start3A_230] : memref<2x2500x128xi32, #tpu.memory_space<hbm>> -> memref<1x2500x128xi32, #tpu.memory_space<hbm>>
      %dma_start3A_232 = tpu.memref_squeeze %dma_start3A_231 : memref<1x2500x128xi32, #tpu.memory_space<hbm>> -> memref<2500x128xi32, #tpu.memory_space<hbm>>
      %dma_start3A_233 = arith.constant 0 : i32
      %dma_start3A_234 = tpu.memref_slice %dma_start3A_232[%mul3A_4, %dma_start3A_233] : memref<2500x128xi32, #tpu.memory_space<hbm>> -> memref<78x128xi32, #tpu.memory_space<hbm>>
      tpu.enqueue_dma source(%dma_start3A_234 : memref<78x128xi32, #tpu.memory_space<hbm>>) target(%dma_start3A_228 : memref<78x128xi32, #tpu.memory_space<vmem>>) target_semaphore(%run_scoped3A_216 : memref<!tpu.dma_semaphore, #tpu.memory_space<semaphore_mem>>)
      %dma_wait3A_235 = arith.constant 0 : i32
      %dma_wait3A_236 = arith.constant 0 : i32
      %dma_wait3A_237 = tpu.memref_slice %arg7[%dma_wait3A_235, %dma_wait3A_236] : memref<79x128xi32, #tpu.memory_space<vmem>> -> memref<78x128xi32, #tpu.memory_space<vmem>>
      %dma_wait3A_238 = arith.constant 0 : i32
      %dma_wait3A_239 = arith.constant 0 : i32
      %dma_wait3A_240 = tpu.memref_slice %arg3[%run_scoped3A_5, %dma_wait3A_238, %dma_wait3A_239] : memref<2x2500x128xi32, #tpu.memory_space<hbm>> -> memref<1x2500x128xi32, #tpu.memory_space<hbm>>
      %dma_wait3A_241 = tpu.memref_squeeze %dma_wait3A_240 : memref<1x2500x128xi32, #tpu.memory_space<hbm>> -> memref<2500x128xi32, #tpu.memory_space<hbm>>
      %dma_wait3A_242 = arith.constant 0 : i32
      %dma_wait3A_243 = tpu.memref_slice %dma_wait3A_241[%mul3A_4, %dma_wait3A_242] : memref<2500x128xi32, #tpu.memory_space<hbm>> -> memref<78x128xi32, #tpu.memory_space<hbm>>
      %dma_wait3A_244 = arith.constant 0 : i32
      %dma_wait3A_245 = arith.constant 0 : i32
      %dma_wait3A_246 = tpu.memref_slice %arg7[%dma_wait3A_244, %dma_wait3A_245] : memref<79x128xi32, #tpu.memory_space<vmem>> -> memref<78x128xi32, #tpu.memory_space<vmem>>
      %dma_wait3A_247 = arith.constant 0 : i32
      %dma_wait3A_248 = arith.constant 0 : i32
      %dma_wait3A_249 = tpu.memref_slice %arg3[%run_scoped3A_5, %dma_wait3A_247, %dma_wait3A_248] : memref<2x2500x128xi32, #tpu.memory_space<hbm>> -> memref<1x2500x128xi32, #tpu.memory_space<hbm>>
      %dma_wait3A_250 = tpu.memref_squeeze %dma_wait3A_249 : memref<1x2500x128xi32, #tpu.memory_space<hbm>> -> memref<2500x128xi32, #tpu.memory_space<hbm>>
      %dma_wait3A_251 = arith.constant 0 : i32
      %dma_wait3A_252 = tpu.memref_slice %dma_wait3A_250[%mul3A_4, %dma_wait3A_251] : memref<2500x128xi32, #tpu.memory_space<hbm>> -> memref<78x128xi32, #tpu.memory_space<hbm>>
      tpu.wait_dma2 semaphore(%run_scoped3A_216 : memref<!tpu.dma_semaphore, #tpu.memory_space<semaphore_mem>>) src(%dma_wait3A_252 : memref<78x128xi32, #tpu.memory_space<hbm>>) dst(%dma_wait3A_246 : memref<78x128xi32, #tpu.memory_space<vmem>>)
      tpu.yield
    }) : () -> ()
    %lt3A = arith.constant 4 : i32
    %lt3A_6 = arith.cmpi slt, %add3A, %lt3A : i32
    %convert_element_type3A = arith.extui %lt3A_6 : i1 to i32
    %cond3A = arith.constant 0 : i32
    %cond3A_7 = arith.constant 1 : i32
    %cond3A_8 = arith.constant 0 : i32
    %cond3A_9 = arith.cmpi ne, %convert_element_type3A, %cond3A_8 : i32
    scf.if %cond3A_9 {
      %add3A_216 = arith.constant 2496 : i32
      %add3A_217 = arith.addi %add3A_216, %add3A : i32
      "tpu.region"() ({
        %run_scoped3A_220 = tpu.sem_alloc : memref<!tpu.dma_semaphore, #tpu.memory_space<semaphore_mem>>
        %dma_start3A_221 = arith.constant 78 : i32
        %dma_start3A_222 = arith.constant 0 : i32
        %dma_start3A_223 = tpu.memref_slice %arg6[%dma_start3A_221, %dma_start3A_222] : memref<79x128xi32, #tpu.memory_space<vmem>> -> memref<1x128xi32, #tpu.memory_space<vmem>>
        %dma_start3A_224 = arith.constant 0 : i32
        %dma_start3A_225 = arith.constant 0 : i32
        %dma_start3A_226 = tpu.memref_slice %arg3[%cond3A, %dma_start3A_224, %dma_start3A_225] : memref<2x2500x128xi32, #tpu.memory_space<hbm>> -> memref<1x2500x128xi32, #tpu.memory_space<hbm>>
        %dma_start3A_227 = tpu.memref_squeeze %dma_start3A_226 : memref<1x2500x128xi32, #tpu.memory_space<hbm>> -> memref<2500x128xi32, #tpu.memory_space<hbm>>
        %dma_start3A_228 = arith.constant 0 : i32
        %dma_start3A_229 = tpu.memref_slice %dma_start3A_227[%add3A_217, %dma_start3A_228] : memref<2500x128xi32, #tpu.memory_space<hbm>> -> memref<1x128xi32, #tpu.memory_space<hbm>>
        %dma_start3A_230 = arith.constant 78 : i32
        %dma_start3A_231 = arith.constant 0 : i32
        %dma_start3A_232 = tpu.memref_slice %arg6[%dma_start3A_230, %dma_start3A_231] : memref<79x128xi32, #tpu.memory_space<vmem>> -> memref<1x128xi32, #tpu.memory_space<vmem>>
        %dma_start3A_233 = arith.constant 0 : i32
        %dma_start3A_234 = arith.constant 0 : i32
        %dma_start3A_235 = tpu.memref_slice %arg3[%cond3A, %dma_start3A_233, %dma_start3A_234] : memref<2x2500x128xi32, #tpu.memory_space<hbm>> -> memref<1x2500x128xi32, #tpu.memory_space<hbm>>
        %dma_start3A_236 = tpu.memref_squeeze %dma_start3A_235 : memref<1x2500x128xi32, #tpu.memory_space<hbm>> -> memref<2500x128xi32, #tpu.memory_space<hbm>>
        %dma_start3A_237 = arith.constant 0 : i32
        %dma_start3A_238 = tpu.memref_slice %dma_start3A_236[%add3A_217, %dma_start3A_237] : memref<2500x128xi32, #tpu.memory_space<hbm>> -> memref<1x128xi32, #tpu.memory_space<hbm>>
        tpu.enqueue_dma source(%dma_start3A_238 : memref<1x128xi32, #tpu.memory_space<hbm>>) target(%dma_start3A_232 : memref<1x128xi32, #tpu.memory_space<vmem>>) target_semaphore(%run_scoped3A_220 : memref<!tpu.dma_semaphore, #tpu.memory_space<semaphore_mem>>)
        %dma_wait3A_239 = arith.constant 78 : i32
        %dma_wait3A_240 = arith.constant 0 : i32
        %dma_wait3A_241 = tpu.memref_slice %arg6[%dma_wait3A_239, %dma_wait3A_240] : memref<79x128xi32, #tpu.memory_space<vmem>> -> memref<1x128xi32, #tpu.memory_space<vmem>>
        %dma_wait3A_242 = arith.constant 0 : i32
        %dma_wait3A_243 = arith.constant 0 : i32
        %dma_wait3A_244 = tpu.memref_slice %arg3[%cond3A, %dma_wait3A_242, %dma_wait3A_243] : memref<2x2500x128xi32, #tpu.memory_space<hbm>> -> memref<1x2500x128xi32, #tpu.memory_space<hbm>>
        %dma_wait3A_245 = tpu.memref_squeeze %dma_wait3A_244 : memref<1x2500x128xi32, #tpu.memory_space<hbm>> -> memref<2500x128xi32, #tpu.memory_space<hbm>>
        %dma_wait3A_246 = arith.constant 0 : i32
        %dma_wait3A_247 = tpu.memref_slice %dma_wait3A_245[%add3A_217, %dma_wait3A_246] : memref<2500x128xi32, #tpu.memory_space<hbm>> -> memref<1x128xi32, #tpu.memory_space<hbm>>
        %dma_wait3A_248 = arith.constant 78 : i32
        %dma_wait3A_249 = arith.constant 0 : i32
        %dma_wait3A_250 = tpu.memref_slice %arg6[%dma_wait3A_248, %dma_wait3A_249] : memref<79x128xi32, #tpu.memory_space<vmem>> -> memref<1x128xi32, #tpu.memory_space<vmem>>
        %dma_wait3A_251 = arith.constant 0 : i32
        %dma_wait3A_252 = arith.constant 0 : i32
        %dma_wait3A_253 = tpu.memref_slice %arg3[%cond3A, %dma_wait3A_251, %dma_wait3A_252] : memref<2x2500x128xi32, #tpu.memory_space<hbm>> -> memref<1x2500x128xi32, #tpu.memory_space<hbm>>
        %dma_wait3A_254 = tpu.memref_squeeze %dma_wait3A_253 : memref<1x2500x128xi32, #tpu.memory_space<hbm>> -> memref<2500x128xi32, #tpu.memory_space<hbm>>
        %dma_wait3A_255 = arith.constant 0 : i32
        %dma_wait3A_256 = tpu.memref_slice %dma_wait3A_254[%add3A_217, %dma_wait3A_255] : memref<2500x128xi32, #tpu.memory_space<hbm>> -> memref<1x128xi32, #tpu.memory_space<hbm>>
        tpu.wait_dma2 semaphore(%run_scoped3A_220 : memref<!tpu.dma_semaphore, #tpu.memory_space<semaphore_mem>>) src(%dma_wait3A_256 : memref<1x128xi32, #tpu.memory_space<hbm>>) dst(%dma_wait3A_250 : memref<1x128xi32, #tpu.memory_space<vmem>>)
        tpu.yield
      }) : () -> ()
      %add3A_218 = arith.constant 2496 : i32
      %add3A_219 = arith.addi %add3A_218, %add3A : i32
      "tpu.region"() ({
        %run_scoped3A_220 = tpu.sem_alloc : memref<!tpu.dma_semaphore, #tpu.memory_space<semaphore_mem>>
        %dma_start3A_221 = arith.constant 78 : i32
        %dma_start3A_222 = arith.constant 0 : i32
        %dma_start3A_223 = tpu.memref_slice %arg7[%dma_start3A_221, %dma_start3A_222] : memref<79x128xi32, #tpu.memory_space<vmem>> -> memref<1x128xi32, #tpu.memory_space<vmem>>
        %dma_start3A_224 = arith.constant 0 : i32
        %dma_start3A_225 = arith.constant 0 : i32
        %dma_start3A_226 = tpu.memref_slice %arg3[%cond3A_7, %dma_start3A_224, %dma_start3A_225] : memref<2x2500x128xi32, #tpu.memory_space<hbm>> -> memref<1x2500x128xi32, #tpu.memory_space<hbm>>
        %dma_start3A_227 = tpu.memref_squeeze %dma_start3A_226 : memref<1x2500x128xi32, #tpu.memory_space<hbm>> -> memref<2500x128xi32, #tpu.memory_space<hbm>>
        %dma_start3A_228 = arith.constant 0 : i32
        %dma_start3A_229 = tpu.memref_slice %dma_start3A_227[%add3A_219, %dma_start3A_228] : memref<2500x128xi32, #tpu.memory_space<hbm>> -> memref<1x128xi32, #tpu.memory_space<hbm>>
        %dma_start3A_230 = arith.constant 78 : i32
        %dma_start3A_231 = arith.constant 0 : i32
        %dma_start3A_232 = tpu.memref_slice %arg7[%dma_start3A_230, %dma_start3A_231] : memref<79x128xi32, #tpu.memory_space<vmem>> -> memref<1x128xi32, #tpu.memory_space<vmem>>
        %dma_start3A_233 = arith.constant 0 : i32
        %dma_start3A_234 = arith.constant 0 : i32
        %dma_start3A_235 = tpu.memref_slice %arg3[%cond3A_7, %dma_start3A_233, %dma_start3A_234] : memref<2x2500x128xi32, #tpu.memory_space<hbm>> -> memref<1x2500x128xi32, #tpu.memory_space<hbm>>
        %dma_start3A_236 = tpu.memref_squeeze %dma_start3A_235 : memref<1x2500x128xi32, #tpu.memory_space<hbm>> -> memref<2500x128xi32, #tpu.memory_space<hbm>>
        %dma_start3A_237 = arith.constant 0 : i32
        %dma_start3A_238 = tpu.memref_slice %dma_start3A_236[%add3A_219, %dma_start3A_237] : memref<2500x128xi32, #tpu.memory_space<hbm>> -> memref<1x128xi32, #tpu.memory_space<hbm>>
        tpu.enqueue_dma source(%dma_start3A_238 : memref<1x128xi32, #tpu.memory_space<hbm>>) target(%dma_start3A_232 : memref<1x128xi32, #tpu.memory_space<vmem>>) target_semaphore(%run_scoped3A_220 : memref<!tpu.dma_semaphore, #tpu.memory_space<semaphore_mem>>)
        %dma_wait3A_239 = arith.constant 78 : i32
        %dma_wait3A_240 = arith.constant 0 : i32
        %dma_wait3A_241 = tpu.memref_slice %arg7[%dma_wait3A_239, %dma_wait3A_240] : memref<79x128xi32, #tpu.memory_space<vmem>> -> memref<1x128xi32, #tpu.memory_space<vmem>>
        %dma_wait3A_242 = arith.constant 0 : i32
        %dma_wait3A_243 = arith.constant 0 : i32
        %dma_wait3A_244 = tpu.memref_slice %arg3[%cond3A_7, %dma_wait3A_242, %dma_wait3A_243] : memref<2x2500x128xi32, #tpu.memory_space<hbm>> -> memref<1x2500x128xi32, #tpu.memory_space<hbm>>
        %dma_wait3A_245 = tpu.memref_squeeze %dma_wait3A_244 : memref<1x2500x128xi32, #tpu.memory_space<hbm>> -> memref<2500x128xi32, #tpu.memory_space<hbm>>
        %dma_wait3A_246 = arith.constant 0 : i32
        %dma_wait3A_247 = tpu.memref_slice %dma_wait3A_245[%add3A_219, %dma_wait3A_246] : memref<2500x128xi32, #tpu.memory_space<hbm>> -> memref<1x128xi32, #tpu.memory_space<hbm>>
        %dma_wait3A_248 = arith.constant 78 : i32
        %dma_wait3A_249 = arith.constant 0 : i32
        %dma_wait3A_250 = tpu.memref_slice %arg7[%dma_wait3A_248, %dma_wait3A_249] : memref<79x128xi32, #tpu.memory_space<vmem>> -> memref<1x128xi32, #tpu.memory_space<vmem>>
        %dma_wait3A_251 = arith.constant 0 : i32
        %dma_wait3A_252 = arith.constant 0 : i32
        %dma_wait3A_253 = tpu.memref_slice %arg3[%cond3A_7, %dma_wait3A_251, %dma_wait3A_252] : memref<2x2500x128xi32, #tpu.memory_space<hbm>> -> memref<1x2500x128xi32, #tpu.memory_space<hbm>>
        %dma_wait3A_254 = tpu.memref_squeeze %dma_wait3A_253 : memref<1x2500x128xi32, #tpu.memory_space<hbm>> -> memref<2500x128xi32, #tpu.memory_space<hbm>>
        %dma_wait3A_255 = arith.constant 0 : i32
        %dma_wait3A_256 = tpu.memref_slice %dma_wait3A_254[%add3A_219, %dma_wait3A_255] : memref<2500x128xi32, #tpu.memory_space<hbm>> -> memref<1x128xi32, #tpu.memory_space<hbm>>
        tpu.wait_dma2 semaphore(%run_scoped3A_220 : memref<!tpu.dma_semaphore, #tpu.memory_space<semaphore_mem>>) src(%dma_wait3A_256 : memref<1x128xi32, #tpu.memory_space<hbm>>) dst(%dma_wait3A_250 : memref<1x128xi32, #tpu.memory_space<vmem>>)
        tpu.yield
      }) : () -> ()
    } else {
    }
    %mul3A_10 = arith.constant 632 : i32
    %mul3A_11 = arith.muli %arg1, %mul3A_10 : i32
    %mul3A_12 = arith.constant 632 : i32
    %mul3A_13 = arith.muli %arg1, %mul3A_12 : i32
    "tpu.region"() ({
      %run_scoped3A_216 = tpu.sem_alloc : memref<!tpu.dma_semaphore, #tpu.memory_space<semaphore_mem>>
      %dma_start3A_217 = arith.constant 0 : i32
      %dma_start3A_218 = tpu.memref_slice %arg16[%mul3A_13, %dma_start3A_217] : memref<10112x64xf32, #tpu.memory_space<vmem_shared>> -> memref<632x64xf32, #tpu.memory_space<vmem_shared>>
      %dma_start3A_219 = arith.constant 0 : i32
      %dma_start3A_220 = tpu.memref_slice %arg4[%mul3A_11, %dma_start3A_219] : memref<10112x64xf32, #tpu.memory_space<hbm>> -> memref<632x64xf32, #tpu.memory_space<hbm>>
      tpu.enqueue_dma source(%dma_start3A_220 : memref<632x64xf32, #tpu.memory_space<hbm>>) target(%dma_start3A_218 : memref<632x64xf32, #tpu.memory_space<vmem_shared>>) target_semaphore(%run_scoped3A_216 : memref<!tpu.dma_semaphore, #tpu.memory_space<semaphore_mem>>)
      %dma_wait3A_221 = arith.constant 0 : i32
      %dma_wait3A_222 = tpu.memref_slice %arg16[%mul3A_13, %dma_wait3A_221] : memref<10112x64xf32, #tpu.memory_space<vmem_shared>> -> memref<632x64xf32, #tpu.memory_space<vmem_shared>>
      %dma_wait3A_223 = arith.constant 0 : i32
      %dma_wait3A_224 = tpu.memref_slice %arg4[%mul3A_11, %dma_wait3A_223] : memref<10112x64xf32, #tpu.memory_space<hbm>> -> memref<632x64xf32, #tpu.memory_space<hbm>>
      tpu.wait_dma2 semaphore(%run_scoped3A_216 : memref<!tpu.dma_semaphore, #tpu.memory_space<semaphore_mem>>) src(%dma_wait3A_224 : memref<632x64xf32, #tpu.memory_space<hbm>>) dst(%dma_wait3A_222 : memref<632x64xf32, #tpu.memory_space<vmem_shared>>)
      tpu.yield
    }) : () -> ()
    %barrier3A = arith.constant 0 : index
    tpu.barrier barrier_id(%barrier3A)
    %dma_start3A = arith.constant 0 : i32
    %dma_start3A_14 = arith.constant 0 : i32
    %dma_start3A_15 = tpu.memref_slice %arg6[%dma_start3A, %dma_start3A_14] : memref<79x128xi32, #tpu.memory_space<vmem>> -> memref<1x128xi32, #tpu.memory_space<vmem>>
    %dma_start3A_16 = tpu.memref_squeeze %dma_start3A_15 : memref<1x128xi32, #tpu.memory_space<vmem>> -> memref<128xi32, #tpu.memory_space<vmem>>
    %dma_start3A_17 = arith.constant 0 : i32
    %dma_start3A_18 = arith.constant 0 : i32
    %dma_start3A_19 = tpu.memref_slice %arg2[%dma_start3A_17, %dma_start3A_18] : memref<10000x64xf32, #tpu.memory_space<hbm>> -> memref<10000x64xf32, #tpu.memory_space<hbm>>
    tpu.enqueue_indirect_dma source(%dma_start3A_19 : memref<10000x64xf32, #tpu.memory_space<hbm>>) target(%arg8 : memref<128x64xf32, #tpu.memory_space<vmem>>) offsets(%dma_start3A_16 : memref<128xi32, #tpu.memory_space<vmem>>) semaphore(%arg17 : memref<!tpu.dma_semaphore, #tpu.memory_space<semaphore_mem>>)
    %dma_start3A_20 = arith.constant 1 : i32
    %dma_start3A_21 = arith.constant 0 : i32
    %dma_start3A_22 = tpu.memref_slice %arg6[%dma_start3A_20, %dma_start3A_21] : memref<79x128xi32, #tpu.memory_space<vmem>> -> memref<1x128xi32, #tpu.memory_space<vmem>>
    %dma_start3A_23 = tpu.memref_squeeze %dma_start3A_22 : memref<1x128xi32, #tpu.memory_space<vmem>> -> memref<128xi32, #tpu.memory_space<vmem>>
    %dma_start3A_24 = arith.constant 0 : i32
    %dma_start3A_25 = arith.constant 0 : i32
    %dma_start3A_26 = tpu.memref_slice %arg2[%dma_start3A_24, %dma_start3A_25] : memref<10000x64xf32, #tpu.memory_space<hbm>> -> memref<10000x64xf32, #tpu.memory_space<hbm>>
    tpu.enqueue_indirect_dma source(%dma_start3A_26 : memref<10000x64xf32, #tpu.memory_space<hbm>>) target(%arg9 : memref<128x64xf32, #tpu.memory_space<vmem>>) offsets(%dma_start3A_23 : memref<128xi32, #tpu.memory_space<vmem>>) semaphore(%arg18 : memref<!tpu.dma_semaphore, #tpu.memory_space<semaphore_mem>>)
    %dma_start3A_27 = arith.constant 2 : i32
    %dma_start3A_28 = arith.constant 0 : i32
    %dma_start3A_29 = tpu.memref_slice %arg6[%dma_start3A_27, %dma_start3A_28] : memref<79x128xi32, #tpu.memory_space<vmem>> -> memref<1x128xi32, #tpu.memory_space<vmem>>
    %dma_start3A_30 = tpu.memref_squeeze %dma_start3A_29 : memref<1x128xi32, #tpu.memory_space<vmem>> -> memref<128xi32, #tpu.memory_space<vmem>>
    %dma_start3A_31 = arith.constant 0 : i32
    %dma_start3A_32 = arith.constant 0 : i32
    %dma_start3A_33 = tpu.memref_slice %arg2[%dma_start3A_31, %dma_start3A_32] : memref<10000x64xf32, #tpu.memory_space<hbm>> -> memref<10000x64xf32, #tpu.memory_space<hbm>>
    tpu.enqueue_indirect_dma source(%dma_start3A_33 : memref<10000x64xf32, #tpu.memory_space<hbm>>) target(%arg10 : memref<128x64xf32, #tpu.memory_space<vmem>>) offsets(%dma_start3A_30 : memref<128xi32, #tpu.memory_space<vmem>>) semaphore(%arg19 : memref<!tpu.dma_semaphore, #tpu.memory_space<semaphore_mem>>)
    %dma_start3A_34 = arith.constant 3 : i32
    %dma_start3A_35 = arith.constant 0 : i32
    %dma_start3A_36 = tpu.memref_slice %arg6[%dma_start3A_34, %dma_start3A_35] : memref<79x128xi32, #tpu.memory_space<vmem>> -> memref<1x128xi32, #tpu.memory_space<vmem>>
    %dma_start3A_37 = tpu.memref_squeeze %dma_start3A_36 : memref<1x128xi32, #tpu.memory_space<vmem>> -> memref<128xi32, #tpu.memory_space<vmem>>
    %dma_start3A_38 = arith.constant 0 : i32
    %dma_start3A_39 = arith.constant 0 : i32
    %dma_start3A_40 = tpu.memref_slice %arg2[%dma_start3A_38, %dma_start3A_39] : memref<10000x64xf32, #tpu.memory_space<hbm>> -> memref<10000x64xf32, #tpu.memory_space<hbm>>
    tpu.enqueue_indirect_dma source(%dma_start3A_40 : memref<10000x64xf32, #tpu.memory_space<hbm>>) target(%arg11 : memref<128x64xf32, #tpu.memory_space<vmem>>) offsets(%dma_start3A_37 : memref<128xi32, #tpu.memory_space<vmem>>) semaphore(%arg20 : memref<!tpu.dma_semaphore, #tpu.memory_space<semaphore_mem>>)
    %dma_start3A_41 = arith.constant 4 : i32
    %dma_start3A_42 = arith.constant 0 : i32
    %dma_start3A_43 = tpu.memref_slice %arg6[%dma_start3A_41, %dma_start3A_42] : memref<79x128xi32, #tpu.memory_space<vmem>> -> memref<1x128xi32, #tpu.memory_space<vmem>>
    %dma_start3A_44 = tpu.memref_squeeze %dma_start3A_43 : memref<1x128xi32, #tpu.memory_space<vmem>> -> memref<128xi32, #tpu.memory_space<vmem>>
    %dma_start3A_45 = arith.constant 0 : i32
    %dma_start3A_46 = arith.constant 0 : i32
    %dma_start3A_47 = tpu.memref_slice %arg2[%dma_start3A_45, %dma_start3A_46] : memref<10000x64xf32, #tpu.memory_space<hbm>> -> memref<10000x64xf32, #tpu.memory_space<hbm>>
    tpu.enqueue_indirect_dma source(%dma_start3A_47 : memref<10000x64xf32, #tpu.memory_space<hbm>>) target(%arg12 : memref<128x64xf32, #tpu.memory_space<vmem>>) offsets(%dma_start3A_44 : memref<128xi32, #tpu.memory_space<vmem>>) semaphore(%arg21 : memref<!tpu.dma_semaphore, #tpu.memory_space<semaphore_mem>>)
    %dma_start3A_48 = arith.constant 5 : i32
    %dma_start3A_49 = arith.constant 0 : i32
    %dma_start3A_50 = tpu.memref_slice %arg6[%dma_start3A_48, %dma_start3A_49] : memref<79x128xi32, #tpu.memory_space<vmem>> -> memref<1x128xi32, #tpu.memory_space<vmem>>
    %dma_start3A_51 = tpu.memref_squeeze %dma_start3A_50 : memref<1x128xi32, #tpu.memory_space<vmem>> -> memref<128xi32, #tpu.memory_space<vmem>>
    %dma_start3A_52 = arith.constant 0 : i32
    %dma_start3A_53 = arith.constant 0 : i32
    %dma_start3A_54 = tpu.memref_slice %arg2[%dma_start3A_52, %dma_start3A_53] : memref<10000x64xf32, #tpu.memory_space<hbm>> -> memref<10000x64xf32, #tpu.memory_space<hbm>>
    tpu.enqueue_indirect_dma source(%dma_start3A_54 : memref<10000x64xf32, #tpu.memory_space<hbm>>) target(%arg13 : memref<128x64xf32, #tpu.memory_space<vmem>>) offsets(%dma_start3A_51 : memref<128xi32, #tpu.memory_space<vmem>>) semaphore(%arg22 : memref<!tpu.dma_semaphore, #tpu.memory_space<semaphore_mem>>)
    %dma_start3A_55 = arith.constant 6 : i32
    %dma_start3A_56 = arith.constant 0 : i32
    %dma_start3A_57 = tpu.memref_slice %arg6[%dma_start3A_55, %dma_start3A_56] : memref<79x128xi32, #tpu.memory_space<vmem>> -> memref<1x128xi32, #tpu.memory_space<vmem>>
    %dma_start3A_58 = tpu.memref_squeeze %dma_start3A_57 : memref<1x128xi32, #tpu.memory_space<vmem>> -> memref<128xi32, #tpu.memory_space<vmem>>
    %dma_start3A_59 = arith.constant 0 : i32
    %dma_start3A_60 = arith.constant 0 : i32
    %dma_start3A_61 = tpu.memref_slice %arg2[%dma_start3A_59, %dma_start3A_60] : memref<10000x64xf32, #tpu.memory_space<hbm>> -> memref<10000x64xf32, #tpu.memory_space<hbm>>
    tpu.enqueue_indirect_dma source(%dma_start3A_61 : memref<10000x64xf32, #tpu.memory_space<hbm>>) target(%arg14 : memref<128x64xf32, #tpu.memory_space<vmem>>) offsets(%dma_start3A_58 : memref<128xi32, #tpu.memory_space<vmem>>) semaphore(%arg23 : memref<!tpu.dma_semaphore, #tpu.memory_space<semaphore_mem>>)
    %dma_start3A_62 = arith.constant 7 : i32
    %dma_start3A_63 = arith.constant 0 : i32
    %dma_start3A_64 = tpu.memref_slice %arg6[%dma_start3A_62, %dma_start3A_63] : memref<79x128xi32, #tpu.memory_space<vmem>> -> memref<1x128xi32, #tpu.memory_space<vmem>>
    %dma_start3A_65 = tpu.memref_squeeze %dma_start3A_64 : memref<1x128xi32, #tpu.memory_space<vmem>> -> memref<128xi32, #tpu.memory_space<vmem>>
    %dma_start3A_66 = arith.constant 0 : i32
    %dma_start3A_67 = arith.constant 0 : i32
    %dma_start3A_68 = tpu.memref_slice %arg2[%dma_start3A_66, %dma_start3A_67] : memref<10000x64xf32, #tpu.memory_space<hbm>> -> memref<10000x64xf32, #tpu.memory_space<hbm>>
    tpu.enqueue_indirect_dma source(%dma_start3A_68 : memref<10000x64xf32, #tpu.memory_space<hbm>>) target(%arg15 : memref<128x64xf32, #tpu.memory_space<vmem>>) offsets(%dma_start3A_65 : memref<128xi32, #tpu.memory_space<vmem>>) semaphore(%arg24 : memref<!tpu.dma_semaphore, #tpu.memory_space<semaphore_mem>>)
    %scan3A = arith.constant 0 : i32
    %scan3A_69 = arith.constant 9 : i32
    %scan3A_70 = arith.addi %scan3A, %scan3A_69 : i32
    %scan3A_71 = arith.constant 1 : i32
    scf.for %scan3A_216 = %scan3A to %scan3A_70 step %scan3A_71  : i32 {
      %mul3A_217 = arith.constant 8 : i32
      %mul3A_218 = arith.muli %scan3A_216, %mul3A_217 : i32
      %add3A_219 = arith.constant 0 : i32
      %add3A_220 = arith.addi %add3A_219, %mul3A_218 : i32
      %dma_wait3A_221 = arith.constant 0 : i32
      %dma_wait3A_222 = arith.constant 0 : i32
      %dma_wait3A_223 = tpu.memref_slice %arg2[%dma_wait3A_221, %dma_wait3A_222] : memref<10000x64xf32, #tpu.memory_space<hbm>> -> memref<128x64xf32, #tpu.memory_space<hbm>>
      %dma_wait3A_224 = arith.constant 0 : i32
      %dma_wait3A_225 = arith.constant 0 : i32
      %dma_wait3A_226 = tpu.memref_slice %arg2[%dma_wait3A_224, %dma_wait3A_225] : memref<10000x64xf32, #tpu.memory_space<hbm>> -> memref<128x64xf32, #tpu.memory_space<hbm>>
      tpu.wait_dma2 semaphore(%arg17 : memref<!tpu.dma_semaphore, #tpu.memory_space<semaphore_mem>>) src(%dma_wait3A_226 : memref<128x64xf32, #tpu.memory_space<hbm>>) dst(%arg8 : memref<128x64xf32, #tpu.memory_space<vmem>>)
      %add3A_227 = arith.constant 0 : i32
      %add3A_228 = arith.addi %add3A_220, %add3A_227 : i32
      %dma_start3A_229 = arith.constant 0 : i32
      %dma_start3A_230 = tpu.memref_slice %arg7[%add3A_228, %dma_start3A_229] : memref<79x128xi32, #tpu.memory_space<vmem>> -> memref<1x128xi32, #tpu.memory_space<vmem>>
      %dma_start3A_231 = tpu.memref_squeeze %dma_start3A_230 : memref<1x128xi32, #tpu.memory_space<vmem>> -> memref<128xi32, #tpu.memory_space<vmem>>
      %dma_start3A_232 = arith.constant 0 : i32
      %dma_start3A_233 = arith.constant 0 : i32
      %dma_start3A_234 = tpu.memref_slice %arg16[%dma_start3A_232, %dma_start3A_233] : memref<10112x64xf32, #tpu.memory_space<vmem_shared>> -> memref<10112x64xf32, #tpu.memory_space<vmem_shared>>
      tpu.enqueue_indirect_dma source(%arg8 : memref<128x64xf32, #tpu.memory_space<vmem>>) target(%dma_start3A_234 : memref<10112x64xf32, #tpu.memory_space<vmem_shared>>) offsets(%dma_start3A_231 : memref<128xi32, #tpu.memory_space<vmem>>) semaphore(%arg25 : memref<!tpu.dma_semaphore, #tpu.memory_space<semaphore_mem>>) {add = true}
      %dma_wait3A_235 = arith.constant 0 : i32
      %dma_wait3A_236 = arith.constant 0 : i32
      %dma_wait3A_237 = tpu.memref_slice %arg2[%dma_wait3A_235, %dma_wait3A_236] : memref<10000x64xf32, #tpu.memory_space<hbm>> -> memref<128x64xf32, #tpu.memory_space<hbm>>
      %dma_wait3A_238 = arith.constant 0 : i32
      %dma_wait3A_239 = arith.constant 0 : i32
      %dma_wait3A_240 = tpu.memref_slice %arg2[%dma_wait3A_238, %dma_wait3A_239] : memref<10000x64xf32, #tpu.memory_space<hbm>> -> memref<128x64xf32, #tpu.memory_space<hbm>>
      tpu.wait_dma2 semaphore(%arg18 : memref<!tpu.dma_semaphore, #tpu.memory_space<semaphore_mem>>) src(%dma_wait3A_240 : memref<128x64xf32, #tpu.memory_space<hbm>>) dst(%arg9 : memref<128x64xf32, #tpu.memory_space<vmem>>)
      %add3A_241 = arith.constant 1 : i32
      %add3A_242 = arith.addi %add3A_220, %add3A_241 : i32
      %dma_start3A_243 = arith.constant 0 : i32
      %dma_start3A_244 = tpu.memref_slice %arg7[%add3A_242, %dma_start3A_243] : memref<79x128xi32, #tpu.memory_space<vmem>> -> memref<1x128xi32, #tpu.memory_space<vmem>>
      %dma_start3A_245 = tpu.memref_squeeze %dma_start3A_244 : memref<1x128xi32, #tpu.memory_space<vmem>> -> memref<128xi32, #tpu.memory_space<vmem>>
      %dma_start3A_246 = arith.constant 0 : i32
      %dma_start3A_247 = arith.constant 0 : i32
      %dma_start3A_248 = tpu.memref_slice %arg16[%dma_start3A_246, %dma_start3A_247] : memref<10112x64xf32, #tpu.memory_space<vmem_shared>> -> memref<10112x64xf32, #tpu.memory_space<vmem_shared>>
      tpu.enqueue_indirect_dma source(%arg9 : memref<128x64xf32, #tpu.memory_space<vmem>>) target(%dma_start3A_248 : memref<10112x64xf32, #tpu.memory_space<vmem_shared>>) offsets(%dma_start3A_245 : memref<128xi32, #tpu.memory_space<vmem>>) semaphore(%arg26 : memref<!tpu.dma_semaphore, #tpu.memory_space<semaphore_mem>>) {add = true}
      %dma_wait3A_249 = arith.constant 0 : i32
      %dma_wait3A_250 = arith.constant 0 : i32
      %dma_wait3A_251 = tpu.memref_slice %arg2[%dma_wait3A_249, %dma_wait3A_250] : memref<10000x64xf32, #tpu.memory_space<hbm>> -> memref<128x64xf32, #tpu.memory_space<hbm>>
      %dma_wait3A_252 = arith.constant 0 : i32
      %dma_wait3A_253 = arith.constant 0 : i32
      %dma_wait3A_254 = tpu.memref_slice %arg2[%dma_wait3A_252, %dma_wait3A_253] : memref<10000x64xf32, #tpu.memory_space<hbm>> -> memref<128x64xf32, #tpu.memory_space<hbm>>
      tpu.wait_dma2 semaphore(%arg19 : memref<!tpu.dma_semaphore, #tpu.memory_space<semaphore_mem>>) src(%dma_wait3A_254 : memref<128x64xf32, #tpu.memory_space<hbm>>) dst(%arg10 : memref<128x64xf32, #tpu.memory_space<vmem>>)
      %add3A_255 = arith.constant 2 : i32
      %add3A_256 = arith.addi %add3A_220, %add3A_255 : i32
      %dma_start3A_257 = arith.constant 0 : i32
      %dma_start3A_258 = tpu.memref_slice %arg7[%add3A_256, %dma_start3A_257] : memref<79x128xi32, #tpu.memory_space<vmem>> -> memref<1x128xi32, #tpu.memory_space<vmem>>
      %dma_start3A_259 = tpu.memref_squeeze %dma_start3A_258 : memref<1x128xi32, #tpu.memory_space<vmem>> -> memref<128xi32, #tpu.memory_space<vmem>>
      %dma_start3A_260 = arith.constant 0 : i32
      %dma_start3A_261 = arith.constant 0 : i32
      %dma_start3A_262 = tpu.memref_slice %arg16[%dma_start3A_260, %dma_start3A_261] : memref<10112x64xf32, #tpu.memory_space<vmem_shared>> -> memref<10112x64xf32, #tpu.memory_space<vmem_shared>>
      tpu.enqueue_indirect_dma source(%arg10 : memref<128x64xf32, #tpu.memory_space<vmem>>) target(%dma_start3A_262 : memref<10112x64xf32, #tpu.memory_space<vmem_shared>>) offsets(%dma_start3A_259 : memref<128xi32, #tpu.memory_space<vmem>>) semaphore(%arg27 : memref<!tpu.dma_semaphore, #tpu.memory_space<semaphore_mem>>) {add = true}
      %dma_wait3A_263 = arith.constant 0 : i32
      %dma_wait3A_264 = arith.constant 0 : i32
      %dma_wait3A_265 = tpu.memref_slice %arg2[%dma_wait3A_263, %dma_wait3A_264] : memref<10000x64xf32, #tpu.memory_space<hbm>> -> memref<128x64xf32, #tpu.memory_space<hbm>>
      %dma_wait3A_266 = arith.constant 0 : i32
      %dma_wait3A_267 = arith.constant 0 : i32
      %dma_wait3A_268 = tpu.memref_slice %arg2[%dma_wait3A_266, %dma_wait3A_267] : memref<10000x64xf32, #tpu.memory_space<hbm>> -> memref<128x64xf32, #tpu.memory_space<hbm>>
      tpu.wait_dma2 semaphore(%arg20 : memref<!tpu.dma_semaphore, #tpu.memory_space<semaphore_mem>>) src(%dma_wait3A_268 : memref<128x64xf32, #tpu.memory_space<hbm>>) dst(%arg11 : memref<128x64xf32, #tpu.memory_space<vmem>>)
      %add3A_269 = arith.constant 3 : i32
      %add3A_270 = arith.addi %add3A_220, %add3A_269 : i32
      %dma_start3A_271 = arith.constant 0 : i32
      %dma_start3A_272 = tpu.memref_slice %arg7[%add3A_270, %dma_start3A_271] : memref<79x128xi32, #tpu.memory_space<vmem>> -> memref<1x128xi32, #tpu.memory_space<vmem>>
      %dma_start3A_273 = tpu.memref_squeeze %dma_start3A_272 : memref<1x128xi32, #tpu.memory_space<vmem>> -> memref<128xi32, #tpu.memory_space<vmem>>
      %dma_start3A_274 = arith.constant 0 : i32
      %dma_start3A_275 = arith.constant 0 : i32
      %dma_start3A_276 = tpu.memref_slice %arg16[%dma_start3A_274, %dma_start3A_275] : memref<10112x64xf32, #tpu.memory_space<vmem_shared>> -> memref<10112x64xf32, #tpu.memory_space<vmem_shared>>
      tpu.enqueue_indirect_dma source(%arg11 : memref<128x64xf32, #tpu.memory_space<vmem>>) target(%dma_start3A_276 : memref<10112x64xf32, #tpu.memory_space<vmem_shared>>) offsets(%dma_start3A_273 : memref<128xi32, #tpu.memory_space<vmem>>) semaphore(%arg28 : memref<!tpu.dma_semaphore, #tpu.memory_space<semaphore_mem>>) {add = true}
      %dma_wait3A_277 = arith.constant 0 : i32
      %dma_wait3A_278 = arith.constant 0 : i32
      %dma_wait3A_279 = tpu.memref_slice %arg2[%dma_wait3A_277, %dma_wait3A_278] : memref<10000x64xf32, #tpu.memory_space<hbm>> -> memref<128x64xf32, #tpu.memory_space<hbm>>
      %dma_wait3A_280 = arith.constant 0 : i32
      %dma_wait3A_281 = arith.constant 0 : i32
      %dma_wait3A_282 = tpu.memref_slice %arg2[%dma_wait3A_280, %dma_wait3A_281] : memref<10000x64xf32, #tpu.memory_space<hbm>> -> memref<128x64xf32, #tpu.memory_space<hbm>>
      tpu.wait_dma2 semaphore(%arg21 : memref<!tpu.dma_semaphore, #tpu.memory_space<semaphore_mem>>) src(%dma_wait3A_282 : memref<128x64xf32, #tpu.memory_space<hbm>>) dst(%arg12 : memref<128x64xf32, #tpu.memory_space<vmem>>)
      %add3A_283 = arith.constant 4 : i32
      %add3A_284 = arith.addi %add3A_220, %add3A_283 : i32
      %dma_start3A_285 = arith.constant 0 : i32
      %dma_start3A_286 = tpu.memref_slice %arg7[%add3A_284, %dma_start3A_285] : memref<79x128xi32, #tpu.memory_space<vmem>> -> memref<1x128xi32, #tpu.memory_space<vmem>>
      %dma_start3A_287 = tpu.memref_squeeze %dma_start3A_286 : memref<1x128xi32, #tpu.memory_space<vmem>> -> memref<128xi32, #tpu.memory_space<vmem>>
      %dma_start3A_288 = arith.constant 0 : i32
      %dma_start3A_289 = arith.constant 0 : i32
      %dma_start3A_290 = tpu.memref_slice %arg16[%dma_start3A_288, %dma_start3A_289] : memref<10112x64xf32, #tpu.memory_space<vmem_shared>> -> memref<10112x64xf32, #tpu.memory_space<vmem_shared>>
      tpu.enqueue_indirect_dma source(%arg12 : memref<128x64xf32, #tpu.memory_space<vmem>>) target(%dma_start3A_290 : memref<10112x64xf32, #tpu.memory_space<vmem_shared>>) offsets(%dma_start3A_287 : memref<128xi32, #tpu.memory_space<vmem>>) semaphore(%arg29 : memref<!tpu.dma_semaphore, #tpu.memory_space<semaphore_mem>>) {add = true}
      %dma_wait3A_291 = arith.constant 0 : i32
      %dma_wait3A_292 = arith.constant 0 : i32
      %dma_wait3A_293 = tpu.memref_slice %arg2[%dma_wait3A_291, %dma_wait3A_292] : memref<10000x64xf32, #tpu.memory_space<hbm>> -> memref<128x64xf32, #tpu.memory_space<hbm>>
      %dma_wait3A_294 = arith.constant 0 : i32
      %dma_wait3A_295 = arith.constant 0 : i32
      %dma_wait3A_296 = tpu.memref_slice %arg2[%dma_wait3A_294, %dma_wait3A_295] : memref<10000x64xf32, #tpu.memory_space<hbm>> -> memref<128x64xf32, #tpu.memory_space<hbm>>
      tpu.wait_dma2 semaphore(%arg22 : memref<!tpu.dma_semaphore, #tpu.memory_space<semaphore_mem>>) src(%dma_wait3A_296 : memref<128x64xf32, #tpu.memory_space<hbm>>) dst(%arg13 : memref<128x64xf32, #tpu.memory_space<vmem>>)
      %add3A_297 = arith.constant 5 : i32
      %add3A_298 = arith.addi %add3A_220, %add3A_297 : i32
      %dma_start3A_299 = arith.constant 0 : i32
      %dma_start3A_300 = tpu.memref_slice %arg7[%add3A_298, %dma_start3A_299] : memref<79x128xi32, #tpu.memory_space<vmem>> -> memref<1x128xi32, #tpu.memory_space<vmem>>
      %dma_start3A_301 = tpu.memref_squeeze %dma_start3A_300 : memref<1x128xi32, #tpu.memory_space<vmem>> -> memref<128xi32, #tpu.memory_space<vmem>>
      %dma_start3A_302 = arith.constant 0 : i32
      %dma_start3A_303 = arith.constant 0 : i32
      %dma_start3A_304 = tpu.memref_slice %arg16[%dma_start3A_302, %dma_start3A_303] : memref<10112x64xf32, #tpu.memory_space<vmem_shared>> -> memref<10112x64xf32, #tpu.memory_space<vmem_shared>>
      tpu.enqueue_indirect_dma source(%arg13 : memref<128x64xf32, #tpu.memory_space<vmem>>) target(%dma_start3A_304 : memref<10112x64xf32, #tpu.memory_space<vmem_shared>>) offsets(%dma_start3A_301 : memref<128xi32, #tpu.memory_space<vmem>>) semaphore(%arg30 : memref<!tpu.dma_semaphore, #tpu.memory_space<semaphore_mem>>) {add = true}
      %dma_wait3A_305 = arith.constant 0 : i32
      %dma_wait3A_306 = arith.constant 0 : i32
      %dma_wait3A_307 = tpu.memref_slice %arg2[%dma_wait3A_305, %dma_wait3A_306] : memref<10000x64xf32, #tpu.memory_space<hbm>> -> memref<128x64xf32, #tpu.memory_space<hbm>>
      %dma_wait3A_308 = arith.constant 0 : i32
      %dma_wait3A_309 = arith.constant 0 : i32
      %dma_wait3A_310 = tpu.memref_slice %arg2[%dma_wait3A_308, %dma_wait3A_309] : memref<10000x64xf32, #tpu.memory_space<hbm>> -> memref<128x64xf32, #tpu.memory_space<hbm>>
      tpu.wait_dma2 semaphore(%arg23 : memref<!tpu.dma_semaphore, #tpu.memory_space<semaphore_mem>>) src(%dma_wait3A_310 : memref<128x64xf32, #tpu.memory_space<hbm>>) dst(%arg14 : memref<128x64xf32, #tpu.memory_space<vmem>>)
      %add3A_311 = arith.constant 6 : i32
      %add3A_312 = arith.addi %add3A_220, %add3A_311 : i32
      %dma_start3A_313 = arith.constant 0 : i32
      %dma_start3A_314 = tpu.memref_slice %arg7[%add3A_312, %dma_start3A_313] : memref<79x128xi32, #tpu.memory_space<vmem>> -> memref<1x128xi32, #tpu.memory_space<vmem>>
      %dma_start3A_315 = tpu.memref_squeeze %dma_start3A_314 : memref<1x128xi32, #tpu.memory_space<vmem>> -> memref<128xi32, #tpu.memory_space<vmem>>
      %dma_start3A_316 = arith.constant 0 : i32
      %dma_start3A_317 = arith.constant 0 : i32
      %dma_start3A_318 = tpu.memref_slice %arg16[%dma_start3A_316, %dma_start3A_317] : memref<10112x64xf32, #tpu.memory_space<vmem_shared>> -> memref<10112x64xf32, #tpu.memory_space<vmem_shared>>
      tpu.enqueue_indirect_dma source(%arg14 : memref<128x64xf32, #tpu.memory_space<vmem>>) target(%dma_start3A_318 : memref<10112x64xf32, #tpu.memory_space<vmem_shared>>) offsets(%dma_start3A_315 : memref<128xi32, #tpu.memory_space<vmem>>) semaphore(%arg31 : memref<!tpu.dma_semaphore, #tpu.memory_space<semaphore_mem>>) {add = true}
      %dma_wait3A_319 = arith.constant 0 : i32
      %dma_wait3A_320 = arith.constant 0 : i32
      %dma_wait3A_321 = tpu.memref_slice %arg2[%dma_wait3A_319, %dma_wait3A_320] : memref<10000x64xf32, #tpu.memory_space<hbm>> -> memref<128x64xf32, #tpu.memory_space<hbm>>
      %dma_wait3A_322 = arith.constant 0 : i32
      %dma_wait3A_323 = arith.constant 0 : i32
      %dma_wait3A_324 = tpu.memref_slice %arg2[%dma_wait3A_322, %dma_wait3A_323] : memref<10000x64xf32, #tpu.memory_space<hbm>> -> memref<128x64xf32, #tpu.memory_space<hbm>>
      tpu.wait_dma2 semaphore(%arg24 : memref<!tpu.dma_semaphore, #tpu.memory_space<semaphore_mem>>) src(%dma_wait3A_324 : memref<128x64xf32, #tpu.memory_space<hbm>>) dst(%arg15 : memref<128x64xf32, #tpu.memory_space<vmem>>)
      %add3A_325 = arith.constant 7 : i32
      %add3A_326 = arith.addi %add3A_220, %add3A_325 : i32
      %dma_start3A_327 = arith.constant 0 : i32
      %dma_start3A_328 = tpu.memref_slice %arg7[%add3A_326, %dma_start3A_327] : memref<79x128xi32, #tpu.memory_space<vmem>> -> memref<1x128xi32, #tpu.memory_space<vmem>>
      %dma_start3A_329 = tpu.memref_squeeze %dma_start3A_328 : memref<1x128xi32, #tpu.memory_space<vmem>> -> memref<128xi32, #tpu.memory_space<vmem>>
      %dma_start3A_330 = arith.constant 0 : i32
      %dma_start3A_331 = arith.constant 0 : i32
      %dma_start3A_332 = tpu.memref_slice %arg16[%dma_start3A_330, %dma_start3A_331] : memref<10112x64xf32, #tpu.memory_space<vmem_shared>> -> memref<10112x64xf32, #tpu.memory_space<vmem_shared>>
      tpu.enqueue_indirect_dma source(%arg15 : memref<128x64xf32, #tpu.memory_space<vmem>>) target(%dma_start3A_332 : memref<10112x64xf32, #tpu.memory_space<vmem_shared>>) offsets(%dma_start3A_329 : memref<128xi32, #tpu.memory_space<vmem>>) semaphore(%arg32 : memref<!tpu.dma_semaphore, #tpu.memory_space<semaphore_mem>>) {add = true}
      %add3A_333 = arith.constant 8 : i32
      %add3A_334 = arith.addi %add3A_220, %add3A_333 : i32
      %add3A_335 = arith.constant 0 : i32
      %add3A_336 = arith.addi %add3A_334, %add3A_335 : i32
      %lt3A_337 = arith.constant 78 : i32
      %lt3A_338 = arith.cmpi slt, %add3A_336, %lt3A_337 : i32
      %convert_element_type3A_339 = arith.extui %lt3A_338 : i1 to i32
      %cond3A_340 = arith.constant 0 : i32
      %cond3A_341 = arith.cmpi ne, %convert_element_type3A_339, %cond3A_340 : i32
      scf.if %cond3A_341 {
        %add3A_405 = arith.constant 0 : i32
        %add3A_406 = arith.addi %add3A_220, %add3A_405 : i32
        %dma_wait3A_407 = arith.constant 0 : i32
        %dma_wait3A_408 = tpu.memref_slice %arg7[%add3A_406, %dma_wait3A_407] : memref<79x128xi32, #tpu.memory_space<vmem>> -> memref<1x128xi32, #tpu.memory_space<vmem>>
        %dma_wait3A_409 = tpu.memref_squeeze %dma_wait3A_408 : memref<1x128xi32, #tpu.memory_space<vmem>> -> memref<128xi32, #tpu.memory_space<vmem>>
        %dma_wait3A_410 = arith.constant 0 : i32
        %dma_wait3A_411 = arith.constant 0 : i32
        %dma_wait3A_412 = tpu.memref_slice %arg16[%dma_wait3A_410, %dma_wait3A_411] : memref<10112x64xf32, #tpu.memory_space<vmem_shared>> -> memref<10112x64xf32, #tpu.memory_space<vmem_shared>>
        tpu.wait_indirect_dma semaphore(%arg25 : memref<!tpu.dma_semaphore, #tpu.memory_space<semaphore_mem>>) src(%arg8 : memref<128x64xf32, #tpu.memory_space<vmem>>) dst(%dma_wait3A_412 : memref<10112x64xf32, #tpu.memory_space<vmem_shared>>)
        %add3A_413 = arith.constant 8 : i32
        %add3A_414 = arith.addi %add3A_220, %add3A_413 : i32
        %add3A_415 = arith.constant 0 : i32
        %add3A_416 = arith.addi %add3A_414, %add3A_415 : i32
        %dma_start3A_417 = arith.constant 0 : i32
        %dma_start3A_418 = tpu.memref_slice %arg6[%add3A_416, %dma_start3A_417] : memref<79x128xi32, #tpu.memory_space<vmem>> -> memref<1x128xi32, #tpu.memory_space<vmem>>
        %dma_start3A_419 = tpu.memref_squeeze %dma_start3A_418 : memref<1x128xi32, #tpu.memory_space<vmem>> -> memref<128xi32, #tpu.memory_space<vmem>>
        %dma_start3A_420 = arith.constant 0 : i32
        %dma_start3A_421 = arith.constant 0 : i32
        %dma_start3A_422 = tpu.memref_slice %arg2[%dma_start3A_420, %dma_start3A_421] : memref<10000x64xf32, #tpu.memory_space<hbm>> -> memref<10000x64xf32, #tpu.memory_space<hbm>>
        tpu.enqueue_indirect_dma source(%dma_start3A_422 : memref<10000x64xf32, #tpu.memory_space<hbm>>) target(%arg8 : memref<128x64xf32, #tpu.memory_space<vmem>>) offsets(%dma_start3A_419 : memref<128xi32, #tpu.memory_space<vmem>>) semaphore(%arg17 : memref<!tpu.dma_semaphore, #tpu.memory_space<semaphore_mem>>)
      } else {
      }
      %add3A_342 = arith.constant 8 : i32
      %add3A_343 = arith.addi %add3A_220, %add3A_342 : i32
      %add3A_344 = arith.constant 1 : i32
      %add3A_345 = arith.addi %add3A_343, %add3A_344 : i32
      %lt3A_346 = arith.constant 78 : i32
      %lt3A_347 = arith.cmpi slt, %add3A_345, %lt3A_346 : i32
      %convert_element_type3A_348 = arith.extui %lt3A_347 : i1 to i32
      %cond3A_349 = arith.constant 0 : i32
      %cond3A_350 = arith.cmpi ne, %convert_element_type3A_348, %cond3A_349 : i32
      scf.if %cond3A_350 {
        %add3A_405 = arith.constant 1 : i32
        %add3A_406 = arith.addi %add3A_220, %add3A_405 : i32
        %dma_wait3A_407 = arith.constant 0 : i32
        %dma_wait3A_408 = tpu.memref_slice %arg7[%add3A_406, %dma_wait3A_407] : memref<79x128xi32, #tpu.memory_space<vmem>> -> memref<1x128xi32, #tpu.memory_space<vmem>>
        %dma_wait3A_409 = tpu.memref_squeeze %dma_wait3A_408 : memref<1x128xi32, #tpu.memory_space<vmem>> -> memref<128xi32, #tpu.memory_space<vmem>>
        %dma_wait3A_410 = arith.constant 0 : i32
        %dma_wait3A_411 = arith.constant 0 : i32
        %dma_wait3A_412 = tpu.memref_slice %arg16[%dma_wait3A_410, %dma_wait3A_411] : memref<10112x64xf32, #tpu.memory_space<vmem_shared>> -> memref<10112x64xf32, #tpu.memory_space<vmem_shared>>
        tpu.wait_indirect_dma semaphore(%arg26 : memref<!tpu.dma_semaphore, #tpu.memory_space<semaphore_mem>>) src(%arg9 : memref<128x64xf32, #tpu.memory_space<vmem>>) dst(%dma_wait3A_412 : memref<10112x64xf32, #tpu.memory_space<vmem_shared>>)
        %add3A_413 = arith.constant 8 : i32
        %add3A_414 = arith.addi %add3A_220, %add3A_413 : i32
        %add3A_415 = arith.constant 1 : i32
        %add3A_416 = arith.addi %add3A_414, %add3A_415 : i32
        %dma_start3A_417 = arith.constant 0 : i32
        %dma_start3A_418 = tpu.memref_slice %arg6[%add3A_416, %dma_start3A_417] : memref<79x128xi32, #tpu.memory_space<vmem>> -> memref<1x128xi32, #tpu.memory_space<vmem>>
        %dma_start3A_419 = tpu.memref_squeeze %dma_start3A_418 : memref<1x128xi32, #tpu.memory_space<vmem>> -> memref<128xi32, #tpu.memory_space<vmem>>
        %dma_start3A_420 = arith.constant 0 : i32
        %dma_start3A_421 = arith.constant 0 : i32
        %dma_start3A_422 = tpu.memref_slice %arg2[%dma_start3A_420, %dma_start3A_421] : memref<10000x64xf32, #tpu.memory_space<hbm>> -> memref<10000x64xf32, #tpu.memory_space<hbm>>
        tpu.enqueue_indirect_dma source(%dma_start3A_422 : memref<10000x64xf32, #tpu.memory_space<hbm>>) target(%arg9 : memref<128x64xf32, #tpu.memory_space<vmem>>) offsets(%dma_start3A_419 : memref<128xi32, #tpu.memory_space<vmem>>) semaphore(%arg18 : memref<!tpu.dma_semaphore, #tpu.memory_space<semaphore_mem>>)
      } else {
      }
      %add3A_351 = arith.constant 8 : i32
      %add3A_352 = arith.addi %add3A_220, %add3A_351 : i32
      %add3A_353 = arith.constant 2 : i32
      %add3A_354 = arith.addi %add3A_352, %add3A_353 : i32
      %lt3A_355 = arith.constant 78 : i32
      %lt3A_356 = arith.cmpi slt, %add3A_354, %lt3A_355 : i32
      %convert_element_type3A_357 = arith.extui %lt3A_356 : i1 to i32
      %cond3A_358 = arith.constant 0 : i32
      %cond3A_359 = arith.cmpi ne, %convert_element_type3A_357, %cond3A_358 : i32
      scf.if %cond3A_359 {
        %add3A_405 = arith.constant 2 : i32
        %add3A_406 = arith.addi %add3A_220, %add3A_405 : i32
        %dma_wait3A_407 = arith.constant 0 : i32
        %dma_wait3A_408 = tpu.memref_slice %arg7[%add3A_406, %dma_wait3A_407] : memref<79x128xi32, #tpu.memory_space<vmem>> -> memref<1x128xi32, #tpu.memory_space<vmem>>
        %dma_wait3A_409 = tpu.memref_squeeze %dma_wait3A_408 : memref<1x128xi32, #tpu.memory_space<vmem>> -> memref<128xi32, #tpu.memory_space<vmem>>
        %dma_wait3A_410 = arith.constant 0 : i32
        %dma_wait3A_411 = arith.constant 0 : i32
        %dma_wait3A_412 = tpu.memref_slice %arg16[%dma_wait3A_410, %dma_wait3A_411] : memref<10112x64xf32, #tpu.memory_space<vmem_shared>> -> memref<10112x64xf32, #tpu.memory_space<vmem_shared>>
        tpu.wait_indirect_dma semaphore(%arg27 : memref<!tpu.dma_semaphore, #tpu.memory_space<semaphore_mem>>) src(%arg10 : memref<128x64xf32, #tpu.memory_space<vmem>>) dst(%dma_wait3A_412 : memref<10112x64xf32, #tpu.memory_space<vmem_shared>>)
        %add3A_413 = arith.constant 8 : i32
        %add3A_414 = arith.addi %add3A_220, %add3A_413 : i32
        %add3A_415 = arith.constant 2 : i32
        %add3A_416 = arith.addi %add3A_414, %add3A_415 : i32
        %dma_start3A_417 = arith.constant 0 : i32
        %dma_start3A_418 = tpu.memref_slice %arg6[%add3A_416, %dma_start3A_417] : memref<79x128xi32, #tpu.memory_space<vmem>> -> memref<1x128xi32, #tpu.memory_space<vmem>>
        %dma_start3A_419 = tpu.memref_squeeze %dma_start3A_418 : memref<1x128xi32, #tpu.memory_space<vmem>> -> memref<128xi32, #tpu.memory_space<vmem>>
        %dma_start3A_420 = arith.constant 0 : i32
        %dma_start3A_421 = arith.constant 0 : i32
        %dma_start3A_422 = tpu.memref_slice %arg2[%dma_start3A_420, %dma_start3A_421] : memref<10000x64xf32, #tpu.memory_space<hbm>> -> memref<10000x64xf32, #tpu.memory_space<hbm>>
        tpu.enqueue_indirect_dma source(%dma_start3A_422 : memref<10000x64xf32, #tpu.memory_space<hbm>>) target(%arg10 : memref<128x64xf32, #tpu.memory_space<vmem>>) offsets(%dma_start3A_419 : memref<128xi32, #tpu.memory_space<vmem>>) semaphore(%arg19 : memref<!tpu.dma_semaphore, #tpu.memory_space<semaphore_mem>>)
      } else {
      }
      %add3A_360 = arith.constant 8 : i32
      %add3A_361 = arith.addi %add3A_220, %add3A_360 : i32
      %add3A_362 = arith.constant 3 : i32
      %add3A_363 = arith.addi %add3A_361, %add3A_362 : i32
      %lt3A_364 = arith.constant 78 : i32
      %lt3A_365 = arith.cmpi slt, %add3A_363, %lt3A_364 : i32
      %convert_element_type3A_366 = arith.extui %lt3A_365 : i1 to i32
      %cond3A_367 = arith.constant 0 : i32
      %cond3A_368 = arith.cmpi ne, %convert_element_type3A_366, %cond3A_367 : i32
      scf.if %cond3A_368 {
        %add3A_405 = arith.constant 3 : i32
        %add3A_406 = arith.addi %add3A_220, %add3A_405 : i32
        %dma_wait3A_407 = arith.constant 0 : i32
        %dma_wait3A_408 = tpu.memref_slice %arg7[%add3A_406, %dma_wait3A_407] : memref<79x128xi32, #tpu.memory_space<vmem>> -> memref<1x128xi32, #tpu.memory_space<vmem>>
        %dma_wait3A_409 = tpu.memref_squeeze %dma_wait3A_408 : memref<1x128xi32, #tpu.memory_space<vmem>> -> memref<128xi32, #tpu.memory_space<vmem>>
        %dma_wait3A_410 = arith.constant 0 : i32
        %dma_wait3A_411 = arith.constant 0 : i32
        %dma_wait3A_412 = tpu.memref_slice %arg16[%dma_wait3A_410, %dma_wait3A_411] : memref<10112x64xf32, #tpu.memory_space<vmem_shared>> -> memref<10112x64xf32, #tpu.memory_space<vmem_shared>>
        tpu.wait_indirect_dma semaphore(%arg28 : memref<!tpu.dma_semaphore, #tpu.memory_space<semaphore_mem>>) src(%arg11 : memref<128x64xf32, #tpu.memory_space<vmem>>) dst(%dma_wait3A_412 : memref<10112x64xf32, #tpu.memory_space<vmem_shared>>)
        %add3A_413 = arith.constant 8 : i32
        %add3A_414 = arith.addi %add3A_220, %add3A_413 : i32
        %add3A_415 = arith.constant 3 : i32
        %add3A_416 = arith.addi %add3A_414, %add3A_415 : i32
        %dma_start3A_417 = arith.constant 0 : i32
        %dma_start3A_418 = tpu.memref_slice %arg6[%add3A_416, %dma_start3A_417] : memref<79x128xi32, #tpu.memory_space<vmem>> -> memref<1x128xi32, #tpu.memory_space<vmem>>
        %dma_start3A_419 = tpu.memref_squeeze %dma_start3A_418 : memref<1x128xi32, #tpu.memory_space<vmem>> -> memref<128xi32, #tpu.memory_space<vmem>>
        %dma_start3A_420 = arith.constant 0 : i32
        %dma_start3A_421 = arith.constant 0 : i32
        %dma_start3A_422 = tpu.memref_slice %arg2[%dma_start3A_420, %dma_start3A_421] : memref<10000x64xf32, #tpu.memory_space<hbm>> -> memref<10000x64xf32, #tpu.memory_space<hbm>>
        tpu.enqueue_indirect_dma source(%dma_start3A_422 : memref<10000x64xf32, #tpu.memory_space<hbm>>) target(%arg11 : memref<128x64xf32, #tpu.memory_space<vmem>>) offsets(%dma_start3A_419 : memref<128xi32, #tpu.memory_space<vmem>>) semaphore(%arg20 : memref<!tpu.dma_semaphore, #tpu.memory_space<semaphore_mem>>)
      } else {
      }
      %add3A_369 = arith.constant 8 : i32
      %add3A_370 = arith.addi %add3A_220, %add3A_369 : i32
      %add3A_371 = arith.constant 4 : i32
      %add3A_372 = arith.addi %add3A_370, %add3A_371 : i32
      %lt3A_373 = arith.constant 78 : i32
      %lt3A_374 = arith.cmpi slt, %add3A_372, %lt3A_373 : i32
      %convert_element_type3A_375 = arith.extui %lt3A_374 : i1 to i32
      %cond3A_376 = arith.constant 0 : i32
      %cond3A_377 = arith.cmpi ne, %convert_element_type3A_375, %cond3A_376 : i32
      scf.if %cond3A_377 {
        %add3A_405 = arith.constant 4 : i32
        %add3A_406 = arith.addi %add3A_220, %add3A_405 : i32
        %dma_wait3A_407 = arith.constant 0 : i32
        %dma_wait3A_408 = tpu.memref_slice %arg7[%add3A_406, %dma_wait3A_407] : memref<79x128xi32, #tpu.memory_space<vmem>> -> memref<1x128xi32, #tpu.memory_space<vmem>>
        %dma_wait3A_409 = tpu.memref_squeeze %dma_wait3A_408 : memref<1x128xi32, #tpu.memory_space<vmem>> -> memref<128xi32, #tpu.memory_space<vmem>>
        %dma_wait3A_410 = arith.constant 0 : i32
        %dma_wait3A_411 = arith.constant 0 : i32
        %dma_wait3A_412 = tpu.memref_slice %arg16[%dma_wait3A_410, %dma_wait3A_411] : memref<10112x64xf32, #tpu.memory_space<vmem_shared>> -> memref<10112x64xf32, #tpu.memory_space<vmem_shared>>
        tpu.wait_indirect_dma semaphore(%arg29 : memref<!tpu.dma_semaphore, #tpu.memory_space<semaphore_mem>>) src(%arg12 : memref<128x64xf32, #tpu.memory_space<vmem>>) dst(%dma_wait3A_412 : memref<10112x64xf32, #tpu.memory_space<vmem_shared>>)
        %add3A_413 = arith.constant 8 : i32
        %add3A_414 = arith.addi %add3A_220, %add3A_413 : i32
        %add3A_415 = arith.constant 4 : i32
        %add3A_416 = arith.addi %add3A_414, %add3A_415 : i32
        %dma_start3A_417 = arith.constant 0 : i32
        %dma_start3A_418 = tpu.memref_slice %arg6[%add3A_416, %dma_start3A_417] : memref<79x128xi32, #tpu.memory_space<vmem>> -> memref<1x128xi32, #tpu.memory_space<vmem>>
        %dma_start3A_419 = tpu.memref_squeeze %dma_start3A_418 : memref<1x128xi32, #tpu.memory_space<vmem>> -> memref<128xi32, #tpu.memory_space<vmem>>
        %dma_start3A_420 = arith.constant 0 : i32
        %dma_start3A_421 = arith.constant 0 : i32
        %dma_start3A_422 = tpu.memref_slice %arg2[%dma_start3A_420, %dma_start3A_421] : memref<10000x64xf32, #tpu.memory_space<hbm>> -> memref<10000x64xf32, #tpu.memory_space<hbm>>
        tpu.enqueue_indirect_dma source(%dma_start3A_422 : memref<10000x64xf32, #tpu.memory_space<hbm>>) target(%arg12 : memref<128x64xf32, #tpu.memory_space<vmem>>) offsets(%dma_start3A_419 : memref<128xi32, #tpu.memory_space<vmem>>) semaphore(%arg21 : memref<!tpu.dma_semaphore, #tpu.memory_space<semaphore_mem>>)
      } else {
      }
      %add3A_378 = arith.constant 8 : i32
      %add3A_379 = arith.addi %add3A_220, %add3A_378 : i32
      %add3A_380 = arith.constant 5 : i32
      %add3A_381 = arith.addi %add3A_379, %add3A_380 : i32
      %lt3A_382 = arith.constant 78 : i32
      %lt3A_383 = arith.cmpi slt, %add3A_381, %lt3A_382 : i32
      %convert_element_type3A_384 = arith.extui %lt3A_383 : i1 to i32
      %cond3A_385 = arith.constant 0 : i32
      %cond3A_386 = arith.cmpi ne, %convert_element_type3A_384, %cond3A_385 : i32
      scf.if %cond3A_386 {
        %add3A_405 = arith.constant 5 : i32
        %add3A_406 = arith.addi %add3A_220, %add3A_405 : i32
        %dma_wait3A_407 = arith.constant 0 : i32
        %dma_wait3A_408 = tpu.memref_slice %arg7[%add3A_406, %dma_wait3A_407] : memref<79x128xi32, #tpu.memory_space<vmem>> -> memref<1x128xi32, #tpu.memory_space<vmem>>
        %dma_wait3A_409 = tpu.memref_squeeze %dma_wait3A_408 : memref<1x128xi32, #tpu.memory_space<vmem>> -> memref<128xi32, #tpu.memory_space<vmem>>
        %dma_wait3A_410 = arith.constant 0 : i32
        %dma_wait3A_411 = arith.constant 0 : i32
        %dma_wait3A_412 = tpu.memref_slice %arg16[%dma_wait3A_410, %dma_wait3A_411] : memref<10112x64xf32, #tpu.memory_space<vmem_shared>> -> memref<10112x64xf32, #tpu.memory_space<vmem_shared>>
        tpu.wait_indirect_dma semaphore(%arg30 : memref<!tpu.dma_semaphore, #tpu.memory_space<semaphore_mem>>) src(%arg13 : memref<128x64xf32, #tpu.memory_space<vmem>>) dst(%dma_wait3A_412 : memref<10112x64xf32, #tpu.memory_space<vmem_shared>>)
        %add3A_413 = arith.constant 8 : i32
        %add3A_414 = arith.addi %add3A_220, %add3A_413 : i32
        %add3A_415 = arith.constant 5 : i32
        %add3A_416 = arith.addi %add3A_414, %add3A_415 : i32
        %dma_start3A_417 = arith.constant 0 : i32
        %dma_start3A_418 = tpu.memref_slice %arg6[%add3A_416, %dma_start3A_417] : memref<79x128xi32, #tpu.memory_space<vmem>> -> memref<1x128xi32, #tpu.memory_space<vmem>>
        %dma_start3A_419 = tpu.memref_squeeze %dma_start3A_418 : memref<1x128xi32, #tpu.memory_space<vmem>> -> memref<128xi32, #tpu.memory_space<vmem>>
        %dma_start3A_420 = arith.constant 0 : i32
        %dma_start3A_421 = arith.constant 0 : i32
        %dma_start3A_422 = tpu.memref_slice %arg2[%dma_start3A_420, %dma_start3A_421] : memref<10000x64xf32, #tpu.memory_space<hbm>> -> memref<10000x64xf32, #tpu.memory_space<hbm>>
        tpu.enqueue_indirect_dma source(%dma_start3A_422 : memref<10000x64xf32, #tpu.memory_space<hbm>>) target(%arg13 : memref<128x64xf32, #tpu.memory_space<vmem>>) offsets(%dma_start3A_419 : memref<128xi32, #tpu.memory_space<vmem>>) semaphore(%arg22 : memref<!tpu.dma_semaphore, #tpu.memory_space<semaphore_mem>>)
      } else {
      }
      %add3A_387 = arith.constant 8 : i32
      %add3A_388 = arith.addi %add3A_220, %add3A_387 : i32
      %add3A_389 = arith.constant 6 : i32
      %add3A_390 = arith.addi %add3A_388, %add3A_389 : i32
      %lt3A_391 = arith.constant 78 : i32
      %lt3A_392 = arith.cmpi slt, %add3A_390, %lt3A_391 : i32
      %convert_element_type3A_393 = arith.extui %lt3A_392 : i1 to i32
      %cond3A_394 = arith.constant 0 : i32
      %cond3A_395 = arith.cmpi ne, %convert_element_type3A_393, %cond3A_394 : i32
      scf.if %cond3A_395 {
        %add3A_405 = arith.constant 6 : i32
        %add3A_406 = arith.addi %add3A_220, %add3A_405 : i32
        %dma_wait3A_407 = arith.constant 0 : i32
        %dma_wait3A_408 = tpu.memref_slice %arg7[%add3A_406, %dma_wait3A_407] : memref<79x128xi32, #tpu.memory_space<vmem>> -> memref<1x128xi32, #tpu.memory_space<vmem>>
        %dma_wait3A_409 = tpu.memref_squeeze %dma_wait3A_408 : memref<1x128xi32, #tpu.memory_space<vmem>> -> memref<128xi32, #tpu.memory_space<vmem>>
        %dma_wait3A_410 = arith.constant 0 : i32
        %dma_wait3A_411 = arith.constant 0 : i32
        %dma_wait3A_412 = tpu.memref_slice %arg16[%dma_wait3A_410, %dma_wait3A_411] : memref<10112x64xf32, #tpu.memory_space<vmem_shared>> -> memref<10112x64xf32, #tpu.memory_space<vmem_shared>>
        tpu.wait_indirect_dma semaphore(%arg31 : memref<!tpu.dma_semaphore, #tpu.memory_space<semaphore_mem>>) src(%arg14 : memref<128x64xf32, #tpu.memory_space<vmem>>) dst(%dma_wait3A_412 : memref<10112x64xf32, #tpu.memory_space<vmem_shared>>)
        %add3A_413 = arith.constant 8 : i32
        %add3A_414 = arith.addi %add3A_220, %add3A_413 : i32
        %add3A_415 = arith.constant 6 : i32
        %add3A_416 = arith.addi %add3A_414, %add3A_415 : i32
        %dma_start3A_417 = arith.constant 0 : i32
        %dma_start3A_418 = tpu.memref_slice %arg6[%add3A_416, %dma_start3A_417] : memref<79x128xi32, #tpu.memory_space<vmem>> -> memref<1x128xi32, #tpu.memory_space<vmem>>
        %dma_start3A_419 = tpu.memref_squeeze %dma_start3A_418 : memref<1x128xi32, #tpu.memory_space<vmem>> -> memref<128xi32, #tpu.memory_space<vmem>>
        %dma_start3A_420 = arith.constant 0 : i32
        %dma_start3A_421 = arith.constant 0 : i32
        %dma_start3A_422 = tpu.memref_slice %arg2[%dma_start3A_420, %dma_start3A_421] : memref<10000x64xf32, #tpu.memory_space<hbm>> -> memref<10000x64xf32, #tpu.memory_space<hbm>>
        tpu.enqueue_indirect_dma source(%dma_start3A_422 : memref<10000x64xf32, #tpu.memory_space<hbm>>) target(%arg14 : memref<128x64xf32, #tpu.memory_space<vmem>>) offsets(%dma_start3A_419 : memref<128xi32, #tpu.memory_space<vmem>>) semaphore(%arg23 : memref<!tpu.dma_semaphore, #tpu.memory_space<semaphore_mem>>)
      } else {
      }
      %add3A_396 = arith.constant 8 : i32
      %add3A_397 = arith.addi %add3A_220, %add3A_396 : i32
      %add3A_398 = arith.constant 7 : i32
      %add3A_399 = arith.addi %add3A_397, %add3A_398 : i32
      %lt3A_400 = arith.constant 78 : i32
      %lt3A_401 = arith.cmpi slt, %add3A_399, %lt3A_400 : i32
      %convert_element_type3A_402 = arith.extui %lt3A_401 : i1 to i32
      %cond3A_403 = arith.constant 0 : i32
      %cond3A_404 = arith.cmpi ne, %convert_element_type3A_402, %cond3A_403 : i32
      scf.if %cond3A_404 {
        %add3A_405 = arith.constant 7 : i32
        %add3A_406 = arith.addi %add3A_220, %add3A_405 : i32
        %dma_wait3A_407 = arith.constant 0 : i32
        %dma_wait3A_408 = tpu.memref_slice %arg7[%add3A_406, %dma_wait3A_407] : memref<79x128xi32, #tpu.memory_space<vmem>> -> memref<1x128xi32, #tpu.memory_space<vmem>>
        %dma_wait3A_409 = tpu.memref_squeeze %dma_wait3A_408 : memref<1x128xi32, #tpu.memory_space<vmem>> -> memref<128xi32, #tpu.memory_space<vmem>>
        %dma_wait3A_410 = arith.constant 0 : i32
        %dma_wait3A_411 = arith.constant 0 : i32
        %dma_wait3A_412 = tpu.memref_slice %arg16[%dma_wait3A_410, %dma_wait3A_411] : memref<10112x64xf32, #tpu.memory_space<vmem_shared>> -> memref<10112x64xf32, #tpu.memory_space<vmem_shared>>
        tpu.wait_indirect_dma semaphore(%arg32 : memref<!tpu.dma_semaphore, #tpu.memory_space<semaphore_mem>>) src(%arg15 : memref<128x64xf32, #tpu.memory_space<vmem>>) dst(%dma_wait3A_412 : memref<10112x64xf32, #tpu.memory_space<vmem_shared>>)
        %add3A_413 = arith.constant 8 : i32
        %add3A_414 = arith.addi %add3A_220, %add3A_413 : i32
        %add3A_415 = arith.constant 7 : i32
        %add3A_416 = arith.addi %add3A_414, %add3A_415 : i32
        %dma_start3A_417 = arith.constant 0 : i32
        %dma_start3A_418 = tpu.memref_slice %arg6[%add3A_416, %dma_start3A_417] : memref<79x128xi32, #tpu.memory_space<vmem>> -> memref<1x128xi32, #tpu.memory_space<vmem>>
        %dma_start3A_419 = tpu.memref_squeeze %dma_start3A_418 : memref<1x128xi32, #tpu.memory_space<vmem>> -> memref<128xi32, #tpu.memory_space<vmem>>
        %dma_start3A_420 = arith.constant 0 : i32
        %dma_start3A_421 = arith.constant 0 : i32
        %dma_start3A_422 = tpu.memref_slice %arg2[%dma_start3A_420, %dma_start3A_421] : memref<10000x64xf32, #tpu.memory_space<hbm>> -> memref<10000x64xf32, #tpu.memory_space<hbm>>
        tpu.enqueue_indirect_dma source(%dma_start3A_422 : memref<10000x64xf32, #tpu.memory_space<hbm>>) target(%arg15 : memref<128x64xf32, #tpu.memory_space<vmem>>) offsets(%dma_start3A_419 : memref<128xi32, #tpu.memory_space<vmem>>) semaphore(%arg24 : memref<!tpu.dma_semaphore, #tpu.memory_space<semaphore_mem>>)
      } else {
      }
    }
    %scan3A_72 = arith.constant 9 : i32
    %dma_wait3A = arith.constant 0 : i32
    %dma_wait3A_73 = arith.constant 0 : i32
    %dma_wait3A_74 = tpu.memref_slice %arg2[%dma_wait3A, %dma_wait3A_73] : memref<10000x64xf32, #tpu.memory_space<hbm>> -> memref<128x64xf32, #tpu.memory_space<hbm>>
    %dma_wait3A_75 = arith.constant 0 : i32
    %dma_wait3A_76 = arith.constant 0 : i32
    %dma_wait3A_77 = tpu.memref_slice %arg2[%dma_wait3A_75, %dma_wait3A_76] : memref<10000x64xf32, #tpu.memory_space<hbm>> -> memref<128x64xf32, #tpu.memory_space<hbm>>
    tpu.wait_dma2 semaphore(%arg17 : memref<!tpu.dma_semaphore, #tpu.memory_space<semaphore_mem>>) src(%dma_wait3A_77 : memref<128x64xf32, #tpu.memory_space<hbm>>) dst(%arg8 : memref<128x64xf32, #tpu.memory_space<vmem>>)
    %dma_start3A_78 = arith.constant 72 : i32
    %dma_start3A_79 = arith.constant 0 : i32
    %dma_start3A_80 = tpu.memref_slice %arg7[%dma_start3A_78, %dma_start3A_79] : memref<79x128xi32, #tpu.memory_space<vmem>> -> memref<1x128xi32, #tpu.memory_space<vmem>>
    %dma_start3A_81 = tpu.memref_squeeze %dma_start3A_80 : memref<1x128xi32, #tpu.memory_space<vmem>> -> memref<128xi32, #tpu.memory_space<vmem>>
    %dma_start3A_82 = arith.constant 0 : i32
    %dma_start3A_83 = arith.constant 0 : i32
    %dma_start3A_84 = tpu.memref_slice %arg16[%dma_start3A_82, %dma_start3A_83] : memref<10112x64xf32, #tpu.memory_space<vmem_shared>> -> memref<10112x64xf32, #tpu.memory_space<vmem_shared>>
    tpu.enqueue_indirect_dma source(%arg8 : memref<128x64xf32, #tpu.memory_space<vmem>>) target(%dma_start3A_84 : memref<10112x64xf32, #tpu.memory_space<vmem_shared>>) offsets(%dma_start3A_81 : memref<128xi32, #tpu.memory_space<vmem>>) semaphore(%arg25 : memref<!tpu.dma_semaphore, #tpu.memory_space<semaphore_mem>>) {add = true}
    %dma_wait3A_85 = arith.constant 0 : i32
    %dma_wait3A_86 = arith.constant 0 : i32
    %dma_wait3A_87 = tpu.memref_slice %arg2[%dma_wait3A_85, %dma_wait3A_86] : memref<10000x64xf32, #tpu.memory_space<hbm>> -> memref<128x64xf32, #tpu.memory_space<hbm>>
    %dma_wait3A_88 = arith.constant 0 : i32
    %dma_wait3A_89 = arith.constant 0 : i32
    %dma_wait3A_90 = tpu.memref_slice %arg2[%dma_wait3A_88, %dma_wait3A_89] : memref<10000x64xf32, #tpu.memory_space<hbm>> -> memref<128x64xf32, #tpu.memory_space<hbm>>
    tpu.wait_dma2 semaphore(%arg18 : memref<!tpu.dma_semaphore, #tpu.memory_space<semaphore_mem>>) src(%dma_wait3A_90 : memref<128x64xf32, #tpu.memory_space<hbm>>) dst(%arg9 : memref<128x64xf32, #tpu.memory_space<vmem>>)
    %dma_start3A_91 = arith.constant 73 : i32
    %dma_start3A_92 = arith.constant 0 : i32
    %dma_start3A_93 = tpu.memref_slice %arg7[%dma_start3A_91, %dma_start3A_92] : memref<79x128xi32, #tpu.memory_space<vmem>> -> memref<1x128xi32, #tpu.memory_space<vmem>>
    %dma_start3A_94 = tpu.memref_squeeze %dma_start3A_93 : memref<1x128xi32, #tpu.memory_space<vmem>> -> memref<128xi32, #tpu.memory_space<vmem>>
    %dma_start3A_95 = arith.constant 0 : i32
    %dma_start3A_96 = arith.constant 0 : i32
    %dma_start3A_97 = tpu.memref_slice %arg16[%dma_start3A_95, %dma_start3A_96] : memref<10112x64xf32, #tpu.memory_space<vmem_shared>> -> memref<10112x64xf32, #tpu.memory_space<vmem_shared>>
    tpu.enqueue_indirect_dma source(%arg9 : memref<128x64xf32, #tpu.memory_space<vmem>>) target(%dma_start3A_97 : memref<10112x64xf32, #tpu.memory_space<vmem_shared>>) offsets(%dma_start3A_94 : memref<128xi32, #tpu.memory_space<vmem>>) semaphore(%arg26 : memref<!tpu.dma_semaphore, #tpu.memory_space<semaphore_mem>>) {add = true}
    %dma_wait3A_98 = arith.constant 0 : i32
    %dma_wait3A_99 = arith.constant 0 : i32
    %dma_wait3A_100 = tpu.memref_slice %arg2[%dma_wait3A_98, %dma_wait3A_99] : memref<10000x64xf32, #tpu.memory_space<hbm>> -> memref<128x64xf32, #tpu.memory_space<hbm>>
    %dma_wait3A_101 = arith.constant 0 : i32
    %dma_wait3A_102 = arith.constant 0 : i32
    %dma_wait3A_103 = tpu.memref_slice %arg2[%dma_wait3A_101, %dma_wait3A_102] : memref<10000x64xf32, #tpu.memory_space<hbm>> -> memref<128x64xf32, #tpu.memory_space<hbm>>
    tpu.wait_dma2 semaphore(%arg19 : memref<!tpu.dma_semaphore, #tpu.memory_space<semaphore_mem>>) src(%dma_wait3A_103 : memref<128x64xf32, #tpu.memory_space<hbm>>) dst(%arg10 : memref<128x64xf32, #tpu.memory_space<vmem>>)
    %dma_start3A_104 = arith.constant 74 : i32
    %dma_start3A_105 = arith.constant 0 : i32
    %dma_start3A_106 = tpu.memref_slice %arg7[%dma_start3A_104, %dma_start3A_105] : memref<79x128xi32, #tpu.memory_space<vmem>> -> memref<1x128xi32, #tpu.memory_space<vmem>>
    %dma_start3A_107 = tpu.memref_squeeze %dma_start3A_106 : memref<1x128xi32, #tpu.memory_space<vmem>> -> memref<128xi32, #tpu.memory_space<vmem>>
    %dma_start3A_108 = arith.constant 0 : i32
    %dma_start3A_109 = arith.constant 0 : i32
    %dma_start3A_110 = tpu.memref_slice %arg16[%dma_start3A_108, %dma_start3A_109] : memref<10112x64xf32, #tpu.memory_space<vmem_shared>> -> memref<10112x64xf32, #tpu.memory_space<vmem_shared>>
    tpu.enqueue_indirect_dma source(%arg10 : memref<128x64xf32, #tpu.memory_space<vmem>>) target(%dma_start3A_110 : memref<10112x64xf32, #tpu.memory_space<vmem_shared>>) offsets(%dma_start3A_107 : memref<128xi32, #tpu.memory_space<vmem>>) semaphore(%arg27 : memref<!tpu.dma_semaphore, #tpu.memory_space<semaphore_mem>>) {add = true}
    %dma_wait3A_111 = arith.constant 0 : i32
    %dma_wait3A_112 = arith.constant 0 : i32
    %dma_wait3A_113 = tpu.memref_slice %arg2[%dma_wait3A_111, %dma_wait3A_112] : memref<10000x64xf32, #tpu.memory_space<hbm>> -> memref<128x64xf32, #tpu.memory_space<hbm>>
    %dma_wait3A_114 = arith.constant 0 : i32
    %dma_wait3A_115 = arith.constant 0 : i32
    %dma_wait3A_116 = tpu.memref_slice %arg2[%dma_wait3A_114, %dma_wait3A_115] : memref<10000x64xf32, #tpu.memory_space<hbm>> -> memref<128x64xf32, #tpu.memory_space<hbm>>
    tpu.wait_dma2 semaphore(%arg20 : memref<!tpu.dma_semaphore, #tpu.memory_space<semaphore_mem>>) src(%dma_wait3A_116 : memref<128x64xf32, #tpu.memory_space<hbm>>) dst(%arg11 : memref<128x64xf32, #tpu.memory_space<vmem>>)
    %dma_start3A_117 = arith.constant 75 : i32
    %dma_start3A_118 = arith.constant 0 : i32
    %dma_start3A_119 = tpu.memref_slice %arg7[%dma_start3A_117, %dma_start3A_118] : memref<79x128xi32, #tpu.memory_space<vmem>> -> memref<1x128xi32, #tpu.memory_space<vmem>>
    %dma_start3A_120 = tpu.memref_squeeze %dma_start3A_119 : memref<1x128xi32, #tpu.memory_space<vmem>> -> memref<128xi32, #tpu.memory_space<vmem>>
    %dma_start3A_121 = arith.constant 0 : i32
    %dma_start3A_122 = arith.constant 0 : i32
    %dma_start3A_123 = tpu.memref_slice %arg16[%dma_start3A_121, %dma_start3A_122] : memref<10112x64xf32, #tpu.memory_space<vmem_shared>> -> memref<10112x64xf32, #tpu.memory_space<vmem_shared>>
    tpu.enqueue_indirect_dma source(%arg11 : memref<128x64xf32, #tpu.memory_space<vmem>>) target(%dma_start3A_123 : memref<10112x64xf32, #tpu.memory_space<vmem_shared>>) offsets(%dma_start3A_120 : memref<128xi32, #tpu.memory_space<vmem>>) semaphore(%arg28 : memref<!tpu.dma_semaphore, #tpu.memory_space<semaphore_mem>>) {add = true}
    %dma_wait3A_124 = arith.constant 0 : i32
    %dma_wait3A_125 = arith.constant 0 : i32
    %dma_wait3A_126 = tpu.memref_slice %arg2[%dma_wait3A_124, %dma_wait3A_125] : memref<10000x64xf32, #tpu.memory_space<hbm>> -> memref<128x64xf32, #tpu.memory_space<hbm>>
    %dma_wait3A_127 = arith.constant 0 : i32
    %dma_wait3A_128 = arith.constant 0 : i32
    %dma_wait3A_129 = tpu.memref_slice %arg2[%dma_wait3A_127, %dma_wait3A_128] : memref<10000x64xf32, #tpu.memory_space<hbm>> -> memref<128x64xf32, #tpu.memory_space<hbm>>
    tpu.wait_dma2 semaphore(%arg21 : memref<!tpu.dma_semaphore, #tpu.memory_space<semaphore_mem>>) src(%dma_wait3A_129 : memref<128x64xf32, #tpu.memory_space<hbm>>) dst(%arg12 : memref<128x64xf32, #tpu.memory_space<vmem>>)
    %dma_start3A_130 = arith.constant 76 : i32
    %dma_start3A_131 = arith.constant 0 : i32
    %dma_start3A_132 = tpu.memref_slice %arg7[%dma_start3A_130, %dma_start3A_131] : memref<79x128xi32, #tpu.memory_space<vmem>> -> memref<1x128xi32, #tpu.memory_space<vmem>>
    %dma_start3A_133 = tpu.memref_squeeze %dma_start3A_132 : memref<1x128xi32, #tpu.memory_space<vmem>> -> memref<128xi32, #tpu.memory_space<vmem>>
    %dma_start3A_134 = arith.constant 0 : i32
    %dma_start3A_135 = arith.constant 0 : i32
    %dma_start3A_136 = tpu.memref_slice %arg16[%dma_start3A_134, %dma_start3A_135] : memref<10112x64xf32, #tpu.memory_space<vmem_shared>> -> memref<10112x64xf32, #tpu.memory_space<vmem_shared>>
    tpu.enqueue_indirect_dma source(%arg12 : memref<128x64xf32, #tpu.memory_space<vmem>>) target(%dma_start3A_136 : memref<10112x64xf32, #tpu.memory_space<vmem_shared>>) offsets(%dma_start3A_133 : memref<128xi32, #tpu.memory_space<vmem>>) semaphore(%arg29 : memref<!tpu.dma_semaphore, #tpu.memory_space<semaphore_mem>>) {add = true}
    %dma_wait3A_137 = arith.constant 0 : i32
    %dma_wait3A_138 = arith.constant 0 : i32
    %dma_wait3A_139 = tpu.memref_slice %arg2[%dma_wait3A_137, %dma_wait3A_138] : memref<10000x64xf32, #tpu.memory_space<hbm>> -> memref<128x64xf32, #tpu.memory_space<hbm>>
    %dma_wait3A_140 = arith.constant 0 : i32
    %dma_wait3A_141 = arith.constant 0 : i32
    %dma_wait3A_142 = tpu.memref_slice %arg2[%dma_wait3A_140, %dma_wait3A_141] : memref<10000x64xf32, #tpu.memory_space<hbm>> -> memref<128x64xf32, #tpu.memory_space<hbm>>
    tpu.wait_dma2 semaphore(%arg22 : memref<!tpu.dma_semaphore, #tpu.memory_space<semaphore_mem>>) src(%dma_wait3A_142 : memref<128x64xf32, #tpu.memory_space<hbm>>) dst(%arg13 : memref<128x64xf32, #tpu.memory_space<vmem>>)
    %dma_start3A_143 = arith.constant 77 : i32
    %dma_start3A_144 = arith.constant 0 : i32
    %dma_start3A_145 = tpu.memref_slice %arg7[%dma_start3A_143, %dma_start3A_144] : memref<79x128xi32, #tpu.memory_space<vmem>> -> memref<1x128xi32, #tpu.memory_space<vmem>>
    %dma_start3A_146 = tpu.memref_squeeze %dma_start3A_145 : memref<1x128xi32, #tpu.memory_space<vmem>> -> memref<128xi32, #tpu.memory_space<vmem>>
    %dma_start3A_147 = arith.constant 0 : i32
    %dma_start3A_148 = arith.constant 0 : i32
    %dma_start3A_149 = tpu.memref_slice %arg16[%dma_start3A_147, %dma_start3A_148] : memref<10112x64xf32, #tpu.memory_space<vmem_shared>> -> memref<10112x64xf32, #tpu.memory_space<vmem_shared>>
    tpu.enqueue_indirect_dma source(%arg13 : memref<128x64xf32, #tpu.memory_space<vmem>>) target(%dma_start3A_149 : memref<10112x64xf32, #tpu.memory_space<vmem_shared>>) offsets(%dma_start3A_146 : memref<128xi32, #tpu.memory_space<vmem>>) semaphore(%arg30 : memref<!tpu.dma_semaphore, #tpu.memory_space<semaphore_mem>>) {add = true}
    %dma_wait3A_150 = arith.constant 72 : i32
    %dma_wait3A_151 = arith.constant 0 : i32
    %dma_wait3A_152 = tpu.memref_slice %arg7[%dma_wait3A_150, %dma_wait3A_151] : memref<79x128xi32, #tpu.memory_space<vmem>> -> memref<1x128xi32, #tpu.memory_space<vmem>>
    %dma_wait3A_153 = tpu.memref_squeeze %dma_wait3A_152 : memref<1x128xi32, #tpu.memory_space<vmem>> -> memref<128xi32, #tpu.memory_space<vmem>>
    %dma_wait3A_154 = arith.constant 0 : i32
    %dma_wait3A_155 = arith.constant 0 : i32
    %dma_wait3A_156 = tpu.memref_slice %arg16[%dma_wait3A_154, %dma_wait3A_155] : memref<10112x64xf32, #tpu.memory_space<vmem_shared>> -> memref<10112x64xf32, #tpu.memory_space<vmem_shared>>
    tpu.wait_indirect_dma semaphore(%arg25 : memref<!tpu.dma_semaphore, #tpu.memory_space<semaphore_mem>>) src(%arg8 : memref<128x64xf32, #tpu.memory_space<vmem>>) dst(%dma_wait3A_156 : memref<10112x64xf32, #tpu.memory_space<vmem_shared>>)
    %dma_wait3A_157 = arith.constant 73 : i32
    %dma_wait3A_158 = arith.constant 0 : i32
    %dma_wait3A_159 = tpu.memref_slice %arg7[%dma_wait3A_157, %dma_wait3A_158] : memref<79x128xi32, #tpu.memory_space<vmem>> -> memref<1x128xi32, #tpu.memory_space<vmem>>
    %dma_wait3A_160 = tpu.memref_squeeze %dma_wait3A_159 : memref<1x128xi32, #tpu.memory_space<vmem>> -> memref<128xi32, #tpu.memory_space<vmem>>
    %dma_wait3A_161 = arith.constant 0 : i32
    %dma_wait3A_162 = arith.constant 0 : i32
    %dma_wait3A_163 = tpu.memref_slice %arg16[%dma_wait3A_161, %dma_wait3A_162] : memref<10112x64xf32, #tpu.memory_space<vmem_shared>> -> memref<10112x64xf32, #tpu.memory_space<vmem_shared>>
    tpu.wait_indirect_dma semaphore(%arg26 : memref<!tpu.dma_semaphore, #tpu.memory_space<semaphore_mem>>) src(%arg9 : memref<128x64xf32, #tpu.memory_space<vmem>>) dst(%dma_wait3A_163 : memref<10112x64xf32, #tpu.memory_space<vmem_shared>>)
    %dma_wait3A_164 = arith.constant 74 : i32
    %dma_wait3A_165 = arith.constant 0 : i32
    %dma_wait3A_166 = tpu.memref_slice %arg7[%dma_wait3A_164, %dma_wait3A_165] : memref<79x128xi32, #tpu.memory_space<vmem>> -> memref<1x128xi32, #tpu.memory_space<vmem>>
    %dma_wait3A_167 = tpu.memref_squeeze %dma_wait3A_166 : memref<1x128xi32, #tpu.memory_space<vmem>> -> memref<128xi32, #tpu.memory_space<vmem>>
    %dma_wait3A_168 = arith.constant 0 : i32
    %dma_wait3A_169 = arith.constant 0 : i32
    %dma_wait3A_170 = tpu.memref_slice %arg16[%dma_wait3A_168, %dma_wait3A_169] : memref<10112x64xf32, #tpu.memory_space<vmem_shared>> -> memref<10112x64xf32, #tpu.memory_space<vmem_shared>>
    tpu.wait_indirect_dma semaphore(%arg27 : memref<!tpu.dma_semaphore, #tpu.memory_space<semaphore_mem>>) src(%arg10 : memref<128x64xf32, #tpu.memory_space<vmem>>) dst(%dma_wait3A_170 : memref<10112x64xf32, #tpu.memory_space<vmem_shared>>)
    %dma_wait3A_171 = arith.constant 75 : i32
    %dma_wait3A_172 = arith.constant 0 : i32
    %dma_wait3A_173 = tpu.memref_slice %arg7[%dma_wait3A_171, %dma_wait3A_172] : memref<79x128xi32, #tpu.memory_space<vmem>> -> memref<1x128xi32, #tpu.memory_space<vmem>>
    %dma_wait3A_174 = tpu.memref_squeeze %dma_wait3A_173 : memref<1x128xi32, #tpu.memory_space<vmem>> -> memref<128xi32, #tpu.memory_space<vmem>>
    %dma_wait3A_175 = arith.constant 0 : i32
    %dma_wait3A_176 = arith.constant 0 : i32
    %dma_wait3A_177 = tpu.memref_slice %arg16[%dma_wait3A_175, %dma_wait3A_176] : memref<10112x64xf32, #tpu.memory_space<vmem_shared>> -> memref<10112x64xf32, #tpu.memory_space<vmem_shared>>
    tpu.wait_indirect_dma semaphore(%arg28 : memref<!tpu.dma_semaphore, #tpu.memory_space<semaphore_mem>>) src(%arg11 : memref<128x64xf32, #tpu.memory_space<vmem>>) dst(%dma_wait3A_177 : memref<10112x64xf32, #tpu.memory_space<vmem_shared>>)
    %dma_wait3A_178 = arith.constant 76 : i32
    %dma_wait3A_179 = arith.constant 0 : i32
    %dma_wait3A_180 = tpu.memref_slice %arg7[%dma_wait3A_178, %dma_wait3A_179] : memref<79x128xi32, #tpu.memory_space<vmem>> -> memref<1x128xi32, #tpu.memory_space<vmem>>
    %dma_wait3A_181 = tpu.memref_squeeze %dma_wait3A_180 : memref<1x128xi32, #tpu.memory_space<vmem>> -> memref<128xi32, #tpu.memory_space<vmem>>
    %dma_wait3A_182 = arith.constant 0 : i32
    %dma_wait3A_183 = arith.constant 0 : i32
    %dma_wait3A_184 = tpu.memref_slice %arg16[%dma_wait3A_182, %dma_wait3A_183] : memref<10112x64xf32, #tpu.memory_space<vmem_shared>> -> memref<10112x64xf32, #tpu.memory_space<vmem_shared>>
    tpu.wait_indirect_dma semaphore(%arg29 : memref<!tpu.dma_semaphore, #tpu.memory_space<semaphore_mem>>) src(%arg12 : memref<128x64xf32, #tpu.memory_space<vmem>>) dst(%dma_wait3A_184 : memref<10112x64xf32, #tpu.memory_space<vmem_shared>>)
    %dma_wait3A_185 = arith.constant 77 : i32
    %dma_wait3A_186 = arith.constant 0 : i32
    %dma_wait3A_187 = tpu.memref_slice %arg7[%dma_wait3A_185, %dma_wait3A_186] : memref<79x128xi32, #tpu.memory_space<vmem>> -> memref<1x128xi32, #tpu.memory_space<vmem>>
    %dma_wait3A_188 = tpu.memref_squeeze %dma_wait3A_187 : memref<1x128xi32, #tpu.memory_space<vmem>> -> memref<128xi32, #tpu.memory_space<vmem>>
    %dma_wait3A_189 = arith.constant 0 : i32
    %dma_wait3A_190 = arith.constant 0 : i32
    %dma_wait3A_191 = tpu.memref_slice %arg16[%dma_wait3A_189, %dma_wait3A_190] : memref<10112x64xf32, #tpu.memory_space<vmem_shared>> -> memref<10112x64xf32, #tpu.memory_space<vmem_shared>>
    tpu.wait_indirect_dma semaphore(%arg30 : memref<!tpu.dma_semaphore, #tpu.memory_space<semaphore_mem>>) src(%arg13 : memref<128x64xf32, #tpu.memory_space<vmem>>) dst(%dma_wait3A_191 : memref<10112x64xf32, #tpu.memory_space<vmem_shared>>)
    %dma_wait3A_192 = arith.constant 70 : i32
    %dma_wait3A_193 = arith.constant 0 : i32
    %dma_wait3A_194 = tpu.memref_slice %arg7[%dma_wait3A_192, %dma_wait3A_193] : memref<79x128xi32, #tpu.memory_space<vmem>> -> memref<1x128xi32, #tpu.memory_space<vmem>>
    %dma_wait3A_195 = tpu.memref_squeeze %dma_wait3A_194 : memref<1x128xi32, #tpu.memory_space<vmem>> -> memref<128xi32, #tpu.memory_space<vmem>>
    %dma_wait3A_196 = arith.constant 0 : i32
    %dma_wait3A_197 = arith.constant 0 : i32
    %dma_wait3A_198 = tpu.memref_slice %arg16[%dma_wait3A_196, %dma_wait3A_197] : memref<10112x64xf32, #tpu.memory_space<vmem_shared>> -> memref<10112x64xf32, #tpu.memory_space<vmem_shared>>
    tpu.wait_indirect_dma semaphore(%arg31 : memref<!tpu.dma_semaphore, #tpu.memory_space<semaphore_mem>>) src(%arg14 : memref<128x64xf32, #tpu.memory_space<vmem>>) dst(%dma_wait3A_198 : memref<10112x64xf32, #tpu.memory_space<vmem_shared>>)
    %dma_wait3A_199 = arith.constant 71 : i32
    %dma_wait3A_200 = arith.constant 0 : i32
    %dma_wait3A_201 = tpu.memref_slice %arg7[%dma_wait3A_199, %dma_wait3A_200] : memref<79x128xi32, #tpu.memory_space<vmem>> -> memref<1x128xi32, #tpu.memory_space<vmem>>
    %dma_wait3A_202 = tpu.memref_squeeze %dma_wait3A_201 : memref<1x128xi32, #tpu.memory_space<vmem>> -> memref<128xi32, #tpu.memory_space<vmem>>
    %dma_wait3A_203 = arith.constant 0 : i32
    %dma_wait3A_204 = arith.constant 0 : i32
    %dma_wait3A_205 = tpu.memref_slice %arg16[%dma_wait3A_203, %dma_wait3A_204] : memref<10112x64xf32, #tpu.memory_space<vmem_shared>> -> memref<10112x64xf32, #tpu.memory_space<vmem_shared>>
    tpu.wait_indirect_dma semaphore(%arg32 : memref<!tpu.dma_semaphore, #tpu.memory_space<semaphore_mem>>) src(%arg15 : memref<128x64xf32, #tpu.memory_space<vmem>>) dst(%dma_wait3A_205 : memref<10112x64xf32, #tpu.memory_space<vmem_shared>>)
    %lt3A_206 = arith.constant 4 : i32
    %lt3A_207 = arith.cmpi slt, %add3A, %lt3A_206 : i32
    %convert_element_type3A_208 = arith.extui %lt3A_207 : i1 to i32
    %cond3A_209 = arith.constant 0 : i32
    %cond3A_210 = arith.cmpi ne, %convert_element_type3A_208, %cond3A_209 : i32
    scf.if %cond3A_210 {
      %dma_start3A_216 = arith.constant 78 : i32
      %dma_start3A_217 = arith.constant 0 : i32
      %dma_start3A_218 = tpu.memref_slice %arg6[%dma_start3A_216, %dma_start3A_217] : memref<79x128xi32, #tpu.memory_space<vmem>> -> memref<1x128xi32, #tpu.memory_space<vmem>>
      %dma_start3A_219 = tpu.memref_squeeze %dma_start3A_218 : memref<1x128xi32, #tpu.memory_space<vmem>> -> memref<128xi32, #tpu.memory_space<vmem>>
      %dma_start3A_220 = arith.constant 0 : i32
      %dma_start3A_221 = arith.constant 0 : i32
      %dma_start3A_222 = tpu.memref_slice %arg2[%dma_start3A_220, %dma_start3A_221] : memref<10000x64xf32, #tpu.memory_space<hbm>> -> memref<10000x64xf32, #tpu.memory_space<hbm>>
      tpu.enqueue_indirect_dma source(%dma_start3A_222 : memref<10000x64xf32, #tpu.memory_space<hbm>>) target(%arg8 : memref<128x64xf32, #tpu.memory_space<vmem>>) offsets(%dma_start3A_219 : memref<128xi32, #tpu.memory_space<vmem>>) semaphore(%arg17 : memref<!tpu.dma_semaphore, #tpu.memory_space<semaphore_mem>>)
      %dma_wait3A_223 = arith.constant 0 : i32
      %dma_wait3A_224 = arith.constant 0 : i32
      %dma_wait3A_225 = tpu.memref_slice %arg2[%dma_wait3A_223, %dma_wait3A_224] : memref<10000x64xf32, #tpu.memory_space<hbm>> -> memref<128x64xf32, #tpu.memory_space<hbm>>
      %dma_wait3A_226 = arith.constant 0 : i32
      %dma_wait3A_227 = arith.constant 0 : i32
      %dma_wait3A_228 = tpu.memref_slice %arg2[%dma_wait3A_226, %dma_wait3A_227] : memref<10000x64xf32, #tpu.memory_space<hbm>> -> memref<128x64xf32, #tpu.memory_space<hbm>>
      tpu.wait_dma2 semaphore(%arg17 : memref<!tpu.dma_semaphore, #tpu.memory_space<semaphore_mem>>) src(%dma_wait3A_228 : memref<128x64xf32, #tpu.memory_space<hbm>>) dst(%arg8 : memref<128x64xf32, #tpu.memory_space<vmem>>)
      %run_scoped3A_229 = arith.constant 78 : i32
      "tpu.region"() ({
        %run_scoped3A_230 = tpu.sem_alloc : memref<!tpu.dma_semaphore, #tpu.memory_space<semaphore_mem>>
        %dma_start3A_231 = arith.constant 0 : i32
        %dma_start3A_232 = tpu.memref_slice %arg7[%run_scoped3A_229, %dma_start3A_231] : memref<79x128xi32, #tpu.memory_space<vmem>> -> memref<1x128xi32, #tpu.memory_space<vmem>>
        %dma_start3A_233 = tpu.memref_squeeze %dma_start3A_232 : memref<1x128xi32, #tpu.memory_space<vmem>> -> memref<128xi32, #tpu.memory_space<vmem>>
        %dma_start3A_234 = arith.constant 0 : i32
        %dma_start3A_235 = arith.constant 0 : i32
        %dma_start3A_236 = tpu.memref_slice %arg16[%dma_start3A_234, %dma_start3A_235] : memref<10112x64xf32, #tpu.memory_space<vmem_shared>> -> memref<10112x64xf32, #tpu.memory_space<vmem_shared>>
        tpu.enqueue_indirect_dma source(%arg8 : memref<128x64xf32, #tpu.memory_space<vmem>>) target(%dma_start3A_236 : memref<10112x64xf32, #tpu.memory_space<vmem_shared>>) offsets(%dma_start3A_233 : memref<128xi32, #tpu.memory_space<vmem>>) semaphore(%run_scoped3A_230 : memref<!tpu.dma_semaphore, #tpu.memory_space<semaphore_mem>>) {add = true}
        %dma_wait3A_237 = arith.constant 0 : i32
        %dma_wait3A_238 = tpu.memref_slice %arg7[%run_scoped3A_229, %dma_wait3A_237] : memref<79x128xi32, #tpu.memory_space<vmem>> -> memref<1x128xi32, #tpu.memory_space<vmem>>
        %dma_wait3A_239 = tpu.memref_squeeze %dma_wait3A_238 : memref<1x128xi32, #tpu.memory_space<vmem>> -> memref<128xi32, #tpu.memory_space<vmem>>
        %dma_wait3A_240 = arith.constant 0 : i32
        %dma_wait3A_241 = arith.constant 0 : i32
        %dma_wait3A_242 = tpu.memref_slice %arg16[%dma_wait3A_240, %dma_wait3A_241] : memref<10112x64xf32, #tpu.memory_space<vmem_shared>> -> memref<10112x64xf32, #tpu.memory_space<vmem_shared>>
        tpu.wait_indirect_dma semaphore(%run_scoped3A_230 : memref<!tpu.dma_semaphore, #tpu.memory_space<semaphore_mem>>) src(%arg8 : memref<128x64xf32, #tpu.memory_space<vmem>>) dst(%dma_wait3A_242 : memref<10112x64xf32, #tpu.memory_space<vmem_shared>>)
        tpu.yield
      }) : () -> ()
    } else {
    }
    %barrier3A_211 = arith.constant 0 : index
    tpu.barrier barrier_id(%barrier3A_211)
    %mul3A_212 = arith.constant 632 : i32
    %mul3A_213 = arith.muli %arg1, %mul3A_212 : i32
    %mul3A_214 = arith.constant 632 : i32
    %mul3A_215 = arith.muli %arg1, %mul3A_214 : i32
    "tpu.region"() ({
      %run_scoped3A_216 = tpu.sem_alloc : memref<!tpu.dma_semaphore, #tpu.memory_space<semaphore_mem>>
      %dma_start3A_217 = arith.constant 0 : i32
      %dma_start3A_218 = tpu.memref_slice %arg5[%arg0, %mul3A_215, %dma_start3A_217] : memref<2x10112x64xf32, #tpu.memory_space<hbm>> -> memref<1x632x64xf32, #tpu.memory_space<hbm>>
      %dma_start3A_219 = tpu.memref_squeeze %dma_start3A_218 : memref<1x632x64xf32, #tpu.memory_space<hbm>> -> memref<632x64xf32, #tpu.memory_space<hbm>>
      %dma_start3A_220 = arith.constant 0 : i32
      %dma_start3A_221 = tpu.memref_slice %arg16[%mul3A_213, %dma_start3A_220] : memref<10112x64xf32, #tpu.memory_space<vmem_shared>> -> memref<632x64xf32, #tpu.memory_space<vmem_shared>>
      tpu.enqueue_dma source(%dma_start3A_221 : memref<632x64xf32, #tpu.memory_space<vmem_shared>>) target(%dma_start3A_219 : memref<632x64xf32, #tpu.memory_space<hbm>>) target_semaphore(%run_scoped3A_216 : memref<!tpu.dma_semaphore, #tpu.memory_space<semaphore_mem>>)
      %dma_wait3A_222 = arith.constant 0 : i32
      %dma_wait3A_223 = tpu.memref_slice %arg5[%arg0, %mul3A_215, %dma_wait3A_222] : memref<2x10112x64xf32, #tpu.memory_space<hbm>> -> memref<1x632x64xf32, #tpu.memory_space<hbm>>
      %dma_wait3A_224 = tpu.memref_squeeze %dma_wait3A_223 : memref<1x632x64xf32, #tpu.memory_space<hbm>> -> memref<632x64xf32, #tpu.memory_space<hbm>>
      %dma_wait3A_225 = arith.constant 0 : i32
      %dma_wait3A_226 = tpu.memref_slice %arg16[%mul3A_213, %dma_wait3A_225] : memref<10112x64xf32, #tpu.memory_space<vmem_shared>> -> memref<632x64xf32, #tpu.memory_space<vmem_shared>>
      tpu.wait_dma2 semaphore(%run_scoped3A_216 : memref<!tpu.dma_semaphore, #tpu.memory_space<semaphore_mem>>) src(%dma_wait3A_226 : memref<632x64xf32, #tpu.memory_space<vmem_shared>>) dst(%dma_wait3A_224 : memref<632x64xf32, #tpu.memory_space<hbm>>)
      tpu.yield
    }) : () -> ()
    return
  }
}

module attributes {stable_mosaic.version = 14 : i64} {
  func.func @body(%arg0: memref<10000x64xf32, #tpu.memory_space<vmem>>, %arg1: memref<2x10112x8xf32, #tpu.memory_space<vmem>>, %arg2: memref<10000x64xf32, #tpu.memory_space<vmem>>) attributes {dimension_semantics = [], scalar_prefetch = 0 : i64, scratch_operands = 0 : i64, tpu.core_type = #tpu.core_type<tc>} {
    %get3A = arith.constant 0 : index
    %get3A_0 = arith.constant 0 : index
    %get3A_1 = vector.load %arg0[%get3A, %get3A_0] : memref<10000x64xf32, #tpu.memory_space<vmem>>, vector<10000x64xf32>
    %get3A_2 = arith.constant 0 : index
    %get3A_3 = arith.constant 0 : index
    %get3A_4 = arith.constant 0 : index
    %get3A_5 = vector.load %arg1[%get3A_2, %get3A_3, %get3A_4] : memref<2x10112x8xf32, #tpu.memory_space<vmem>>, vector<2x10112x8xf32>
    %slice3A = vector.extract_strided_slice %get3A_5 {offsets = [0, 0, 0], sizes = [1, 10000, 1], strides = [1, 1, 1]} : vector<2x10112x8xf32> to vector<1x10000x1xf32>
    %squeeze3A = vector.shape_cast %slice3A : vector<1x10000x1xf32> to vector<10000x1xf32>
    %slice3A_6 = vector.extract_strided_slice %get3A_5 {offsets = [1, 0, 0], sizes = [1, 10000, 1], strides = [1, 1, 1]} : vector<2x10112x8xf32> to vector<1x10000x1xf32>
    %squeeze3A_7 = vector.shape_cast %slice3A_6 : vector<1x10000x1xf32> to vector<10000x1xf32>
    %add3A = arith.addf %squeeze3A, %squeeze3A_7 : vector<10000x1xf32>
    %add3A_8 = arith.constant 1.000000e+00 : f32
    %add3A_9 = vector.broadcast %add3A_8 : f32 to vector<10000x1xf32>
    %add3A_10 = arith.addf %add3A, %add3A_9 : vector<10000x1xf32>
    %rsqrt3A = math.rsqrt %add3A_10 : vector<10000x1xf32>
    %mul3A = vector.broadcast %rsqrt3A : vector<10000x1xf32> to vector<10000x64xf32>
    %mul3A_11 = arith.mulf %get3A_1, %mul3A : vector<10000x64xf32>
    %swap3A = arith.constant 0 : index
    %swap3A_12 = arith.constant 0 : index
    %swap3A_13 = vector.load %arg2[%swap3A, %swap3A_12] : memref<10000x64xf32, #tpu.memory_space<vmem>>, vector<10000x64xf32>
    tpu.vector_store %arg2[%swap3A, %swap3A_12], %mul3A_11 {strides = array<i32>} : memref<10000x64xf32, #tpu.memory_space<vmem>>, vector<10000x64xf32>,
    return
  }
}

module attributes {stable_mosaic.version = 14 : i64} {
  func.func @body(%arg0: memref<10000x128xf32, #tpu.memory_space<vmem>>, %arg1: memref<128x64xf32, #tpu.memory_space<vmem>>, %arg2: memref<10000x64xf32, #tpu.memory_space<vmem>>) attributes {dimension_semantics = [], scalar_prefetch = 0 : i64, scratch_operands = 0 : i64, tpu.core_type = #tpu.core_type<tc>} {
    %get3A = arith.constant 0 : index
    %get3A_0 = arith.constant 0 : index
    %get3A_1 = vector.load %arg0[%get3A, %get3A_0] : memref<10000x128xf32, #tpu.memory_space<vmem>>, vector<10000x128xf32>
    %get3A_2 = arith.constant 0 : index
    %get3A_3 = arith.constant 0 : index
    %get3A_4 = vector.load %arg1[%get3A_2, %get3A_3] : memref<128x64xf32, #tpu.memory_space<vmem>>, vector<128x64xf32>
    %dot_general3A = arith.constant dense<0.000000e+00> : vector<10000x64xf32>
    %dot_general3A_5 = tpu.matmul %get3A_1, %get3A_4, %dot_general3A {dimension_numbers = #tpu.dot_dimension_numbers<[1], [0], [0], [1], [0, 0, 1, 1], [], []>, transpose_lhs_hint = false} : vector<10000x128xf32>, vector<128x64xf32>, vector<10000x64xf32> -> vector<10000x64xf32>
    %swap3A = arith.constant 0 : index
    %swap3A_6 = arith.constant 0 : index
    %swap3A_7 = vector.load %arg2[%swap3A, %swap3A_6] : memref<10000x64xf32, #tpu.memory_space<vmem>>, vector<10000x64xf32>
    tpu.vector_store %arg2[%swap3A, %swap3A_6], %dot_general3A_5 {strides = array<i32>} : memref<10000x64xf32, #tpu.memory_space<vmem>>, vector<10000x64xf32>,
    return
  }
}

module attributes {stable_mosaic.version = 14 : i64} {
  func.func @body(%arg0: memref<2x10112x64xf32, #tpu.memory_space<vmem>>, %arg1: memref<10000x64xf32, #tpu.memory_space<vmem>>, %arg2: memref<1x64xf32, #tpu.memory_space<vmem>>, %arg3: memref<64x32xf32, #tpu.memory_space<vmem>>, %arg4: memref<2x10112x8xf32, #tpu.memory_space<vmem>>, %arg5: memref<10000x32xf32, #tpu.memory_space<vmem>>) attributes {dimension_semantics = [], scalar_prefetch = 0 : i64, scratch_operands = 0 : i64, tpu.core_type = #tpu.core_type<tc>} {
    %get3A = arith.constant 0 : index
    %get3A_0 = arith.constant 0 : index
    %get3A_1 = arith.constant 0 : index
    %get3A_2 = vector.load %arg4[%get3A, %get3A_0, %get3A_1] : memref<2x10112x8xf32, #tpu.memory_space<vmem>>, vector<2x10112x8xf32>
    %slice3A = vector.extract_strided_slice %get3A_2 {offsets = [0, 0, 0], sizes = [1, 10000, 1], strides = [1, 1, 1]} : vector<2x10112x8xf32> to vector<1x10000x1xf32>
    %squeeze3A = vector.shape_cast %slice3A : vector<1x10000x1xf32> to vector<10000x1xf32>
    %slice3A_3 = vector.extract_strided_slice %get3A_2 {offsets = [1, 0, 0], sizes = [1, 10000, 1], strides = [1, 1, 1]} : vector<2x10112x8xf32> to vector<1x10000x1xf32>
    %squeeze3A_4 = vector.shape_cast %slice3A_3 : vector<1x10000x1xf32> to vector<10000x1xf32>
    %add3A = arith.addf %squeeze3A, %squeeze3A_4 : vector<10000x1xf32>
    %add3A_5 = arith.constant 1.000000e+00 : f32
    %add3A_6 = vector.broadcast %add3A_5 : f32 to vector<10000x1xf32>
    %add3A_7 = arith.addf %add3A, %add3A_6 : vector<10000x1xf32>
    %rsqrt3A = math.rsqrt %add3A_7 : vector<10000x1xf32>
    %get3A_8 = arith.constant 0 : index
    %get3A_9 = arith.constant 0 : index
    %get3A_10 = arith.constant 0 : index
    %get3A_11 = vector.load %arg0[%get3A_8, %get3A_9, %get3A_10] : memref<2x10112x64xf32, #tpu.memory_space<vmem>>, vector<2x10112x64xf32>
    %slice3A_12 = vector.extract_strided_slice %get3A_11 {offsets = [0, 0, 0], sizes = [1, 10000, 64], strides = [1, 1, 1]} : vector<2x10112x64xf32> to vector<1x10000x64xf32>
    %squeeze3A_13 = vector.shape_cast %slice3A_12 : vector<1x10000x64xf32> to vector<10000x64xf32>
    %slice3A_14 = vector.extract_strided_slice %get3A_11 {offsets = [1, 0, 0], sizes = [1, 10000, 64], strides = [1, 1, 1]} : vector<2x10112x64xf32> to vector<1x10000x64xf32>
    %squeeze3A_15 = vector.shape_cast %slice3A_14 : vector<1x10000x64xf32> to vector<10000x64xf32>
    %add3A_16 = arith.addf %squeeze3A_13, %squeeze3A_15 : vector<10000x64xf32>
    %get3A_17 = arith.constant 0 : index
    %get3A_18 = arith.constant 0 : index
    %get3A_19 = vector.load %arg1[%get3A_17, %get3A_18] : memref<10000x64xf32, #tpu.memory_space<vmem>>, vector<10000x64xf32>
    %add3A_20 = arith.addf %add3A_16, %get3A_19 : vector<10000x64xf32>
    %mul3A = vector.broadcast %rsqrt3A : vector<10000x1xf32> to vector<10000x64xf32>
    %mul3A_21 = arith.mulf %mul3A, %add3A_20 : vector<10000x64xf32>
    %get3A_22 = arith.constant 0 : index
    %get3A_23 = arith.constant 0 : index
    %get3A_24 = vector.load %arg2[%get3A_22, %get3A_23] : memref<1x64xf32, #tpu.memory_space<vmem>>, vector<1x64xf32>
    %add3A_25 = vector.broadcast %get3A_24 : vector<1x64xf32> to vector<10000x64xf32>
    %add3A_26 = arith.addf %mul3A_21, %add3A_25 : vector<10000x64xf32>
    %tanh3A = math.tanh %add3A_26 : vector<10000x64xf32>
    %get3A_27 = arith.constant 0 : index
    %get3A_28 = arith.constant 0 : index
    %get3A_29 = vector.load %arg3[%get3A_27, %get3A_28] : memref<64x32xf32, #tpu.memory_space<vmem>>, vector<64x32xf32>
    %dot_general3A = arith.constant dense<0.000000e+00> : vector<10000x32xf32>
    %dot_general3A_30 = tpu.matmul %tanh3A, %get3A_29, %dot_general3A {dimension_numbers = #tpu.dot_dimension_numbers<[1], [0], [0], [1], [0, 0, 1, 1], [], []>, transpose_lhs_hint = false} : vector<10000x64xf32>, vector<64x32xf32>, vector<10000x32xf32> -> vector<10000x32xf32>
    %mul3A_31 = vector.broadcast %rsqrt3A : vector<10000x1xf32> to vector<10000x32xf32>
    %mul3A_32 = arith.mulf %dot_general3A_30, %mul3A_31 : vector<10000x32xf32>
    %swap3A = arith.constant 0 : index
    %swap3A_33 = arith.constant 0 : index
    %swap3A_34 = vector.load %arg5[%swap3A, %swap3A_33] : memref<10000x32xf32, #tpu.memory_space<vmem>>, vector<10000x32xf32>
    tpu.vector_store %arg5[%swap3A, %swap3A_33], %mul3A_32 {strides = array<i32>} : memref<10000x32xf32, #tpu.memory_space<vmem>>, vector<10000x32xf32>,
    return
  }
}

module attributes {stable_mosaic.version = 14 : i64} {
  func.func @body(%arg0: memref<2x10112x32xf32, #tpu.memory_space<vmem>>, %arg1: memref<10000x32xf32, #tpu.memory_space<vmem>>, %arg2: memref<1x32xf32, #tpu.memory_space<vmem>>, %arg3: memref<1x32xf32, #tpu.memory_space<vmem>>, %arg4: memref<1x1xf32, #tpu.memory_space<vmem>>, %arg5: memref<1x10xf32, #tpu.memory_space<vmem>>, %arg6: memref<1x10xf32, #tpu.memory_space<vmem>>, %arg7: memref<2x10112x8xf32, #tpu.memory_space<vmem>>, %arg8: memref<10000x10xf32, #tpu.memory_space<vmem>>) attributes {dimension_semantics = [], scalar_prefetch = 0 : i64, scratch_operands = 0 : i64, tpu.core_type = #tpu.core_type<tc>} {
    %get3A = arith.constant 0 : index
    %get3A_0 = arith.constant 0 : index
    %get3A_1 = arith.constant 0 : index
    %get3A_2 = vector.load %arg7[%get3A, %get3A_0, %get3A_1] : memref<2x10112x8xf32, #tpu.memory_space<vmem>>, vector<2x10112x8xf32>
    %slice3A = vector.extract_strided_slice %get3A_2 {offsets = [0, 0, 0], sizes = [1, 10000, 1], strides = [1, 1, 1]} : vector<2x10112x8xf32> to vector<1x10000x1xf32>
    %squeeze3A = vector.shape_cast %slice3A : vector<1x10000x1xf32> to vector<10000x1xf32>
    %slice3A_3 = vector.extract_strided_slice %get3A_2 {offsets = [1, 0, 0], sizes = [1, 10000, 1], strides = [1, 1, 1]} : vector<2x10112x8xf32> to vector<1x10000x1xf32>
    %squeeze3A_4 = vector.shape_cast %slice3A_3 : vector<1x10000x1xf32> to vector<10000x1xf32>
    %add3A = arith.addf %squeeze3A, %squeeze3A_4 : vector<10000x1xf32>
    %add3A_5 = arith.constant 1.000000e+00 : f32
    %add3A_6 = vector.broadcast %add3A_5 : f32 to vector<10000x1xf32>
    %add3A_7 = arith.addf %add3A, %add3A_6 : vector<10000x1xf32>
    %rsqrt3A = math.rsqrt %add3A_7 : vector<10000x1xf32>
    %get3A_8 = arith.constant 0 : index
    %get3A_9 = arith.constant 0 : index
    %get3A_10 = arith.constant 0 : index
    %get3A_11 = vector.load %arg0[%get3A_8, %get3A_9, %get3A_10] : memref<2x10112x32xf32, #tpu.memory_space<vmem>>, vector<2x10112x32xf32>
    %slice3A_12 = vector.extract_strided_slice %get3A_11 {offsets = [0, 0, 0], sizes = [1, 10000, 32], strides = [1, 1, 1]} : vector<2x10112x32xf32> to vector<1x10000x32xf32>
    %squeeze3A_13 = vector.shape_cast %slice3A_12 : vector<1x10000x32xf32> to vector<10000x32xf32>
    %slice3A_14 = vector.extract_strided_slice %get3A_11 {offsets = [1, 0, 0], sizes = [1, 10000, 32], strides = [1, 1, 1]} : vector<2x10112x32xf32> to vector<1x10000x32xf32>
    %squeeze3A_15 = vector.shape_cast %slice3A_14 : vector<1x10000x32xf32> to vector<10000x32xf32>
    %add3A_16 = arith.addf %squeeze3A_13, %squeeze3A_15 : vector<10000x32xf32>
    %get3A_17 = arith.constant 0 : index
    %get3A_18 = arith.constant 0 : index
    %get3A_19 = vector.load %arg1[%get3A_17, %get3A_18] : memref<10000x32xf32, #tpu.memory_space<vmem>>, vector<10000x32xf32>
    %add3A_20 = arith.addf %add3A_16, %get3A_19 : vector<10000x32xf32>
    %mul3A = vector.broadcast %rsqrt3A : vector<10000x1xf32> to vector<10000x32xf32>
    %mul3A_21 = arith.mulf %mul3A, %add3A_20 : vector<10000x32xf32>
    %get3A_22 = arith.constant 0 : index
    %get3A_23 = arith.constant 0 : index
    %get3A_24 = vector.load %arg2[%get3A_22, %get3A_23] : memref<1x32xf32, #tpu.memory_space<vmem>>, vector<1x32xf32>
    %add3A_25 = vector.broadcast %get3A_24 : vector<1x32xf32> to vector<10000x32xf32>
    %add3A_26 = arith.addf %mul3A_21, %add3A_25 : vector<10000x32xf32>
    %tanh3A = math.tanh %add3A_26 : vector<10000x32xf32>
    %get3A_27 = arith.constant 0 : index
    %get3A_28 = arith.constant 0 : index
    %get3A_29 = vector.load %arg3[%get3A_27, %get3A_28] : memref<1x32xf32, #tpu.memory_space<vmem>>, vector<1x32xf32>
    %mul3A_30 = vector.broadcast %get3A_29 : vector<1x32xf32> to vector<10000x32xf32>
    %mul3A_31 = arith.mulf %tanh3A, %mul3A_30 : vector<10000x32xf32>
    %reduce_sum3A = arith.constant dense<0.000000e+00> : vector<10000xf32>
    %reduce_sum3A_32 = vector.multi_reduction <add>, %mul3A_31, %reduce_sum3A [1] : vector<10000x32xf32> to vector<10000xf32>
    %broadcast_in_dim3A = vector.shape_cast %reduce_sum3A_32 : vector<10000xf32> to vector<10000x1xf32>
    %get3A_33 = arith.constant 0 : index
    %get3A_34 = arith.constant 0 : index
    %get3A_35 = vector.load %arg4[%get3A_33, %get3A_34] : memref<1x1xf32, #tpu.memory_space<vmem>>, vector<1x1xf32>
    %add3A_36 = vector.broadcast %get3A_35 : vector<1x1xf32> to vector<10000x1xf32>
    %add3A_37 = arith.addf %broadcast_in_dim3A, %add3A_36 : vector<10000x1xf32>
    %max3A = arith.constant 0.000000e+00 : f32
    %max3A_38 = vector.broadcast %max3A : f32 to vector<10000x1xf32>
    %max3A_39 = arith.maximumf %add3A_37, %max3A_38 : vector<10000x1xf32>
    %get3A_40 = arith.constant 0 : index
    %get3A_41 = arith.constant 0 : index
    %get3A_42 = vector.load %arg5[%get3A_40, %get3A_41] : memref<1x10xf32, #tpu.memory_space<vmem>>, vector<1x10xf32>
    %mul3A_43 = vector.broadcast %max3A_39 : vector<10000x1xf32> to vector<10000x10xf32>
    %mul3A_44 = vector.broadcast %get3A_42 : vector<1x10xf32> to vector<10000x10xf32>
    %mul3A_45 = arith.mulf %mul3A_43, %mul3A_44 : vector<10000x10xf32>
    %get3A_46 = arith.constant 0 : index
    %get3A_47 = arith.constant 0 : index
    %get3A_48 = vector.load %arg6[%get3A_46, %get3A_47] : memref<1x10xf32, #tpu.memory_space<vmem>>, vector<1x10xf32>
    %add3A_49 = vector.broadcast %get3A_48 : vector<1x10xf32> to vector<10000x10xf32>
    %add3A_50 = arith.addf %mul3A_45, %add3A_49 : vector<10000x10xf32>
    %swap3A = arith.constant 0 : index
    %swap3A_51 = arith.constant 0 : index
    %swap3A_52 = vector.load %arg8[%swap3A, %swap3A_51] : memref<10000x10xf32, #tpu.memory_space<vmem>>, vector<10000x10xf32>
    tpu.vector_store %arg8[%swap3A, %swap3A_51], %add3A_50 {strides = array<i32>} : memref<10000x10xf32, #tpu.memory_space<vmem>>, vector<10000x10xf32>,
    return
  }
}

</mosaic_0001>

<sc_bundles>
// kernel: kernel.12.cloned.1.call-start
scs
__scs_entry_jumppad:
0x0: {  	(pc) =	sbr.rel $0x88, $3  }
0x1: {  	(tag) =	ssettag $0x0;
	lr =	simm.s32 $0x1  }
0x2: {  	[smem:$0x3F97] =	sst lr;
	_ =	strace $0xD0000000  }
0x3: {  	_ = 	snop  }
0x4: {  	_ = 	snop  }
0x5: {  	_ = 	snop  }
0x6: {  	_ = 	snop  }
0x7: {  	_ = 	snop  }
__scs_overlays_trampoline_lowered:
0x8: {  	[smem:$0x3FA6] =	sst s0  }
0x9: {  	[smem:$0x3FA7] =	sst s1  }
0xa: {  	[smem:$0x3FA8] =	sst s2  }
0xb: {  	[smem:$0x3FA9] =	sst s3  }
0xc: {  	[smem:$0x3FAA] =	sst s4  }
0xd: {  	[smem:$0x3FAB] =	sst s5  }
0xe: {  	[smem:$0x3FAC] =	sst s6  }
0xf: {  	[smem:$0x3FAD] =	sst s7  }
0x10: {  	[smem:$0x3FAE] =	sst s8  }
0x11: {  	[smem:$0x3FAF] =	sst s9;
	s0 =	simm.s32 @!p0 $0x0  }
0x12: {  	s1 =	sld [smem:$0x3F95];
	s0 =	simm.s32 @p0 $0x1  }
0x13: {  	[smem:$0x3FB0] =	sst s0;
	s0 =	simm.s32 @!p1 $0x0  }
0x14: {  	s2 =	sld [smem:$0x3F94];
	s0 =	simm.s32 @p1 $0x1  }
0x15: {  	[smem:$0x3FB1] =	sst s0;
	s0 =	simm.s32 @!p2 $0x0  }
0x16: {  	s3 =	sld [smem:$0x3FDB];
	s0 =	simm.s32 @p2 $0x1  }
0x17: {  	s4 =	simm.s32 $0x1BF5;
	[smem:$0x3FB3] =	sst s0  }
0x18: {  	s0 =	sld [smem:$0x3F96];
	_ =	swait.ge [sflag:s4], $0x0  }
0x19: {  	s7 =	sld [smem:$0x3F97]  }
0x1a: {  	s8 =	sadd.s32 $0xFFFFE003, lr  }
0x1b: {  	s9 =	sadd.s32 $0xFFFFFEF7, lr;
	s5 =	simm.s32 $0xFFFFFFFF;
	p2 =	slt.u32 s8, $0xFFFFF086  }
0x1c: {  	p1 =	slt.u32 s9, $0xF7A;
	s5 =	simm.s32 @!p2 $0x0  }
0x1d: {  	s5 =	simm.s32 @p1 $0x1;
	p0 =	seq.s32 s7, s2  }
0x1e: {  	s7 =	smul.u32 @!p0 $0xF7A, s2;
	p2 =	seq.s32 @!p0 s5, $0x0  }
0x1f: {  	s9 =	smul.u32 $0xF7A, s1;
	s8 =	simm.s32 @!p0 $0x1BF5;
	p2 =	por !p2, p0  }
0x20: {  	[sflag:s8] =	ssyncset.s32 @!p0 $0xFFFFF086;
	s6 =	sadd.s32 @!p0 s3, s7;
	s7 =	simm.s32 @!p0 $0x108  }
0x21: {  	s3 =	sadd.s32 s3, s9;
	s6 =	sadd.s32 @!p0 $0x88, s6;
	s7 =	simm.s32 @p2 $0x1082  }
0x22: {  	[simem:s7], [sflag:s8] =	dma.local @!p0 [hbm:s6], $0xF7A  }
0x23: {  	s9 =	sor.u32 $0xD0000000, s2;
	s6 =	simm.s32 $0x108;
	_ =	swait.ge @!p0 [sflag:s8], $0x0  }
0x24: {  	s3 =	sadd.s32 $0x88, s3;
	s6 =	simm.s32 @!p1 $0x1082;
	[sflag:s4] =	ssyncset.s32 $0xFFFFF086  }
0x25: {  	[simem:s6], [sflag:s4] =	dma.local [hbm:s3], $0xF7A  }
0x26: {  	[smem:$0x3F97] =	sst s1;
	(tag) =	ssettag s2;
	_ =	strace s9  }
0x27: {  	s1 =	sld [smem:$0x3FA7]  }
0x28: {  	s2 =	sld [smem:$0x3FA8]  }
0x29: {  	s4 =	sld [smem:$0x3FAA]  }
0x2a: {  	p0 =	seq.s32 s5, $0x0;
	s5 =	sld [smem:$0x3FAB]  }
0x2b: {  	s6 =	sld [smem:$0x3FAC]  }
0x2c: {  	s7 =	sld [smem:$0x3FAD]  }
0x2d: {  	s3 =	simm.s32 $0x108;
	s8 =	sld [smem:$0x3FAE]  }
0x2e: {  	s3 =	simm.s32 @!p0 $0x1082;
	s9 =	sld [smem:$0x3FAF]  }
0x2f: {  	lr =	sadd.s32 s0, s3;
	s0 =	sld [smem:$0x3FA6]  }
0x30: {  	s3 =	sld [smem:$0x3FA9]  }
0x31: {  	[smem:$0x3FB2] =	sst s10  }
0x32: {  	s10 =	sld [smem:$0x3FB0];
	_ =	sdelay $0x3  }
0x33: {  	p0 =	seq.s32 s10, $0x1;
	s10 =	sld [smem:$0x3FB2];
	_ =	sdelay $0x3  }
0x34: {  	[smem:$0x3FB2] =	sst s10  }
0x35: {  	s10 =	sld [smem:$0x3FB1];
	_ =	sdelay $0x3  }
0x36: {  	p1 =	seq.s32 s10, $0x1;
	s10 =	sld [smem:$0x3FB2];
	_ =	sdelay $0x3  }
0x37: {  	[smem:$0x3FB2] =	sst s10  }
0x38: {  	s10 =	sld [smem:$0x3FB3]  }
0x39: {  	_ = 	snop;
	(pc) =	sbr.ind lr, $3  }
0x3a: {  	_ = 	snop  }
0x3b: {  	_ = 	snop  }
0x3c: {  	p2 =	seq.s32 s10, $0x1;
	s10 =	sld [smem:$0x3FB2]  }
0x3d: {  	_ =	shalt  }
0x3e: {  	_ =	shalt  }
0x3f: {  	_ =	shalt  }
0x40: {  	_ =	shalt  }
0x41: {  	_ =	shalt  }
0x42: {  	_ =	shalt  }
0x43: {  	_ =	shalt  }
0x44: {  	_ =	shalt  }
0x45: {  	_ =	shalt  }
0x46: {  	_ =	shalt  }
0x47: {  	_ =	shalt  }
0x48: {  	_ =	shalt  }
0x49: {  	_ =	shalt  }
0x4a: {  	_ =	shalt  }
0x4b: {  	_ =	shalt  }
0x4c: {  	_ =	shalt  }
0x4d: {  	_ =	shalt  }
0x4e: {  	_ =	shalt  }
0x4f: {  	_ =	shalt  }
0x50: {  	_ =	shalt  }
0x51: {  	_ =	shalt  }
0x52: {  	_ =	shalt  }
0x53: {  	_ =	shalt  }
0x54: {  	_ =	shalt  }
0x55: {  	_ =	shalt  }
0x56: {  	_ =	shalt  }
0x57: {  	_ =	shalt  }
0x58: {  	_ =	shalt  }
0x59: {  	_ =	shalt  }
0x5a: {  	_ =	shalt  }
0x5b: {  	_ =	shalt  }
0x5c: {  	_ =	shalt  }
0x5d: {  	_ =	shalt  }
0x5e: {  	_ =	shalt  }
0x5f: {  	_ =	shalt  }
0x60: {  	_ =	shalt  }
0x61: {  	_ =	shalt  }
0x62: {  	_ =	shalt  }
0x63: {  	_ =	shalt  }
0x64: {  	_ =	shalt  }
0x65: {  	_ =	shalt  }
0x66: {  	_ =	shalt  }
0x67: {  	_ =	shalt  }
0x68: {  	_ =	shalt  }
0x69: {  	_ =	shalt  }
0x6a: {  	_ =	shalt  }
0x6b: {  	_ =	shalt  }
0x6c: {  	_ =	shalt  }
0x6d: {  	_ =	shalt  }
0x6e: {  	_ =	shalt  }
0x6f: {  	_ =	shalt  }
0x70: {  	_ =	shalt  }
0x71: {  	_ =	shalt  }
0x72: {  	_ =	shalt  }
0x73: {  	_ =	shalt  }
0x74: {  	_ =	shalt  }
0x75: {  	_ =	shalt  }
0x76: {  	_ =	shalt  }
0x77: {  	_ =	shalt  }
0x78: {  	_ =	shalt  }
0x79: {  	_ =	shalt  }
0x7a: {  	_ =	shalt  }
0x7b: {  	_ =	shalt  }
0x7c: {  	_ =	shalt  }
0x7d: {  	_ =	shalt  }
0x7e: {  	_ =	shalt  }
0x7f: {  	_ =	shalt  }
0x80: {  	_ =	shalt  }
0x81: {  	_ =	shalt  }
0x82: {  	_ =	shalt  }
0x83: {  	_ =	shalt  }
0x84: {  	_ =	shalt  }
0x85: {  	_ =	shalt  }
0x86: {  	_ =	shalt  }
0x87: {  	_ =	shalt  }
.Lfunc_end0:
.L_simem_size_0:
called_computation.1_lowered:
.L_overlay_start_0:
0x88: {  	s2 =	sld [smem:$0x3FD9]  }
0x89: {  	s3 =	sld [smem:$0x3FFE];
	_ =	sdelay $0x1  }
0x8a: {  	s1 =	srdreg.scid  }
0x8b: {  	s0 =	sand.u32 $0x1, s1  }
0x8c: {  	s16 =	sshll.u32 s0, $0xA;
	s2 =	sadd.s32 s3, s2  }
0x8d: {  	s2 =	sadd.s32 s2, s16  }
0x8e: {  	[smem:$0x3FBE] =	sst s2  }
0x8f: {  	_ = 	snop  }
0x90: {  	(tm) =	ssettm $0x1  }
0x91: {  	s17 =	sld [smem:$0x3FFB];
	_ =	sdelay $0x3  }
0x92: {  	_ =	strace s17  }
0x93: {  	s2 =	sld [smem:$0x3FFC];
	_ =	sdelay $0x3  }
0x94: {  	_ =	strace s2  }
0x95: {  	s2 =	sld [smem:$0x3FFD];
	_ =	sdelay $0x3  }
0x96: {  	_ =	strace s2  }
0x97: {  	_ =	strace $0x8FFFFFFF  }
0x98: {  	s18 =	sld [smem:$0x3FDB];
	_ =	sdelay $0x1  }
0x99: {  	s19 =	simm.s32 $_scs_section_size  }
0x9a: {  	s4 =	simm.s32 $_size__tile_overlayer_lowered;
	s5 =	simm.s32 $_tile_overlayer_lowered  }
0x9b: {  	s22 =	simm.s32 $0x1BFF;
	s21 =	sshll.u32 s5, $0x1;
	s2 =	sadd.s32 s19, s18  }
0x9c: {  	s6 =	simm.s32 $0x0;
	s20 =	sshll.u32 s4, $0x1;
	s4 =	sadd.s32 s21, s2  }
0x9d: {  	[timem:s6], [sflag:s22] =	dma.local [hbm:s4], s20  }
0x9e: {  	_ =	swait.ge [sflag:s22], s20  }
0x9f: {  	s3 =	ssub.s32 $0x0, s20;
	[sflag:s22] =	ssyncset.done $0x0  }
0xa0: {  	[sflag:s22] =	ssyncadd.s32 s3;
	_ =	sdelay $0x1  }
0xa1: {  	s23 =	simm.s32 $0x1B8B  }
0xa2: {  	_ =	swait.ge [sflag:s23], $0x1  }
0xa3: {  	[sflag:s23] =	ssyncset.done $0x0  }
0xa4: {  	s25 =	simm.s32 $0x1B8E;
	s24 =	sld [smem:$0x3FFE];
	[sflag:s23] =	ssyncadd.s32 $0xFFFFFFFF  }
0xa5: {  	s26 =	simm.s32 $execute0_lowered;
	[smem:$0x3FD2] =	sst s25  }
0xa6: {  	s4 =	sshll.u32 s26, $0x1;
	_ =	strace $0x80000049;
	[dreg:$0x1] =	wrdreg $0xFFFFFFFF  }
0xa7: {  	s28 =	simm.s32 $_size_execute0_lowered;
	s2 =	sadd.s32 s2, s4;
	[dreg:$0x0] =	wrdreg $0x0  }
0xa8: {  	s4 =	sshll.u32 s28, $0x1;
	[dreg:$0x2] =	wrdreg s2  }
0xa9: {  	[dreg:$0x3] =	wrdreg s4  }
0xaa: {  	[dreg:$0x4] =	wrdreg $0xC0  }
0xab: {  	_ =	task [dreg:s6], $0x5FFFF  }
0xac: {  	[dreg:$0x1] =	wrdreg $0xFFFFFFFF  }
0xad: {  	[dreg:$0x0] =	wrdreg $0x60  }
0xae: {  	[dreg:$0x2] =	wrdreg s24  }
0xaf: {  	[dreg:$0x3] =	wrdreg $0x14F000  }
0xb0: {  	[dreg:$0x4] =	wrdreg $0x9  }
0xb1: {  	_ =	task.clear_ibuf [dreg:s6], $0x5FFFF;
	_ =	strace $0x90000049  }
0xb2: {  	s29 =	simm.s32 $0x9;
	_ =	strace $0x8000004B  }
0xb3: {  	_ =	swait.ge [sflag:s29], $0x1  }
0xb4: {  	[sflag:s29] =	ssyncadd.s32 $0xFFFFFFFF  }
0xb5: {  	_ =	strace $0x9000004B  }
0xb6: {  	_ =	sfence  }
0xb7: {  	s30 =	sld [smem:$0x0];
	_ =	sdelay $0x2  }
0xb8: {  	s31 =	sshll.u32 s1, $0xD;
	s1 =	sshrl.u32 s1, $0x2  }
0xb9: {  	s3 =	sand.u32 $0x4000, s31;
	s1 =	sadd.s32 s1, s30  }
0xba: {  	s0 =	sor.u32 s3, s0;
	s1 =	sshll.u32 s1, $0x11  }
0xbb: {  	s0 =	sor.u32 s1, s0  }
0xbc: {  	s0 =	sadd.s32 $0x8F2B, s0  }
0xbd: {  	[sflag:s0] =	ssyncadd.remote.s32 $0x1  }
0xbe: {  	_ =	sfence.sel $0xFFFF  }
0xbf: {  	[dreg:$0x0] =	wrdreg $0xFFFFFFFF;
	(pc) =	sbr.abs _section_cstart, $3  }
0xc0: {  	[dreg:$0x1] =	wrdreg $0xFFFFFFFF  }
0xc1: {  	_ =	task.clear_ibuf [dreg:s6], $0x2FFFF;
	_ =	strace $0x9FFFFFFF  }
0xc2: {  	(tm) =	ssettm $0x7FFFFFFF  }
0xc3: {  	_ =	shalt  }
tec
execute0_lowered:
.L_overlay_start_1:
0x0: {  	(tag) =	ssettag $0x1  }
0x1: {  	s0 =	rddreg [dreg:$0x0]  }
0x2: {  	s2 =	rddreg [dreg:$0x1];
	s3 =	simm.s32 $0x0  }
0x3: {  	s12 =	stileid.u32;
	s1 =	srdreg.scid;
	s14 =	simm.s32 $0x11  }
0x4: {  	s16 =	simm.s32 $0x80;
	s17 =	simm.s32 $0x4F00;
	s18 =	simm.s32 $0x6F00  }
0x5: {  	s20 =	simm.s32 $0x8F00;
	s22 =	simm.s32 $0xAF00;
	s24 =	simm.s32 $0xCF00  }
0x6: {  	s29 =	simm.s32 $0x10F00;
	s31 =	simm.s32 $0x12F00;
	s19 =	simm.s32 $0x4  }
0x7: {  	s21 =	simm.s32 $0x5;
	s23 =	simm.s32 $0x6;
	s28 =	simm.s32 $0x8  }
0x8: {  	s30 =	simm.s32 $0x9;
	s15 =	simm.s32 $0x0;
	[smem:$0x7FF] =	sst s3  }
0x9: {  	s25 =	smul.u32 $0x9E00, s12;
	s1 =	sand.u32 $0x1, s1;
	s4 =	sadd.s32 $0x8C400, s0  }
0xa: {  	s6 =	sadd.s32 $0x2800, s0;
	s11 =	sshll.u32 s12, $0x4;
	_ =	strace $0x8000004A  }
0xb: {  	s5 =	smul.u32 $0x9E000, s1;
	s8 =	sshll.u32 s1, $0x4;
	s1 =	ssub.s32 $0x2, s1  }
0xc: {  	s11 =	sor.u32 $0x9C00, s11;
	[dreg:$0xc] =	wrdreg s15;
	s7 =	sshrl.u32 s25, $0x3  }
0xd: {  	s8 =	sor.u32 s12, s8;
	s10 =	sshrl.u32 s1, $0x1;
	s3 =	sadd.s32 s25, s2  }
0xe: {  	s12 =	sshll.u32 s12, $0x6;
	s7 =	sadd.s32 s7, s0;
	s5 =	sadd.s32 s25, s5  }
0xf: {  	s9 =	smul.u32 $0x4E0, s8;
	s1 =	ssub.s32 s1, s10;
	p0 =	sgt.u32 s8, $0x3  }
0x10: {  	s13 =	sshrl.u32 s3, $0x3;
	s25 =	simm.s32 $0x7;
	s8 =	simm.s32 $0xD  }
0x11: {  	s5 =	sshrl.u32 s5, $0x3;
	s7 =	sadd.s32 $0x9FE00, s7;
	[dreg:$0xb] =	wrdreg s13  }
0x12: {  	s1 =	smax.u32 s1, $0x1;
	s13 =	simm.s32 $0x10;
	[dreg:$0x5] =	wrdreg s7  }
0x13: {  	s5 =	sadd.s32 s5, s0;
	s26 =	sadd.s32 s6, s9;
	[dreg:$0x7] =	wrdreg s1  }
0x14: {  	s0 =	sadd.s32 $0xC440, s0;
	s6 =	sadd.s32 s6, s11;
	[dreg:$0x3] =	wrdreg s26  }
0x15: {  	s1 =	simm.s32 $0x2;
	s7 =	simm.s32 $0xC;
	[dreg:$0x4] =	wrdreg s6  }
0x16: {  	s5 =	sadd.s32 $0xB3A00, s5;
	s10 =	sadd.s32 s9, s0;
	s0 =	sadd.s32 @!p0 s11, s0  }
0x17: {  	s26 =	simm.s32 $0xEF00;
	s6 =	simm.s32 $0xB;
	[dreg:$0x6] =	wrdreg s5  }
0x18: {  	s9 =	simm.s32 $0xE;
	s11 =	simm.s32 $0xF;
	[dreg:$0x8] =	wrdreg s10  }
0x19: {  	[dreg:$0x9] =	wrdreg s0;
	s10 =	sor.u32 $0x1C11, s12;
	s0 =	simm.s32 $0x1  }
0x1a: {  	s12 =	simm.s32 $0x3;
	s5 =	simm.s32 $0xA;
	[dreg:$0xa] =	wrdreg s10  }
.LBB2_1:
0x1b: {  	s3 =	simm.s32 $0x0;
	s10 =	rddreg [dreg:$0x3]  }
0x1c: {  	[tilespmem:s3], [sflag:$0x11] =	stream.linear.gather [hbm4b:s10+s3], $0x2700, $0x38;
	[tilespmem:$0x1ED00] =	vst v63  }
0x1d: {  	_ =	swait.ge [sflag:s14], $0x2700  }
0x1e: {  	s15 =	simm.s32 $0x0;
	[sflag:s14] =	ssyncset.done $0x0  }
0x1f: {  	s10 =	simm.s32 $0x2780;
	s3 =	rddreg [dreg:$0x8];
	[sflag:s14] =	ssyncadd.s32 $0xFFFFD900  }
0x20: {  	[tilespmem:s10], [sflag:$0x11] =	stream.linear.gather [hbm4b:s3+s15], $0x2700, $0x38;
	[tilespmem:$0x1ED00] =	vst v63  }
0x21: {  	_ =	swait.ge [sflag:s14], $0x2700  }
0x22: {  	s15 =	simm.s32 @!p0 $0x2700;
	[sflag:s14] =	ssyncset.done $0x0  }
0x23: {  	s10 =	rddreg [dreg:$0x4];
	[sflag:s14] =	ssyncadd.s32 $0xFFFFD900;
	s14 =	simm.s32 @!p0 $0x0  }
0x24: {  	[tilespmem:s15], [sflag:$0x11] =	stream.linear.gather @!p0 [hbm4b:s10+s14], $0x80, $0x38;
	[tilespmem:$0x1ED00] =	vst v63  }
0x25: {  	s15 =	simm.s32 @!p0 $0x11  }
0x26: {  	_ =	swait.ge @!p0 [sflag:s15], $0x80  }
0x27: {  	s3 =	simm.s32 @!p0 $0x0;
	[sflag:s15] =	ssyncset.done @!p0 $0x0  }
0x28: {  	s10 =	simm.s32 @!p0 $0x4E80;
	s14 =	rddreg [dreg:$0x9];
	[sflag:s15] =	ssyncadd.s32 @!p0 $0xFFFFFF80  }
0x29: {  	[tilespmem:s10], [sflag:$0x11] =	stream.linear.gather @!p0 [hbm4b:s14+s3], $0x80, $0x38;
	[tilespmem:$0x1ED00] =	vst v63  }
0x2a: {  	_ =	swait.ge @!p0 [sflag:s15], $0x80  }
0x2b: {  	s14 =	rddreg [dreg:$0x5]  }
0x2c: {  	[sflag:s15] =	ssyncset.done @!p0 $0x0;
	s3 =	rddreg [dreg:$0xa]  }
0x2d: {  	[sflag:s15] =	ssyncadd.s32 @!p0 $0xFFFFFF80;
	s15 =	rddreg [dreg:$0xb]  }
0x2e: {  	[spmem:s15], [sflag:s3] =	dma.local [hbm:s14], $0x13C0  }
0x2f: {  	s14 =	simm.s32 $0x11  }
0x30: {  	_ =	swait.ge [sflag:s14], $0x13C0  }
0x31: {  	[sflag:s14] =	ssyncset.done $0x0  }
0x32: {  	[sflag:s14] =	ssyncadd.s32 $0xFFFFEC40  }
0x33: {  	s15 =	simm.s32 $0x0;
	[bflag:$0x0] =	sbarrier.arrive $0xFFFF  }
0x34: {  	[tilespmem:s17], [sflag:$0x1] =	stream.indirect.gather [hbm4b:s4+s16], $0x40, s15, s16, $0xb8;
	[tilespmem:$0x1ED00] =	vst v63  }
0x35: {  	_ = 	snop  }
0x36: {  	[tilespmem:s18], [sflag:$0x2] =	stream.indirect.gather [hbm4b:s4+s16], $0x40, s16, s16, $0xb8;
	[tilespmem:$0x1ED00] =	vst v63  }
0x37: {  	s10 =	simm.s32 $0x100  }
0x38: {  	[tilespmem:s20], [sflag:$0x3] =	stream.indirect.gather [hbm4b:s4+s16], $0x40, s10, s16, $0xb8;
	[tilespmem:$0x1ED00] =	vst v63  }
0x39: {  	s14 =	simm.s32 $0x180  }
0x3a: {  	[tilespmem:s22], [sflag:$0x4] =	stream.indirect.gather [hbm4b:s4+s16], $0x40, s14, s16, $0xb8;
	[tilespmem:$0x1ED00] =	vst v63  }
0x3b: {  	s15 =	simm.s32 $0x200  }
0x3c: {  	[tilespmem:s24], [sflag:$0x5] =	stream.indirect.gather [hbm4b:s4+s16], $0x40, s15, s16, $0xb8;
	[tilespmem:$0x1ED00] =	vst v63  }
0x3d: {  	s10 =	simm.s32 $0x280  }
0x3e: {  	[tilespmem:s26], [sflag:$0x6] =	stream.indirect.gather [hbm4b:s4+s16], $0x40, s10, s16, $0xb8;
	[tilespmem:$0x1ED00] =	vst v63  }
0x3f: {  	s14 =	simm.s32 $0x300  }
0x40: {  	[tilespmem:s29], [sflag:$0x7] =	stream.indirect.gather [hbm4b:s4+s16], $0x40, s14, s16, $0xb8;
	[tilespmem:$0x1ED00] =	vst v63  }
0x41: {  	s15 =	simm.s32 $0x380  }
0x42: {  	[tilespmem:s31], [sflag:$0x8] =	stream.indirect.gather [hbm4b:s4+s16], $0x40, s15, s16, $0xb8;
	[tilespmem:$0x1ED00] =	vst v63  }
0x43: {  	_ =	swait.ge [sflag:s0], $0x2000  }
0x44: {  	[sflag:s0] =	ssyncset.done $0x0  }
0x45: {  	s3 =	simm.s32 $0x2780;
	[sflag:s0] =	ssyncadd.s32 $0xFFFFE000  }
0x46: {  	[spmem:s2] =	stream.indirect.scatter.add.f32 [tilespmem:s17], [sflag:$0x9], $0x40, s3, s16, $0xb8;
	[tilespmem:$0x1ED00] =	vst v63  }
0x47: {  	_ =	swait.ge [sflag:s1], $0x2000  }
0x48: {  	[sflag:s1] =	ssyncset.done $0x0  }
0x49: {  	s14 =	simm.s32 $0x2800;
	[sflag:s1] =	ssyncadd.s32 $0xFFFFE000  }
0x4a: {  	[spmem:s2] =	stream.indirect.scatter.add.f32 [tilespmem:s18], [sflag:$0xA], $0x40, s14, s16, $0xb8;
	[tilespmem:$0x1ED00] =	vst v63  }
0x4b: {  	_ =	swait.ge [sflag:s12], $0x2000  }
0x4c: {  	[sflag:s12] =	ssyncset.done $0x0  }
0x4d: {  	s15 =	simm.s32 $0x2880;
	[sflag:s12] =	ssyncadd.s32 $0xFFFFE000  }
0x4e: {  	[spmem:s2] =	stream.indirect.scatter.add.f32 [tilespmem:s20], [sflag:$0xB], $0x40, s15, s16, $0xb8;
	[tilespmem:$0x1ED00] =	vst v63  }
0x4f: {  	_ =	swait.ge [sflag:s19], $0x2000  }
0x50: {  	[sflag:s19] =	ssyncset.done $0x0  }
0x51: {  	s3 =	simm.s32 $0x2900;
	[sflag:s19] =	ssyncadd.s32 $0xFFFFE000  }
0x52: {  	[spmem:s2] =	stream.indirect.scatter.add.f32 [tilespmem:s22], [sflag:$0xC], $0x40, s3, s16, $0xb8;
	[tilespmem:$0x1ED00] =	vst v63  }
0x53: {  	_ =	swait.ge [sflag:s21], $0x2000  }
0x54: {  	[sflag:s21] =	ssyncset.done $0x0  }
0x55: {  	s14 =	simm.s32 $0x2980;
	[sflag:s21] =	ssyncadd.s32 $0xFFFFE000  }
0x56: {  	[spmem:s2] =	stream.indirect.scatter.add.f32 [tilespmem:s24], [sflag:$0xD], $0x40, s14, s16, $0xb8;
	[tilespmem:$0x1ED00] =	vst v63  }
0x57: {  	_ =	swait.ge [sflag:s23], $0x2000  }
0x58: {  	[sflag:s23] =	ssyncset.done $0x0  }
0x59: {  	s15 =	simm.s32 $0x2A00;
	[sflag:s23] =	ssyncadd.s32 $0xFFFFE000  }
0x5a: {  	[spmem:s2] =	stream.indirect.scatter.add.f32 [tilespmem:s26], [sflag:$0xE], $0x40, s15, s16, $0xb8;
	[tilespmem:$0x1ED00] =	vst v63  }
0x5b: {  	_ =	swait.ge [sflag:s25], $0x2000  }
0x5c: {  	[sflag:s25] =	ssyncset.done $0x0  }
0x5d: {  	s3 =	simm.s32 $0x2A80;
	[sflag:s25] =	ssyncadd.s32 $0xFFFFE000  }
0x5e: {  	[spmem:s2] =	stream.indirect.scatter.add.f32 [tilespmem:s29], [sflag:$0xF], $0x40, s3, s16, $0xb8;
	[tilespmem:$0x1ED00] =	vst v63  }
0x5f: {  	_ =	swait.ge [sflag:s28], $0x2000  }
0x60: {  	[sflag:s28] =	ssyncset.done $0x0  }
0x61: {  	s14 =	simm.s32 $0x2B00;
	[sflag:s28] =	ssyncadd.s32 $0xFFFFE000  }
0x62: {  	[spmem:s2] =	stream.indirect.scatter.add.f32 [tilespmem:s31], [sflag:$0x10], $0x40, s14, s16, $0xb8;
	[tilespmem:$0x1ED00] =	vst v63  }
0x63: {  	_ =	swait.ge [sflag:s30], $0x2000  }
0x64: {  	[sflag:s30] =	ssyncset.done $0x0  }
0x65: {  	s15 =	simm.s32 $0x400;
	[sflag:s30] =	ssyncadd.s32 $0xFFFFE000  }
0x66: {  	[tilespmem:s17], [sflag:$0x1] =	stream.indirect.gather [hbm4b:s4+s16], $0x40, s15, s16, $0xb8;
	[tilespmem:$0x1ED00] =	vst v63  }
0x67: {  	_ =	swait.ge [sflag:s5], $0x2000  }
0x68: {  	[sflag:s5] =	ssyncset.done $0x0  }
0x69: {  	s3 =	simm.s32 $0x480;
	[sflag:s5] =	ssyncadd.s32 $0xFFFFE000  }
0x6a: {  	[tilespmem:s18], [sflag:$0x2] =	stream.indirect.gather [hbm4b:s4+s16], $0x40, s3, s16, $0xb8;
	[tilespmem:$0x1ED00] =	vst v63  }
0x6b: {  	_ =	swait.ge [sflag:s6], $0x2000  }
0x6c: {  	[sflag:s6] =	ssyncset.done $0x0  }
0x6d: {  	s14 =	simm.s32 $0x500;
	[sflag:s6] =	ssyncadd.s32 $0xFFFFE000  }
0x6e: {  	[tilespmem:s20], [sflag:$0x3] =	stream.indirect.gather [hbm4b:s4+s16], $0x40, s14, s16, $0xb8;
	[tilespmem:$0x1ED00] =	vst v63  }
0x6f: {  	_ =	swait.ge [sflag:s7], $0x2000  }
0x70: {  	[sflag:s7] =	ssyncset.done $0x0  }
0x71: {  	s15 =	simm.s32 $0x580;
	[sflag:s7] =	ssyncadd.s32 $0xFFFFE000  }
0x72: {  	[tilespmem:s22], [sflag:$0x4] =	stream.indirect.gather [hbm4b:s4+s16], $0x40, s15, s16, $0xb8;
	[tilespmem:$0x1ED00] =	vst v63  }
0x73: {  	_ =	swait.ge [sflag:s8], $0x2000  }
0x74: {  	[sflag:s8] =	ssyncset.done $0x0  }
0x75: {  	s3 =	simm.s32 $0x600;
	[sflag:s8] =	ssyncadd.s32 $0xFFFFE000  }
0x76: {  	[tilespmem:s24], [sflag:$0x5] =	stream.indirect.gather [hbm4b:s4+s16], $0x40, s3, s16, $0xb8;
	[tilespmem:$0x1ED00] =	vst v63  }
0x77: {  	_ =	swait.ge [sflag:s9], $0x2000  }
0x78: {  	[sflag:s9] =	ssyncset.done $0x0  }
0x79: {  	s14 =	simm.s32 $0x680;
	[sflag:s9] =	ssyncadd.s32 $0xFFFFE000  }
0x7a: {  	[tilespmem:s26], [sflag:$0x6] =	stream.indirect.gather [hbm4b:s4+s16], $0x40, s14, s16, $0xb8;
	[tilespmem:$0x1ED00] =	vst v63  }
0x7b: {  	_ =	swait.ge [sflag:s11], $0x2000  }
0x7c: {  	[sflag:s11] =	ssyncset.done $0x0  }
0x7d: {  	s15 =	simm.s32 $0x700;
	[sflag:s11] =	ssyncadd.s32 $0xFFFFE000  }
0x7e: {  	[tilespmem:s29], [sflag:$0x7] =	stream.indirect.gather [hbm4b:s4+s16], $0x40, s15, s16, $0xb8;
	[tilespmem:$0x1ED00] =	vst v63  }
0x7f: {  	_ =	swait.ge [sflag:s13], $0x2000  }
0x80: {  	[sflag:s13] =	ssyncset.done $0x0  }
0x81: {  	s14 =	simm.s32 $0x1000;
	s15 =	simm.s32 $0x780;
	[sflag:s13] =	ssyncadd.s32 $0xFFFFE000  }
.LBB2_2:
0x82: {  	[tilespmem:s31], [sflag:$0x8] =	stream.indirect.gather [hbm4b:s4+s16], $0x40, s15, s16, $0xb8;
	[tilespmem:$0x1ED00] =	vst v63  }
0x83: {  	s10 =	smov.u32 s14  }
0x84: {  	p1 =	sne.s32 s14, $0x7000;
	s14 =	sadd.s32 $0x1000, s14;
	_ =	swait.ge [sflag:s0], $0x2000  }
0x85: {  	s15 =	sshra.s32 s10, $0x2;
	[sflag:s0] =	ssyncset.done $0x0  }
0x86: {  	s10 =	sadd.s32 $0x2780, s15;
	[sflag:s0] =	ssyncadd.s32 $0xFFFFE000  }
0x87: {  	[spmem:s2] =	stream.indirect.scatter.add.f32 [tilespmem:s17], [sflag:$0x9], $0x40, s10, s16, $0xb8;
	[tilespmem:$0x1ED00] =	vst v63  }
0x88: {  	_ =	swait.ge [sflag:s1], $0x2000  }
0x89: {  	[sflag:s1] =	ssyncset.done $0x0  }
0x8a: {  	s10 =	sadd.s32 $0x2800, s15;
	[sflag:s1] =	ssyncadd.s32 $0xFFFFE000  }
0x8b: {  	[spmem:s2] =	stream.indirect.scatter.add.f32 [tilespmem:s18], [sflag:$0xA], $0x40, s10, s16, $0xb8;
	[tilespmem:$0x1ED00] =	vst v63  }
0x8c: {  	_ =	swait.ge [sflag:s12], $0x2000  }
0x8d: {  	[sflag:s12] =	ssyncset.done $0x0  }
0x8e: {  	s10 =	sadd.s32 $0x2880, s15;
	[sflag:s12] =	ssyncadd.s32 $0xFFFFE000  }
0x8f: {  	[spmem:s2] =	stream.indirect.scatter.add.f32 [tilespmem:s20], [sflag:$0xB], $0x40, s10, s16, $0xb8;
	[tilespmem:$0x1ED00] =	vst v63  }
0x90: {  	_ =	swait.ge [sflag:s19], $0x2000  }
0x91: {  	[sflag:s19] =	ssyncset.done $0x0  }
0x92: {  	s10 =	sadd.s32 $0x2900, s15;
	[sflag:s19] =	ssyncadd.s32 $0xFFFFE000  }
0x93: {  	[spmem:s2] =	stream.indirect.scatter.add.f32 [tilespmem:s22], [sflag:$0xC], $0x40, s10, s16, $0xb8;
	[tilespmem:$0x1ED00] =	vst v63  }
0x94: {  	_ =	swait.ge [sflag:s21], $0x2000  }
0x95: {  	[sflag:s21] =	ssyncset.done $0x0  }
0x96: {  	s10 =	sadd.s32 $0x2980, s15;
	[sflag:s21] =	ssyncadd.s32 $0xFFFFE000  }
0x97: {  	[spmem:s2] =	stream.indirect.scatter.add.f32 [tilespmem:s24], [sflag:$0xD], $0x40, s10, s16, $0xb8;
	[tilespmem:$0x1ED00] =	vst v63  }
0x98: {  	_ =	swait.ge [sflag:s23], $0x2000  }
0x99: {  	[sflag:s23] =	ssyncset.done $0x0  }
0x9a: {  	s10 =	sadd.s32 $0x2A00, s15;
	[sflag:s23] =	ssyncadd.s32 $0xFFFFE000  }
0x9b: {  	[spmem:s2] =	stream.indirect.scatter.add.f32 [tilespmem:s26], [sflag:$0xE], $0x40, s10, s16, $0xb8;
	[tilespmem:$0x1ED00] =	vst v63  }
0x9c: {  	_ =	swait.ge [sflag:s25], $0x2000  }
0x9d: {  	[sflag:s25] =	ssyncset.done $0x0  }
0x9e: {  	s10 =	sadd.s32 $0x2A80, s15;
	[sflag:s25] =	ssyncadd.s32 $0xFFFFE000  }
0x9f: {  	[spmem:s2] =	stream.indirect.scatter.add.f32 [tilespmem:s29], [sflag:$0xF], $0x40, s10, s16, $0xb8;
	[tilespmem:$0x1ED00] =	vst v63  }
0xa0: {  	_ =	swait.ge [sflag:s28], $0x2000  }
0xa1: {  	[sflag:s28] =	ssyncset.done $0x0  }
0xa2: {  	s10 =	sadd.s32 $0x2B00, s15;
	[sflag:s28] =	ssyncadd.s32 $0xFFFFE000  }
0xa3: {  	[spmem:s2] =	stream.indirect.scatter.add.f32 [tilespmem:s31], [sflag:$0x10], $0x40, s10, s16, $0xb8;
	[tilespmem:$0x1ED00] =	vst v63  }
0xa4: {  	_ =	swait.ge [sflag:s30], $0x2000  }
0xa5: {  	[sflag:s30] =	ssyncset.done $0x0  }
0xa6: {  	s10 =	sadd.s32 $0x400, s15;
	[sflag:s30] =	ssyncadd.s32 $0xFFFFE000  }
0xa7: {  	[tilespmem:s17], [sflag:$0x1] =	stream.indirect.gather [hbm4b:s4+s16], $0x40, s10, s16, $0xb8;
	[tilespmem:$0x1ED00] =	vst v63  }
0xa8: {  	_ =	swait.ge [sflag:s5], $0x2000  }
0xa9: {  	[sflag:s5] =	ssyncset.done $0x0  }
0xaa: {  	s10 =	sadd.s32 $0x480, s15;
	[sflag:s5] =	ssyncadd.s32 $0xFFFFE000  }
0xab: {  	[tilespmem:s18], [sflag:$0x2] =	stream.indirect.gather [hbm4b:s4+s16], $0x40, s10, s16, $0xb8;
	[tilespmem:$0x1ED00] =	vst v63  }
0xac: {  	_ =	swait.ge [sflag:s6], $0x2000  }
0xad: {  	[sflag:s6] =	ssyncset.done $0x0  }
0xae: {  	s10 =	sadd.s32 $0x500, s15;
	[sflag:s6] =	ssyncadd.s32 $0xFFFFE000  }
0xaf: {  	[tilespmem:s20], [sflag:$0x3] =	stream.indirect.gather [hbm4b:s4+s16], $0x40, s10, s16, $0xb8;
	[tilespmem:$0x1ED00] =	vst v63  }
0xb0: {  	_ =	swait.ge [sflag:s7], $0x2000  }
0xb1: {  	[sflag:s7] =	ssyncset.done $0x0  }
0xb2: {  	s10 =	sadd.s32 $0x580, s15;
	[sflag:s7] =	ssyncadd.s32 $0xFFFFE000  }
0xb3: {  	[tilespmem:s22], [sflag:$0x4] =	stream.indirect.gather [hbm4b:s4+s16], $0x40, s10, s16, $0xb8;
	[tilespmem:$0x1ED00] =	vst v63  }
0xb4: {  	_ =	swait.ge [sflag:s8], $0x2000  }
0xb5: {  	[sflag:s8] =	ssyncset.done $0x0  }
0xb6: {  	s10 =	sadd.s32 $0x600, s15;
	[sflag:s8] =	ssyncadd.s32 $0xFFFFE000  }
0xb7: {  	[tilespmem:s24], [sflag:$0x5] =	stream.indirect.gather [hbm4b:s4+s16], $0x40, s10, s16, $0xb8;
	[tilespmem:$0x1ED00] =	vst v63  }
0xb8: {  	_ =	swait.ge [sflag:s9], $0x2000  }
0xb9: {  	[sflag:s9] =	ssyncset.done $0x0  }
0xba: {  	s10 =	sadd.s32 $0x680, s15;
	[sflag:s9] =	ssyncadd.s32 $0xFFFFE000  }
0xbb: {  	[tilespmem:s26], [sflag:$0x6] =	stream.indirect.gather [hbm4b:s4+s16], $0x40, s10, s16, $0xb8;
	[tilespmem:$0x1ED00] =	vst v63  }
0xbc: {  	_ =	swait.ge [sflag:s11], $0x2000  }
0xbd: {  	[sflag:s11] =	ssyncset.done $0x0  }
.Ltmp0:
0xbe: {  	s10 =	sadd.s32 $0x700, s15;
	[sflag:s11] =	ssyncadd.s32 $0xFFFFE000;
	(pc) =	sbr.rel @p1 .LBB2_2-.Ltmp0, $4  }
0xbf: {  	[tilespmem:s29], [sflag:$0x7] =	stream.indirect.gather [hbm4b:s4+s16], $0x40, s10, s16, $0xb8;
	[tilespmem:$0x1ED00] =	vst v63  }
0xc0: {  	_ =	swait.ge [sflag:s13], $0x2000  }
0xc1: {  	[sflag:s13] =	ssyncset.done $0x0  }
0xc2: {  	s15 =	sadd.s32 $0x780, s15;
	[sflag:s13] =	ssyncadd.s32 $0xFFFFE000  }
0xc3: {  	[tilespmem:s31], [sflag:$0x8] =	stream.indirect.gather [hbm4b:s4+s16], $0x40, s15, s16, $0xb8;
	[tilespmem:$0x1ED00] =	vst v63  }
0xc4: {  	_ =	swait.ge [sflag:s0], $0x2000  }
0xc5: {  	[sflag:s0] =	ssyncset.done $0x0  }
0xc6: {  	s3 =	simm.s32 $0x4780;
	[sflag:s0] =	ssyncadd.s32 $0xFFFFE000  }
0xc7: {  	[spmem:s2] =	stream.indirect.scatter.add.f32 [tilespmem:s17], [sflag:$0x9], $0x40, s3, s16, $0xb8;
	[tilespmem:$0x1ED00] =	vst v63  }
0xc8: {  	_ =	swait.ge [sflag:s1], $0x2000  }
0xc9: {  	[sflag:s1] =	ssyncset.done $0x0  }
0xca: {  	s10 =	simm.s32 $0x4800;
	[sflag:s1] =	ssyncadd.s32 $0xFFFFE000  }
0xcb: {  	[spmem:s2] =	stream.indirect.scatter.add.f32 [tilespmem:s18], [sflag:$0xA], $0x40, s10, s16, $0xb8;
	[tilespmem:$0x1ED00] =	vst v63  }
0xcc: {  	_ =	swait.ge [sflag:s12], $0x2000  }
0xcd: {  	[sflag:s12] =	ssyncset.done $0x0  }
0xce: {  	s14 =	simm.s32 $0x4880;
	[sflag:s12] =	ssyncadd.s32 $0xFFFFE000  }
0xcf: {  	[spmem:s2] =	stream.indirect.scatter.add.f32 [tilespmem:s20], [sflag:$0xB], $0x40, s14, s16, $0xb8;
	[tilespmem:$0x1ED00] =	vst v63  }
0xd0: {  	_ =	swait.ge [sflag:s19], $0x2000  }
0xd1: {  	[sflag:s19] =	ssyncset.done $0x0  }
0xd2: {  	s15 =	simm.s32 $0x4900;
	[sflag:s19] =	ssyncadd.s32 $0xFFFFE000  }
0xd3: {  	[spmem:s2] =	stream.indirect.scatter.add.f32 [tilespmem:s22], [sflag:$0xC], $0x40, s15, s16, $0xb8;
	[tilespmem:$0x1ED00] =	vst v63  }
0xd4: {  	_ =	swait.ge [sflag:s21], $0x2000  }
0xd5: {  	[sflag:s21] =	ssyncset.done $0x0  }
0xd6: {  	s10 =	simm.s32 $0x4980;
	[sflag:s21] =	ssyncadd.s32 $0xFFFFE000  }
0xd7: {  	[spmem:s2] =	stream.indirect.scatter.add.f32 [tilespmem:s24], [sflag:$0xD], $0x40, s10, s16, $0xb8;
	[tilespmem:$0x1ED00] =	vst v63  }
0xd8: {  	_ =	swait.ge [sflag:s23], $0x2000  }
0xd9: {  	[sflag:s23] =	ssyncset.done $0x0  }
0xda: {  	s14 =	simm.s32 $0x4A00;
	[sflag:s23] =	ssyncadd.s32 $0xFFFFE000  }
0xdb: {  	[spmem:s2] =	stream.indirect.scatter.add.f32 [tilespmem:s26], [sflag:$0xE], $0x40, s14, s16, $0xb8;
	[tilespmem:$0x1ED00] =	vst v63  }
0xdc: {  	_ =	swait.ge [sflag:s25], $0x2000  }
0xdd: {  	[sflag:s25] =	ssyncset.done $0x0  }
0xde: {  	s15 =	simm.s32 $0x4A80;
	[sflag:s25] =	ssyncadd.s32 $0xFFFFE000  }
0xdf: {  	[spmem:s2] =	stream.indirect.scatter.add.f32 [tilespmem:s29], [sflag:$0xF], $0x40, s15, s16, $0xb8;
	[tilespmem:$0x1ED00] =	vst v63  }
0xe0: {  	_ =	swait.ge [sflag:s28], $0x2000  }
0xe1: {  	[sflag:s28] =	ssyncset.done $0x0  }
0xe2: {  	s10 =	simm.s32 $0x4B00;
	[sflag:s28] =	ssyncadd.s32 $0xFFFFE000  }
0xe3: {  	[spmem:s2] =	stream.indirect.scatter.add.f32 [tilespmem:s31], [sflag:$0x10], $0x40, s10, s16, $0xb8;
	[tilespmem:$0x1ED00] =	vst v63  }
0xe4: {  	_ =	swait.ge [sflag:s30], $0x2000  }
0xe5: {  	[sflag:s30] =	ssyncset.done $0x0  }
0xe6: {  	s14 =	simm.s32 $0x2400;
	[sflag:s30] =	ssyncadd.s32 $0xFFFFE000  }
0xe7: {  	[tilespmem:s17], [sflag:$0x1] =	stream.indirect.gather [hbm4b:s4+s16], $0x40, s14, s16, $0xb8;
	[tilespmem:$0x1ED00] =	vst v63  }
0xe8: {  	_ =	swait.ge [sflag:s5], $0x2000  }
0xe9: {  	[sflag:s5] =	ssyncset.done $0x0  }
0xea: {  	s15 =	simm.s32 $0x2480;
	[sflag:s5] =	ssyncadd.s32 $0xFFFFE000  }
0xeb: {  	[tilespmem:s18], [sflag:$0x2] =	stream.indirect.gather [hbm4b:s4+s16], $0x40, s15, s16, $0xb8;
	[tilespmem:$0x1ED00] =	vst v63  }
0xec: {  	_ =	swait.ge [sflag:s6], $0x2000  }
0xed: {  	[sflag:s6] =	ssyncset.done $0x0  }
0xee: {  	s10 =	simm.s32 $0x2500;
	[sflag:s6] =	ssyncadd.s32 $0xFFFFE000  }
0xef: {  	[tilespmem:s20], [sflag:$0x3] =	stream.indirect.gather [hbm4b:s4+s16], $0x40, s10, s16, $0xb8;
	[tilespmem:$0x1ED00] =	vst v63  }
0xf0: {  	_ =	swait.ge [sflag:s7], $0x2000  }
0xf1: {  	[sflag:s7] =	ssyncset.done $0x0  }
0xf2: {  	s14 =	simm.s32 $0x2580;
	[sflag:s7] =	ssyncadd.s32 $0xFFFFE000  }
0xf3: {  	[tilespmem:s22], [sflag:$0x4] =	stream.indirect.gather [hbm4b:s4+s16], $0x40, s14, s16, $0xb8;
	[tilespmem:$0x1ED00] =	vst v63  }
0xf4: {  	_ =	swait.ge [sflag:s8], $0x2000  }
0xf5: {  	[sflag:s8] =	ssyncset.done $0x0  }
0xf6: {  	s15 =	simm.s32 $0x2600;
	[sflag:s8] =	ssyncadd.s32 $0xFFFFE000  }
0xf7: {  	[tilespmem:s24], [sflag:$0x5] =	stream.indirect.gather [hbm4b:s4+s16], $0x40, s15, s16, $0xb8;
	[tilespmem:$0x1ED00] =	vst v63  }
0xf8: {  	_ =	swait.ge [sflag:s9], $0x2000  }
0xf9: {  	[sflag:s9] =	ssyncset.done $0x0  }
0xfa: {  	s10 =	simm.s32 $0x2680;
	[sflag:s9] =	ssyncadd.s32 $0xFFFFE000  }
0xfb: {  	[tilespmem:s26], [sflag:$0x6] =	stream.indirect.gather [hbm4b:s4+s16], $0x40, s10, s16, $0xb8;
	[tilespmem:$0x1ED00] =	vst v63  }
0xfc: {  	_ =	swait.ge [sflag:s0], $0x2000  }
0xfd: {  	[sflag:s0] =	ssyncset.done $0x0  }
0xfe: {  	s14 =	simm.s32 $0x4B80;
	[sflag:s0] =	ssyncadd.s32 $0xFFFFE000  }
0xff: {  	[spmem:s2] =	stream.indirect.scatter.add.f32 [tilespmem:s17], [sflag:$0x9], $0x40, s14, s16, $0xb8;
	[tilespmem:$0x1ED00] =	vst v63  }
0x100: {  	_ =	swait.ge [sflag:s1], $0x2000  }
0x101: {  	[sflag:s1] =	ssyncset.done $0x0  }
0x102: {  	s15 =	simm.s32 $0x4C00;
	[sflag:s1] =	ssyncadd.s32 $0xFFFFE000  }
0x103: {  	[spmem:s2] =	stream.indirect.scatter.add.f32 [tilespmem:s18], [sflag:$0xA], $0x40, s15, s16, $0xb8;
	[tilespmem:$0x1ED00] =	vst v63  }
0x104: {  	_ =	swait.ge [sflag:s12], $0x2000  }
0x105: {  	[sflag:s12] =	ssyncset.done $0x0  }
0x106: {  	s10 =	simm.s32 $0x4C80;
	[sflag:s12] =	ssyncadd.s32 $0xFFFFE000  }
0x107: {  	[spmem:s2] =	stream.indirect.scatter.add.f32 [tilespmem:s20], [sflag:$0xB], $0x40, s10, s16, $0xb8;
	[tilespmem:$0x1ED00] =	vst v63  }
0x108: {  	_ =	swait.ge [sflag:s19], $0x2000  }
0x109: {  	[sflag:s19] =	ssyncset.done $0x0  }
0x10a: {  	s14 =	simm.s32 $0x4D00;
	[sflag:s19] =	ssyncadd.s32 $0xFFFFE000  }
0x10b: {  	[spmem:s2] =	stream.indirect.scatter.add.f32 [tilespmem:s22], [sflag:$0xC], $0x40, s14, s16, $0xb8;
	[tilespmem:$0x1ED00] =	vst v63  }
0x10c: {  	_ =	swait.ge [sflag:s21], $0x2000  }
0x10d: {  	[sflag:s21] =	ssyncset.done $0x0  }
0x10e: {  	s15 =	simm.s32 $0x4D80;
	[sflag:s21] =	ssyncadd.s32 $0xFFFFE000  }
0x10f: {  	[spmem:s2] =	stream.indirect.scatter.add.f32 [tilespmem:s24], [sflag:$0xD], $0x40, s15, s16, $0xb8;
	[tilespmem:$0x1ED00] =	vst v63  }
0x110: {  	_ =	swait.ge [sflag:s23], $0x2000  }
0x111: {  	[sflag:s23] =	ssyncset.done $0x0  }
0x112: {  	s10 =	simm.s32 $0x4E00;
	[sflag:s23] =	ssyncadd.s32 $0xFFFFE000  }
0x113: {  	[spmem:s2] =	stream.indirect.scatter.add.f32 [tilespmem:s26], [sflag:$0xE], $0x40, s10, s16, $0xb8;
	[tilespmem:$0x1ED00] =	vst v63  }
0x114: {  	_ =	swait.ge [sflag:s30], $0x2000  }
0x115: {  	[sflag:s30] =	ssyncset.done $0x0  }
0x116: {  	[sflag:s30] =	ssyncadd.s32 $0xFFFFE000  }
0x117: {  	_ =	swait.ge [sflag:s5], $0x2000  }
0x118: {  	[sflag:s5] =	ssyncset.done $0x0  }
0x119: {  	[sflag:s5] =	ssyncadd.s32 $0xFFFFE000  }
0x11a: {  	_ =	swait.ge [sflag:s6], $0x2000  }
0x11b: {  	[sflag:s6] =	ssyncset.done $0x0  }
0x11c: {  	[sflag:s6] =	ssyncadd.s32 $0xFFFFE000  }
0x11d: {  	_ =	swait.ge [sflag:s7], $0x2000  }
0x11e: {  	[sflag:s7] =	ssyncset.done $0x0  }
0x11f: {  	[sflag:s7] =	ssyncadd.s32 $0xFFFFE000  }
0x120: {  	_ =	swait.ge [sflag:s8], $0x2000  }
0x121: {  	[sflag:s8] =	ssyncset.done $0x0  }
0x122: {  	[sflag:s8] =	ssyncadd.s32 $0xFFFFE000  }
0x123: {  	_ =	swait.ge [sflag:s9], $0x2000  }
0x124: {  	[sflag:s9] =	ssyncset.done $0x0  }
0x125: {  	[sflag:s9] =	ssyncadd.s32 $0xFFFFE000  }
0x126: {  	_ =	swait.ge [sflag:s11], $0x2000  }
0x127: {  	[sflag:s11] =	ssyncset.done $0x0  }
0x128: {  	[sflag:s11] =	ssyncadd.s32 $0xFFFFE000  }
0x129: {  	_ =	swait.ge [sflag:s13], $0x2000  }
0x12a: {  	s14 =	simm.s32 @!p0 $0x2700;
	[sflag:s13] =	ssyncset.done $0x0  }
0x12b: {  	s15 =	simm.s32 @!p0 $0x4F00;
	s10 =	simm.s32 @!p0 $0x80;
	[sflag:s13] =	ssyncadd.s32 $0xFFFFE000  }
0x12c: {  	[tilespmem:s15], [sflag:$0x1] =	stream.indirect.gather @!p0 [hbm4b:s4+s10], $0x40, s14, s10, $0xb8;
	[tilespmem:$0x1ED00] =	vst v63  }
0x12d: {  	s14 =	simm.s32 @!p0 $0x1  }
0x12e: {  	_ =	swait.ge @!p0 [sflag:s14], $0x2000  }
0x12f: {  	[sflag:s14] =	ssyncset.done @!p0 $0x0  }
0x130: {  	[sflag:s14] =	ssyncadd.s32 @!p0 $0xFFFFE000;
	s14 =	simm.s32 @!p0 $0x4E80  }
0x131: {  	[spmem:s2] =	stream.indirect.scatter.add.f32 @!p0 [tilespmem:s15], [sflag:$0x11], $0x40, s14, s10, $0xb8;
	[tilespmem:$0x1ED00] =	vst v63  }
0x132: {  	s10 =	simm.s32 @!p0 $0x11  }
0x133: {  	_ =	swait.ge @!p0 [sflag:s10], $0x2000  }
0x134: {  	[sflag:s10] =	ssyncset.done @!p0 $0x0  }
0x135: {  	[sflag:s10] =	ssyncadd.s32 @!p0 $0xFFFFE000  }
0x136: {  	[bflag:$0x0] =	sbarrier.arrive $0xFFFF  }
0x137: {  	s14 =	rddreg [dreg:$0x6]  }
0x138: {  	s10 =	rddreg [dreg:$0xa]  }
0x139: {  	s15 =	rddreg [dreg:$0xb]  }
0x13a: {  	[hbm:s14], [sflag:s10] =	dma.local [spmem:s15], $0x13C0  }
0x13b: {  	s14 =	simm.s32 $0x11  }
0x13c: {  	_ =	swait.ge [sflag:s14], $0x13C0  }
0x13d: {  	s3 =	rddreg [dreg:$0xc]  }
0x13e: {  	s10 =	rddreg [dreg:$0x7];
	s15 =	sadd.s32 $0x1, s3  }
0x13f: {  	p1 =	sne.s32 s15, s10  }
.Ltmp1:
0x140: {  	_ = 	snop;
	(pc) =	sbr.rel @p1 .LBB2_1-.Ltmp1, $3  }
0x141: {  	_ =	sdelay $0x1  }
0x142: {  	[sflag:s14] =	ssyncset.done $0x0  }
0x143: {  	[sflag:s14] =	ssyncadd.s32 $0xFFFFEC40;
	[dreg:$0xc] =	wrdreg s15  }
0x144: {  	_ =	sfence.sel $0x180000  }
0x145: {  	[bflag:$0x0] =	sbarrier.arrive $0xFFFF  }
0x146: {  	_ =	strace $0x9000004A  }
0x147: {  	s0 =	stileid.u32;
	[bflag:$0x2] =	sbarrier.arrive $0xFFFF  }
0x148: {  	p0 =	sne.s32 s0, $0x0;
	s0 =	rddreg [dreg:$0x2]  }
0x149: {  	s0 =	sadd.s32 @!p0 $0x100000, s0  }
0x14a: {  	[sflag:s0] =	ssyncadd.tile.s32 @!p0 $0x1;
	_ =	shalt  }
.Lfunc_end2:
_tile_overlayer_lowered:
.L_overlay_start_2:
0x14b: {  	(tag) =	ssettag $0x2  }
0x14c: {  	s0 =	rddreg [dreg:$0x0];
	s2 =	stileid.u32  }
0x14d: {  	s1 =	rddreg [dreg:$0x1];
	p0 =	sne.s32 s2, $0x0  }
0x14e: {  	s3 =	rddreg [dreg:$0x2];
	[bflag:$0x3] =	sbarrier.arrive $0xFFFF;
	s2 =	simm.s32 @!p0 $0x1C11  }
0x14f: {  	[timem:s3], [sflag:s2] =	dma.local @!p0 [hbm:s0], s1  }
0x150: {  	s0 =	simm.s32 @!p0 $0x11  }
0x151: {  	_ =	swait.ge @!p0 [sflag:s0], s1  }
0x152: {  	s1 =	ssub.s32 @!p0 $0x0, s1;
	[sflag:s0] =	ssyncset.done @!p0 $0x0  }
0x153: {  	[sflag:s0] =	ssyncadd.s32 @!p0 s1  }
0x154: {  	[bflag:$0x3] =	sbarrier.arrive $0xFFFF  }
0x155: {  	_ =	shalt  }

// kernel: kernel.15.cloned.1.call-start
scs
__scs_entry_jumppad:
0x0: {  	(pc) =	sbr.rel $0x88, $3  }
0x1: {  	(tag) =	ssettag $0x0;
	lr =	simm.s32 $0x1  }
0x2: {  	[smem:$0x3F97] =	sst lr;
	_ =	strace $0xD0000000  }
0x3: {  	_ = 	snop  }
0x4: {  	_ = 	snop  }
0x5: {  	_ = 	snop  }
0x6: {  	_ = 	snop  }
0x7: {  	_ = 	snop  }
__scs_overlays_trampoline_lowered:
0x8: {  	[smem:$0x3FA6] =	sst s0  }
0x9: {  	[smem:$0x3FA7] =	sst s1  }
0xa: {  	[smem:$0x3FA8] =	sst s2  }
0xb: {  	[smem:$0x3FA9] =	sst s3  }
0xc: {  	[smem:$0x3FAA] =	sst s4  }
0xd: {  	[smem:$0x3FAB] =	sst s5  }
0xe: {  	[smem:$0x3FAC] =	sst s6  }
0xf: {  	[smem:$0x3FAD] =	sst s7  }
0x10: {  	[smem:$0x3FAE] =	sst s8  }
0x11: {  	[smem:$0x3FAF] =	sst s9;
	s0 =	simm.s32 @!p0 $0x0  }
0x12: {  	s1 =	sld [smem:$0x3F95];
	s0 =	simm.s32 @p0 $0x1  }
0x13: {  	[smem:$0x3FB0] =	sst s0;
	s0 =	simm.s32 @!p1 $0x0  }
0x14: {  	s2 =	sld [smem:$0x3F94];
	s0 =	simm.s32 @p1 $0x1  }
0x15: {  	[smem:$0x3FB1] =	sst s0;
	s0 =	simm.s32 @!p2 $0x0  }
0x16: {  	s3 =	sld [smem:$0x3FDB];
	s0 =	simm.s32 @p2 $0x1  }
0x17: {  	s4 =	simm.s32 $0x1BF5;
	[smem:$0x3FB3] =	sst s0  }
0x18: {  	s0 =	sld [smem:$0x3F96];
	_ =	swait.ge [sflag:s4], $0x0  }
0x19: {  	s7 =	sld [smem:$0x3F97]  }
0x1a: {  	s8 =	sadd.s32 $0xFFFFE003, lr  }
0x1b: {  	s9 =	sadd.s32 $0xFFFFFEF7, lr;
	s5 =	simm.s32 $0xFFFFFFFF;
	p2 =	slt.u32 s8, $0xFFFFF086  }
0x1c: {  	p1 =	slt.u32 s9, $0xF7A;
	s5 =	simm.s32 @!p2 $0x0  }
0x1d: {  	s5 =	simm.s32 @p1 $0x1;
	p0 =	seq.s32 s7, s2  }
0x1e: {  	s7 =	smul.u32 @!p0 $0xF7A, s2;
	p2 =	seq.s32 @!p0 s5, $0x0  }
0x1f: {  	s9 =	smul.u32 $0xF7A, s1;
	s8 =	simm.s32 @!p0 $0x1BF5;
	p2 =	por !p2, p0  }
0x20: {  	[sflag:s8] =	ssyncset.s32 @!p0 $0xFFFFF086;
	s6 =	sadd.s32 @!p0 s3, s7;
	s7 =	simm.s32 @!p0 $0x108  }
0x21: {  	s3 =	sadd.s32 s3, s9;
	s6 =	sadd.s32 @!p0 $0x88, s6;
	s7 =	simm.s32 @p2 $0x1082  }
0x22: {  	[simem:s7], [sflag:s8] =	dma.local @!p0 [hbm:s6], $0xF7A  }
0x23: {  	s9 =	sor.u32 $0xD0000000, s2;
	s6 =	simm.s32 $0x108;
	_ =	swait.ge @!p0 [sflag:s8], $0x0  }
0x24: {  	s3 =	sadd.s32 $0x88, s3;
	s6 =	simm.s32 @!p1 $0x1082;
	[sflag:s4] =	ssyncset.s32 $0xFFFFF086  }
0x25: {  	[simem:s6], [sflag:s4] =	dma.local [hbm:s3], $0xF7A  }
0x26: {  	[smem:$0x3F97] =	sst s1;
	(tag) =	ssettag s2;
	_ =	strace s9  }
0x27: {  	s1 =	sld [smem:$0x3FA7]  }
0x28: {  	s2 =	sld [smem:$0x3FA8]  }
0x29: {  	s4 =	sld [smem:$0x3FAA]  }
0x2a: {  	p0 =	seq.s32 s5, $0x0;
	s5 =	sld [smem:$0x3FAB]  }
0x2b: {  	s6 =	sld [smem:$0x3FAC]  }
0x2c: {  	s7 =	sld [smem:$0x3FAD]  }
0x2d: {  	s3 =	simm.s32 $0x108;
	s8 =	sld [smem:$0x3FAE]  }
0x2e: {  	s3 =	simm.s32 @!p0 $0x1082;
	s9 =	sld [smem:$0x3FAF]  }
0x2f: {  	lr =	sadd.s32 s0, s3;
	s0 =	sld [smem:$0x3FA6]  }
0x30: {  	s3 =	sld [smem:$0x3FA9]  }
0x31: {  	[smem:$0x3FB2] =	sst s10  }
0x32: {  	s10 =	sld [smem:$0x3FB0];
	_ =	sdelay $0x3  }
0x33: {  	p0 =	seq.s32 s10, $0x1;
	s10 =	sld [smem:$0x3FB2];
	_ =	sdelay $0x3  }
0x34: {  	[smem:$0x3FB2] =	sst s10  }
0x35: {  	s10 =	sld [smem:$0x3FB1];
	_ =	sdelay $0x3  }
0x36: {  	p1 =	seq.s32 s10, $0x1;
	s10 =	sld [smem:$0x3FB2];
	_ =	sdelay $0x3  }
0x37: {  	[smem:$0x3FB2] =	sst s10  }
0x38: {  	s10 =	sld [smem:$0x3FB3]  }
0x39: {  	_ = 	snop;
	(pc) =	sbr.ind lr, $3  }
0x3a: {  	_ = 	snop  }
0x3b: {  	_ = 	snop  }
0x3c: {  	p2 =	seq.s32 s10, $0x1;
	s10 =	sld [smem:$0x3FB2]  }
0x3d: {  	_ =	shalt  }
0x3e: {  	_ =	shalt  }
0x3f: {  	_ =	shalt  }
0x40: {  	_ =	shalt  }
0x41: {  	_ =	shalt  }
0x42: {  	_ =	shalt  }
0x43: {  	_ =	shalt  }
0x44: {  	_ =	shalt  }
0x45: {  	_ =	shalt  }
0x46: {  	_ =	shalt  }
0x47: {  	_ =	shalt  }
0x48: {  	_ =	shalt  }
0x49: {  	_ =	shalt  }
0x4a: {  	_ =	shalt  }
0x4b: {  	_ =	shalt  }
0x4c: {  	_ =	shalt  }
0x4d: {  	_ =	shalt  }
0x4e: {  	_ =	shalt  }
0x4f: {  	_ =	shalt  }
0x50: {  	_ =	shalt  }
0x51: {  	_ =	shalt  }
0x52: {  	_ =	shalt  }
0x53: {  	_ =	shalt  }
0x54: {  	_ =	shalt  }
0x55: {  	_ =	shalt  }
0x56: {  	_ =	shalt  }
0x57: {  	_ =	shalt  }
0x58: {  	_ =	shalt  }
0x59: {  	_ =	shalt  }
0x5a: {  	_ =	shalt  }
0x5b: {  	_ =	shalt  }
0x5c: {  	_ =	shalt  }
0x5d: {  	_ =	shalt  }
0x5e: {  	_ =	shalt  }
0x5f: {  	_ =	shalt  }
0x60: {  	_ =	shalt  }
0x61: {  	_ =	shalt  }
0x62: {  	_ =	shalt  }
0x63: {  	_ =	shalt  }
0x64: {  	_ =	shalt  }
0x65: {  	_ =	shalt  }
0x66: {  	_ =	shalt  }
0x67: {  	_ =	shalt  }
0x68: {  	_ =	shalt  }
0x69: {  	_ =	shalt  }
0x6a: {  	_ =	shalt  }
0x6b: {  	_ =	shalt  }
0x6c: {  	_ =	shalt  }
0x6d: {  	_ =	shalt  }
0x6e: {  	_ =	shalt  }
0x6f: {  	_ =	shalt  }
0x70: {  	_ =	shalt  }
0x71: {  	_ =	shalt  }
0x72: {  	_ =	shalt  }
0x73: {  	_ =	shalt  }
0x74: {  	_ =	shalt  }
0x75: {  	_ =	shalt  }
0x76: {  	_ =	shalt  }
0x77: {  	_ =	shalt  }
0x78: {  	_ =	shalt  }
0x79: {  	_ =	shalt  }
0x7a: {  	_ =	shalt  }
0x7b: {  	_ =	shalt  }
0x7c: {  	_ =	shalt  }
0x7d: {  	_ =	shalt  }
0x7e: {  	_ =	shalt  }
0x7f: {  	_ =	shalt  }
0x80: {  	_ =	shalt  }
0x81: {  	_ =	shalt  }
0x82: {  	_ =	shalt  }
0x83: {  	_ =	shalt  }
0x84: {  	_ =	shalt  }
0x85: {  	_ =	shalt  }
0x86: {  	_ =	shalt  }
0x87: {  	_ =	shalt  }
.Lfunc_end0:
.L_simem_size_0:
called_computation.2_lowered:
.L_overlay_start_0:
0x88: {  	s2 =	sld [smem:$0x3FD9]  }
0x89: {  	s3 =	sld [smem:$0x3FFE];
	_ =	sdelay $0x1  }
0x8a: {  	s1 =	srdreg.scid  }
0x8b: {  	s0 =	sand.u32 $0x1, s1  }
0x8c: {  	s16 =	sshll.u32 s0, $0xA;
	s2 =	sadd.s32 s3, s2  }
0x8d: {  	s2 =	sadd.s32 s2, s16  }
0x8e: {  	[smem:$0x3FBE] =	sst s2  }
0x8f: {  	_ = 	snop  }
0x90: {  	(tm) =	ssettm $0x1  }
0x91: {  	s17 =	sld [smem:$0x3FFB];
	_ =	sdelay $0x3  }
0x92: {  	_ =	strace s17  }
0x93: {  	s2 =	sld [smem:$0x3FFC];
	_ =	sdelay $0x3  }
0x94: {  	_ =	strace s2  }
0x95: {  	s2 =	sld [smem:$0x3FFD];
	_ =	sdelay $0x3  }
0x96: {  	_ =	strace s2  }
0x97: {  	_ =	strace $0x8FFFFFFF  }
0x98: {  	s18 =	sld [smem:$0x3FDB];
	_ =	sdelay $0x1  }
0x99: {  	s19 =	simm.s32 $_scs_section_size  }
0x9a: {  	s4 =	simm.s32 $_size__tile_overlayer_lowered;
	s5 =	simm.s32 $_tile_overlayer_lowered  }
0x9b: {  	s22 =	simm.s32 $0x1BFF;
	s21 =	sshll.u32 s5, $0x1;
	s2 =	sadd.s32 s19, s18  }
0x9c: {  	s6 =	simm.s32 $0x0;
	s20 =	sshll.u32 s4, $0x1;
	s4 =	sadd.s32 s21, s2  }
0x9d: {  	[timem:s6], [sflag:s22] =	dma.local [hbm:s4], s20  }
0x9e: {  	_ =	swait.ge [sflag:s22], s20  }
0x9f: {  	s3 =	ssub.s32 $0x0, s20;
	[sflag:s22] =	ssyncset.done $0x0  }
0xa0: {  	[sflag:s22] =	ssyncadd.s32 s3;
	_ =	sdelay $0x1  }
0xa1: {  	s23 =	simm.s32 $0x1B8B  }
0xa2: {  	_ =	swait.ge [sflag:s23], $0x1  }
0xa3: {  	[sflag:s23] =	ssyncset.done $0x0  }
0xa4: {  	s25 =	simm.s32 $0x1B8E;
	s24 =	sld [smem:$0x3FFE];
	[sflag:s23] =	ssyncadd.s32 $0xFFFFFFFF  }
0xa5: {  	s26 =	simm.s32 $execute0_lowered;
	[smem:$0x3FD2] =	sst s25  }
0xa6: {  	s4 =	sshll.u32 s26, $0x1;
	_ =	strace $0x8000004C;
	[dreg:$0x1] =	wrdreg $0xFFFFFFFF  }
0xa7: {  	s28 =	simm.s32 $_size_execute0_lowered;
	s2 =	sadd.s32 s2, s4;
	[dreg:$0x0] =	wrdreg $0x0  }
0xa8: {  	s4 =	sshll.u32 s28, $0x1;
	[dreg:$0x2] =	wrdreg s2  }
0xa9: {  	[dreg:$0x3] =	wrdreg s4  }
0xaa: {  	[dreg:$0x4] =	wrdreg $0xC0  }
0xab: {  	_ =	task [dreg:s6], $0x5FFFF  }
0xac: {  	[dreg:$0x1] =	wrdreg $0xFFFFFFFF  }
0xad: {  	[dreg:$0x0] =	wrdreg $0x60  }
0xae: {  	[dreg:$0x2] =	wrdreg s24  }
0xaf: {  	[dreg:$0x3] =	wrdreg $0x10F000  }
0xb0: {  	[dreg:$0x4] =	wrdreg $0x9  }
0xb1: {  	_ =	task.clear_ibuf [dreg:s6], $0x5FFFF;
	_ =	strace $0x9000004C  }
0xb2: {  	s29 =	simm.s32 $0x9;
	_ =	strace $0x8000004E  }
0xb3: {  	_ =	swait.ge [sflag:s29], $0x1  }
0xb4: {  	[sflag:s29] =	ssyncadd.s32 $0xFFFFFFFF  }
0xb5: {  	_ =	strace $0x9000004E  }
0xb6: {  	_ =	sfence  }
0xb7: {  	s30 =	sld [smem:$0x0];
	_ =	sdelay $0x2  }
0xb8: {  	s31 =	sshll.u32 s1, $0xD;
	s1 =	sshrl.u32 s1, $0x2  }
0xb9: {  	s3 =	sand.u32 $0x4000, s31;
	s1 =	sadd.s32 s1, s30  }
0xba: {  	s0 =	sor.u32 s3, s0;
	s1 =	sshll.u32 s1, $0x11  }
0xbb: {  	s0 =	sor.u32 s1, s0  }
0xbc: {  	s0 =	sadd.s32 $0x8F2B, s0  }
0xbd: {  	[sflag:s0] =	ssyncadd.remote.s32 $0x1  }
0xbe: {  	_ =	sfence.sel $0xFFFF  }
0xbf: {  	[dreg:$0x0] =	wrdreg $0xFFFFFFFF;
	(pc) =	sbr.abs _section_cstart, $3  }
0xc0: {  	[dreg:$0x1] =	wrdreg $0xFFFFFFFF  }
0xc1: {  	_ =	task.clear_ibuf [dreg:s6], $0x2FFFF;
	_ =	strace $0x9FFFFFFF  }
0xc2: {  	(tm) =	ssettm $0x7FFFFFFF  }
0xc3: {  	_ =	shalt  }
tec
execute0_lowered:
.L_overlay_start_1:
0x0: {  	(tag) =	ssettag $0x1  }
0x1: {  	s0 =	rddreg [dreg:$0x0]  }
0x2: {  	s2 =	rddreg [dreg:$0x1];
	s3 =	simm.s32 $0x0;
	s12 =	stileid.u32  }
0x3: {  	s1 =	srdreg.scid;
	s16 =	simm.s32 $0x80;
	s28 =	simm.s32 $0x5F00  }
0x4: {  	s13 =	simm.s32 $0xDF00;
	s21 =	simm.s32 $0xFF00;
	s14 =	simm.s32 $0xE  }
0x5: {  	s15 =	simm.s32 $0xF;
	s17 =	simm.s32 $0x11;
	s18 =	simm.s32 $0x12  }
0x6: {  	s29 =	simm.s32 $0x13;
	s20 =	simm.s32 $0x14;
	s31 =	simm.s32 $0x15  }
0x7: {  	s22 =	simm.s32 $0x16;
	[smem:$0x7FF] =	sst s3;
	s23 =	smul.u32 $0x4F00, s12  }
0x8: {  	s1 =	sand.u32 $0x1, s1;
	s4 =	sadd.s32 $0x65200, s0;
	s6 =	sadd.s32 $0x2800, s0  }
0x9: {  	s11 =	sshll.u32 s12, $0x4;
	s30 =	sshll.u32 s12, $0x6;
	_ =	strace $0x8000004D  }
0xa: {  	s5 =	smul.u32 $0x4F000, s1;
	s8 =	sshll.u32 s1, $0x4;
	s1 =	ssub.s32 $0x2, s1  }
0xb: {  	s7 =	sshrl.u32 s23, $0x3;
	s8 =	sor.u32 s12, s8;
	s9 =	sshrl.u32 s1, $0x1  }
0xc: {  	s3 =	sadd.s32 s23, s2;
	s12 =	simm.s32 $0xEF00;
	s7 =	sadd.s32 s7, s0  }
0xd: {  	s5 =	sadd.s32 s23, s5;
	s10 =	smul.u32 $0x4E0, s8;
	s1 =	ssub.s32 s1, s9  }
0xe: {  	s9 =	sor.u32 $0x9C00, s11;
	p0 =	sgt.u32 s8, $0x3;
	s8 =	sshrl.u32 s3, $0x3  }
0xf: {  	s11 =	simm.s32 $0xBF00;
	s3 =	simm.s32 $0xD;
	s5 =	sshrl.u32 s5, $0x3  }
0x10: {  	s25 =	sadd.s32 $0x6F000, s7;
	s1 =	smax.u32 s1, $0x1;
	[dreg:$0xb] =	wrdreg s8  }
0x11: {  	s7 =	sor.u32 $0x1C19, s30;
	s5 =	sadd.s32 s5, s0;
	[dreg:$0x5] =	wrdreg s25  }
0x12: {  	s24 =	sadd.s32 s6, s10;
	s0 =	sadd.s32 $0xC440, s0;
	[dreg:$0x7] =	wrdreg s1  }
0x13: {  	s6 =	sadd.s32 s6, s9;
	s25 =	simm.s32 $0x5;
	[dreg:$0xa] =	wrdreg s7  }
.Ltmp0:
0x14: {  	s1 =	simm.s32 $0x17;
	[dreg:$0x3] =	wrdreg s24;
	(pc) =	sbr.rel .LBB2_1-.Ltmp0, $4  }
0x15: {  	[dreg:$0x4] =	wrdreg s6;
	s5 =	sadd.s32 $0x78E00, s5;
	s26 =	sadd.s32 s10, s0  }
0x16: {  	s0 =	sadd.s32 @!p0 s9, s0;
	s10 =	simm.s32 $0x10;
	[dreg:$0x6] =	wrdreg s5  }
0x17: {  	s24 =	simm.s32 $0x18;
	s6 =	simm.s32 $0x0;
	[dreg:$0x8] =	wrdreg s26  }
0x18: {  	[dreg:$0x9] =	wrdreg s0;
	s0 =	simm.s32 $0xCF00;
	s5 =	simm.s32 $0x6  }
.LBB2_4:
0x19: {  	s0 =	simm.s32 $0x1  }
0x1a: {  	_ =	swait.ge [sflag:s0], $0x1000  }
0x1b: {  	s7 =	simm.s32 $0x4F00;
	[sflag:s0] =	ssyncset.done $0x0  }
0x1c: {  	s13 =	simm.s32 $0x4B80;
	s19 =	simm.s32 $0x2;
	[sflag:s0] =	ssyncadd.s32 $0xFFFFF000  }
0x1d: {  	[spmem:s2] =	stream.indirect.scatter.add.f32 [tilespmem:s7], [sflag:$0xD], $0x20, s13, s16, $0xb8;
	[tilespmem:$0x15E00] =	vst v63  }
0x1e: {  	_ =	swait.ge [sflag:s19], $0x1000  }
0x1f: {  	[sflag:s19] =	ssyncset.done $0x0  }
0x20: {  	s21 =	simm.s32 $0x4C00;
	s23 =	simm.s32 $0x3;
	[sflag:s19] =	ssyncadd.s32 $0xFFFFF000  }
0x21: {  	[spmem:s2] =	stream.indirect.scatter.add.f32 [tilespmem:s28], [sflag:$0xE], $0x20, s21, s16, $0xb8;
	[tilespmem:$0x15E00] =	vst v63  }
0x22: {  	_ =	swait.ge [sflag:s23], $0x1000  }
0x23: {  	[sflag:s23] =	ssyncset.done $0x0  }
0x24: {  	s26 =	simm.s32 $0x4C80;
	s30 =	simm.s32 $0x4;
	[sflag:s23] =	ssyncadd.s32 $0xFFFFF000  }
0x25: {  	[spmem:s2] =	stream.indirect.scatter.add.f32 [tilespmem:s6], [sflag:$0xF], $0x20, s26, s16, $0xb8;
	[tilespmem:$0x15E00] =	vst v63  }
0x26: {  	_ =	swait.ge [sflag:s30], $0x1000  }
0x27: {  	[sflag:s30] =	ssyncset.done $0x0  }
0x28: {  	s0 =	simm.s32 $0x7F00;
	s7 =	simm.s32 $0x4D00;
	[sflag:s30] =	ssyncadd.s32 $0xFFFFF000  }
0x29: {  	[spmem:s2] =	stream.indirect.scatter.add.f32 [tilespmem:s0], [sflag:$0x10], $0x20, s7, s16, $0xb8;
	[tilespmem:$0x15E00] =	vst v63  }
0x2a: {  	_ =	swait.ge [sflag:s25], $0x1000  }
0x2b: {  	[sflag:s25] =	ssyncset.done $0x0  }
0x2c: {  	s8 =	simm.s32 $0x8F00;
	s9 =	simm.s32 $0x4D80;
	[sflag:s25] =	ssyncadd.s32 $0xFFFFF000  }
0x2d: {  	[spmem:s2] =	stream.indirect.scatter.add.f32 [tilespmem:s8], [sflag:$0x11], $0x20, s9, s16, $0xb8;
	[tilespmem:$0x15E00] =	vst v63  }
0x2e: {  	_ =	swait.ge [sflag:s5], $0x1000  }
0x2f: {  	[sflag:s5] =	ssyncset.done $0x0  }
0x30: {  	s11 =	simm.s32 $0x9F00;
	s12 =	simm.s32 $0x4E00;
	[sflag:s5] =	ssyncadd.s32 $0xFFFFF000  }
0x31: {  	[spmem:s2] =	stream.indirect.scatter.add.f32 [tilespmem:s11], [sflag:$0x12], $0x20, s12, s16, $0xb8;
	[tilespmem:$0x15E00] =	vst v63  }
0x32: {  	_ =	swait.ge [sflag:s3], $0x1000  }
0x33: {  	[sflag:s3] =	ssyncset.done $0x0  }
0x34: {  	[sflag:s3] =	ssyncadd.s32 $0xFFFFF000  }
0x35: {  	_ =	swait.ge [sflag:s14], $0x1000  }
0x36: {  	[sflag:s14] =	ssyncset.done $0x0  }
0x37: {  	[sflag:s14] =	ssyncadd.s32 $0xFFFFF000  }
0x38: {  	_ =	swait.ge [sflag:s15], $0x1000  }
0x39: {  	[sflag:s15] =	ssyncset.done $0x0  }
0x3a: {  	[sflag:s15] =	ssyncadd.s32 $0xFFFFF000  }
0x3b: {  	_ =	swait.ge [sflag:s10], $0x1000  }
0x3c: {  	[sflag:s10] =	ssyncset.done $0x0  }
0x3d: {  	[sflag:s10] =	ssyncadd.s32 $0xFFFFF000  }
0x3e: {  	_ =	swait.ge [sflag:s17], $0x1000  }
0x3f: {  	[sflag:s17] =	ssyncset.done $0x0  }
0x40: {  	[sflag:s17] =	ssyncadd.s32 $0xFFFFF000  }
0x41: {  	_ =	swait.ge [sflag:s18], $0x1000  }
0x42: {  	[sflag:s18] =	ssyncset.done $0x0  }
0x43: {  	[sflag:s18] =	ssyncadd.s32 $0xFFFFF000  }
0x44: {  	_ =	swait.ge [sflag:s29], $0x1000  }
0x45: {  	[sflag:s29] =	ssyncset.done $0x0  }
0x46: {  	[sflag:s29] =	ssyncadd.s32 $0xFFFFF000  }
0x47: {  	_ =	swait.ge [sflag:s20], $0x1000  }
0x48: {  	[sflag:s20] =	ssyncset.done $0x0  }
0x49: {  	[sflag:s20] =	ssyncadd.s32 $0xFFFFF000  }
0x4a: {  	_ =	swait.ge [sflag:s31], $0x1000  }
0x4b: {  	[sflag:s31] =	ssyncset.done $0x0  }
0x4c: {  	[sflag:s31] =	ssyncadd.s32 $0xFFFFF000  }
0x4d: {  	_ =	swait.ge [sflag:s22], $0x1000  }
0x4e: {  	[sflag:s22] =	ssyncset.done $0x0  }
0x4f: {  	[sflag:s22] =	ssyncadd.s32 $0xFFFFF000  }
0x50: {  	_ =	swait.ge [sflag:s1], $0x1000  }
0x51: {  	[sflag:s1] =	ssyncset.done $0x0  }
0x52: {  	[sflag:s1] =	ssyncadd.s32 $0xFFFFF000  }
0x53: {  	_ =	swait.ge [sflag:s24], $0x1000  }
0x54: {  	s19 =	simm.s32 @!p0 $0x80;
	[sflag:s24] =	ssyncset.done $0x0  }
0x55: {  	s23 =	simm.s32 @!p0 $0x2700;
	s26 =	simm.s32 @!p0 $0x4F00;
	[sflag:s24] =	ssyncadd.s32 $0xFFFFF000  }
0x56: {  	[tilespmem:s26], [sflag:$0x1] =	stream.indirect.gather @!p0 [hbm4b:s4+s19], $0x20, s23, s19, $0xb8;
	[tilespmem:$0x15E00] =	vst v63  }
0x57: {  	s23 =	simm.s32 @!p0 $0x1  }
0x58: {  	_ =	swait.ge @!p0 [sflag:s23], $0x1000  }
0x59: {  	[sflag:s23] =	ssyncset.done @!p0 $0x0  }
0x5a: {  	[sflag:s23] =	ssyncadd.s32 @!p0 $0xFFFFF000;
	s23 =	simm.s32 @!p0 $0x4E80  }
0x5b: {  	[spmem:s2] =	stream.indirect.scatter.add.f32 @!p0 [tilespmem:s26], [sflag:$0x19], $0x20, s23, s19, $0xb8;
	[tilespmem:$0x15E00] =	vst v63  }
0x5c: {  	s19 =	simm.s32 @!p0 $0x19  }
0x5d: {  	_ =	swait.ge @!p0 [sflag:s19], $0x1000  }
0x5e: {  	[sflag:s19] =	ssyncset.done @!p0 $0x0  }
0x5f: {  	[sflag:s19] =	ssyncadd.s32 @!p0 $0xFFFFF000  }
0x60: {  	[bflag:$0x0] =	sbarrier.arrive $0xFFFF  }
0x61: {  	s13 =	rddreg [dreg:$0x6]  }
0x62: {  	s7 =	rddreg [dreg:$0xa]  }
0x63: {  	s21 =	simm.s32 $0x19;
	s8 =	rddreg [dreg:$0xb]  }
0x64: {  	[hbm:s13], [sflag:s7] =	dma.local [spmem:s8], $0x9E0  }
0x65: {  	_ =	swait.ge [sflag:s21], $0x9E0  }
0x66: {  	s26 =	rddreg [dreg:$0xc]  }
0x67: {  	s30 =	rddreg [dreg:$0x7];
	s6 =	sadd.s32 $0x1, s26  }
0x68: {  	p1 =	sne.s32 s6, s30  }
.Ltmp1:
0x69: {  	_ = 	snop;
	(pc) =	sbr.rel @!p1 .LBB2_5-.Ltmp1, $4  }
0x6a: {  	_ = 	snop  }
0x6b: {  	s0 =	simm.s32 $0xCF00  }
0x6c: {  	s11 =	simm.s32 $0xBF00;
	s12 =	simm.s32 $0xEF00;
	[sflag:s21] =	ssyncset.done $0x0  }
0x6d: {  	s13 =	simm.s32 $0xDF00;
	[sflag:s21] =	ssyncadd.s32 $0xFFFFF620;
	s21 =	simm.s32 $0xFF00  }
.LBB2_1:
0x6e: {  	[dreg:$0xc] =	wrdreg s6  }
0x6f: {  	s30 =	simm.s32 $0x19;
	s6 =	simm.s32 $0x0;
	s19 =	rddreg [dreg:$0x3]  }
0x70: {  	[tilespmem:s6], [sflag:$0x19] =	stream.linear.gather [hbm4b:s19+s6], $0x2700, $0x38;
	[tilespmem:$0x15E00] =	vst v63  }
0x71: {  	_ =	swait.ge [sflag:s30], $0x2700  }
0x72: {  	[sflag:s30] =	ssyncset.done $0x0  }
0x73: {  	s26 =	simm.s32 $0x2780;
	s23 =	rddreg [dreg:$0x8];
	[sflag:s30] =	ssyncadd.s32 $0xFFFFD900  }
0x74: {  	[tilespmem:s26], [sflag:$0x19] =	stream.linear.gather [hbm4b:s23+s6], $0x2700, $0x38;
	[tilespmem:$0x15E00] =	vst v63  }
0x75: {  	_ =	swait.ge [sflag:s30], $0x2700  }
0x76: {  	s23 =	simm.s32 @!p0 $0x0;
	[sflag:s30] =	ssyncset.done $0x0  }
0x77: {  	s26 =	simm.s32 @!p0 $0x2700;
	s19 =	rddreg [dreg:$0x4];
	[sflag:s30] =	ssyncadd.s32 $0xFFFFD900  }
0x78: {  	[tilespmem:s26], [sflag:$0x19] =	stream.linear.gather @!p0 [hbm4b:s19+s23], $0x80, $0x38;
	[tilespmem:$0x15E00] =	vst v63  }
0x79: {  	s26 =	simm.s32 @!p0 $0x19  }
0x7a: {  	_ =	swait.ge @!p0 [sflag:s26], $0x80  }
0x7b: {  	s9 =	simm.s32 @!p0 $0x0;
	[sflag:s26] =	ssyncset.done @!p0 $0x0  }
0x7c: {  	s19 =	simm.s32 @!p0 $0x4E80;
	s23 =	rddreg [dreg:$0x9];
	[sflag:s26] =	ssyncadd.s32 @!p0 $0xFFFFFF80  }
0x7d: {  	[tilespmem:s19], [sflag:$0x19] =	stream.linear.gather @!p0 [hbm4b:s23+s9], $0x80, $0x38;
	[tilespmem:$0x15E00] =	vst v63  }
0x7e: {  	_ =	swait.ge @!p0 [sflag:s26], $0x80  }
0x7f: {  	[sflag:s26] =	ssyncset.done @!p0 $0x0  }
0x80: {  	s9 =	rddreg [dreg:$0x5];
	[sflag:s26] =	ssyncadd.s32 @!p0 $0xFFFFFF80  }
0x81: {  	[spmem:s8], [sflag:s7] =	dma.local [hbm:s9], $0x9E0  }
0x82: {  	_ =	swait.ge [sflag:s30], $0x9E0  }
0x83: {  	[sflag:s30] =	ssyncset.done $0x0  }
0x84: {  	[sflag:s30] =	ssyncadd.s32 $0xFFFFF620  }
0x85: {  	s19 =	simm.s32 $0x4F00;
	[bflag:$0x0] =	sbarrier.arrive $0xFFFF  }
0x86: {  	[tilespmem:s19], [sflag:$0x1] =	stream.indirect.gather [hbm4b:s4+s16], $0x20, s6, s16, $0xb8;
	[tilespmem:$0x15E00] =	vst v63  }
0x87: {  	_ = 	snop  }
0x88: {  	[tilespmem:s28], [sflag:$0x2] =	stream.indirect.gather [hbm4b:s4+s16], $0x20, s16, s16, $0xb8;
	[tilespmem:$0x15E00] =	vst v63  }
0x89: {  	s23 =	simm.s32 $0x6F00;
	s9 =	simm.s32 $0x100  }
0x8a: {  	[tilespmem:s23], [sflag:$0x3] =	stream.indirect.gather [hbm4b:s4+s16], $0x20, s9, s16, $0xb8;
	[tilespmem:$0x15E00] =	vst v63  }
0x8b: {  	s26 =	simm.s32 $0x7F00;
	s19 =	simm.s32 $0x180  }
0x8c: {  	[tilespmem:s26], [sflag:$0x4] =	stream.indirect.gather [hbm4b:s4+s16], $0x20, s19, s16, $0xb8;
	[tilespmem:$0x15E00] =	vst v63  }
0x8d: {  	s28 =	simm.s32 $0x8F00;
	s26 =	simm.s32 $0x200  }
0x8e: {  	[tilespmem:s28], [sflag:$0x5] =	stream.indirect.gather [hbm4b:s4+s16], $0x20, s26, s16, $0xb8;
	[tilespmem:$0x15E00] =	vst v63  }
0x8f: {  	s8 =	simm.s32 $0x9F00;
	s28 =	simm.s32 $0x280  }
0x90: {  	[tilespmem:s8], [sflag:$0x6] =	stream.indirect.gather [hbm4b:s4+s16], $0x20, s28, s16, $0xb8;
	[tilespmem:$0x15E00] =	vst v63  }
0x91: {  	s7 =	simm.s32 $0x300;
	s8 =	simm.s32 $0xAF00  }
0x92: {  	[tilespmem:s8], [sflag:$0x7] =	stream.indirect.gather [hbm4b:s4+s16], $0x20, s7, s16, $0xb8;
	[tilespmem:$0x15E00] =	vst v63  }
0x93: {  	s9 =	simm.s32 $0x380  }
0x94: {  	[tilespmem:s11], [sflag:$0x8] =	stream.indirect.gather [hbm4b:s4+s16], $0x20, s9, s16, $0xb8;
	[tilespmem:$0x15E00] =	vst v63  }
0x95: {  	s19 =	simm.s32 $0x400  }
0x96: {  	[tilespmem:s0], [sflag:$0x9] =	stream.indirect.gather [hbm4b:s4+s16], $0x20, s19, s16, $0xb8;
	[tilespmem:$0x15E00] =	vst v63  }
0x97: {  	s23 =	simm.s32 $0x480  }
0x98: {  	[tilespmem:s13], [sflag:$0xA] =	stream.indirect.gather [hbm4b:s4+s16], $0x20, s23, s16, $0xb8;
	[tilespmem:$0x15E00] =	vst v63  }
0x99: {  	s30 =	simm.s32 $0xAF00;
	s26 =	simm.s32 $0x500;
	s28 =	simm.s32 $0x580  }
0x9a: {  	[tilespmem:s12], [sflag:$0xB] =	stream.indirect.gather [hbm4b:s4+s16], $0x20, s26, s16, $0xb8;
	[tilespmem:$0x15E00] =	vst v63  }
0x9b: {  	s11 =	simm.s32 $0xBF00;
	s19 =	simm.s32 $0x0;
	s0 =	simm.s32 $0xCF00  }
0x9c: {  	[tilespmem:s21], [sflag:$0xC] =	stream.indirect.gather [hbm4b:s4+s16], $0x20, s28, s16, $0xb8;
	[tilespmem:$0x15E00] =	vst v63  }
0x9d: {  	s13 =	simm.s32 $0xDF00;
	s12 =	simm.s32 $0xEF00;
	s21 =	simm.s32 $0xFF00  }
.LBB2_2:
0x9e: {  	s6 =	simm.s32 $0x1  }
0x9f: {  	_ =	swait.ge [sflag:s6], $0x1000  }
0xa0: {  	s26 =	sshra.s32 s19, $0x2;
	s28 =	simm.s32 $0x4F00;
	[sflag:s6] =	ssyncset.done $0x0  }
0xa1: {  	s7 =	simm.s32 $0x2;
	s23 =	sadd.s32 $0x2780, s26;
	[sflag:s6] =	ssyncadd.s32 $0xFFFFF000  }
0xa2: {  	[spmem:s2] =	stream.indirect.scatter.add.f32 [tilespmem:s28], [sflag:$0xD], $0x20, s23, s16, $0xb8;
	[tilespmem:$0x15E00] =	vst v63  }
0xa3: {  	_ =	swait.ge [sflag:s7], $0x1000  }
0xa4: {  	s9 =	simm.s32 $0x5F00;
	[sflag:s7] =	ssyncset.done $0x0  }
0xa5: {  	s8 =	sadd.s32 $0x2800, s26;
	s23 =	simm.s32 $0x3;
	[sflag:s7] =	ssyncadd.s32 $0xFFFFF000  }
0xa6: {  	[spmem:s2] =	stream.indirect.scatter.add.f32 [tilespmem:s9], [sflag:$0xE], $0x20, s8, s16, $0xb8;
	[tilespmem:$0x15E00] =	vst v63  }
0xa7: {  	_ =	swait.ge [sflag:s23], $0x1000  }
0xa8: {  	[sflag:s23] =	ssyncset.done $0x0  }
0xa9: {  	s6 =	simm.s32 $0x6F00;
	s7 =	sadd.s32 $0x2880, s26;
	[sflag:s23] =	ssyncadd.s32 $0xFFFFF000  }
0xaa: {  	[spmem:s2] =	stream.indirect.scatter.add.f32 [tilespmem:s6], [sflag:$0xF], $0x20, s7, s16, $0xb8;
	[tilespmem:$0x15E00] =	vst v63  }
0xab: {  	s7 =	simm.s32 $0x4  }
0xac: {  	_ =	swait.ge [sflag:s7], $0x1000  }
0xad: {  	[sflag:s7] =	ssyncset.done $0x0  }
0xae: {  	s8 =	sadd.s32 $0x2900, s26;
	[sflag:s7] =	ssyncadd.s32 $0xFFFFF000;
	s7 =	simm.s32 $0x7F00  }
0xaf: {  	[spmem:s2] =	stream.indirect.scatter.add.f32 [tilespmem:s7], [sflag:$0x10], $0x20, s8, s16, $0xb8;
	[tilespmem:$0x15E00] =	vst v63  }
0xb0: {  	_ =	swait.ge [sflag:s25], $0x1000  }
0xb1: {  	[sflag:s25] =	ssyncset.done $0x0  }
0xb2: {  	s9 =	sadd.s32 $0x2980, s26;
	s8 =	simm.s32 $0x8F00;
	[sflag:s25] =	ssyncadd.s32 $0xFFFFF000  }
0xb3: {  	[spmem:s2] =	stream.indirect.scatter.add.f32 [tilespmem:s8], [sflag:$0x11], $0x20, s9, s16, $0xb8;
	[tilespmem:$0x15E00] =	vst v63  }
0xb4: {  	_ =	swait.ge [sflag:s5], $0x1000  }
0xb5: {  	[sflag:s5] =	ssyncset.done $0x0  }
0xb6: {  	s23 =	sadd.s32 $0x2A00, s26;
	s9 =	simm.s32 $0x9F00;
	[sflag:s5] =	ssyncadd.s32 $0xFFFFF000  }
0xb7: {  	[spmem:s2] =	stream.indirect.scatter.add.f32 [tilespmem:s9], [sflag:$0x12], $0x20, s23, s16, $0xb8;
	[tilespmem:$0x15E00] =	vst v63  }
0xb8: {  	s23 =	simm.s32 $0x7  }
0xb9: {  	_ =	swait.ge [sflag:s23], $0x1000  }
0xba: {  	[sflag:s23] =	ssyncset.done $0x0  }
0xbb: {  	[sflag:s23] =	ssyncadd.s32 $0xFFFFF000;
	s23 =	sadd.s32 $0x2A80, s26  }
0xbc: {  	[spmem:s2] =	stream.indirect.scatter.add.f32 [tilespmem:s30], [sflag:$0x13], $0x20, s23, s16, $0xb8;
	[tilespmem:$0x15E00] =	vst v63  }
0xbd: {  	s23 =	simm.s32 $0x8  }
0xbe: {  	_ =	swait.ge [sflag:s23], $0x1000  }
0xbf: {  	[sflag:s23] =	ssyncset.done $0x0  }
0xc0: {  	[sflag:s23] =	ssyncadd.s32 $0xFFFFF000;
	s23 =	sadd.s32 $0x2B00, s26  }
0xc1: {  	[spmem:s2] =	stream.indirect.scatter.add.f32 [tilespmem:s11], [sflag:$0x14], $0x20, s23, s16, $0xb8;
	[tilespmem:$0x15E00] =	vst v63  }
0xc2: {  	s23 =	simm.s32 $0x9  }
0xc3: {  	_ =	swait.ge [sflag:s23], $0x1000  }
0xc4: {  	[sflag:s23] =	ssyncset.done $0x0  }
0xc5: {  	[sflag:s23] =	ssyncadd.s32 $0xFFFFF000;
	s23 =	sadd.s32 $0x2B80, s26  }
0xc6: {  	[spmem:s2] =	stream.indirect.scatter.add.f32 [tilespmem:s0], [sflag:$0x15], $0x20, s23, s16, $0xb8;
	[tilespmem:$0x15E00] =	vst v63  }
0xc7: {  	s23 =	simm.s32 $0xA  }
0xc8: {  	_ =	swait.ge [sflag:s23], $0x1000  }
0xc9: {  	[sflag:s23] =	ssyncset.done $0x0  }
0xca: {  	[sflag:s23] =	ssyncadd.s32 $0xFFFFF000;
	s23 =	sadd.s32 $0x2C00, s26  }
0xcb: {  	[spmem:s2] =	stream.indirect.scatter.add.f32 [tilespmem:s13], [sflag:$0x16], $0x20, s23, s16, $0xb8;
	[tilespmem:$0x15E00] =	vst v63  }
0xcc: {  	s23 =	simm.s32 $0xB  }
0xcd: {  	_ =	swait.ge [sflag:s23], $0x1000  }
0xce: {  	[sflag:s23] =	ssyncset.done $0x0  }
0xcf: {  	[sflag:s23] =	ssyncadd.s32 $0xFFFFF000;
	s23 =	sadd.s32 $0x2C80, s26  }
0xd0: {  	[spmem:s2] =	stream.indirect.scatter.add.f32 [tilespmem:s12], [sflag:$0x17], $0x20, s23, s16, $0xb8;
	[tilespmem:$0x15E00] =	vst v63  }
0xd1: {  	s23 =	simm.s32 $0xC  }
0xd2: {  	_ =	swait.ge [sflag:s23], $0x1000  }
0xd3: {  	[sflag:s23] =	ssyncset.done $0x0  }
0xd4: {  	[sflag:s23] =	ssyncadd.s32 $0xFFFFF000;
	s23 =	sadd.s32 $0x2D00, s26  }
0xd5: {  	[spmem:s2] =	stream.indirect.scatter.add.f32 [tilespmem:s21], [sflag:$0x18], $0x20, s23, s16, $0xb8;
	[tilespmem:$0x15E00] =	vst v63  }
0xd6: {  	_ =	swait.ge [sflag:s3], $0x1000  }
0xd7: {  	[sflag:s3] =	ssyncset.done $0x0  }
0xd8: {  	s23 =	sadd.s32 $0x600, s26;
	[sflag:s3] =	ssyncadd.s32 $0xFFFFF000  }
0xd9: {  	[tilespmem:s28], [sflag:$0x1] =	stream.indirect.gather [hbm4b:s4+s16], $0x20, s23, s16, $0xb8;
	[tilespmem:$0x15E00] =	vst v63  }
0xda: {  	_ =	swait.ge [sflag:s14], $0x1000  }
0xdb: {  	[sflag:s14] =	ssyncset.done $0x0  }
0xdc: {  	s28 =	simm.s32 $0x5F00;
	s23 =	sadd.s32 $0x680, s26;
	[sflag:s14] =	ssyncadd.s32 $0xFFFFF000  }
0xdd: {  	[tilespmem:s28], [sflag:$0x2] =	stream.indirect.gather [hbm4b:s4+s16], $0x20, s23, s16, $0xb8;
	[tilespmem:$0x15E00] =	vst v63  }
0xde: {  	_ =	swait.ge [sflag:s15], $0x1000  }
0xdf: {  	[sflag:s15] =	ssyncset.done $0x0  }
0xe0: {  	s23 =	sadd.s32 $0x700, s26;
	[sflag:s15] =	ssyncadd.s32 $0xFFFFF000  }
0xe1: {  	[tilespmem:s6], [sflag:$0x3] =	stream.indirect.gather [hbm4b:s4+s16], $0x20, s23, s16, $0xb8;
	[tilespmem:$0x15E00] =	vst v63  }
0xe2: {  	_ =	swait.ge [sflag:s10], $0x1000  }
0xe3: {  	[sflag:s10] =	ssyncset.done $0x0  }
0xe4: {  	s23 =	sadd.s32 $0x780, s26;
	[sflag:s10] =	ssyncadd.s32 $0xFFFFF000  }
0xe5: {  	[tilespmem:s7], [sflag:$0x4] =	stream.indirect.gather [hbm4b:s4+s16], $0x20, s23, s16, $0xb8;
	[tilespmem:$0x15E00] =	vst v63  }
0xe6: {  	_ =	swait.ge [sflag:s17], $0x1000  }
0xe7: {  	[sflag:s17] =	ssyncset.done $0x0  }
0xe8: {  	p1 =	seq.s32 s19, $0x7800;
	s7 =	sadd.s32 $0x800, s26;
	[sflag:s17] =	ssyncadd.s32 $0xFFFFF000  }
0xe9: {  	[tilespmem:s8], [sflag:$0x5] =	stream.indirect.gather [hbm4b:s4+s16], $0x20, s7, s16, $0xb8;
	[tilespmem:$0x15E00] =	vst v63  }
.Ltmp2:
0xea: {  	_ = 	snop;
	(pc) =	sbr.rel @p1 .LBB2_4-.Ltmp2, $4  }
0xeb: {  	_ =	swait.ge [sflag:s18], $0x1000  }
0xec: {  	[sflag:s18] =	ssyncset.done $0x0  }
0xed: {  	s8 =	sadd.s32 $0x880, s26;
	[sflag:s18] =	ssyncadd.s32 $0xFFFFF000  }
0xee: {  	[tilespmem:s9], [sflag:$0x6] =	stream.indirect.gather [hbm4b:s4+s16], $0x20, s8, s16, $0xb8;
	[tilespmem:$0x15E00] =	vst v63  }
0xef: {  	_ =	swait.ge [sflag:s29], $0x1000  }
0xf0: {  	[sflag:s29] =	ssyncset.done $0x0  }
0xf1: {  	s23 =	sadd.s32 $0x900, s26;
	[sflag:s29] =	ssyncadd.s32 $0xFFFFF000  }
0xf2: {  	[tilespmem:s30], [sflag:$0x7] =	stream.indirect.gather [hbm4b:s4+s16], $0x20, s23, s16, $0xb8;
	[tilespmem:$0x15E00] =	vst v63  }
0xf3: {  	_ =	swait.ge [sflag:s20], $0x1000  }
0xf4: {  	[sflag:s20] =	ssyncset.done $0x0  }
0xf5: {  	s6 =	sadd.s32 $0x980, s26;
	[sflag:s20] =	ssyncadd.s32 $0xFFFFF000  }
0xf6: {  	[tilespmem:s11], [sflag:$0x8] =	stream.indirect.gather [hbm4b:s4+s16], $0x20, s6, s16, $0xb8;
	[tilespmem:$0x15E00] =	vst v63  }
0xf7: {  	_ =	swait.ge [sflag:s31], $0x1000  }
0xf8: {  	[sflag:s31] =	ssyncset.done $0x0  }
0xf9: {  	s7 =	sadd.s32 $0xA00, s26;
	[sflag:s31] =	ssyncadd.s32 $0xFFFFF000  }
0xfa: {  	[tilespmem:s0], [sflag:$0x9] =	stream.indirect.gather [hbm4b:s4+s16], $0x20, s7, s16, $0xb8;
	[tilespmem:$0x15E00] =	vst v63  }
0xfb: {  	_ =	swait.ge [sflag:s22], $0x1000  }
0xfc: {  	[sflag:s22] =	ssyncset.done $0x0  }
0xfd: {  	s8 =	sadd.s32 $0xA80, s26;
	[sflag:s22] =	ssyncadd.s32 $0xFFFFF000  }
0xfe: {  	[tilespmem:s13], [sflag:$0xA] =	stream.indirect.gather [hbm4b:s4+s16], $0x20, s8, s16, $0xb8;
	[tilespmem:$0x15E00] =	vst v63  }
0xff: {  	_ =	swait.ge [sflag:s1], $0x1000  }
0x100: {  	[sflag:s1] =	ssyncset.done $0x0  }
0x101: {  	s9 =	sadd.s32 $0xB00, s26;
	[sflag:s1] =	ssyncadd.s32 $0xFFFFF000  }
0x102: {  	[tilespmem:s12], [sflag:$0xB] =	stream.indirect.gather [hbm4b:s4+s16], $0x20, s9, s16, $0xb8;
	[tilespmem:$0x15E00] =	vst v63  }
.Ltmp3:
0x103: {  	_ = 	snop;
	(pc) =	sbr.rel .LBB2_2-.Ltmp3, $4  }
0x104: {  	_ =	swait.ge [sflag:s24], $0x1000  }
0x105: {  	[sflag:s24] =	ssyncset.done $0x0  }
0x106: {  	s28 =	sadd.s32 $0xB80, s26;
	s19 =	sadd.s32 $0x1800, s19;
	[sflag:s24] =	ssyncadd.s32 $0xFFFFF000  }
0x107: {  	[tilespmem:s21], [sflag:$0xC] =	stream.indirect.gather [hbm4b:s4+s16], $0x20, s28, s16, $0xb8;
	[tilespmem:$0x15E00] =	vst v63  }
.LBB2_5:
0x108: {  	_ =	sfence.sel $0x180000  }
0x109: {  	[bflag:$0x0] =	sbarrier.arrive $0xFFFF  }
0x10a: {  	_ =	strace $0x9000004D  }
0x10b: {  	s0 =	stileid.u32;
	[bflag:$0x2] =	sbarrier.arrive $0xFFFF  }
0x10c: {  	p0 =	sne.s32 s0, $0x0;
	s0 =	rddreg [dreg:$0x2]  }
0x10d: {  	s0 =	sadd.s32 @!p0 $0x100000, s0  }
0x10e: {  	[sflag:s0] =	ssyncadd.tile.s32 @!p0 $0x1;
	_ =	shalt  }
.Lfunc_end2:
_tile_overlayer_lowered:
.L_overlay_start_2:
0x10f: {  	(tag) =	ssettag $0x2  }
0x110: {  	s0 =	rddreg [dreg:$0x0];
	s2 =	stileid.u32  }
0x111: {  	s1 =	rddreg [dreg:$0x1];
	p0 =	sne.s32 s2, $0x0  }
0x112: {  	s3 =	rddreg [dreg:$0x2];
	[bflag:$0x3] =	sbarrier.arrive $0xFFFF;
	s2 =	simm.s32 @!p0 $0x1C19  }
0x113: {  	[timem:s3], [sflag:s2] =	dma.local @!p0 [hbm:s0], s1  }
0x114: {  	s0 =	simm.s32 @!p0 $0x19  }
0x115: {  	_ =	swait.ge @!p0 [sflag:s0], s1  }
0x116: {  	s1 =	ssub.s32 @!p0 $0x0, s1;
	[sflag:s0] =	ssyncset.done @!p0 $0x0  }
0x117: {  	[sflag:s0] =	ssyncadd.s32 @!p0 s1  }
0x118: {  	[bflag:$0x3] =	sbarrier.arrive $0xFFFF  }
0x119: {  	_ =	shalt  }

// kernel: kernel.9.cloned.1.call-start
scs
__scs_entry_jumppad:
0x0: {  	(pc) =	sbr.rel $0x88, $3  }
0x1: {  	(tag) =	ssettag $0x0;
	lr =	simm.s32 $0x1  }
0x2: {  	[smem:$0x3F97] =	sst lr;
	_ =	strace $0xD0000000  }
0x3: {  	_ = 	snop  }
0x4: {  	_ = 	snop  }
0x5: {  	_ = 	snop  }
0x6: {  	_ = 	snop  }
0x7: {  	_ = 	snop  }
__scs_overlays_trampoline_lowered:
0x8: {  	[smem:$0x3FA6] =	sst s0  }
0x9: {  	[smem:$0x3FA7] =	sst s1  }
0xa: {  	[smem:$0x3FA8] =	sst s2  }
0xb: {  	[smem:$0x3FA9] =	sst s3  }
0xc: {  	[smem:$0x3FAA] =	sst s4  }
0xd: {  	[smem:$0x3FAB] =	sst s5  }
0xe: {  	[smem:$0x3FAC] =	sst s6  }
0xf: {  	[smem:$0x3FAD] =	sst s7  }
0x10: {  	[smem:$0x3FAE] =	sst s8  }
0x11: {  	[smem:$0x3FAF] =	sst s9;
	s0 =	simm.s32 @!p0 $0x0  }
0x12: {  	s1 =	sld [smem:$0x3F95];
	s0 =	simm.s32 @p0 $0x1  }
0x13: {  	[smem:$0x3FB0] =	sst s0;
	s0 =	simm.s32 @!p1 $0x0  }
0x14: {  	s2 =	sld [smem:$0x3F94];
	s0 =	simm.s32 @p1 $0x1  }
0x15: {  	[smem:$0x3FB1] =	sst s0;
	s0 =	simm.s32 @!p2 $0x0  }
0x16: {  	s3 =	sld [smem:$0x3FDB];
	s0 =	simm.s32 @p2 $0x1  }
0x17: {  	s4 =	simm.s32 $0x1BF5;
	[smem:$0x3FB3] =	sst s0  }
0x18: {  	s0 =	sld [smem:$0x3F96];
	_ =	swait.ge [sflag:s4], $0x0  }
0x19: {  	s7 =	sld [smem:$0x3F97]  }
0x1a: {  	s8 =	sadd.s32 $0xFFFFE003, lr  }
0x1b: {  	s9 =	sadd.s32 $0xFFFFFEF7, lr;
	s5 =	simm.s32 $0xFFFFFFFF;
	p2 =	slt.u32 s8, $0xFFFFF086  }
0x1c: {  	p1 =	slt.u32 s9, $0xF7A;
	s5 =	simm.s32 @!p2 $0x0  }
0x1d: {  	s5 =	simm.s32 @p1 $0x1;
	p0 =	seq.s32 s7, s2  }
0x1e: {  	s7 =	smul.u32 @!p0 $0xF7A, s2;
	p2 =	seq.s32 @!p0 s5, $0x0  }
0x1f: {  	s9 =	smul.u32 $0xF7A, s1;
	s8 =	simm.s32 @!p0 $0x1BF5;
	p2 =	por !p2, p0  }
0x20: {  	[sflag:s8] =	ssyncset.s32 @!p0 $0xFFFFF086;
	s6 =	sadd.s32 @!p0 s3, s7;
	s7 =	simm.s32 @!p0 $0x108  }
0x21: {  	s3 =	sadd.s32 s3, s9;
	s6 =	sadd.s32 @!p0 $0x88, s6;
	s7 =	simm.s32 @p2 $0x1082  }
0x22: {  	[simem:s7], [sflag:s8] =	dma.local @!p0 [hbm:s6], $0xF7A  }
0x23: {  	s9 =	sor.u32 $0xD0000000, s2;
	s6 =	simm.s32 $0x108;
	_ =	swait.ge @!p0 [sflag:s8], $0x0  }
0x24: {  	s3 =	sadd.s32 $0x88, s3;
	s6 =	simm.s32 @!p1 $0x1082;
	[sflag:s4] =	ssyncset.s32 $0xFFFFF086  }
0x25: {  	[simem:s6], [sflag:s4] =	dma.local [hbm:s3], $0xF7A  }
0x26: {  	[smem:$0x3F97] =	sst s1;
	(tag) =	ssettag s2;
	_ =	strace s9  }
0x27: {  	s1 =	sld [smem:$0x3FA7]  }
0x28: {  	s2 =	sld [smem:$0x3FA8]  }
0x29: {  	s4 =	sld [smem:$0x3FAA]  }
0x2a: {  	p0 =	seq.s32 s5, $0x0;
	s5 =	sld [smem:$0x3FAB]  }
0x2b: {  	s6 =	sld [smem:$0x3FAC]  }
0x2c: {  	s7 =	sld [smem:$0x3FAD]  }
0x2d: {  	s3 =	simm.s32 $0x108;
	s8 =	sld [smem:$0x3FAE]  }
0x2e: {  	s3 =	simm.s32 @!p0 $0x1082;
	s9 =	sld [smem:$0x3FAF]  }
0x2f: {  	lr =	sadd.s32 s0, s3;
	s0 =	sld [smem:$0x3FA6]  }
0x30: {  	s3 =	sld [smem:$0x3FA9]  }
0x31: {  	[smem:$0x3FB2] =	sst s10  }
0x32: {  	s10 =	sld [smem:$0x3FB0];
	_ =	sdelay $0x3  }
0x33: {  	p0 =	seq.s32 s10, $0x1;
	s10 =	sld [smem:$0x3FB2];
	_ =	sdelay $0x3  }
0x34: {  	[smem:$0x3FB2] =	sst s10  }
0x35: {  	s10 =	sld [smem:$0x3FB1];
	_ =	sdelay $0x3  }
0x36: {  	p1 =	seq.s32 s10, $0x1;
	s10 =	sld [smem:$0x3FB2];
	_ =	sdelay $0x3  }
0x37: {  	[smem:$0x3FB2] =	sst s10  }
0x38: {  	s10 =	sld [smem:$0x3FB3]  }
0x39: {  	_ = 	snop;
	(pc) =	sbr.ind lr, $3  }
0x3a: {  	_ = 	snop  }
0x3b: {  	_ = 	snop  }
0x3c: {  	p2 =	seq.s32 s10, $0x1;
	s10 =	sld [smem:$0x3FB2]  }
0x3d: {  	_ =	shalt  }
0x3e: {  	_ =	shalt  }
0x3f: {  	_ =	shalt  }
0x40: {  	_ =	shalt  }
0x41: {  	_ =	shalt  }
0x42: {  	_ =	shalt  }
0x43: {  	_ =	shalt  }
0x44: {  	_ =	shalt  }
0x45: {  	_ =	shalt  }
0x46: {  	_ =	shalt  }
0x47: {  	_ =	shalt  }
0x48: {  	_ =	shalt  }
0x49: {  	_ =	shalt  }
0x4a: {  	_ =	shalt  }
0x4b: {  	_ =	shalt  }
0x4c: {  	_ =	shalt  }
0x4d: {  	_ =	shalt  }
0x4e: {  	_ =	shalt  }
0x4f: {  	_ =	shalt  }
0x50: {  	_ =	shalt  }
0x51: {  	_ =	shalt  }
0x52: {  	_ =	shalt  }
0x53: {  	_ =	shalt  }
0x54: {  	_ =	shalt  }
0x55: {  	_ =	shalt  }
0x56: {  	_ =	shalt  }
0x57: {  	_ =	shalt  }
0x58: {  	_ =	shalt  }
0x59: {  	_ =	shalt  }
0x5a: {  	_ =	shalt  }
0x5b: {  	_ =	shalt  }
0x5c: {  	_ =	shalt  }
0x5d: {  	_ =	shalt  }
0x5e: {  	_ =	shalt  }
0x5f: {  	_ =	shalt  }
0x60: {  	_ =	shalt  }
0x61: {  	_ =	shalt  }
0x62: {  	_ =	shalt  }
0x63: {  	_ =	shalt  }
0x64: {  	_ =	shalt  }
0x65: {  	_ =	shalt  }
0x66: {  	_ =	shalt  }
0x67: {  	_ =	shalt  }
0x68: {  	_ =	shalt  }
0x69: {  	_ =	shalt  }
0x6a: {  	_ =	shalt  }
0x6b: {  	_ =	shalt  }
0x6c: {  	_ =	shalt  }
0x6d: {  	_ =	shalt  }
0x6e: {  	_ =	shalt  }
0x6f: {  	_ =	shalt  }
0x70: {  	_ =	shalt  }
0x71: {  	_ =	shalt  }
0x72: {  	_ =	shalt  }
0x73: {  	_ =	shalt  }
0x74: {  	_ =	shalt  }
0x75: {  	_ =	shalt  }
0x76: {  	_ =	shalt  }
0x77: {  	_ =	shalt  }
0x78: {  	_ =	shalt  }
0x79: {  	_ =	shalt  }
0x7a: {  	_ =	shalt  }
0x7b: {  	_ =	shalt  }
0x7c: {  	_ =	shalt  }
0x7d: {  	_ =	shalt  }
0x7e: {  	_ =	shalt  }
0x7f: {  	_ =	shalt  }
0x80: {  	_ =	shalt  }
0x81: {  	_ =	shalt  }
0x82: {  	_ =	shalt  }
0x83: {  	_ =	shalt  }
0x84: {  	_ =	shalt  }
0x85: {  	_ =	shalt  }
0x86: {  	_ =	shalt  }
0x87: {  	_ =	shalt  }
.Lfunc_end0:
.L_simem_size_0:
called_computation_lowered:
.L_overlay_start_0:
0x88: {  	s2 =	sld [smem:$0x3FD9]  }
0x89: {  	s3 =	sld [smem:$0x3FFE];
	_ =	sdelay $0x1  }
0x8a: {  	s1 =	srdreg.scid  }
0x8b: {  	s0 =	sand.u32 $0x1, s1  }
0x8c: {  	s17 =	sshll.u32 s0, $0xA;
	s2 =	sadd.s32 s3, s2  }
0x8d: {  	s2 =	sadd.s32 s2, s17  }
0x8e: {  	[smem:$0x3FBE] =	sst s2  }
0x8f: {  	_ = 	snop  }
0x90: {  	s2 =	sld [smem:$0x3FD0];
	(tm) =	ssettm $0x1  }
0x91: {  	s18 =	sld [smem:$0x3FFB];
	_ =	sdelay $0x3  }
0x92: {  	_ =	strace s18  }
0x93: {  	s3 =	sld [smem:$0x3FFC];
	_ =	sdelay $0x3  }
0x94: {  	_ =	strace s3  }
0x95: {  	s3 =	sld [smem:$0x3FFD];
	_ =	sdelay $0x3  }
0x96: {  	_ =	strace s3  }
0x97: {  	_ =	strace $0x8FFFFFFF  }
0x98: {  	s19 =	sld [smem:$0x3FDB];
	_ =	sdelay $0x1  }
0x99: {  	s4 =	simm.s32 $_scs_section_size  }
0x9a: {  	s5 =	simm.s32 $_size__tile_overlayer_lowered;
	s6 =	simm.s32 $_tile_overlayer_lowered  }
0x9b: {  	s22 =	simm.s32 $0x1BFF;
	s21 =	sshll.u32 s6, $0x1;
	s3 =	sadd.s32 s4, s19  }
0x9c: {  	s7 =	simm.s32 $0x0;
	s20 =	sshll.u32 s5, $0x1;
	s5 =	sadd.s32 s21, s3  }
0x9d: {  	[timem:s7], [sflag:s22] =	dma.local [hbm:s5], s20  }
0x9e: {  	_ =	swait.ge [sflag:s22], s20  }
0x9f: {  	s4 =	ssub.s32 $0x0, s20;
	[sflag:s22] =	ssyncset.done $0x0  }
0xa0: {  	[sflag:s22] =	ssyncadd.s32 s4;
	_ =	sdelay $0x1  }
0xa1: {  	s23 =	simm.s32 $0x1B8B  }
0xa2: {  	_ =	swait.ge [sflag:s23], $0x1  }
0xa3: {  	[sflag:s23] =	ssyncset.done $0x0  }
0xa4: {  	s25 =	simm.s32 $0x1B8E;
	s24 =	sld [smem:$0x3FFE];
	[sflag:s23] =	ssyncadd.s32 $0xFFFFFFFF  }
0xa5: {  	s26 =	simm.s32 $execute0_lowered;
	[smem:$0x3FD2] =	sst s25  }
0xa6: {  	s5 =	sshll.u32 s26, $0x1;
	_ =	strace $0x80000046;
	[dreg:$0x1] =	wrdreg $0xFFFFFFFF  }
0xa7: {  	s28 =	simm.s32 $_size_execute0_lowered;
	s3 =	sadd.s32 s3, s5;
	[dreg:$0x0] =	wrdreg $0x0  }
0xa8: {  	s5 =	sshll.u32 s28, $0x1;
	[dreg:$0x2] =	wrdreg s3  }
0xa9: {  	[dreg:$0x3] =	wrdreg s5  }
0xaa: {  	[dreg:$0x4] =	wrdreg $0xC0  }
0xab: {  	_ =	task [dreg:s7], $0x5FFFF  }
0xac: {  	[dreg:$0x1] =	wrdreg $0xFFFFFFFF  }
0xad: {  	[dreg:$0x0] =	wrdreg $0x60  }
0xae: {  	[dreg:$0x2] =	wrdreg s24  }
0xaf: {  	[dreg:$0x3] =	wrdreg s2  }
0xb0: {  	[dreg:$0x4] =	wrdreg $0x2B800  }
0xb1: {  	[dreg:$0x5] =	wrdreg $0x9  }
0xb2: {  	_ =	task.clear_ibuf [dreg:s7], $0x6FFFF;
	_ =	strace $0x90000046  }
0xb3: {  	s29 =	simm.s32 $0x9;
	_ =	strace $0x80000048  }
0xb4: {  	_ =	swait.ge [sflag:s29], $0x1  }
0xb5: {  	[sflag:s29] =	ssyncadd.s32 $0xFFFFFFFF  }
0xb6: {  	_ =	strace $0x90000048  }
0xb7: {  	_ =	sfence  }
0xb8: {  	s30 =	sld [smem:$0x0];
	_ =	sdelay $0x2  }
0xb9: {  	s31 =	sshll.u32 s1, $0xD;
	s1 =	sshrl.u32 s1, $0x2  }
0xba: {  	s3 =	sand.u32 $0x4000, s31;
	s1 =	sadd.s32 s1, s30  }
0xbb: {  	s0 =	sor.u32 s3, s0;
	s1 =	sshll.u32 s1, $0x11  }
0xbc: {  	s0 =	sor.u32 s1, s0  }
0xbd: {  	s0 =	sadd.s32 $0x8F2B, s0  }
0xbe: {  	[sflag:s0] =	ssyncadd.remote.s32 $0x1  }
0xbf: {  	_ =	sfence.sel $0xFFFF  }
0xc0: {  	[dreg:$0x0] =	wrdreg $0xFFFFFFFF;
	(pc) =	sbr.abs _section_cstart, $3  }
0xc1: {  	[dreg:$0x1] =	wrdreg $0xFFFFFFFF  }
0xc2: {  	_ =	task.clear_ibuf [dreg:s7], $0x2FFFF;
	_ =	strace $0x9FFFFFFF  }
0xc3: {  	(tm) =	ssettm $0x7FFFFFFF  }
tec
execute0_lowered:
.L_overlay_start_1:
0x0: {  	(tag) =	ssettag $0x1  }
0x1: {  	s5 =	rddreg [dreg:$0x0]  }
0x2: {  	s8 =	rddreg [dreg:$0x1]  }
0x3: {  	s2 =	rddreg [dreg:$0x2]  }
0x4: {  	s0 =	rddreg [dreg:$0x3];
	s4 =	srdreg.scid  }
0x5: {  	s3 =	simm.s32 $0x0;
	s1 =	stileid.u32;
	s15 =	simm.s32 $0x100  }
0x6: {  	s16 =	simm.s32 $0x180;
	s17 =	simm.s32 $0x200;
	s18 =	simm.s32 $0x280  }
0x7: {  	s19 =	simm.s32 $0x1;
	s20 =	simm.s32 $0x2;
	s21 =	simm.s32 $0x3  }
0x8: {  	s22 =	simm.s32 $0x4;
	s23 =	simm.s32 $0x5;
	s6 =	sand.u32 $0x1, s4  }
0x9: {  	[smem:$0x7FF] =	sst s3;
	s7 =	smul.u32 $0x13C0, s1;
	s4 =	sadd.s32 $0x18A00, s5  }
0xa: {  	s25 =	sadd.s32 $0xC440, s5;
	s14 =	sshll.u32 s1, $0x4;
	s31 =	sshll.u32 s1, $0x6  }
0xb: {  	s9 =	sshll.u32 s6, $0x4;
	_ =	strace $0x80000047;
	s11 =	ssub.s32 $0x2, s6  }
0xc: {  	s6 =	smul.u32 $0x13C00, s6;
	s26 =	sadd.s32 s14, s25;
	s14 =	simm.s32 $0x80  }
0xd: {  	s10 =	sor.u32 s1, s9;
	s24 =	sshrl.u32 s7, $0x3;
	s13 =	sshrl.u32 s11, $0x1  }
0xe: {  	s29 =	sadd.s32 s7, s2;
	s12 =	smul.u32 $0x4E0, s10;
	s9 =	sadd.s32 s24, s5  }
0xf: {  	s11 =	ssub.s32 s11, s13;
	s28 =	sadd.s32 s7, s6;
	s6 =	sadd.s32 $0x9C00, s26  }
0x10: {  	p0 =	sgt.u32 s10, $0x3;
	s10 =	simm.s32 $0x7;
	s13 =	sshrl.u32 s29, $0x3  }
0x11: {  	s24 =	simm.s32 $0x6;
	s30 =	sshrl.u32 s28, $0x3;
	s7 =	sadd.s32 $0x16200, s9  }
0x12: {  	s9 =	smax.u32 s11, $0x1;
	s11 =	simm.s32 $0x2780;
	s5 =	sadd.s32 s12, s25  }
0x13: {  	s8 =	sadd.s32 s8, s30;
	s12 =	sor.u32 $0x1C07, s31;
	s25 =	simm.s32 $0x0  }
.LBB2_1:
0x14: {  	[tilespmem:s3], [sflag:$0x7] =	stream.linear.gather [hbm4b:s5+s3], $0x2700, $0x38;
	[tilespmem:$0x3F40] =	vst v63  }
0x15: {  	_ =	swait.ge [sflag:s10], $0x2700  }
0x16: {  	[sflag:s10] =	ssyncset.done $0x0  }
0x17: {  	[sflag:s10] =	ssyncadd.s32 $0xFFFFD900  }
0x18: {  	[tilespmem:s11], [sflag:$0x7] =	stream.linear.gather [hbm4b:s4+s3], $0x400, $0x38;
	[tilespmem:$0x3F40] =	vst v63  }
0x19: {  	_ =	swait.ge [sflag:s10], $0x400  }
0x1a: {  	[sflag:s10] =	ssyncset.done $0x0  }
0x1b: {  	s26 =	simm.s32 @!p0 $0x0;
	s28 =	simm.s32 @!p0 $0x2700;
	[sflag:s10] =	ssyncadd.s32 $0xFFFFFC00  }
0x1c: {  	[tilespmem:s28], [sflag:$0x7] =	stream.linear.gather @!p0 [hbm4b:s6+s26], $0x80, $0x38;
	[tilespmem:$0x3F40] =	vst v63  }
0x1d: {  	s26 =	simm.s32 @!p0 $0x7  }
0x1e: {  	_ =	swait.ge @!p0 [sflag:s26], $0x80  }
0x1f: {  	[sflag:s26] =	ssyncset.done @!p0 $0x0  }
0x20: {  	[sflag:s26] =	ssyncadd.s32 @!p0 $0xFFFFFF80  }
0x21: {  	[spmem:s13], [sflag:s12] =	dma.local [hbm:s7], $0x278  }
0x22: {  	_ =	swait.ge [sflag:s10], $0x278  }
0x23: {  	[sflag:s10] =	ssyncset.done $0x0  }
0x24: {  	[sflag:s10] =	ssyncadd.s32 $0xFFFFFD88  }
0x25: {  	[bflag:$0x0] =	sbarrier.arrive $0xFFFF  }
0x26: {  	[spmem:s2] =	stream.indirect.scatter.add.f32 [tilespmem:s11], [sflag:$0x1], $0x8, s3, s14, $0xb8;
	[tilespmem:$0x3F40] =	vst v63  }
0x27: {  	_ = 	snop  }
0x28: {  	[spmem:s2] =	stream.indirect.scatter.add.f32 [tilespmem:s11], [sflag:$0x2], $0x8, s14, s14, $0xb8;
	[tilespmem:$0x3F40] =	vst v63  }
0x29: {  	_ = 	snop  }
0x2a: {  	[spmem:s2] =	stream.indirect.scatter.add.f32 [tilespmem:s11], [sflag:$0x3], $0x8, s15, s14, $0xb8;
	[tilespmem:$0x3F40] =	vst v63  }
0x2b: {  	_ = 	snop  }
0x2c: {  	[spmem:s2] =	stream.indirect.scatter.add.f32 [tilespmem:s11], [sflag:$0x4], $0x8, s16, s14, $0xb8;
	[tilespmem:$0x3F40] =	vst v63  }
0x2d: {  	_ = 	snop  }
0x2e: {  	[spmem:s2] =	stream.indirect.scatter.add.f32 [tilespmem:s11], [sflag:$0x5], $0x8, s17, s14, $0xb8;
	[tilespmem:$0x3F40] =	vst v63  }
0x2f: {  	_ = 	snop  }
0x30: {  	[spmem:s2] =	stream.indirect.scatter.add.f32 [tilespmem:s11], [sflag:$0x6], $0x8, s18, s14, $0xb8;
	[tilespmem:$0x3F40] =	vst v63  }
0x31: {  	_ =	swait.ge [sflag:s19], $0x400  }
0x32: {  	[sflag:s19] =	ssyncset.done $0x0  }
0x33: {  	s30 =	simm.s32 $0x300;
	[sflag:s19] =	ssyncadd.s32 $0xFFFFFC00  }
0x34: {  	[spmem:s2] =	stream.indirect.scatter.add.f32 [tilespmem:s11], [sflag:$0x1], $0x8, s30, s14, $0xb8;
	[tilespmem:$0x3F40] =	vst v63  }
0x35: {  	_ =	swait.ge [sflag:s20], $0x400  }
0x36: {  	[sflag:s20] =	ssyncset.done $0x0  }
0x37: {  	s31 =	simm.s32 $0x380;
	[sflag:s20] =	ssyncadd.s32 $0xFFFFFC00  }
0x38: {  	[spmem:s2] =	stream.indirect.scatter.add.f32 [tilespmem:s11], [sflag:$0x2], $0x8, s31, s14, $0xb8;
	[tilespmem:$0x3F40] =	vst v63  }
0x39: {  	_ =	swait.ge [sflag:s21], $0x400  }
0x3a: {  	[sflag:s21] =	ssyncset.done $0x0  }
0x3b: {  	s29 =	simm.s32 $0x400;
	[sflag:s21] =	ssyncadd.s32 $0xFFFFFC00  }
0x3c: {  	[spmem:s2] =	stream.indirect.scatter.add.f32 [tilespmem:s11], [sflag:$0x3], $0x8, s29, s14, $0xb8;
	[tilespmem:$0x3F40] =	vst v63  }
0x3d: {  	_ =	swait.ge [sflag:s22], $0x400  }
0x3e: {  	[sflag:s22] =	ssyncset.done $0x0  }
0x3f: {  	s30 =	simm.s32 $0x480;
	[sflag:s22] =	ssyncadd.s32 $0xFFFFFC00  }
0x40: {  	[spmem:s2] =	stream.indirect.scatter.add.f32 [tilespmem:s11], [sflag:$0x4], $0x8, s30, s14, $0xb8;
	[tilespmem:$0x3F40] =	vst v63  }
0x41: {  	_ =	swait.ge [sflag:s23], $0x400  }
0x42: {  	[sflag:s23] =	ssyncset.done $0x0  }
0x43: {  	s31 =	simm.s32 $0x500;
	[sflag:s23] =	ssyncadd.s32 $0xFFFFFC00  }
0x44: {  	[spmem:s2] =	stream.indirect.scatter.add.f32 [tilespmem:s11], [sflag:$0x5], $0x8, s31, s14, $0xb8;
	[tilespmem:$0x3F40] =	vst v63  }
0x45: {  	_ =	swait.ge [sflag:s24], $0x400  }
0x46: {  	[sflag:s24] =	ssyncset.done $0x0  }
0x47: {  	s28 =	simm.s32 $0x580;
	s26 =	simm.s32 $0xC00;
	[sflag:s24] =	ssyncadd.s32 $0xFFFFFC00  }
.LBB2_2:
0x48: {  	[spmem:s2] =	stream.indirect.scatter.add.f32 [tilespmem:s11], [sflag:$0x6], $0x8, s28, s14, $0xb8;
	[tilespmem:$0x3F40] =	vst v63  }
0x49: {  	s28 =	smov.u32 s26  }
0x4a: {  	p1 =	sne.s32 s26, $0x8400;
	s26 =	sadd.s32 $0xC00, s26;
	_ =	swait.ge [sflag:s19], $0x400  }
0x4b: {  	s28 =	sshra.s32 s28, $0x2;
	[sflag:s19] =	ssyncset.done $0x0  }
0x4c: {  	s29 =	sadd.s32 $0x300, s28;
	[sflag:s19] =	ssyncadd.s32 $0xFFFFFC00  }
0x4d: {  	[spmem:s2] =	stream.indirect.scatter.add.f32 [tilespmem:s11], [sflag:$0x1], $0x8, s29, s14, $0xb8;
	[tilespmem:$0x3F40] =	vst v63  }
0x4e: {  	_ =	swait.ge [sflag:s20], $0x400  }
0x4f: {  	[sflag:s20] =	ssyncset.done $0x0  }
0x50: {  	s29 =	sadd.s32 $0x380, s28;
	[sflag:s20] =	ssyncadd.s32 $0xFFFFFC00  }
0x51: {  	[spmem:s2] =	stream.indirect.scatter.add.f32 [tilespmem:s11], [sflag:$0x2], $0x8, s29, s14, $0xb8;
	[tilespmem:$0x3F40] =	vst v63  }
0x52: {  	_ =	swait.ge [sflag:s21], $0x400  }
0x53: {  	[sflag:s21] =	ssyncset.done $0x0  }
0x54: {  	s29 =	sadd.s32 $0x400, s28;
	[sflag:s21] =	ssyncadd.s32 $0xFFFFFC00  }
0x55: {  	[spmem:s2] =	stream.indirect.scatter.add.f32 [tilespmem:s11], [sflag:$0x3], $0x8, s29, s14, $0xb8;
	[tilespmem:$0x3F40] =	vst v63  }
0x56: {  	_ =	swait.ge [sflag:s22], $0x400  }
0x57: {  	[sflag:s22] =	ssyncset.done $0x0  }
0x58: {  	s29 =	sadd.s32 $0x480, s28;
	[sflag:s22] =	ssyncadd.s32 $0xFFFFFC00  }
0x59: {  	[spmem:s2] =	stream.indirect.scatter.add.f32 [tilespmem:s11], [sflag:$0x4], $0x8, s29, s14, $0xb8;
	[tilespmem:$0x3F40] =	vst v63  }
0x5a: {  	_ =	swait.ge [sflag:s23], $0x400  }
0x5b: {  	[sflag:s23] =	ssyncset.done $0x0  }
.Ltmp0:
0x5c: {  	s29 =	sadd.s32 $0x500, s28;
	[sflag:s23] =	ssyncadd.s32 $0xFFFFFC00;
	(pc) =	sbr.rel @p1 .LBB2_2-.Ltmp0, $4  }
0x5d: {  	[spmem:s2] =	stream.indirect.scatter.add.f32 [tilespmem:s11], [sflag:$0x5], $0x8, s29, s14, $0xb8;
	[tilespmem:$0x3F40] =	vst v63  }
0x5e: {  	_ =	swait.ge [sflag:s24], $0x400  }
0x5f: {  	[sflag:s24] =	ssyncset.done $0x0  }
0x60: {  	s28 =	sadd.s32 $0x580, s28;
	[sflag:s24] =	ssyncadd.s32 $0xFFFFFC00  }
0x61: {  	[spmem:s2] =	stream.indirect.scatter.add.f32 [tilespmem:s11], [sflag:$0x6], $0x8, s28, s14, $0xb8;
	[tilespmem:$0x3F40] =	vst v63  }
0x62: {  	_ =	swait.ge [sflag:s19], $0x400  }
0x63: {  	[sflag:s19] =	ssyncset.done $0x0  }
0x64: {  	[sflag:s19] =	ssyncadd.s32 $0xFFFFFC00  }
0x65: {  	_ =	swait.ge [sflag:s20], $0x400  }
0x66: {  	[sflag:s20] =	ssyncset.done $0x0  }
0x67: {  	[sflag:s20] =	ssyncadd.s32 $0xFFFFFC00  }
0x68: {  	_ =	swait.ge [sflag:s21], $0x400  }
0x69: {  	[sflag:s21] =	ssyncset.done $0x0  }
0x6a: {  	[sflag:s21] =	ssyncadd.s32 $0xFFFFFC00  }
0x6b: {  	_ =	swait.ge [sflag:s22], $0x400  }
0x6c: {  	[sflag:s22] =	ssyncset.done $0x0  }
0x6d: {  	[sflag:s22] =	ssyncadd.s32 $0xFFFFFC00  }
0x6e: {  	_ =	swait.ge [sflag:s23], $0x400  }
0x6f: {  	[sflag:s23] =	ssyncset.done $0x0  }
0x70: {  	[sflag:s23] =	ssyncadd.s32 $0xFFFFFC00  }
0x71: {  	_ =	swait.ge [sflag:s24], $0x400  }
0x72: {  	s26 =	simm.s32 @!p0 $0x80;
	[sflag:s24] =	ssyncset.done $0x0  }
0x73: {  	s28 =	simm.s32 @!p0 $0x2700;
	s29 =	simm.s32 @!p0 $0x2780;
	[sflag:s24] =	ssyncadd.s32 $0xFFFFFC00  }
0x74: {  	[spmem:s2] =	stream.indirect.scatter.add.f32 @!p0 [tilespmem:s29], [sflag:$0x7], $0x8, s28, s26, $0xb8;
	[tilespmem:$0x3F40] =	vst v63  }
0x75: {  	s26 =	simm.s32 @!p0 $0x7  }
0x76: {  	_ =	swait.ge @!p0 [sflag:s26], $0x400  }
0x77: {  	s25 =	sadd.s32 $0x1, s25;
	[sflag:s26] =	ssyncset.done @!p0 $0x0  }
0x78: {  	p1 =	sne.s32 s25, s9;
	[sflag:s26] =	ssyncadd.s32 @!p0 $0xFFFFFC00  }
.Ltmp1:
0x79: {  	[bflag:$0x0] =	sbarrier.arrive $0xFFFF;
	(pc) =	sbr.rel @p1 .LBB2_1-.Ltmp1, $4  }
0x7a: {  	[hbm:s8], [sflag:s12] =	dma.local [spmem:s13], $0x278  }
0x7b: {  	_ =	swait.ge [sflag:s10], $0x278  }
0x7c: {  	[sflag:s10] =	ssyncset.done $0x0  }
0x7d: {  	[sflag:s10] =	ssyncadd.s32 $0xFFFFFD88  }
0x7e: {  	_ =	sfence.sel $0x180000  }
0x7f: {  	[bflag:$0x0] =	sbarrier.arrive $0xFFFF  }
0x80: {  	p0 =	sne.s32 s1, $0x0;
	_ =	strace $0x90000047  }
0x81: {  	s0 =	sadd.s32 @!p0 $0x100000, s0;
	[bflag:$0x2] =	sbarrier.arrive $0xFFFF  }
0x82: {  	[sflag:s0] =	ssyncadd.tile.s32 @!p0 $0x1;
	_ =	shalt  }
.Lfunc_end2:
_tile_overlayer_lowered:
.L_overlay_start_2:
0x83: {  	(tag) =	ssettag $0x2  }
0x84: {  	s0 =	rddreg [dreg:$0x0];
	s2 =	stileid.u32  }
0x85: {  	s1 =	rddreg [dreg:$0x1];
	p0 =	sne.s32 s2, $0x0  }
0x86: {  	s3 =	rddreg [dreg:$0x2];
	[bflag:$0x3] =	sbarrier.arrive $0xFFFF;
	s2 =	simm.s32 @!p0 $0x1C07  }
0x87: {  	[timem:s3], [sflag:s2] =	dma.local @!p0 [hbm:s0], s1  }
0x88: {  	s0 =	simm.s32 @!p0 $0x7  }
0x89: {  	_ =	swait.ge @!p0 [sflag:s0], s1  }
0x8a: {  	s1 =	ssub.s32 @!p0 $0x0, s1;
	[sflag:s0] =	ssyncset.done @!p0 $0x0  }
0x8b: {  	[sflag:s0] =	ssyncadd.s32 @!p0 s1  }
0x8c: {  	[bflag:$0x3] =	sbarrier.arrive $0xFFFF  }
0x8d: {  	_ =	shalt  }

</sc_bundles>
